<compile_context>
chip_gen: v7x
topology: tpu7x:2x2x1
jax: 0.10.2.dev20260603
libtpu: 0.0.44.dev20260713+nightly
codegen_flags: <defaults>
</compile_context>

<pallas_src>
import functools

import jax
import jax.numpy as jnp
from jax import lax
from jax.experimental import pallas as pl
from jax.experimental.pallas import tpu as pltpu
from jax.experimental.pallas import tpu_sc as plsc

B = 4096
D = 64
K = 5
NC = 2
NS = 16
L = 16
NW = NC * NS
BW = B // NW
R = B * (K + 2)
RP = R // 2


def _sc_gather(uid, pid, nid_flat, user_embed, book_embed):
    mesh = plsc.VectorSubcoreMesh(
        core_axis_name="c", subcore_axis_name="s", num_cores=NC, num_subcores=NS
    )

    @functools.partial(
        pl.kernel,
        out_type=jax.ShapeDtypeStruct((R, D), jnp.float32),
        mesh=mesh,
        scratch_types=[
            pltpu.VMEM((BW,), jnp.int32),
            pltpu.VMEM((BW,), jnp.int32),
            pltpu.VMEM((K * BW,), jnp.int32),
            pltpu.VMEM((K + 2, BW, D), jnp.float32),
            pltpu.SemaphoreType.DMA,
            pltpu.SemaphoreType.DMA,
        ] + [pltpu.SemaphoreType.DMA] * (K + 2),
        compiler_params=pltpu.CompilerParams(use_tc_tiling_on_sc=True),
    )
    def body(uid_hbm, pid_hbm, nid_hbm, uemb_hbm, bemb_hbm, out_hbm,
             uid_v, pid_v, nid_v, bufs, isem, osem, *gsems):
        wid = lax.axis_index("s") * NC + lax.axis_index("c")
        base = wid * BW

        id_cps = [
            pltpu.async_copy(uid_hbm.at[pl.ds(base, BW)], uid_v, isem),
            pltpu.async_copy(pid_hbm.at[pl.ds(base, BW)], pid_v, isem),
        ]
        for kk in range(K):
            id_cps.append(pltpu.async_copy(
                nid_hbm.at[pl.ds(kk * B + base, BW)],
                nid_v.at[pl.ds(kk * BW, BW)], isem))
        for cp in id_cps:
            cp.wait()

        chunks = [(uid_v, 0, uemb_hbm, base), (pid_v, 0, bemb_hbm, B + base)]
        for kk in range(K):
            chunks.append((nid_v, kk * BW, bemb_hbm, (2 + kk) * B + base))

        for c, (idref, idoff, tbl, obase) in enumerate(chunks):
            buf = bufs.at[c]
            gsem = gsems[c]

            def fire(ci, carry, idref=idref, idoff=idoff, tbl=tbl, buf=buf,
                     gsem=gsem):
                idvec = idref[pl.ds(idoff + ci * L, L)]
                for j in range(L):
                    rid = idvec[j]
                    pltpu.async_copy(tbl.at[pl.ds(rid, 1), :],
                                     buf.at[pl.ds(ci * L + j, 1), :], gsem)
                return carry

            lax.fori_loop(0, BW // L, fire, 0)

        out_cps = []
        for c, (idref, idoff, tbl, obase) in enumerate(chunks):
            buf = bufs.at[c]
            pltpu.make_async_copy(
                uemb_hbm.at[pl.ds(0, BW), :], buf, gsems[c]).wait()
            out_cps.append(pltpu.async_copy(
                buf,
                out_hbm.at[pl.ds(pl.multiple_of(obase, 128), BW), :],
                osem))
        for cp in out_cps:
            cp.wait()

    return body(uid, pid, nid_flat, user_embed, book_embed)


def _tc_loss(rows):
    def tc_body(rows_ref, o_ref):
        u = rows_ref[0:B, :]
        rest = rows_ref[B:(2 + K) * B, :]
        ut = jnp.concatenate([u] * (K + 1), axis=0)
        q = rest * ut
        ones_m = jnp.ones((D, 128), jnp.float32)
        s = jax.lax.dot_general(
            q, ones_m, (((1,), (0,)), ((), ())),
            preferred_element_type=jnp.float32)
        rid = lax.broadcasted_iota(jnp.int32, ((K + 1) * B, 128), 0)
        s = jnp.where(rid < B, s, -s)
        t = jnp.log(1.0 / (1.0 + jnp.exp(-s)) + 1e-10)
        o_ref[0, 0] = -jnp.sum(t) / jnp.float32(128 * B)

    return pl.pallas_call(
        tc_body,
        out_shape=jax.ShapeDtypeStruct((1, 1), jnp.float32),
        out_specs=pl.BlockSpec(memory_space=pltpu.SMEM),
    )(rows)


def kernel(user_ids, pos_book_ids, neg_book_ids, user_embed, book_embed):
    uid = user_ids.astype(jnp.int32)
    pid = pos_book_ids.astype(jnp.int32)
    nid_flat = neg_book_ids.astype(jnp.int32).T.reshape(K * B)
    rows = _sc_gather(uid, pid, nid_flat, user_embed, book_embed)
    loss = _tc_loss(rows)
    return loss.reshape(())

# --- scband reference (transcript-rebuilt; emitter-appended) ---
"""Pipeline reference for scband-user-book2-vec-53017076302057 (READ-ONLY COPY).

The authoritative reference and input builder live on the scoring server;
editing this copy changes nothing except your own understanding.
"""

import jax, jax.numpy as jnp
import numpy as np

NUM_USERS = 100000
VOCAB_SIZE = 100000
EMBED_DIM = 64
BATCH = 4096
NUM_NEG = 5


def setup_inputs(seed: int = 0) -> dict:
    key = jax.random.key(seed)
    k1, k2, k3, k4, k5 = jax.random.split(key, 5)
    user_ids = jax.random.randint(k1, (BATCH,), 0, NUM_USERS, dtype=jnp.int64 if jax.config.jax_enable_x64 else jnp.int32)
    pos_book_ids = jax.random.randint(k2, (BATCH,), 0, VOCAB_SIZE, dtype=jnp.int64 if jax.config.jax_enable_x64 else jnp.int32)
    neg_book_ids = jax.random.randint(k3, (BATCH, NUM_NEG), 0, VOCAB_SIZE, dtype=jnp.int64 if jax.config.jax_enable_x64 else jnp.int32)
    # Learned parameters: nn.Embedding default init is N(0, 1)
    user_embed = jax.random.normal(k4, (NUM_USERS, EMBED_DIM), dtype=jnp.float32)
    book_embed = jax.random.normal(k5, (VOCAB_SIZE, EMBED_DIM), dtype=jnp.float32)
    return {
        'user_ids': user_ids,
        'pos_book_ids': pos_book_ids,
        'neg_book_ids': neg_book_ids,
        'user_embed': user_embed,
        'book_embed': book_embed,
    }


def reference(user_ids, pos_book_ids, neg_book_ids, user_embed, book_embed):
    # user_vec = self.user_embed(user_ids) -> [B, D]
    user_vec = jnp.take(user_embed, user_ids, axis=0)
    # pos_book_vec = self.book_embed(pos_book_ids) -> [B, D]
    pos_book_vec = jnp.take(book_embed, pos_book_ids, axis=0)
    # neg_book_vec = self.book_embed(neg_book_ids) -> [B, K, D]
    neg_book_vec = jnp.take(book_embed, neg_book_ids, axis=0)
    # pos_score = sum(user_vec * pos_book_vec, dim=1)
    pos_score = jnp.sum(user_vec * pos_book_vec, axis=1)
    pos_score = jnp.log(jax.nn.sigmoid(pos_score) + 1e-10)
    # neg_score = bmm(neg_book_vec, user_vec.unsqueeze(2)).squeeze(-1) -> [B, K]
    neg_score = jnp.einsum('bkd,bd->bk', neg_book_vec, user_vec)
    neg_score = jnp.log(jax.nn.sigmoid(-neg_score) + 1e-10)
    neg_score = jnp.sum(neg_score, axis=1)
    loss = -(pos_score + neg_score)
    return jnp.mean(loss)

if __name__ == "__main__":
    import jax
    _d = setup_inputs()
    print(jax.jit(kernel)(*tuple(_d.values())))

</pallas_src>

<mosaic_0001>
#map = affine_map<(d0, d1) -> (0)>
#map1 = affine_map<(d0, d1) -> (0, 0)>
module attributes {stable_mosaic.version = 14 : i64} {
  func.func @body(%arg0: i32, %arg1: i32, %arg2: memref<4096xi32, #tpu.memory_space<hbm>>, %arg3: memref<4096xi32, #tpu.memory_space<hbm>>, %arg4: memref<20480xi32, #tpu.memory_space<hbm>>, %arg5: memref<100000x64xf32, #tpu.memory_space<hbm>>, %arg6: memref<100000x64xf32, #tpu.memory_space<hbm>>, %arg7: memref<28672x64xf32, #tpu.memory_space<hbm>>, %arg8: memref<128xi32, #tpu.memory_space<vmem>>, %arg9: memref<128xi32, #tpu.memory_space<vmem>>, %arg10: memref<640xi32, #tpu.memory_space<vmem>>, %arg11: memref<7x128x64xf32, #tpu.memory_space<vmem>>, %arg12: memref<!tpu.dma_semaphore, #tpu.memory_space<semaphore_mem>>, %arg13: memref<!tpu.dma_semaphore, #tpu.memory_space<semaphore_mem>>, %arg14: memref<!tpu.dma_semaphore, #tpu.memory_space<semaphore_mem>>, %arg15: memref<!tpu.dma_semaphore, #tpu.memory_space<semaphore_mem>>, %arg16: memref<!tpu.dma_semaphore, #tpu.memory_space<semaphore_mem>>, %arg17: memref<!tpu.dma_semaphore, #tpu.memory_space<semaphore_mem>>, %arg18: memref<!tpu.dma_semaphore, #tpu.memory_space<semaphore_mem>>, %arg19: memref<!tpu.dma_semaphore, #tpu.memory_space<semaphore_mem>>, %arg20: memref<!tpu.dma_semaphore, #tpu.memory_space<semaphore_mem>>) attributes {dimension_semantics = [#tpu.dimension_semantics<core_parallel>, #tpu.dimension_semantics<subcore_parallel>], iteration_bounds = array<i64: 2, 16>, scalar_prefetch = 0 : i64, scratch_operands = 13 : i64, tpu.core_type = #tpu.core_type<sc_vector_subcore>, window_params = [{transform_indices = #map}, {transform_indices = #map}, {transform_indices = #map}, {transform_indices = #map1}, {transform_indices = #map1}, {transform_indices = #map1}]} {
    %mul3A = arith.constant 2 : i32
    %mul3A_0 = arith.muli %arg1, %mul3A : i32
    %add3A = arith.addi %mul3A_0, %arg0 : i32
    %mul3A_1 = arith.constant 128 : i32
    %mul3A_2 = arith.muli %add3A, %mul3A_1 : i32
    %dma_start3A = tpu.memref_slice %arg2[%mul3A_2] : memref<4096xi32, #tpu.memory_space<hbm>> -> memref<128xi32, #tpu.memory_space<hbm>>
    %dma_start3A_3 = tpu.memref_slice %arg2[%mul3A_2] : memref<4096xi32, #tpu.memory_space<hbm>> -> memref<128xi32, #tpu.memory_space<hbm>>
    tpu.enqueue_dma source(%dma_start3A_3 : memref<128xi32, #tpu.memory_space<hbm>>) target(%arg8 : memref<128xi32, #tpu.memory_space<vmem>>) target_semaphore(%arg12 : memref<!tpu.dma_semaphore, #tpu.memory_space<semaphore_mem>>)
    %dma_start3A_4 = tpu.memref_slice %arg3[%mul3A_2] : memref<4096xi32, #tpu.memory_space<hbm>> -> memref<128xi32, #tpu.memory_space<hbm>>
    %dma_start3A_5 = tpu.memref_slice %arg3[%mul3A_2] : memref<4096xi32, #tpu.memory_space<hbm>> -> memref<128xi32, #tpu.memory_space<hbm>>
    tpu.enqueue_dma source(%dma_start3A_5 : memref<128xi32, #tpu.memory_space<hbm>>) target(%arg9 : memref<128xi32, #tpu.memory_space<vmem>>) target_semaphore(%arg12 : memref<!tpu.dma_semaphore, #tpu.memory_space<semaphore_mem>>)
    %add3A_6 = arith.constant 0 : i32
    %add3A_7 = arith.addi %add3A_6, %mul3A_2 : i32
    %dma_start3A_8 = arith.constant 0 : i32
    %dma_start3A_9 = tpu.memref_slice %arg10[%dma_start3A_8] : memref<640xi32, #tpu.memory_space<vmem>> -> memref<128xi32, #tpu.memory_space<vmem>>
    %dma_start3A_10 = tpu.memref_slice %arg4[%add3A_7] : memref<20480xi32, #tpu.memory_space<hbm>> -> memref<128xi32, #tpu.memory_space<hbm>>
    %dma_start3A_11 = arith.constant 0 : i32
    %dma_start3A_12 = tpu.memref_slice %arg10[%dma_start3A_11] : memref<640xi32, #tpu.memory_space<vmem>> -> memref<128xi32, #tpu.memory_space<vmem>>
    %dma_start3A_13 = tpu.memref_slice %arg4[%add3A_7] : memref<20480xi32, #tpu.memory_space<hbm>> -> memref<128xi32, #tpu.memory_space<hbm>>
    tpu.enqueue_dma source(%dma_start3A_13 : memref<128xi32, #tpu.memory_space<hbm>>) target(%dma_start3A_12 : memref<128xi32, #tpu.memory_space<vmem>>) target_semaphore(%arg12 : memref<!tpu.dma_semaphore, #tpu.memory_space<semaphore_mem>>)
    %add3A_14 = arith.constant 4096 : i32
    %add3A_15 = arith.addi %add3A_14, %mul3A_2 : i32
    %dma_start3A_16 = arith.constant 128 : i32
    %dma_start3A_17 = tpu.memref_slice %arg10[%dma_start3A_16] : memref<640xi32, #tpu.memory_space<vmem>> -> memref<128xi32, #tpu.memory_space<vmem>>
    %dma_start3A_18 = tpu.memref_slice %arg4[%add3A_15] : memref<20480xi32, #tpu.memory_space<hbm>> -> memref<128xi32, #tpu.memory_space<hbm>>
    %dma_start3A_19 = arith.constant 128 : i32
    %dma_start3A_20 = tpu.memref_slice %arg10[%dma_start3A_19] : memref<640xi32, #tpu.memory_space<vmem>> -> memref<128xi32, #tpu.memory_space<vmem>>
    %dma_start3A_21 = tpu.memref_slice %arg4[%add3A_15] : memref<20480xi32, #tpu.memory_space<hbm>> -> memref<128xi32, #tpu.memory_space<hbm>>
    tpu.enqueue_dma source(%dma_start3A_21 : memref<128xi32, #tpu.memory_space<hbm>>) target(%dma_start3A_20 : memref<128xi32, #tpu.memory_space<vmem>>) target_semaphore(%arg12 : memref<!tpu.dma_semaphore, #tpu.memory_space<semaphore_mem>>)
    %add3A_22 = arith.constant 8192 : i32
    %add3A_23 = arith.addi %add3A_22, %mul3A_2 : i32
    %dma_start3A_24 = arith.constant 256 : i32
    %dma_start3A_25 = tpu.memref_slice %arg10[%dma_start3A_24] : memref<640xi32, #tpu.memory_space<vmem>> -> memref<128xi32, #tpu.memory_space<vmem>>
    %dma_start3A_26 = tpu.memref_slice %arg4[%add3A_23] : memref<20480xi32, #tpu.memory_space<hbm>> -> memref<128xi32, #tpu.memory_space<hbm>>
    %dma_start3A_27 = arith.constant 256 : i32
    %dma_start3A_28 = tpu.memref_slice %arg10[%dma_start3A_27] : memref<640xi32, #tpu.memory_space<vmem>> -> memref<128xi32, #tpu.memory_space<vmem>>
    %dma_start3A_29 = tpu.memref_slice %arg4[%add3A_23] : memref<20480xi32, #tpu.memory_space<hbm>> -> memref<128xi32, #tpu.memory_space<hbm>>
    tpu.enqueue_dma source(%dma_start3A_29 : memref<128xi32, #tpu.memory_space<hbm>>) target(%dma_start3A_28 : memref<128xi32, #tpu.memory_space<vmem>>) target_semaphore(%arg12 : memref<!tpu.dma_semaphore, #tpu.memory_space<semaphore_mem>>)
    %add3A_30 = arith.constant 12288 : i32
    %add3A_31 = arith.addi %add3A_30, %mul3A_2 : i32
    %dma_start3A_32 = arith.constant 384 : i32
    %dma_start3A_33 = tpu.memref_slice %arg10[%dma_start3A_32] : memref<640xi32, #tpu.memory_space<vmem>> -> memref<128xi32, #tpu.memory_space<vmem>>
    %dma_start3A_34 = tpu.memref_slice %arg4[%add3A_31] : memref<20480xi32, #tpu.memory_space<hbm>> -> memref<128xi32, #tpu.memory_space<hbm>>
    %dma_start3A_35 = arith.constant 384 : i32
    %dma_start3A_36 = tpu.memref_slice %arg10[%dma_start3A_35] : memref<640xi32, #tpu.memory_space<vmem>> -> memref<128xi32, #tpu.memory_space<vmem>>
    %dma_start3A_37 = tpu.memref_slice %arg4[%add3A_31] : memref<20480xi32, #tpu.memory_space<hbm>> -> memref<128xi32, #tpu.memory_space<hbm>>
    tpu.enqueue_dma source(%dma_start3A_37 : memref<128xi32, #tpu.memory_space<hbm>>) target(%dma_start3A_36 : memref<128xi32, #tpu.memory_space<vmem>>) target_semaphore(%arg12 : memref<!tpu.dma_semaphore, #tpu.memory_space<semaphore_mem>>)
    %add3A_38 = arith.constant 16384 : i32
    %add3A_39 = arith.addi %add3A_38, %mul3A_2 : i32
    %dma_start3A_40 = arith.constant 512 : i32
    %dma_start3A_41 = tpu.memref_slice %arg10[%dma_start3A_40] : memref<640xi32, #tpu.memory_space<vmem>> -> memref<128xi32, #tpu.memory_space<vmem>>
    %dma_start3A_42 = tpu.memref_slice %arg4[%add3A_39] : memref<20480xi32, #tpu.memory_space<hbm>> -> memref<128xi32, #tpu.memory_space<hbm>>
    %dma_start3A_43 = arith.constant 512 : i32
    %dma_start3A_44 = tpu.memref_slice %arg10[%dma_start3A_43] : memref<640xi32, #tpu.memory_space<vmem>> -> memref<128xi32, #tpu.memory_space<vmem>>
    %dma_start3A_45 = tpu.memref_slice %arg4[%add3A_39] : memref<20480xi32, #tpu.memory_space<hbm>> -> memref<128xi32, #tpu.memory_space<hbm>>
    tpu.enqueue_dma source(%dma_start3A_45 : memref<128xi32, #tpu.memory_space<hbm>>) target(%dma_start3A_44 : memref<128xi32, #tpu.memory_space<vmem>>) target_semaphore(%arg12 : memref<!tpu.dma_semaphore, #tpu.memory_space<semaphore_mem>>)
    %dma_wait3A = tpu.memref_slice %arg2[%mul3A_2] : memref<4096xi32, #tpu.memory_space<hbm>> -> memref<128xi32, #tpu.memory_space<hbm>>
    %dma_wait3A_46 = tpu.memref_slice %arg2[%mul3A_2] : memref<4096xi32, #tpu.memory_space<hbm>> -> memref<128xi32, #tpu.memory_space<hbm>>
    tpu.wait_dma2 semaphore(%arg12 : memref<!tpu.dma_semaphore, #tpu.memory_space<semaphore_mem>>) src(%dma_wait3A_46 : memref<128xi32, #tpu.memory_space<hbm>>) dst(%arg8 : memref<128xi32, #tpu.memory_space<vmem>>)
    %dma_wait3A_47 = tpu.memref_slice %arg3[%mul3A_2] : memref<4096xi32, #tpu.memory_space<hbm>> -> memref<128xi32, #tpu.memory_space<hbm>>
    %dma_wait3A_48 = tpu.memref_slice %arg3[%mul3A_2] : memref<4096xi32, #tpu.memory_space<hbm>> -> memref<128xi32, #tpu.memory_space<hbm>>
    tpu.wait_dma2 semaphore(%arg12 : memref<!tpu.dma_semaphore, #tpu.memory_space<semaphore_mem>>) src(%dma_wait3A_48 : memref<128xi32, #tpu.memory_space<hbm>>) dst(%arg9 : memref<128xi32, #tpu.memory_space<vmem>>)
    %dma_wait3A_49 = arith.constant 0 : i32
    %dma_wait3A_50 = tpu.memref_slice %arg10[%dma_wait3A_49] : memref<640xi32, #tpu.memory_space<vmem>> -> memref<128xi32, #tpu.memory_space<vmem>>
    %dma_wait3A_51 = tpu.memref_slice %arg4[%add3A_7] : memref<20480xi32, #tpu.memory_space<hbm>> -> memref<128xi32, #tpu.memory_space<hbm>>
    %dma_wait3A_52 = arith.constant 0 : i32
    %dma_wait3A_53 = tpu.memref_slice %arg10[%dma_wait3A_52] : memref<640xi32, #tpu.memory_space<vmem>> -> memref<128xi32, #tpu.memory_space<vmem>>
    %dma_wait3A_54 = tpu.memref_slice %arg4[%add3A_7] : memref<20480xi32, #tpu.memory_space<hbm>> -> memref<128xi32, #tpu.memory_space<hbm>>
    tpu.wait_dma2 semaphore(%arg12 : memref<!tpu.dma_semaphore, #tpu.memory_space<semaphore_mem>>) src(%dma_wait3A_54 : memref<128xi32, #tpu.memory_space<hbm>>) dst(%dma_wait3A_53 : memref<128xi32, #tpu.memory_space<vmem>>)
    %dma_wait3A_55 = arith.constant 128 : i32
    %dma_wait3A_56 = tpu.memref_slice %arg10[%dma_wait3A_55] : memref<640xi32, #tpu.memory_space<vmem>> -> memref<128xi32, #tpu.memory_space<vmem>>
    %dma_wait3A_57 = tpu.memref_slice %arg4[%add3A_15] : memref<20480xi32, #tpu.memory_space<hbm>> -> memref<128xi32, #tpu.memory_space<hbm>>
    %dma_wait3A_58 = arith.constant 128 : i32
    %dma_wait3A_59 = tpu.memref_slice %arg10[%dma_wait3A_58] : memref<640xi32, #tpu.memory_space<vmem>> -> memref<128xi32, #tpu.memory_space<vmem>>
    %dma_wait3A_60 = tpu.memref_slice %arg4[%add3A_15] : memref<20480xi32, #tpu.memory_space<hbm>> -> memref<128xi32, #tpu.memory_space<hbm>>
    tpu.wait_dma2 semaphore(%arg12 : memref<!tpu.dma_semaphore, #tpu.memory_space<semaphore_mem>>) src(%dma_wait3A_60 : memref<128xi32, #tpu.memory_space<hbm>>) dst(%dma_wait3A_59 : memref<128xi32, #tpu.memory_space<vmem>>)
    %dma_wait3A_61 = arith.constant 256 : i32
    %dma_wait3A_62 = tpu.memref_slice %arg10[%dma_wait3A_61] : memref<640xi32, #tpu.memory_space<vmem>> -> memref<128xi32, #tpu.memory_space<vmem>>
    %dma_wait3A_63 = tpu.memref_slice %arg4[%add3A_23] : memref<20480xi32, #tpu.memory_space<hbm>> -> memref<128xi32, #tpu.memory_space<hbm>>
    %dma_wait3A_64 = arith.constant 256 : i32
    %dma_wait3A_65 = tpu.memref_slice %arg10[%dma_wait3A_64] : memref<640xi32, #tpu.memory_space<vmem>> -> memref<128xi32, #tpu.memory_space<vmem>>
    %dma_wait3A_66 = tpu.memref_slice %arg4[%add3A_23] : memref<20480xi32, #tpu.memory_space<hbm>> -> memref<128xi32, #tpu.memory_space<hbm>>
    tpu.wait_dma2 semaphore(%arg12 : memref<!tpu.dma_semaphore, #tpu.memory_space<semaphore_mem>>) src(%dma_wait3A_66 : memref<128xi32, #tpu.memory_space<hbm>>) dst(%dma_wait3A_65 : memref<128xi32, #tpu.memory_space<vmem>>)
    %dma_wait3A_67 = arith.constant 384 : i32
    %dma_wait3A_68 = tpu.memref_slice %arg10[%dma_wait3A_67] : memref<640xi32, #tpu.memory_space<vmem>> -> memref<128xi32, #tpu.memory_space<vmem>>
    %dma_wait3A_69 = tpu.memref_slice %arg4[%add3A_31] : memref<20480xi32, #tpu.memory_space<hbm>> -> memref<128xi32, #tpu.memory_space<hbm>>
    %dma_wait3A_70 = arith.constant 384 : i32
    %dma_wait3A_71 = tpu.memref_slice %arg10[%dma_wait3A_70] : memref<640xi32, #tpu.memory_space<vmem>> -> memref<128xi32, #tpu.memory_space<vmem>>
    %dma_wait3A_72 = tpu.memref_slice %arg4[%add3A_31] : memref<20480xi32, #tpu.memory_space<hbm>> -> memref<128xi32, #tpu.memory_space<hbm>>
    tpu.wait_dma2 semaphore(%arg12 : memref<!tpu.dma_semaphore, #tpu.memory_space<semaphore_mem>>) src(%dma_wait3A_72 : memref<128xi32, #tpu.memory_space<hbm>>) dst(%dma_wait3A_71 : memref<128xi32, #tpu.memory_space<vmem>>)
    %dma_wait3A_73 = arith.constant 512 : i32
    %dma_wait3A_74 = tpu.memref_slice %arg10[%dma_wait3A_73] : memref<640xi32, #tpu.memory_space<vmem>> -> memref<128xi32, #tpu.memory_space<vmem>>
    %dma_wait3A_75 = tpu.memref_slice %arg4[%add3A_39] : memref<20480xi32, #tpu.memory_space<hbm>> -> memref<128xi32, #tpu.memory_space<hbm>>
    %dma_wait3A_76 = arith.constant 512 : i32
    %dma_wait3A_77 = tpu.memref_slice %arg10[%dma_wait3A_76] : memref<640xi32, #tpu.memory_space<vmem>> -> memref<128xi32, #tpu.memory_space<vmem>>
    %dma_wait3A_78 = tpu.memref_slice %arg4[%add3A_39] : memref<20480xi32, #tpu.memory_space<hbm>> -> memref<128xi32, #tpu.memory_space<hbm>>
    tpu.wait_dma2 semaphore(%arg12 : memref<!tpu.dma_semaphore, #tpu.memory_space<semaphore_mem>>) src(%dma_wait3A_78 : memref<128xi32, #tpu.memory_space<hbm>>) dst(%dma_wait3A_77 : memref<128xi32, #tpu.memory_space<vmem>>)
    %add3A_79 = arith.constant 4096 : i32
    %add3A_80 = arith.addi %add3A_79, %mul3A_2 : i32
    %add3A_81 = arith.constant 8192 : i32
    %add3A_82 = arith.addi %add3A_81, %mul3A_2 : i32
    %add3A_83 = arith.constant 12288 : i32
    %add3A_84 = arith.addi %add3A_83, %mul3A_2 : i32
    %add3A_85 = arith.constant 16384 : i32
    %add3A_86 = arith.addi %add3A_85, %mul3A_2 : i32
    %add3A_87 = arith.constant 20480 : i32
    %add3A_88 = arith.addi %add3A_87, %mul3A_2 : i32
    %add3A_89 = arith.constant 24576 : i32
    %add3A_90 = arith.addi %add3A_89, %mul3A_2 : i32
    %scan3A = arith.constant 0 : i32
    %scan3A_91 = arith.constant 0 : i32
    %scan3A_92 = arith.constant 0 : i32
    %scan3A_93 = arith.constant 8 : i32
    %scan3A_94 = arith.addi %scan3A_92, %scan3A_93 : i32
    %scan3A_95 = arith.constant 1 : i32
    scf.for %scan3A_432 = %scan3A_92 to %scan3A_94 step %scan3A_95  : i32 {
      %mul3A_433 = arith.constant 16 : i32
      %mul3A_434 = arith.muli %scan3A_432, %mul3A_433 : i32
      %add3A_435 = arith.constant 0 : i32
      %add3A_436 = arith.addi %add3A_435, %mul3A_434 : i32
      %get3A = arith.index_cast %add3A_436 : i32 to index
      %get3A_437 = tpu.vector_load %arg8[%get3A] {strides = array<i32>} : memref<128xi32, #tpu.memory_space<vmem>>, vector<16xi32>,
      %get3A_438 = vector.shape_cast %get3A_437 : vector<16xi32> to vector<16xi32>
      %slice3A = vector.extract_strided_slice %get3A_438 {offsets = [0], sizes = [1], strides = [1]} : vector<16xi32> to vector<1xi32>
      %squeeze3A = vector.extract %slice3A[0] : i32 from vector<1xi32>
      %mul3A_439 = arith.constant 16 : i32
      %mul3A_440 = arith.muli %scan3A_432, %mul3A_439 : i32
      %add3A_441 = arith.constant 0 : i32
      %add3A_442 = arith.addi %mul3A_440, %add3A_441 : i32
      %dma_start3A_443 = arith.constant 0 : i32
      %dma_start3A_444 = arith.constant 0 : i32
      %dma_start3A_445 = tpu.memref_slice %arg11[%scan3A_91, %dma_start3A_443, %dma_start3A_444] : memref<7x128x64xf32, #tpu.memory_space<vmem>> -> memref<1x128x64xf32, #tpu.memory_space<vmem>>
      %dma_start3A_446 = tpu.memref_squeeze %dma_start3A_445 : memref<1x128x64xf32, #tpu.memory_space<vmem>> -> memref<128x64xf32, #tpu.memory_space<vmem>>
      %dma_start3A_447 = arith.constant 0 : i32
      %dma_start3A_448 = tpu.memref_slice %dma_start3A_446[%add3A_442, %dma_start3A_447] : memref<128x64xf32, #tpu.memory_space<vmem>> -> memref<1x64xf32, #tpu.memory_space<vmem>>
      %dma_start3A_449 = arith.constant 0 : i32
      %dma_start3A_450 = tpu.memref_slice %arg5[%squeeze3A, %dma_start3A_449] : memref<100000x64xf32, #tpu.memory_space<hbm>> -> memref<1x64xf32, #tpu.memory_space<hbm>>
      %dma_start3A_451 = arith.constant 0 : i32
      %dma_start3A_452 = arith.constant 0 : i32
      %dma_start3A_453 = tpu.memref_slice %arg11[%scan3A_91, %dma_start3A_451, %dma_start3A_452] : memref<7x128x64xf32, #tpu.memory_space<vmem>> -> memref<1x128x64xf32, #tpu.memory_space<vmem>>
      %dma_start3A_454 = tpu.memref_squeeze %dma_start3A_453 : memref<1x128x64xf32, #tpu.memory_space<vmem>> -> memref<128x64xf32, #tpu.memory_space<vmem>>
      %dma_start3A_455 = arith.constant 0 : i32
      %dma_start3A_456 = tpu.memref_slice %dma_start3A_454[%add3A_442, %dma_start3A_455] : memref<128x64xf32, #tpu.memory_space<vmem>> -> memref<1x64xf32, #tpu.memory_space<vmem>>
      %dma_start3A_457 = arith.constant 0 : i32
      %dma_start3A_458 = tpu.memref_slice %arg5[%squeeze3A, %dma_start3A_457] : memref<100000x64xf32, #tpu.memory_space<hbm>> -> memref<1x64xf32, #tpu.memory_space<hbm>>
      tpu.enqueue_dma source(%dma_start3A_458 : memref<1x64xf32, #tpu.memory_space<hbm>>) target(%dma_start3A_456 : memref<1x64xf32, #tpu.memory_space<vmem>>) target_semaphore(%arg14 : memref<!tpu.dma_semaphore, #tpu.memory_space<semaphore_mem>>)
      %slice3A_459 = vector.extract_strided_slice %get3A_438 {offsets = [1], sizes = [1], strides = [1]} : vector<16xi32> to vector<1xi32>
      %squeeze3A_460 = vector.extract %slice3A_459[0] : i32 from vector<1xi32>
      %mul3A_461 = arith.constant 16 : i32
      %mul3A_462 = arith.muli %scan3A_432, %mul3A_461 : i32
      %add3A_463 = arith.constant 1 : i32
      %add3A_464 = arith.addi %mul3A_462, %add3A_463 : i32
      %dma_start3A_465 = arith.constant 0 : i32
      %dma_start3A_466 = arith.constant 0 : i32
      %dma_start3A_467 = tpu.memref_slice %arg11[%scan3A_91, %dma_start3A_465, %dma_start3A_466] : memref<7x128x64xf32, #tpu.memory_space<vmem>> -> memref<1x128x64xf32, #tpu.memory_space<vmem>>
      %dma_start3A_468 = tpu.memref_squeeze %dma_start3A_467 : memref<1x128x64xf32, #tpu.memory_space<vmem>> -> memref<128x64xf32, #tpu.memory_space<vmem>>
      %dma_start3A_469 = arith.constant 0 : i32
      %dma_start3A_470 = tpu.memref_slice %dma_start3A_468[%add3A_464, %dma_start3A_469] : memref<128x64xf32, #tpu.memory_space<vmem>> -> memref<1x64xf32, #tpu.memory_space<vmem>>
      %dma_start3A_471 = arith.constant 0 : i32
      %dma_start3A_472 = tpu.memref_slice %arg5[%squeeze3A_460, %dma_start3A_471] : memref<100000x64xf32, #tpu.memory_space<hbm>> -> memref<1x64xf32, #tpu.memory_space<hbm>>
      %dma_start3A_473 = arith.constant 0 : i32
      %dma_start3A_474 = arith.constant 0 : i32
      %dma_start3A_475 = tpu.memref_slice %arg11[%scan3A_91, %dma_start3A_473, %dma_start3A_474] : memref<7x128x64xf32, #tpu.memory_space<vmem>> -> memref<1x128x64xf32, #tpu.memory_space<vmem>>
      %dma_start3A_476 = tpu.memref_squeeze %dma_start3A_475 : memref<1x128x64xf32, #tpu.memory_space<vmem>> -> memref<128x64xf32, #tpu.memory_space<vmem>>
      %dma_start3A_477 = arith.constant 0 : i32
      %dma_start3A_478 = tpu.memref_slice %dma_start3A_476[%add3A_464, %dma_start3A_477] : memref<128x64xf32, #tpu.memory_space<vmem>> -> memref<1x64xf32, #tpu.memory_space<vmem>>
      %dma_start3A_479 = arith.constant 0 : i32
      %dma_start3A_480 = tpu.memref_slice %arg5[%squeeze3A_460, %dma_start3A_479] : memref<100000x64xf32, #tpu.memory_space<hbm>> -> memref<1x64xf32, #tpu.memory_space<hbm>>
      tpu.enqueue_dma source(%dma_start3A_480 : memref<1x64xf32, #tpu.memory_space<hbm>>) target(%dma_start3A_478 : memref<1x64xf32, #tpu.memory_space<vmem>>) target_semaphore(%arg14 : memref<!tpu.dma_semaphore, #tpu.memory_space<semaphore_mem>>)
      %slice3A_481 = vector.extract_strided_slice %get3A_438 {offsets = [2], sizes = [1], strides = [1]} : vector<16xi32> to vector<1xi32>
      %squeeze3A_482 = vector.extract %slice3A_481[0] : i32 from vector<1xi32>
      %mul3A_483 = arith.constant 16 : i32
      %mul3A_484 = arith.muli %scan3A_432, %mul3A_483 : i32
      %add3A_485 = arith.constant 2 : i32
      %add3A_486 = arith.addi %mul3A_484, %add3A_485 : i32
      %dma_start3A_487 = arith.constant 0 : i32
      %dma_start3A_488 = arith.constant 0 : i32
      %dma_start3A_489 = tpu.memref_slice %arg11[%scan3A_91, %dma_start3A_487, %dma_start3A_488] : memref<7x128x64xf32, #tpu.memory_space<vmem>> -> memref<1x128x64xf32, #tpu.memory_space<vmem>>
      %dma_start3A_490 = tpu.memref_squeeze %dma_start3A_489 : memref<1x128x64xf32, #tpu.memory_space<vmem>> -> memref<128x64xf32, #tpu.memory_space<vmem>>
      %dma_start3A_491 = arith.constant 0 : i32
      %dma_start3A_492 = tpu.memref_slice %dma_start3A_490[%add3A_486, %dma_start3A_491] : memref<128x64xf32, #tpu.memory_space<vmem>> -> memref<1x64xf32, #tpu.memory_space<vmem>>
      %dma_start3A_493 = arith.constant 0 : i32
      %dma_start3A_494 = tpu.memref_slice %arg5[%squeeze3A_482, %dma_start3A_493] : memref<100000x64xf32, #tpu.memory_space<hbm>> -> memref<1x64xf32, #tpu.memory_space<hbm>>
      %dma_start3A_495 = arith.constant 0 : i32
      %dma_start3A_496 = arith.constant 0 : i32
      %dma_start3A_497 = tpu.memref_slice %arg11[%scan3A_91, %dma_start3A_495, %dma_start3A_496] : memref<7x128x64xf32, #tpu.memory_space<vmem>> -> memref<1x128x64xf32, #tpu.memory_space<vmem>>
      %dma_start3A_498 = tpu.memref_squeeze %dma_start3A_497 : memref<1x128x64xf32, #tpu.memory_space<vmem>> -> memref<128x64xf32, #tpu.memory_space<vmem>>
      %dma_start3A_499 = arith.constant 0 : i32
      %dma_start3A_500 = tpu.memref_slice %dma_start3A_498[%add3A_486, %dma_start3A_499] : memref<128x64xf32, #tpu.memory_space<vmem>> -> memref<1x64xf32, #tpu.memory_space<vmem>>
      %dma_start3A_501 = arith.constant 0 : i32
      %dma_start3A_502 = tpu.memref_slice %arg5[%squeeze3A_482, %dma_start3A_501] : memref<100000x64xf32, #tpu.memory_space<hbm>> -> memref<1x64xf32, #tpu.memory_space<hbm>>
      tpu.enqueue_dma source(%dma_start3A_502 : memref<1x64xf32, #tpu.memory_space<hbm>>) target(%dma_start3A_500 : memref<1x64xf32, #tpu.memory_space<vmem>>) target_semaphore(%arg14 : memref<!tpu.dma_semaphore, #tpu.memory_space<semaphore_mem>>)
      %slice3A_503 = vector.extract_strided_slice %get3A_438 {offsets = [3], sizes = [1], strides = [1]} : vector<16xi32> to vector<1xi32>
      %squeeze3A_504 = vector.extract %slice3A_503[0] : i32 from vector<1xi32>
      %mul3A_505 = arith.constant 16 : i32
      %mul3A_506 = arith.muli %scan3A_432, %mul3A_505 : i32
      %add3A_507 = arith.constant 3 : i32
      %add3A_508 = arith.addi %mul3A_506, %add3A_507 : i32
      %dma_start3A_509 = arith.constant 0 : i32
      %dma_start3A_510 = arith.constant 0 : i32
      %dma_start3A_511 = tpu.memref_slice %arg11[%scan3A_91, %dma_start3A_509, %dma_start3A_510] : memref<7x128x64xf32, #tpu.memory_space<vmem>> -> memref<1x128x64xf32, #tpu.memory_space<vmem>>
      %dma_start3A_512 = tpu.memref_squeeze %dma_start3A_511 : memref<1x128x64xf32, #tpu.memory_space<vmem>> -> memref<128x64xf32, #tpu.memory_space<vmem>>
      %dma_start3A_513 = arith.constant 0 : i32
      %dma_start3A_514 = tpu.memref_slice %dma_start3A_512[%add3A_508, %dma_start3A_513] : memref<128x64xf32, #tpu.memory_space<vmem>> -> memref<1x64xf32, #tpu.memory_space<vmem>>
      %dma_start3A_515 = arith.constant 0 : i32
      %dma_start3A_516 = tpu.memref_slice %arg5[%squeeze3A_504, %dma_start3A_515] : memref<100000x64xf32, #tpu.memory_space<hbm>> -> memref<1x64xf32, #tpu.memory_space<hbm>>
      %dma_start3A_517 = arith.constant 0 : i32
      %dma_start3A_518 = arith.constant 0 : i32
      %dma_start3A_519 = tpu.memref_slice %arg11[%scan3A_91, %dma_start3A_517, %dma_start3A_518] : memref<7x128x64xf32, #tpu.memory_space<vmem>> -> memref<1x128x64xf32, #tpu.memory_space<vmem>>
      %dma_start3A_520 = tpu.memref_squeeze %dma_start3A_519 : memref<1x128x64xf32, #tpu.memory_space<vmem>> -> memref<128x64xf32, #tpu.memory_space<vmem>>
      %dma_start3A_521 = arith.constant 0 : i32
      %dma_start3A_522 = tpu.memref_slice %dma_start3A_520[%add3A_508, %dma_start3A_521] : memref<128x64xf32, #tpu.memory_space<vmem>> -> memref<1x64xf32, #tpu.memory_space<vmem>>
      %dma_start3A_523 = arith.constant 0 : i32
      %dma_start3A_524 = tpu.memref_slice %arg5[%squeeze3A_504, %dma_start3A_523] : memref<100000x64xf32, #tpu.memory_space<hbm>> -> memref<1x64xf32, #tpu.memory_space<hbm>>
      tpu.enqueue_dma source(%dma_start3A_524 : memref<1x64xf32, #tpu.memory_space<hbm>>) target(%dma_start3A_522 : memref<1x64xf32, #tpu.memory_space<vmem>>) target_semaphore(%arg14 : memref<!tpu.dma_semaphore, #tpu.memory_space<semaphore_mem>>)
      %slice3A_525 = vector.extract_strided_slice %get3A_438 {offsets = [4], sizes = [1], strides = [1]} : vector<16xi32> to vector<1xi32>
      %squeeze3A_526 = vector.extract %slice3A_525[0] : i32 from vector<1xi32>
      %mul3A_527 = arith.constant 16 : i32
      %mul3A_528 = arith.muli %scan3A_432, %mul3A_527 : i32
      %add3A_529 = arith.constant 4 : i32
      %add3A_530 = arith.addi %mul3A_528, %add3A_529 : i32
      %dma_start3A_531 = arith.constant 0 : i32
      %dma_start3A_532 = arith.constant 0 : i32
      %dma_start3A_533 = tpu.memref_slice %arg11[%scan3A_91, %dma_start3A_531, %dma_start3A_532] : memref<7x128x64xf32, #tpu.memory_space<vmem>> -> memref<1x128x64xf32, #tpu.memory_space<vmem>>
      %dma_start3A_534 = tpu.memref_squeeze %dma_start3A_533 : memref<1x128x64xf32, #tpu.memory_space<vmem>> -> memref<128x64xf32, #tpu.memory_space<vmem>>
      %dma_start3A_535 = arith.constant 0 : i32
      %dma_start3A_536 = tpu.memref_slice %dma_start3A_534[%add3A_530, %dma_start3A_535] : memref<128x64xf32, #tpu.memory_space<vmem>> -> memref<1x64xf32, #tpu.memory_space<vmem>>
      %dma_start3A_537 = arith.constant 0 : i32
      %dma_start3A_538 = tpu.memref_slice %arg5[%squeeze3A_526, %dma_start3A_537] : memref<100000x64xf32, #tpu.memory_space<hbm>> -> memref<1x64xf32, #tpu.memory_space<hbm>>
      %dma_start3A_539 = arith.constant 0 : i32
      %dma_start3A_540 = arith.constant 0 : i32
      %dma_start3A_541 = tpu.memref_slice %arg11[%scan3A_91, %dma_start3A_539, %dma_start3A_540] : memref<7x128x64xf32, #tpu.memory_space<vmem>> -> memref<1x128x64xf32, #tpu.memory_space<vmem>>
      %dma_start3A_542 = tpu.memref_squeeze %dma_start3A_541 : memref<1x128x64xf32, #tpu.memory_space<vmem>> -> memref<128x64xf32, #tpu.memory_space<vmem>>
      %dma_start3A_543 = arith.constant 0 : i32
      %dma_start3A_544 = tpu.memref_slice %dma_start3A_542[%add3A_530, %dma_start3A_543] : memref<128x64xf32, #tpu.memory_space<vmem>> -> memref<1x64xf32, #tpu.memory_space<vmem>>
      %dma_start3A_545 = arith.constant 0 : i32
      %dma_start3A_546 = tpu.memref_slice %arg5[%squeeze3A_526, %dma_start3A_545] : memref<100000x64xf32, #tpu.memory_space<hbm>> -> memref<1x64xf32, #tpu.memory_space<hbm>>
      tpu.enqueue_dma source(%dma_start3A_546 : memref<1x64xf32, #tpu.memory_space<hbm>>) target(%dma_start3A_544 : memref<1x64xf32, #tpu.memory_space<vmem>>) target_semaphore(%arg14 : memref<!tpu.dma_semaphore, #tpu.memory_space<semaphore_mem>>)
      %slice3A_547 = vector.extract_strided_slice %get3A_438 {offsets = [5], sizes = [1], strides = [1]} : vector<16xi32> to vector<1xi32>
      %squeeze3A_548 = vector.extract %slice3A_547[0] : i32 from vector<1xi32>
      %mul3A_549 = arith.constant 16 : i32
      %mul3A_550 = arith.muli %scan3A_432, %mul3A_549 : i32
      %add3A_551 = arith.constant 5 : i32
      %add3A_552 = arith.addi %mul3A_550, %add3A_551 : i32
      %dma_start3A_553 = arith.constant 0 : i32
      %dma_start3A_554 = arith.constant 0 : i32
      %dma_start3A_555 = tpu.memref_slice %arg11[%scan3A_91, %dma_start3A_553, %dma_start3A_554] : memref<7x128x64xf32, #tpu.memory_space<vmem>> -> memref<1x128x64xf32, #tpu.memory_space<vmem>>
      %dma_start3A_556 = tpu.memref_squeeze %dma_start3A_555 : memref<1x128x64xf32, #tpu.memory_space<vmem>> -> memref<128x64xf32, #tpu.memory_space<vmem>>
      %dma_start3A_557 = arith.constant 0 : i32
      %dma_start3A_558 = tpu.memref_slice %dma_start3A_556[%add3A_552, %dma_start3A_557] : memref<128x64xf32, #tpu.memory_space<vmem>> -> memref<1x64xf32, #tpu.memory_space<vmem>>
      %dma_start3A_559 = arith.constant 0 : i32
      %dma_start3A_560 = tpu.memref_slice %arg5[%squeeze3A_548, %dma_start3A_559] : memref<100000x64xf32, #tpu.memory_space<hbm>> -> memref<1x64xf32, #tpu.memory_space<hbm>>
      %dma_start3A_561 = arith.constant 0 : i32
      %dma_start3A_562 = arith.constant 0 : i32
      %dma_start3A_563 = tpu.memref_slice %arg11[%scan3A_91, %dma_start3A_561, %dma_start3A_562] : memref<7x128x64xf32, #tpu.memory_space<vmem>> -> memref<1x128x64xf32, #tpu.memory_space<vmem>>
      %dma_start3A_564 = tpu.memref_squeeze %dma_start3A_563 : memref<1x128x64xf32, #tpu.memory_space<vmem>> -> memref<128x64xf32, #tpu.memory_space<vmem>>
      %dma_start3A_565 = arith.constant 0 : i32
      %dma_start3A_566 = tpu.memref_slice %dma_start3A_564[%add3A_552, %dma_start3A_565] : memref<128x64xf32, #tpu.memory_space<vmem>> -> memref<1x64xf32, #tpu.memory_space<vmem>>
      %dma_start3A_567 = arith.constant 0 : i32
      %dma_start3A_568 = tpu.memref_slice %arg5[%squeeze3A_548, %dma_start3A_567] : memref<100000x64xf32, #tpu.memory_space<hbm>> -> memref<1x64xf32, #tpu.memory_space<hbm>>
      tpu.enqueue_dma source(%dma_start3A_568 : memref<1x64xf32, #tpu.memory_space<hbm>>) target(%dma_start3A_566 : memref<1x64xf32, #tpu.memory_space<vmem>>) target_semaphore(%arg14 : memref<!tpu.dma_semaphore, #tpu.memory_space<semaphore_mem>>)
      %slice3A_569 = vector.extract_strided_slice %get3A_438 {offsets = [6], sizes = [1], strides = [1]} : vector<16xi32> to vector<1xi32>
      %squeeze3A_570 = vector.extract %slice3A_569[0] : i32 from vector<1xi32>
      %mul3A_571 = arith.constant 16 : i32
      %mul3A_572 = arith.muli %scan3A_432, %mul3A_571 : i32
      %add3A_573 = arith.constant 6 : i32
      %add3A_574 = arith.addi %mul3A_572, %add3A_573 : i32
      %dma_start3A_575 = arith.constant 0 : i32
      %dma_start3A_576 = arith.constant 0 : i32
      %dma_start3A_577 = tpu.memref_slice %arg11[%scan3A_91, %dma_start3A_575, %dma_start3A_576] : memref<7x128x64xf32, #tpu.memory_space<vmem>> -> memref<1x128x64xf32, #tpu.memory_space<vmem>>
      %dma_start3A_578 = tpu.memref_squeeze %dma_start3A_577 : memref<1x128x64xf32, #tpu.memory_space<vmem>> -> memref<128x64xf32, #tpu.memory_space<vmem>>
      %dma_start3A_579 = arith.constant 0 : i32
      %dma_start3A_580 = tpu.memref_slice %dma_start3A_578[%add3A_574, %dma_start3A_579] : memref<128x64xf32, #tpu.memory_space<vmem>> -> memref<1x64xf32, #tpu.memory_space<vmem>>
      %dma_start3A_581 = arith.constant 0 : i32
      %dma_start3A_582 = tpu.memref_slice %arg5[%squeeze3A_570, %dma_start3A_581] : memref<100000x64xf32, #tpu.memory_space<hbm>> -> memref<1x64xf32, #tpu.memory_space<hbm>>
      %dma_start3A_583 = arith.constant 0 : i32
      %dma_start3A_584 = arith.constant 0 : i32
      %dma_start3A_585 = tpu.memref_slice %arg11[%scan3A_91, %dma_start3A_583, %dma_start3A_584] : memref<7x128x64xf32, #tpu.memory_space<vmem>> -> memref<1x128x64xf32, #tpu.memory_space<vmem>>
      %dma_start3A_586 = tpu.memref_squeeze %dma_start3A_585 : memref<1x128x64xf32, #tpu.memory_space<vmem>> -> memref<128x64xf32, #tpu.memory_space<vmem>>
      %dma_start3A_587 = arith.constant 0 : i32
      %dma_start3A_588 = tpu.memref_slice %dma_start3A_586[%add3A_574, %dma_start3A_587] : memref<128x64xf32, #tpu.memory_space<vmem>> -> memref<1x64xf32, #tpu.memory_space<vmem>>
      %dma_start3A_589 = arith.constant 0 : i32
      %dma_start3A_590 = tpu.memref_slice %arg5[%squeeze3A_570, %dma_start3A_589] : memref<100000x64xf32, #tpu.memory_space<hbm>> -> memref<1x64xf32, #tpu.memory_space<hbm>>
      tpu.enqueue_dma source(%dma_start3A_590 : memref<1x64xf32, #tpu.memory_space<hbm>>) target(%dma_start3A_588 : memref<1x64xf32, #tpu.memory_space<vmem>>) target_semaphore(%arg14 : memref<!tpu.dma_semaphore, #tpu.memory_space<semaphore_mem>>)
      %slice3A_591 = vector.extract_strided_slice %get3A_438 {offsets = [7], sizes = [1], strides = [1]} : vector<16xi32> to vector<1xi32>
      %squeeze3A_592 = vector.extract %slice3A_591[0] : i32 from vector<1xi32>
      %mul3A_593 = arith.constant 16 : i32
      %mul3A_594 = arith.muli %scan3A_432, %mul3A_593 : i32
      %add3A_595 = arith.constant 7 : i32
      %add3A_596 = arith.addi %mul3A_594, %add3A_595 : i32
      %dma_start3A_597 = arith.constant 0 : i32
      %dma_start3A_598 = arith.constant 0 : i32
      %dma_start3A_599 = tpu.memref_slice %arg11[%scan3A_91, %dma_start3A_597, %dma_start3A_598] : memref<7x128x64xf32, #tpu.memory_space<vmem>> -> memref<1x128x64xf32, #tpu.memory_space<vmem>>
      %dma_start3A_600 = tpu.memref_squeeze %dma_start3A_599 : memref<1x128x64xf32, #tpu.memory_space<vmem>> -> memref<128x64xf32, #tpu.memory_space<vmem>>
      %dma_start3A_601 = arith.constant 0 : i32
      %dma_start3A_602 = tpu.memref_slice %dma_start3A_600[%add3A_596, %dma_start3A_601] : memref<128x64xf32, #tpu.memory_space<vmem>> -> memref<1x64xf32, #tpu.memory_space<vmem>>
      %dma_start3A_603 = arith.constant 0 : i32
      %dma_start3A_604 = tpu.memref_slice %arg5[%squeeze3A_592, %dma_start3A_603] : memref<100000x64xf32, #tpu.memory_space<hbm>> -> memref<1x64xf32, #tpu.memory_space<hbm>>
      %dma_start3A_605 = arith.constant 0 : i32
      %dma_start3A_606 = arith.constant 0 : i32
      %dma_start3A_607 = tpu.memref_slice %arg11[%scan3A_91, %dma_start3A_605, %dma_start3A_606] : memref<7x128x64xf32, #tpu.memory_space<vmem>> -> memref<1x128x64xf32, #tpu.memory_space<vmem>>
      %dma_start3A_608 = tpu.memref_squeeze %dma_start3A_607 : memref<1x128x64xf32, #tpu.memory_space<vmem>> -> memref<128x64xf32, #tpu.memory_space<vmem>>
      %dma_start3A_609 = arith.constant 0 : i32
      %dma_start3A_610 = tpu.memref_slice %dma_start3A_608[%add3A_596, %dma_start3A_609] : memref<128x64xf32, #tpu.memory_space<vmem>> -> memref<1x64xf32, #tpu.memory_space<vmem>>
      %dma_start3A_611 = arith.constant 0 : i32
      %dma_start3A_612 = tpu.memref_slice %arg5[%squeeze3A_592, %dma_start3A_611] : memref<100000x64xf32, #tpu.memory_space<hbm>> -> memref<1x64xf32, #tpu.memory_space<hbm>>
      tpu.enqueue_dma source(%dma_start3A_612 : memref<1x64xf32, #tpu.memory_space<hbm>>) target(%dma_start3A_610 : memref<1x64xf32, #tpu.memory_space<vmem>>) target_semaphore(%arg14 : memref<!tpu.dma_semaphore, #tpu.memory_space<semaphore_mem>>)
      %slice3A_613 = vector.extract_strided_slice %get3A_438 {offsets = [8], sizes = [1], strides = [1]} : vector<16xi32> to vector<1xi32>
      %squeeze3A_614 = vector.extract %slice3A_613[0] : i32 from vector<1xi32>
      %mul3A_615 = arith.constant 16 : i32
      %mul3A_616 = arith.muli %scan3A_432, %mul3A_615 : i32
      %add3A_617 = arith.constant 8 : i32
      %add3A_618 = arith.addi %mul3A_616, %add3A_617 : i32
      %dma_start3A_619 = arith.constant 0 : i32
      %dma_start3A_620 = arith.constant 0 : i32
      %dma_start3A_621 = tpu.memref_slice %arg11[%scan3A_91, %dma_start3A_619, %dma_start3A_620] : memref<7x128x64xf32, #tpu.memory_space<vmem>> -> memref<1x128x64xf32, #tpu.memory_space<vmem>>
      %dma_start3A_622 = tpu.memref_squeeze %dma_start3A_621 : memref<1x128x64xf32, #tpu.memory_space<vmem>> -> memref<128x64xf32, #tpu.memory_space<vmem>>
      %dma_start3A_623 = arith.constant 0 : i32
      %dma_start3A_624 = tpu.memref_slice %dma_start3A_622[%add3A_618, %dma_start3A_623] : memref<128x64xf32, #tpu.memory_space<vmem>> -> memref<1x64xf32, #tpu.memory_space<vmem>>
      %dma_start3A_625 = arith.constant 0 : i32
      %dma_start3A_626 = tpu.memref_slice %arg5[%squeeze3A_614, %dma_start3A_625] : memref<100000x64xf32, #tpu.memory_space<hbm>> -> memref<1x64xf32, #tpu.memory_space<hbm>>
      %dma_start3A_627 = arith.constant 0 : i32
      %dma_start3A_628 = arith.constant 0 : i32
      %dma_start3A_629 = tpu.memref_slice %arg11[%scan3A_91, %dma_start3A_627, %dma_start3A_628] : memref<7x128x64xf32, #tpu.memory_space<vmem>> -> memref<1x128x64xf32, #tpu.memory_space<vmem>>
      %dma_start3A_630 = tpu.memref_squeeze %dma_start3A_629 : memref<1x128x64xf32, #tpu.memory_space<vmem>> -> memref<128x64xf32, #tpu.memory_space<vmem>>
      %dma_start3A_631 = arith.constant 0 : i32
      %dma_start3A_632 = tpu.memref_slice %dma_start3A_630[%add3A_618, %dma_start3A_631] : memref<128x64xf32, #tpu.memory_space<vmem>> -> memref<1x64xf32, #tpu.memory_space<vmem>>
      %dma_start3A_633 = arith.constant 0 : i32
      %dma_start3A_634 = tpu.memref_slice %arg5[%squeeze3A_614, %dma_start3A_633] : memref<100000x64xf32, #tpu.memory_space<hbm>> -> memref<1x64xf32, #tpu.memory_space<hbm>>
      tpu.enqueue_dma source(%dma_start3A_634 : memref<1x64xf32, #tpu.memory_space<hbm>>) target(%dma_start3A_632 : memref<1x64xf32, #tpu.memory_space<vmem>>) target_semaphore(%arg14 : memref<!tpu.dma_semaphore, #tpu.memory_space<semaphore_mem>>)
      %slice3A_635 = vector.extract_strided_slice %get3A_438 {offsets = [9], sizes = [1], strides = [1]} : vector<16xi32> to vector<1xi32>
      %squeeze3A_636 = vector.extract %slice3A_635[0] : i32 from vector<1xi32>
      %mul3A_637 = arith.constant 16 : i32
      %mul3A_638 = arith.muli %scan3A_432, %mul3A_637 : i32
      %add3A_639 = arith.constant 9 : i32
      %add3A_640 = arith.addi %mul3A_638, %add3A_639 : i32
      %dma_start3A_641 = arith.constant 0 : i32
      %dma_start3A_642 = arith.constant 0 : i32
      %dma_start3A_643 = tpu.memref_slice %arg11[%scan3A_91, %dma_start3A_641, %dma_start3A_642] : memref<7x128x64xf32, #tpu.memory_space<vmem>> -> memref<1x128x64xf32, #tpu.memory_space<vmem>>
      %dma_start3A_644 = tpu.memref_squeeze %dma_start3A_643 : memref<1x128x64xf32, #tpu.memory_space<vmem>> -> memref<128x64xf32, #tpu.memory_space<vmem>>
      %dma_start3A_645 = arith.constant 0 : i32
      %dma_start3A_646 = tpu.memref_slice %dma_start3A_644[%add3A_640, %dma_start3A_645] : memref<128x64xf32, #tpu.memory_space<vmem>> -> memref<1x64xf32, #tpu.memory_space<vmem>>
      %dma_start3A_647 = arith.constant 0 : i32
      %dma_start3A_648 = tpu.memref_slice %arg5[%squeeze3A_636, %dma_start3A_647] : memref<100000x64xf32, #tpu.memory_space<hbm>> -> memref<1x64xf32, #tpu.memory_space<hbm>>
      %dma_start3A_649 = arith.constant 0 : i32
      %dma_start3A_650 = arith.constant 0 : i32
      %dma_start3A_651 = tpu.memref_slice %arg11[%scan3A_91, %dma_start3A_649, %dma_start3A_650] : memref<7x128x64xf32, #tpu.memory_space<vmem>> -> memref<1x128x64xf32, #tpu.memory_space<vmem>>
      %dma_start3A_652 = tpu.memref_squeeze %dma_start3A_651 : memref<1x128x64xf32, #tpu.memory_space<vmem>> -> memref<128x64xf32, #tpu.memory_space<vmem>>
      %dma_start3A_653 = arith.constant 0 : i32
      %dma_start3A_654 = tpu.memref_slice %dma_start3A_652[%add3A_640, %dma_start3A_653] : memref<128x64xf32, #tpu.memory_space<vmem>> -> memref<1x64xf32, #tpu.memory_space<vmem>>
      %dma_start3A_655 = arith.constant 0 : i32
      %dma_start3A_656 = tpu.memref_slice %arg5[%squeeze3A_636, %dma_start3A_655] : memref<100000x64xf32, #tpu.memory_space<hbm>> -> memref<1x64xf32, #tpu.memory_space<hbm>>
      tpu.enqueue_dma source(%dma_start3A_656 : memref<1x64xf32, #tpu.memory_space<hbm>>) target(%dma_start3A_654 : memref<1x64xf32, #tpu.memory_space<vmem>>) target_semaphore(%arg14 : memref<!tpu.dma_semaphore, #tpu.memory_space<semaphore_mem>>)
      %slice3A_657 = vector.extract_strided_slice %get3A_438 {offsets = [10], sizes = [1], strides = [1]} : vector<16xi32> to vector<1xi32>
      %squeeze3A_658 = vector.extract %slice3A_657[0] : i32 from vector<1xi32>
      %mul3A_659 = arith.constant 16 : i32
      %mul3A_660 = arith.muli %scan3A_432, %mul3A_659 : i32
      %add3A_661 = arith.constant 10 : i32
      %add3A_662 = arith.addi %mul3A_660, %add3A_661 : i32
      %dma_start3A_663 = arith.constant 0 : i32
      %dma_start3A_664 = arith.constant 0 : i32
      %dma_start3A_665 = tpu.memref_slice %arg11[%scan3A_91, %dma_start3A_663, %dma_start3A_664] : memref<7x128x64xf32, #tpu.memory_space<vmem>> -> memref<1x128x64xf32, #tpu.memory_space<vmem>>
      %dma_start3A_666 = tpu.memref_squeeze %dma_start3A_665 : memref<1x128x64xf32, #tpu.memory_space<vmem>> -> memref<128x64xf32, #tpu.memory_space<vmem>>
      %dma_start3A_667 = arith.constant 0 : i32
      %dma_start3A_668 = tpu.memref_slice %dma_start3A_666[%add3A_662, %dma_start3A_667] : memref<128x64xf32, #tpu.memory_space<vmem>> -> memref<1x64xf32, #tpu.memory_space<vmem>>
      %dma_start3A_669 = arith.constant 0 : i32
      %dma_start3A_670 = tpu.memref_slice %arg5[%squeeze3A_658, %dma_start3A_669] : memref<100000x64xf32, #tpu.memory_space<hbm>> -> memref<1x64xf32, #tpu.memory_space<hbm>>
      %dma_start3A_671 = arith.constant 0 : i32
      %dma_start3A_672 = arith.constant 0 : i32
      %dma_start3A_673 = tpu.memref_slice %arg11[%scan3A_91, %dma_start3A_671, %dma_start3A_672] : memref<7x128x64xf32, #tpu.memory_space<vmem>> -> memref<1x128x64xf32, #tpu.memory_space<vmem>>
      %dma_start3A_674 = tpu.memref_squeeze %dma_start3A_673 : memref<1x128x64xf32, #tpu.memory_space<vmem>> -> memref<128x64xf32, #tpu.memory_space<vmem>>
      %dma_start3A_675 = arith.constant 0 : i32
      %dma_start3A_676 = tpu.memref_slice %dma_start3A_674[%add3A_662, %dma_start3A_675] : memref<128x64xf32, #tpu.memory_space<vmem>> -> memref<1x64xf32, #tpu.memory_space<vmem>>
      %dma_start3A_677 = arith.constant 0 : i32
      %dma_start3A_678 = tpu.memref_slice %arg5[%squeeze3A_658, %dma_start3A_677] : memref<100000x64xf32, #tpu.memory_space<hbm>> -> memref<1x64xf32, #tpu.memory_space<hbm>>
      tpu.enqueue_dma source(%dma_start3A_678 : memref<1x64xf32, #tpu.memory_space<hbm>>) target(%dma_start3A_676 : memref<1x64xf32, #tpu.memory_space<vmem>>) target_semaphore(%arg14 : memref<!tpu.dma_semaphore, #tpu.memory_space<semaphore_mem>>)
      %slice3A_679 = vector.extract_strided_slice %get3A_438 {offsets = [11], sizes = [1], strides = [1]} : vector<16xi32> to vector<1xi32>
      %squeeze3A_680 = vector.extract %slice3A_679[0] : i32 from vector<1xi32>
      %mul3A_681 = arith.constant 16 : i32
      %mul3A_682 = arith.muli %scan3A_432, %mul3A_681 : i32
      %add3A_683 = arith.constant 11 : i32
      %add3A_684 = arith.addi %mul3A_682, %add3A_683 : i32
      %dma_start3A_685 = arith.constant 0 : i32
      %dma_start3A_686 = arith.constant 0 : i32
      %dma_start3A_687 = tpu.memref_slice %arg11[%scan3A_91, %dma_start3A_685, %dma_start3A_686] : memref<7x128x64xf32, #tpu.memory_space<vmem>> -> memref<1x128x64xf32, #tpu.memory_space<vmem>>
      %dma_start3A_688 = tpu.memref_squeeze %dma_start3A_687 : memref<1x128x64xf32, #tpu.memory_space<vmem>> -> memref<128x64xf32, #tpu.memory_space<vmem>>
      %dma_start3A_689 = arith.constant 0 : i32
      %dma_start3A_690 = tpu.memref_slice %dma_start3A_688[%add3A_684, %dma_start3A_689] : memref<128x64xf32, #tpu.memory_space<vmem>> -> memref<1x64xf32, #tpu.memory_space<vmem>>
      %dma_start3A_691 = arith.constant 0 : i32
      %dma_start3A_692 = tpu.memref_slice %arg5[%squeeze3A_680, %dma_start3A_691] : memref<100000x64xf32, #tpu.memory_space<hbm>> -> memref<1x64xf32, #tpu.memory_space<hbm>>
      %dma_start3A_693 = arith.constant 0 : i32
      %dma_start3A_694 = arith.constant 0 : i32
      %dma_start3A_695 = tpu.memref_slice %arg11[%scan3A_91, %dma_start3A_693, %dma_start3A_694] : memref<7x128x64xf32, #tpu.memory_space<vmem>> -> memref<1x128x64xf32, #tpu.memory_space<vmem>>
      %dma_start3A_696 = tpu.memref_squeeze %dma_start3A_695 : memref<1x128x64xf32, #tpu.memory_space<vmem>> -> memref<128x64xf32, #tpu.memory_space<vmem>>
      %dma_start3A_697 = arith.constant 0 : i32
      %dma_start3A_698 = tpu.memref_slice %dma_start3A_696[%add3A_684, %dma_start3A_697] : memref<128x64xf32, #tpu.memory_space<vmem>> -> memref<1x64xf32, #tpu.memory_space<vmem>>
      %dma_start3A_699 = arith.constant 0 : i32
      %dma_start3A_700 = tpu.memref_slice %arg5[%squeeze3A_680, %dma_start3A_699] : memref<100000x64xf32, #tpu.memory_space<hbm>> -> memref<1x64xf32, #tpu.memory_space<hbm>>
      tpu.enqueue_dma source(%dma_start3A_700 : memref<1x64xf32, #tpu.memory_space<hbm>>) target(%dma_start3A_698 : memref<1x64xf32, #tpu.memory_space<vmem>>) target_semaphore(%arg14 : memref<!tpu.dma_semaphore, #tpu.memory_space<semaphore_mem>>)
      %slice3A_701 = vector.extract_strided_slice %get3A_438 {offsets = [12], sizes = [1], strides = [1]} : vector<16xi32> to vector<1xi32>
      %squeeze3A_702 = vector.extract %slice3A_701[0] : i32 from vector<1xi32>
      %mul3A_703 = arith.constant 16 : i32
      %mul3A_704 = arith.muli %scan3A_432, %mul3A_703 : i32
      %add3A_705 = arith.constant 12 : i32
      %add3A_706 = arith.addi %mul3A_704, %add3A_705 : i32
      %dma_start3A_707 = arith.constant 0 : i32
      %dma_start3A_708 = arith.constant 0 : i32
      %dma_start3A_709 = tpu.memref_slice %arg11[%scan3A_91, %dma_start3A_707, %dma_start3A_708] : memref<7x128x64xf32, #tpu.memory_space<vmem>> -> memref<1x128x64xf32, #tpu.memory_space<vmem>>
      %dma_start3A_710 = tpu.memref_squeeze %dma_start3A_709 : memref<1x128x64xf32, #tpu.memory_space<vmem>> -> memref<128x64xf32, #tpu.memory_space<vmem>>
      %dma_start3A_711 = arith.constant 0 : i32
      %dma_start3A_712 = tpu.memref_slice %dma_start3A_710[%add3A_706, %dma_start3A_711] : memref<128x64xf32, #tpu.memory_space<vmem>> -> memref<1x64xf32, #tpu.memory_space<vmem>>
      %dma_start3A_713 = arith.constant 0 : i32
      %dma_start3A_714 = tpu.memref_slice %arg5[%squeeze3A_702, %dma_start3A_713] : memref<100000x64xf32, #tpu.memory_space<hbm>> -> memref<1x64xf32, #tpu.memory_space<hbm>>
      %dma_start3A_715 = arith.constant 0 : i32
      %dma_start3A_716 = arith.constant 0 : i32
      %dma_start3A_717 = tpu.memref_slice %arg11[%scan3A_91, %dma_start3A_715, %dma_start3A_716] : memref<7x128x64xf32, #tpu.memory_space<vmem>> -> memref<1x128x64xf32, #tpu.memory_space<vmem>>
      %dma_start3A_718 = tpu.memref_squeeze %dma_start3A_717 : memref<1x128x64xf32, #tpu.memory_space<vmem>> -> memref<128x64xf32, #tpu.memory_space<vmem>>
      %dma_start3A_719 = arith.constant 0 : i32
      %dma_start3A_720 = tpu.memref_slice %dma_start3A_718[%add3A_706, %dma_start3A_719] : memref<128x64xf32, #tpu.memory_space<vmem>> -> memref<1x64xf32, #tpu.memory_space<vmem>>
      %dma_start3A_721 = arith.constant 0 : i32
      %dma_start3A_722 = tpu.memref_slice %arg5[%squeeze3A_702, %dma_start3A_721] : memref<100000x64xf32, #tpu.memory_space<hbm>> -> memref<1x64xf32, #tpu.memory_space<hbm>>
      tpu.enqueue_dma source(%dma_start3A_722 : memref<1x64xf32, #tpu.memory_space<hbm>>) target(%dma_start3A_720 : memref<1x64xf32, #tpu.memory_space<vmem>>) target_semaphore(%arg14 : memref<!tpu.dma_semaphore, #tpu.memory_space<semaphore_mem>>)
      %slice3A_723 = vector.extract_strided_slice %get3A_438 {offsets = [13], sizes = [1], strides = [1]} : vector<16xi32> to vector<1xi32>
      %squeeze3A_724 = vector.extract %slice3A_723[0] : i32 from vector<1xi32>
      %mul3A_725 = arith.constant 16 : i32
      %mul3A_726 = arith.muli %scan3A_432, %mul3A_725 : i32
      %add3A_727 = arith.constant 13 : i32
      %add3A_728 = arith.addi %mul3A_726, %add3A_727 : i32
      %dma_start3A_729 = arith.constant 0 : i32
      %dma_start3A_730 = arith.constant 0 : i32
      %dma_start3A_731 = tpu.memref_slice %arg11[%scan3A_91, %dma_start3A_729, %dma_start3A_730] : memref<7x128x64xf32, #tpu.memory_space<vmem>> -> memref<1x128x64xf32, #tpu.memory_space<vmem>>
      %dma_start3A_732 = tpu.memref_squeeze %dma_start3A_731 : memref<1x128x64xf32, #tpu.memory_space<vmem>> -> memref<128x64xf32, #tpu.memory_space<vmem>>
      %dma_start3A_733 = arith.constant 0 : i32
      %dma_start3A_734 = tpu.memref_slice %dma_start3A_732[%add3A_728, %dma_start3A_733] : memref<128x64xf32, #tpu.memory_space<vmem>> -> memref<1x64xf32, #tpu.memory_space<vmem>>
      %dma_start3A_735 = arith.constant 0 : i32
      %dma_start3A_736 = tpu.memref_slice %arg5[%squeeze3A_724, %dma_start3A_735] : memref<100000x64xf32, #tpu.memory_space<hbm>> -> memref<1x64xf32, #tpu.memory_space<hbm>>
      %dma_start3A_737 = arith.constant 0 : i32
      %dma_start3A_738 = arith.constant 0 : i32
      %dma_start3A_739 = tpu.memref_slice %arg11[%scan3A_91, %dma_start3A_737, %dma_start3A_738] : memref<7x128x64xf32, #tpu.memory_space<vmem>> -> memref<1x128x64xf32, #tpu.memory_space<vmem>>
      %dma_start3A_740 = tpu.memref_squeeze %dma_start3A_739 : memref<1x128x64xf32, #tpu.memory_space<vmem>> -> memref<128x64xf32, #tpu.memory_space<vmem>>
      %dma_start3A_741 = arith.constant 0 : i32
      %dma_start3A_742 = tpu.memref_slice %dma_start3A_740[%add3A_728, %dma_start3A_741] : memref<128x64xf32, #tpu.memory_space<vmem>> -> memref<1x64xf32, #tpu.memory_space<vmem>>
      %dma_start3A_743 = arith.constant 0 : i32
      %dma_start3A_744 = tpu.memref_slice %arg5[%squeeze3A_724, %dma_start3A_743] : memref<100000x64xf32, #tpu.memory_space<hbm>> -> memref<1x64xf32, #tpu.memory_space<hbm>>
      tpu.enqueue_dma source(%dma_start3A_744 : memref<1x64xf32, #tpu.memory_space<hbm>>) target(%dma_start3A_742 : memref<1x64xf32, #tpu.memory_space<vmem>>) target_semaphore(%arg14 : memref<!tpu.dma_semaphore, #tpu.memory_space<semaphore_mem>>)
      %slice3A_745 = vector.extract_strided_slice %get3A_438 {offsets = [14], sizes = [1], strides = [1]} : vector<16xi32> to vector<1xi32>
      %squeeze3A_746 = vector.extract %slice3A_745[0] : i32 from vector<1xi32>
      %mul3A_747 = arith.constant 16 : i32
      %mul3A_748 = arith.muli %scan3A_432, %mul3A_747 : i32
      %add3A_749 = arith.constant 14 : i32
      %add3A_750 = arith.addi %mul3A_748, %add3A_749 : i32
      %dma_start3A_751 = arith.constant 0 : i32
      %dma_start3A_752 = arith.constant 0 : i32
      %dma_start3A_753 = tpu.memref_slice %arg11[%scan3A_91, %dma_start3A_751, %dma_start3A_752] : memref<7x128x64xf32, #tpu.memory_space<vmem>> -> memref<1x128x64xf32, #tpu.memory_space<vmem>>
      %dma_start3A_754 = tpu.memref_squeeze %dma_start3A_753 : memref<1x128x64xf32, #tpu.memory_space<vmem>> -> memref<128x64xf32, #tpu.memory_space<vmem>>
      %dma_start3A_755 = arith.constant 0 : i32
      %dma_start3A_756 = tpu.memref_slice %dma_start3A_754[%add3A_750, %dma_start3A_755] : memref<128x64xf32, #tpu.memory_space<vmem>> -> memref<1x64xf32, #tpu.memory_space<vmem>>
      %dma_start3A_757 = arith.constant 0 : i32
      %dma_start3A_758 = tpu.memref_slice %arg5[%squeeze3A_746, %dma_start3A_757] : memref<100000x64xf32, #tpu.memory_space<hbm>> -> memref<1x64xf32, #tpu.memory_space<hbm>>
      %dma_start3A_759 = arith.constant 0 : i32
      %dma_start3A_760 = arith.constant 0 : i32
      %dma_start3A_761 = tpu.memref_slice %arg11[%scan3A_91, %dma_start3A_759, %dma_start3A_760] : memref<7x128x64xf32, #tpu.memory_space<vmem>> -> memref<1x128x64xf32, #tpu.memory_space<vmem>>
      %dma_start3A_762 = tpu.memref_squeeze %dma_start3A_761 : memref<1x128x64xf32, #tpu.memory_space<vmem>> -> memref<128x64xf32, #tpu.memory_space<vmem>>
      %dma_start3A_763 = arith.constant 0 : i32
      %dma_start3A_764 = tpu.memref_slice %dma_start3A_762[%add3A_750, %dma_start3A_763] : memref<128x64xf32, #tpu.memory_space<vmem>> -> memref<1x64xf32, #tpu.memory_space<vmem>>
      %dma_start3A_765 = arith.constant 0 : i32
      %dma_start3A_766 = tpu.memref_slice %arg5[%squeeze3A_746, %dma_start3A_765] : memref<100000x64xf32, #tpu.memory_space<hbm>> -> memref<1x64xf32, #tpu.memory_space<hbm>>
      tpu.enqueue_dma source(%dma_start3A_766 : memref<1x64xf32, #tpu.memory_space<hbm>>) target(%dma_start3A_764 : memref<1x64xf32, #tpu.memory_space<vmem>>) target_semaphore(%arg14 : memref<!tpu.dma_semaphore, #tpu.memory_space<semaphore_mem>>)
      %slice3A_767 = vector.extract_strided_slice %get3A_438 {offsets = [15], sizes = [1], strides = [1]} : vector<16xi32> to vector<1xi32>
      %squeeze3A_768 = vector.extract %slice3A_767[0] : i32 from vector<1xi32>
      %mul3A_769 = arith.constant 16 : i32
      %mul3A_770 = arith.muli %scan3A_432, %mul3A_769 : i32
      %add3A_771 = arith.constant 15 : i32
      %add3A_772 = arith.addi %mul3A_770, %add3A_771 : i32
      %dma_start3A_773 = arith.constant 0 : i32
      %dma_start3A_774 = arith.constant 0 : i32
      %dma_start3A_775 = tpu.memref_slice %arg11[%scan3A_91, %dma_start3A_773, %dma_start3A_774] : memref<7x128x64xf32, #tpu.memory_space<vmem>> -> memref<1x128x64xf32, #tpu.memory_space<vmem>>
      %dma_start3A_776 = tpu.memref_squeeze %dma_start3A_775 : memref<1x128x64xf32, #tpu.memory_space<vmem>> -> memref<128x64xf32, #tpu.memory_space<vmem>>
      %dma_start3A_777 = arith.constant 0 : i32
      %dma_start3A_778 = tpu.memref_slice %dma_start3A_776[%add3A_772, %dma_start3A_777] : memref<128x64xf32, #tpu.memory_space<vmem>> -> memref<1x64xf32, #tpu.memory_space<vmem>>
      %dma_start3A_779 = arith.constant 0 : i32
      %dma_start3A_780 = tpu.memref_slice %arg5[%squeeze3A_768, %dma_start3A_779] : memref<100000x64xf32, #tpu.memory_space<hbm>> -> memref<1x64xf32, #tpu.memory_space<hbm>>
      %dma_start3A_781 = arith.constant 0 : i32
      %dma_start3A_782 = arith.constant 0 : i32
      %dma_start3A_783 = tpu.memref_slice %arg11[%scan3A_91, %dma_start3A_781, %dma_start3A_782] : memref<7x128x64xf32, #tpu.memory_space<vmem>> -> memref<1x128x64xf32, #tpu.memory_space<vmem>>
      %dma_start3A_784 = tpu.memref_squeeze %dma_start3A_783 : memref<1x128x64xf32, #tpu.memory_space<vmem>> -> memref<128x64xf32, #tpu.memory_space<vmem>>
      %dma_start3A_785 = arith.constant 0 : i32
      %dma_start3A_786 = tpu.memref_slice %dma_start3A_784[%add3A_772, %dma_start3A_785] : memref<128x64xf32, #tpu.memory_space<vmem>> -> memref<1x64xf32, #tpu.memory_space<vmem>>
      %dma_start3A_787 = arith.constant 0 : i32
      %dma_start3A_788 = tpu.memref_slice %arg5[%squeeze3A_768, %dma_start3A_787] : memref<100000x64xf32, #tpu.memory_space<hbm>> -> memref<1x64xf32, #tpu.memory_space<hbm>>
      tpu.enqueue_dma source(%dma_start3A_788 : memref<1x64xf32, #tpu.memory_space<hbm>>) target(%dma_start3A_786 : memref<1x64xf32, #tpu.memory_space<vmem>>) target_semaphore(%arg14 : memref<!tpu.dma_semaphore, #tpu.memory_space<semaphore_mem>>)
    }
    %scan3A_96 = arith.constant 8 : i32
    %scan3A_97 = arith.constant 0 : i32
    %scan3A_98 = arith.constant 1 : i32
    %scan3A_99 = arith.constant 0 : i32
    %scan3A_100 = arith.constant 8 : i32
    %scan3A_101 = arith.addi %scan3A_99, %scan3A_100 : i32
    %scan3A_102 = arith.constant 1 : i32
    scf.for %scan3A_432 = %scan3A_99 to %scan3A_101 step %scan3A_102  : i32 {
      %mul3A_433 = arith.constant 16 : i32
      %mul3A_434 = arith.muli %scan3A_432, %mul3A_433 : i32
      %add3A_435 = arith.constant 0 : i32
      %add3A_436 = arith.addi %add3A_435, %mul3A_434 : i32
      %get3A = arith.index_cast %add3A_436 : i32 to index
      %get3A_437 = tpu.vector_load %arg9[%get3A] {strides = array<i32>} : memref<128xi32, #tpu.memory_space<vmem>>, vector<16xi32>,
      %get3A_438 = vector.shape_cast %get3A_437 : vector<16xi32> to vector<16xi32>
      %slice3A = vector.extract_strided_slice %get3A_438 {offsets = [0], sizes = [1], strides = [1]} : vector<16xi32> to vector<1xi32>
      %squeeze3A = vector.extract %slice3A[0] : i32 from vector<1xi32>
      %mul3A_439 = arith.constant 16 : i32
      %mul3A_440 = arith.muli %scan3A_432, %mul3A_439 : i32
      %add3A_441 = arith.constant 0 : i32
      %add3A_442 = arith.addi %mul3A_440, %add3A_441 : i32
      %dma_start3A_443 = arith.constant 0 : i32
      %dma_start3A_444 = arith.constant 0 : i32
      %dma_start3A_445 = tpu.memref_slice %arg11[%scan3A_98, %dma_start3A_443, %dma_start3A_444] : memref<7x128x64xf32, #tpu.memory_space<vmem>> -> memref<1x128x64xf32, #tpu.memory_space<vmem>>
      %dma_start3A_446 = tpu.memref_squeeze %dma_start3A_445 : memref<1x128x64xf32, #tpu.memory_space<vmem>> -> memref<128x64xf32, #tpu.memory_space<vmem>>
      %dma_start3A_447 = arith.constant 0 : i32
      %dma_start3A_448 = tpu.memref_slice %dma_start3A_446[%add3A_442, %dma_start3A_447] : memref<128x64xf32, #tpu.memory_space<vmem>> -> memref<1x64xf32, #tpu.memory_space<vmem>>
      %dma_start3A_449 = arith.constant 0 : i32
      %dma_start3A_450 = tpu.memref_slice %arg6[%squeeze3A, %dma_start3A_449] : memref<100000x64xf32, #tpu.memory_space<hbm>> -> memref<1x64xf32, #tpu.memory_space<hbm>>
      %dma_start3A_451 = arith.constant 0 : i32
      %dma_start3A_452 = arith.constant 0 : i32
      %dma_start3A_453 = tpu.memref_slice %arg11[%scan3A_98, %dma_start3A_451, %dma_start3A_452] : memref<7x128x64xf32, #tpu.memory_space<vmem>> -> memref<1x128x64xf32, #tpu.memory_space<vmem>>
      %dma_start3A_454 = tpu.memref_squeeze %dma_start3A_453 : memref<1x128x64xf32, #tpu.memory_space<vmem>> -> memref<128x64xf32, #tpu.memory_space<vmem>>
      %dma_start3A_455 = arith.constant 0 : i32
      %dma_start3A_456 = tpu.memref_slice %dma_start3A_454[%add3A_442, %dma_start3A_455] : memref<128x64xf32, #tpu.memory_space<vmem>> -> memref<1x64xf32, #tpu.memory_space<vmem>>
      %dma_start3A_457 = arith.constant 0 : i32
      %dma_start3A_458 = tpu.memref_slice %arg6[%squeeze3A, %dma_start3A_457] : memref<100000x64xf32, #tpu.memory_space<hbm>> -> memref<1x64xf32, #tpu.memory_space<hbm>>
      tpu.enqueue_dma source(%dma_start3A_458 : memref<1x64xf32, #tpu.memory_space<hbm>>) target(%dma_start3A_456 : memref<1x64xf32, #tpu.memory_space<vmem>>) target_semaphore(%arg15 : memref<!tpu.dma_semaphore, #tpu.memory_space<semaphore_mem>>)
      %slice3A_459 = vector.extract_strided_slice %get3A_438 {offsets = [1], sizes = [1], strides = [1]} : vector<16xi32> to vector<1xi32>
      %squeeze3A_460 = vector.extract %slice3A_459[0] : i32 from vector<1xi32>
      %mul3A_461 = arith.constant 16 : i32
      %mul3A_462 = arith.muli %scan3A_432, %mul3A_461 : i32
      %add3A_463 = arith.constant 1 : i32
      %add3A_464 = arith.addi %mul3A_462, %add3A_463 : i32
      %dma_start3A_465 = arith.constant 0 : i32
      %dma_start3A_466 = arith.constant 0 : i32
      %dma_start3A_467 = tpu.memref_slice %arg11[%scan3A_98, %dma_start3A_465, %dma_start3A_466] : memref<7x128x64xf32, #tpu.memory_space<vmem>> -> memref<1x128x64xf32, #tpu.memory_space<vmem>>
      %dma_start3A_468 = tpu.memref_squeeze %dma_start3A_467 : memref<1x128x64xf32, #tpu.memory_space<vmem>> -> memref<128x64xf32, #tpu.memory_space<vmem>>
      %dma_start3A_469 = arith.constant 0 : i32
      %dma_start3A_470 = tpu.memref_slice %dma_start3A_468[%add3A_464, %dma_start3A_469] : memref<128x64xf32, #tpu.memory_space<vmem>> -> memref<1x64xf32, #tpu.memory_space<vmem>>
      %dma_start3A_471 = arith.constant 0 : i32
      %dma_start3A_472 = tpu.memref_slice %arg6[%squeeze3A_460, %dma_start3A_471] : memref<100000x64xf32, #tpu.memory_space<hbm>> -> memref<1x64xf32, #tpu.memory_space<hbm>>
      %dma_start3A_473 = arith.constant 0 : i32
      %dma_start3A_474 = arith.constant 0 : i32
      %dma_start3A_475 = tpu.memref_slice %arg11[%scan3A_98, %dma_start3A_473, %dma_start3A_474] : memref<7x128x64xf32, #tpu.memory_space<vmem>> -> memref<1x128x64xf32, #tpu.memory_space<vmem>>
      %dma_start3A_476 = tpu.memref_squeeze %dma_start3A_475 : memref<1x128x64xf32, #tpu.memory_space<vmem>> -> memref<128x64xf32, #tpu.memory_space<vmem>>
      %dma_start3A_477 = arith.constant 0 : i32
      %dma_start3A_478 = tpu.memref_slice %dma_start3A_476[%add3A_464, %dma_start3A_477] : memref<128x64xf32, #tpu.memory_space<vmem>> -> memref<1x64xf32, #tpu.memory_space<vmem>>
      %dma_start3A_479 = arith.constant 0 : i32
      %dma_start3A_480 = tpu.memref_slice %arg6[%squeeze3A_460, %dma_start3A_479] : memref<100000x64xf32, #tpu.memory_space<hbm>> -> memref<1x64xf32, #tpu.memory_space<hbm>>
      tpu.enqueue_dma source(%dma_start3A_480 : memref<1x64xf32, #tpu.memory_space<hbm>>) target(%dma_start3A_478 : memref<1x64xf32, #tpu.memory_space<vmem>>) target_semaphore(%arg15 : memref<!tpu.dma_semaphore, #tpu.memory_space<semaphore_mem>>)
      %slice3A_481 = vector.extract_strided_slice %get3A_438 {offsets = [2], sizes = [1], strides = [1]} : vector<16xi32> to vector<1xi32>
      %squeeze3A_482 = vector.extract %slice3A_481[0] : i32 from vector<1xi32>
      %mul3A_483 = arith.constant 16 : i32
      %mul3A_484 = arith.muli %scan3A_432, %mul3A_483 : i32
      %add3A_485 = arith.constant 2 : i32
      %add3A_486 = arith.addi %mul3A_484, %add3A_485 : i32
      %dma_start3A_487 = arith.constant 0 : i32
      %dma_start3A_488 = arith.constant 0 : i32
      %dma_start3A_489 = tpu.memref_slice %arg11[%scan3A_98, %dma_start3A_487, %dma_start3A_488] : memref<7x128x64xf32, #tpu.memory_space<vmem>> -> memref<1x128x64xf32, #tpu.memory_space<vmem>>
      %dma_start3A_490 = tpu.memref_squeeze %dma_start3A_489 : memref<1x128x64xf32, #tpu.memory_space<vmem>> -> memref<128x64xf32, #tpu.memory_space<vmem>>
      %dma_start3A_491 = arith.constant 0 : i32
      %dma_start3A_492 = tpu.memref_slice %dma_start3A_490[%add3A_486, %dma_start3A_491] : memref<128x64xf32, #tpu.memory_space<vmem>> -> memref<1x64xf32, #tpu.memory_space<vmem>>
      %dma_start3A_493 = arith.constant 0 : i32
      %dma_start3A_494 = tpu.memref_slice %arg6[%squeeze3A_482, %dma_start3A_493] : memref<100000x64xf32, #tpu.memory_space<hbm>> -> memref<1x64xf32, #tpu.memory_space<hbm>>
      %dma_start3A_495 = arith.constant 0 : i32
      %dma_start3A_496 = arith.constant 0 : i32
      %dma_start3A_497 = tpu.memref_slice %arg11[%scan3A_98, %dma_start3A_495, %dma_start3A_496] : memref<7x128x64xf32, #tpu.memory_space<vmem>> -> memref<1x128x64xf32, #tpu.memory_space<vmem>>
      %dma_start3A_498 = tpu.memref_squeeze %dma_start3A_497 : memref<1x128x64xf32, #tpu.memory_space<vmem>> -> memref<128x64xf32, #tpu.memory_space<vmem>>
      %dma_start3A_499 = arith.constant 0 : i32
      %dma_start3A_500 = tpu.memref_slice %dma_start3A_498[%add3A_486, %dma_start3A_499] : memref<128x64xf32, #tpu.memory_space<vmem>> -> memref<1x64xf32, #tpu.memory_space<vmem>>
      %dma_start3A_501 = arith.constant 0 : i32
      %dma_start3A_502 = tpu.memref_slice %arg6[%squeeze3A_482, %dma_start3A_501] : memref<100000x64xf32, #tpu.memory_space<hbm>> -> memref<1x64xf32, #tpu.memory_space<hbm>>
      tpu.enqueue_dma source(%dma_start3A_502 : memref<1x64xf32, #tpu.memory_space<hbm>>) target(%dma_start3A_500 : memref<1x64xf32, #tpu.memory_space<vmem>>) target_semaphore(%arg15 : memref<!tpu.dma_semaphore, #tpu.memory_space<semaphore_mem>>)
      %slice3A_503 = vector.extract_strided_slice %get3A_438 {offsets = [3], sizes = [1], strides = [1]} : vector<16xi32> to vector<1xi32>
      %squeeze3A_504 = vector.extract %slice3A_503[0] : i32 from vector<1xi32>
      %mul3A_505 = arith.constant 16 : i32
      %mul3A_506 = arith.muli %scan3A_432, %mul3A_505 : i32
      %add3A_507 = arith.constant 3 : i32
      %add3A_508 = arith.addi %mul3A_506, %add3A_507 : i32
      %dma_start3A_509 = arith.constant 0 : i32
      %dma_start3A_510 = arith.constant 0 : i32
      %dma_start3A_511 = tpu.memref_slice %arg11[%scan3A_98, %dma_start3A_509, %dma_start3A_510] : memref<7x128x64xf32, #tpu.memory_space<vmem>> -> memref<1x128x64xf32, #tpu.memory_space<vmem>>
      %dma_start3A_512 = tpu.memref_squeeze %dma_start3A_511 : memref<1x128x64xf32, #tpu.memory_space<vmem>> -> memref<128x64xf32, #tpu.memory_space<vmem>>
      %dma_start3A_513 = arith.constant 0 : i32
      %dma_start3A_514 = tpu.memref_slice %dma_start3A_512[%add3A_508, %dma_start3A_513] : memref<128x64xf32, #tpu.memory_space<vmem>> -> memref<1x64xf32, #tpu.memory_space<vmem>>
      %dma_start3A_515 = arith.constant 0 : i32
      %dma_start3A_516 = tpu.memref_slice %arg6[%squeeze3A_504, %dma_start3A_515] : memref<100000x64xf32, #tpu.memory_space<hbm>> -> memref<1x64xf32, #tpu.memory_space<hbm>>
      %dma_start3A_517 = arith.constant 0 : i32
      %dma_start3A_518 = arith.constant 0 : i32
      %dma_start3A_519 = tpu.memref_slice %arg11[%scan3A_98, %dma_start3A_517, %dma_start3A_518] : memref<7x128x64xf32, #tpu.memory_space<vmem>> -> memref<1x128x64xf32, #tpu.memory_space<vmem>>
      %dma_start3A_520 = tpu.memref_squeeze %dma_start3A_519 : memref<1x128x64xf32, #tpu.memory_space<vmem>> -> memref<128x64xf32, #tpu.memory_space<vmem>>
      %dma_start3A_521 = arith.constant 0 : i32
      %dma_start3A_522 = tpu.memref_slice %dma_start3A_520[%add3A_508, %dma_start3A_521] : memref<128x64xf32, #tpu.memory_space<vmem>> -> memref<1x64xf32, #tpu.memory_space<vmem>>
      %dma_start3A_523 = arith.constant 0 : i32
      %dma_start3A_524 = tpu.memref_slice %arg6[%squeeze3A_504, %dma_start3A_523] : memref<100000x64xf32, #tpu.memory_space<hbm>> -> memref<1x64xf32, #tpu.memory_space<hbm>>
      tpu.enqueue_dma source(%dma_start3A_524 : memref<1x64xf32, #tpu.memory_space<hbm>>) target(%dma_start3A_522 : memref<1x64xf32, #tpu.memory_space<vmem>>) target_semaphore(%arg15 : memref<!tpu.dma_semaphore, #tpu.memory_space<semaphore_mem>>)
      %slice3A_525 = vector.extract_strided_slice %get3A_438 {offsets = [4], sizes = [1], strides = [1]} : vector<16xi32> to vector<1xi32>
      %squeeze3A_526 = vector.extract %slice3A_525[0] : i32 from vector<1xi32>
      %mul3A_527 = arith.constant 16 : i32
      %mul3A_528 = arith.muli %scan3A_432, %mul3A_527 : i32
      %add3A_529 = arith.constant 4 : i32
      %add3A_530 = arith.addi %mul3A_528, %add3A_529 : i32
      %dma_start3A_531 = arith.constant 0 : i32
      %dma_start3A_532 = arith.constant 0 : i32
      %dma_start3A_533 = tpu.memref_slice %arg11[%scan3A_98, %dma_start3A_531, %dma_start3A_532] : memref<7x128x64xf32, #tpu.memory_space<vmem>> -> memref<1x128x64xf32, #tpu.memory_space<vmem>>
      %dma_start3A_534 = tpu.memref_squeeze %dma_start3A_533 : memref<1x128x64xf32, #tpu.memory_space<vmem>> -> memref<128x64xf32, #tpu.memory_space<vmem>>
      %dma_start3A_535 = arith.constant 0 : i32
      %dma_start3A_536 = tpu.memref_slice %dma_start3A_534[%add3A_530, %dma_start3A_535] : memref<128x64xf32, #tpu.memory_space<vmem>> -> memref<1x64xf32, #tpu.memory_space<vmem>>
      %dma_start3A_537 = arith.constant 0 : i32
      %dma_start3A_538 = tpu.memref_slice %arg6[%squeeze3A_526, %dma_start3A_537] : memref<100000x64xf32, #tpu.memory_space<hbm>> -> memref<1x64xf32, #tpu.memory_space<hbm>>
      %dma_start3A_539 = arith.constant 0 : i32
      %dma_start3A_540 = arith.constant 0 : i32
      %dma_start3A_541 = tpu.memref_slice %arg11[%scan3A_98, %dma_start3A_539, %dma_start3A_540] : memref<7x128x64xf32, #tpu.memory_space<vmem>> -> memref<1x128x64xf32, #tpu.memory_space<vmem>>
      %dma_start3A_542 = tpu.memref_squeeze %dma_start3A_541 : memref<1x128x64xf32, #tpu.memory_space<vmem>> -> memref<128x64xf32, #tpu.memory_space<vmem>>
      %dma_start3A_543 = arith.constant 0 : i32
      %dma_start3A_544 = tpu.memref_slice %dma_start3A_542[%add3A_530, %dma_start3A_543] : memref<128x64xf32, #tpu.memory_space<vmem>> -> memref<1x64xf32, #tpu.memory_space<vmem>>
      %dma_start3A_545 = arith.constant 0 : i32
      %dma_start3A_546 = tpu.memref_slice %arg6[%squeeze3A_526, %dma_start3A_545] : memref<100000x64xf32, #tpu.memory_space<hbm>> -> memref<1x64xf32, #tpu.memory_space<hbm>>
      tpu.enqueue_dma source(%dma_start3A_546 : memref<1x64xf32, #tpu.memory_space<hbm>>) target(%dma_start3A_544 : memref<1x64xf32, #tpu.memory_space<vmem>>) target_semaphore(%arg15 : memref<!tpu.dma_semaphore, #tpu.memory_space<semaphore_mem>>)
      %slice3A_547 = vector.extract_strided_slice %get3A_438 {offsets = [5], sizes = [1], strides = [1]} : vector<16xi32> to vector<1xi32>
      %squeeze3A_548 = vector.extract %slice3A_547[0] : i32 from vector<1xi32>
      %mul3A_549 = arith.constant 16 : i32
      %mul3A_550 = arith.muli %scan3A_432, %mul3A_549 : i32
      %add3A_551 = arith.constant 5 : i32
      %add3A_552 = arith.addi %mul3A_550, %add3A_551 : i32
      %dma_start3A_553 = arith.constant 0 : i32
      %dma_start3A_554 = arith.constant 0 : i32
      %dma_start3A_555 = tpu.memref_slice %arg11[%scan3A_98, %dma_start3A_553, %dma_start3A_554] : memref<7x128x64xf32, #tpu.memory_space<vmem>> -> memref<1x128x64xf32, #tpu.memory_space<vmem>>
      %dma_start3A_556 = tpu.memref_squeeze %dma_start3A_555 : memref<1x128x64xf32, #tpu.memory_space<vmem>> -> memref<128x64xf32, #tpu.memory_space<vmem>>
      %dma_start3A_557 = arith.constant 0 : i32
      %dma_start3A_558 = tpu.memref_slice %dma_start3A_556[%add3A_552, %dma_start3A_557] : memref<128x64xf32, #tpu.memory_space<vmem>> -> memref<1x64xf32, #tpu.memory_space<vmem>>
      %dma_start3A_559 = arith.constant 0 : i32
      %dma_start3A_560 = tpu.memref_slice %arg6[%squeeze3A_548, %dma_start3A_559] : memref<100000x64xf32, #tpu.memory_space<hbm>> -> memref<1x64xf32, #tpu.memory_space<hbm>>
      %dma_start3A_561 = arith.constant 0 : i32
      %dma_start3A_562 = arith.constant 0 : i32
      %dma_start3A_563 = tpu.memref_slice %arg11[%scan3A_98, %dma_start3A_561, %dma_start3A_562] : memref<7x128x64xf32, #tpu.memory_space<vmem>> -> memref<1x128x64xf32, #tpu.memory_space<vmem>>
      %dma_start3A_564 = tpu.memref_squeeze %dma_start3A_563 : memref<1x128x64xf32, #tpu.memory_space<vmem>> -> memref<128x64xf32, #tpu.memory_space<vmem>>
      %dma_start3A_565 = arith.constant 0 : i32
      %dma_start3A_566 = tpu.memref_slice %dma_start3A_564[%add3A_552, %dma_start3A_565] : memref<128x64xf32, #tpu.memory_space<vmem>> -> memref<1x64xf32, #tpu.memory_space<vmem>>
      %dma_start3A_567 = arith.constant 0 : i32
      %dma_start3A_568 = tpu.memref_slice %arg6[%squeeze3A_548, %dma_start3A_567] : memref<100000x64xf32, #tpu.memory_space<hbm>> -> memref<1x64xf32, #tpu.memory_space<hbm>>
      tpu.enqueue_dma source(%dma_start3A_568 : memref<1x64xf32, #tpu.memory_space<hbm>>) target(%dma_start3A_566 : memref<1x64xf32, #tpu.memory_space<vmem>>) target_semaphore(%arg15 : memref<!tpu.dma_semaphore, #tpu.memory_space<semaphore_mem>>)
      %slice3A_569 = vector.extract_strided_slice %get3A_438 {offsets = [6], sizes = [1], strides = [1]} : vector<16xi32> to vector<1xi32>
      %squeeze3A_570 = vector.extract %slice3A_569[0] : i32 from vector<1xi32>
      %mul3A_571 = arith.constant 16 : i32
      %mul3A_572 = arith.muli %scan3A_432, %mul3A_571 : i32
      %add3A_573 = arith.constant 6 : i32
      %add3A_574 = arith.addi %mul3A_572, %add3A_573 : i32
      %dma_start3A_575 = arith.constant 0 : i32
      %dma_start3A_576 = arith.constant 0 : i32
      %dma_start3A_577 = tpu.memref_slice %arg11[%scan3A_98, %dma_start3A_575, %dma_start3A_576] : memref<7x128x64xf32, #tpu.memory_space<vmem>> -> memref<1x128x64xf32, #tpu.memory_space<vmem>>
      %dma_start3A_578 = tpu.memref_squeeze %dma_start3A_577 : memref<1x128x64xf32, #tpu.memory_space<vmem>> -> memref<128x64xf32, #tpu.memory_space<vmem>>
      %dma_start3A_579 = arith.constant 0 : i32
      %dma_start3A_580 = tpu.memref_slice %dma_start3A_578[%add3A_574, %dma_start3A_579] : memref<128x64xf32, #tpu.memory_space<vmem>> -> memref<1x64xf32, #tpu.memory_space<vmem>>
      %dma_start3A_581 = arith.constant 0 : i32
      %dma_start3A_582 = tpu.memref_slice %arg6[%squeeze3A_570, %dma_start3A_581] : memref<100000x64xf32, #tpu.memory_space<hbm>> -> memref<1x64xf32, #tpu.memory_space<hbm>>
      %dma_start3A_583 = arith.constant 0 : i32
      %dma_start3A_584 = arith.constant 0 : i32
      %dma_start3A_585 = tpu.memref_slice %arg11[%scan3A_98, %dma_start3A_583, %dma_start3A_584] : memref<7x128x64xf32, #tpu.memory_space<vmem>> -> memref<1x128x64xf32, #tpu.memory_space<vmem>>
      %dma_start3A_586 = tpu.memref_squeeze %dma_start3A_585 : memref<1x128x64xf32, #tpu.memory_space<vmem>> -> memref<128x64xf32, #tpu.memory_space<vmem>>
      %dma_start3A_587 = arith.constant 0 : i32
      %dma_start3A_588 = tpu.memref_slice %dma_start3A_586[%add3A_574, %dma_start3A_587] : memref<128x64xf32, #tpu.memory_space<vmem>> -> memref<1x64xf32, #tpu.memory_space<vmem>>
      %dma_start3A_589 = arith.constant 0 : i32
      %dma_start3A_590 = tpu.memref_slice %arg6[%squeeze3A_570, %dma_start3A_589] : memref<100000x64xf32, #tpu.memory_space<hbm>> -> memref<1x64xf32, #tpu.memory_space<hbm>>
      tpu.enqueue_dma source(%dma_start3A_590 : memref<1x64xf32, #tpu.memory_space<hbm>>) target(%dma_start3A_588 : memref<1x64xf32, #tpu.memory_space<vmem>>) target_semaphore(%arg15 : memref<!tpu.dma_semaphore, #tpu.memory_space<semaphore_mem>>)
      %slice3A_591 = vector.extract_strided_slice %get3A_438 {offsets = [7], sizes = [1], strides = [1]} : vector<16xi32> to vector<1xi32>
      %squeeze3A_592 = vector.extract %slice3A_591[0] : i32 from vector<1xi32>
      %mul3A_593 = arith.constant 16 : i32
      %mul3A_594 = arith.muli %scan3A_432, %mul3A_593 : i32
      %add3A_595 = arith.constant 7 : i32
      %add3A_596 = arith.addi %mul3A_594, %add3A_595 : i32
      %dma_start3A_597 = arith.constant 0 : i32
      %dma_start3A_598 = arith.constant 0 : i32
      %dma_start3A_599 = tpu.memref_slice %arg11[%scan3A_98, %dma_start3A_597, %dma_start3A_598] : memref<7x128x64xf32, #tpu.memory_space<vmem>> -> memref<1x128x64xf32, #tpu.memory_space<vmem>>
      %dma_start3A_600 = tpu.memref_squeeze %dma_start3A_599 : memref<1x128x64xf32, #tpu.memory_space<vmem>> -> memref<128x64xf32, #tpu.memory_space<vmem>>
      %dma_start3A_601 = arith.constant 0 : i32
      %dma_start3A_602 = tpu.memref_slice %dma_start3A_600[%add3A_596, %dma_start3A_601] : memref<128x64xf32, #tpu.memory_space<vmem>> -> memref<1x64xf32, #tpu.memory_space<vmem>>
      %dma_start3A_603 = arith.constant 0 : i32
      %dma_start3A_604 = tpu.memref_slice %arg6[%squeeze3A_592, %dma_start3A_603] : memref<100000x64xf32, #tpu.memory_space<hbm>> -> memref<1x64xf32, #tpu.memory_space<hbm>>
      %dma_start3A_605 = arith.constant 0 : i32
      %dma_start3A_606 = arith.constant 0 : i32
      %dma_start3A_607 = tpu.memref_slice %arg11[%scan3A_98, %dma_start3A_605, %dma_start3A_606] : memref<7x128x64xf32, #tpu.memory_space<vmem>> -> memref<1x128x64xf32, #tpu.memory_space<vmem>>
      %dma_start3A_608 = tpu.memref_squeeze %dma_start3A_607 : memref<1x128x64xf32, #tpu.memory_space<vmem>> -> memref<128x64xf32, #tpu.memory_space<vmem>>
      %dma_start3A_609 = arith.constant 0 : i32
      %dma_start3A_610 = tpu.memref_slice %dma_start3A_608[%add3A_596, %dma_start3A_609] : memref<128x64xf32, #tpu.memory_space<vmem>> -> memref<1x64xf32, #tpu.memory_space<vmem>>
      %dma_start3A_611 = arith.constant 0 : i32
      %dma_start3A_612 = tpu.memref_slice %arg6[%squeeze3A_592, %dma_start3A_611] : memref<100000x64xf32, #tpu.memory_space<hbm>> -> memref<1x64xf32, #tpu.memory_space<hbm>>
      tpu.enqueue_dma source(%dma_start3A_612 : memref<1x64xf32, #tpu.memory_space<hbm>>) target(%dma_start3A_610 : memref<1x64xf32, #tpu.memory_space<vmem>>) target_semaphore(%arg15 : memref<!tpu.dma_semaphore, #tpu.memory_space<semaphore_mem>>)
      %slice3A_613 = vector.extract_strided_slice %get3A_438 {offsets = [8], sizes = [1], strides = [1]} : vector<16xi32> to vector<1xi32>
      %squeeze3A_614 = vector.extract %slice3A_613[0] : i32 from vector<1xi32>
      %mul3A_615 = arith.constant 16 : i32
      %mul3A_616 = arith.muli %scan3A_432, %mul3A_615 : i32
      %add3A_617 = arith.constant 8 : i32
      %add3A_618 = arith.addi %mul3A_616, %add3A_617 : i32
      %dma_start3A_619 = arith.constant 0 : i32
      %dma_start3A_620 = arith.constant 0 : i32
      %dma_start3A_621 = tpu.memref_slice %arg11[%scan3A_98, %dma_start3A_619, %dma_start3A_620] : memref<7x128x64xf32, #tpu.memory_space<vmem>> -> memref<1x128x64xf32, #tpu.memory_space<vmem>>
      %dma_start3A_622 = tpu.memref_squeeze %dma_start3A_621 : memref<1x128x64xf32, #tpu.memory_space<vmem>> -> memref<128x64xf32, #tpu.memory_space<vmem>>
      %dma_start3A_623 = arith.constant 0 : i32
      %dma_start3A_624 = tpu.memref_slice %dma_start3A_622[%add3A_618, %dma_start3A_623] : memref<128x64xf32, #tpu.memory_space<vmem>> -> memref<1x64xf32, #tpu.memory_space<vmem>>
      %dma_start3A_625 = arith.constant 0 : i32
      %dma_start3A_626 = tpu.memref_slice %arg6[%squeeze3A_614, %dma_start3A_625] : memref<100000x64xf32, #tpu.memory_space<hbm>> -> memref<1x64xf32, #tpu.memory_space<hbm>>
      %dma_start3A_627 = arith.constant 0 : i32
      %dma_start3A_628 = arith.constant 0 : i32
      %dma_start3A_629 = tpu.memref_slice %arg11[%scan3A_98, %dma_start3A_627, %dma_start3A_628] : memref<7x128x64xf32, #tpu.memory_space<vmem>> -> memref<1x128x64xf32, #tpu.memory_space<vmem>>
      %dma_start3A_630 = tpu.memref_squeeze %dma_start3A_629 : memref<1x128x64xf32, #tpu.memory_space<vmem>> -> memref<128x64xf32, #tpu.memory_space<vmem>>
      %dma_start3A_631 = arith.constant 0 : i32
      %dma_start3A_632 = tpu.memref_slice %dma_start3A_630[%add3A_618, %dma_start3A_631] : memref<128x64xf32, #tpu.memory_space<vmem>> -> memref<1x64xf32, #tpu.memory_space<vmem>>
      %dma_start3A_633 = arith.constant 0 : i32
      %dma_start3A_634 = tpu.memref_slice %arg6[%squeeze3A_614, %dma_start3A_633] : memref<100000x64xf32, #tpu.memory_space<hbm>> -> memref<1x64xf32, #tpu.memory_space<hbm>>
      tpu.enqueue_dma source(%dma_start3A_634 : memref<1x64xf32, #tpu.memory_space<hbm>>) target(%dma_start3A_632 : memref<1x64xf32, #tpu.memory_space<vmem>>) target_semaphore(%arg15 : memref<!tpu.dma_semaphore, #tpu.memory_space<semaphore_mem>>)
      %slice3A_635 = vector.extract_strided_slice %get3A_438 {offsets = [9], sizes = [1], strides = [1]} : vector<16xi32> to vector<1xi32>
      %squeeze3A_636 = vector.extract %slice3A_635[0] : i32 from vector<1xi32>
      %mul3A_637 = arith.constant 16 : i32
      %mul3A_638 = arith.muli %scan3A_432, %mul3A_637 : i32
      %add3A_639 = arith.constant 9 : i32
      %add3A_640 = arith.addi %mul3A_638, %add3A_639 : i32
      %dma_start3A_641 = arith.constant 0 : i32
      %dma_start3A_642 = arith.constant 0 : i32
      %dma_start3A_643 = tpu.memref_slice %arg11[%scan3A_98, %dma_start3A_641, %dma_start3A_642] : memref<7x128x64xf32, #tpu.memory_space<vmem>> -> memref<1x128x64xf32, #tpu.memory_space<vmem>>
      %dma_start3A_644 = tpu.memref_squeeze %dma_start3A_643 : memref<1x128x64xf32, #tpu.memory_space<vmem>> -> memref<128x64xf32, #tpu.memory_space<vmem>>
      %dma_start3A_645 = arith.constant 0 : i32
      %dma_start3A_646 = tpu.memref_slice %dma_start3A_644[%add3A_640, %dma_start3A_645] : memref<128x64xf32, #tpu.memory_space<vmem>> -> memref<1x64xf32, #tpu.memory_space<vmem>>
      %dma_start3A_647 = arith.constant 0 : i32
      %dma_start3A_648 = tpu.memref_slice %arg6[%squeeze3A_636, %dma_start3A_647] : memref<100000x64xf32, #tpu.memory_space<hbm>> -> memref<1x64xf32, #tpu.memory_space<hbm>>
      %dma_start3A_649 = arith.constant 0 : i32
      %dma_start3A_650 = arith.constant 0 : i32
      %dma_start3A_651 = tpu.memref_slice %arg11[%scan3A_98, %dma_start3A_649, %dma_start3A_650] : memref<7x128x64xf32, #tpu.memory_space<vmem>> -> memref<1x128x64xf32, #tpu.memory_space<vmem>>
      %dma_start3A_652 = tpu.memref_squeeze %dma_start3A_651 : memref<1x128x64xf32, #tpu.memory_space<vmem>> -> memref<128x64xf32, #tpu.memory_space<vmem>>
      %dma_start3A_653 = arith.constant 0 : i32
      %dma_start3A_654 = tpu.memref_slice %dma_start3A_652[%add3A_640, %dma_start3A_653] : memref<128x64xf32, #tpu.memory_space<vmem>> -> memref<1x64xf32, #tpu.memory_space<vmem>>
      %dma_start3A_655 = arith.constant 0 : i32
      %dma_start3A_656 = tpu.memref_slice %arg6[%squeeze3A_636, %dma_start3A_655] : memref<100000x64xf32, #tpu.memory_space<hbm>> -> memref<1x64xf32, #tpu.memory_space<hbm>>
      tpu.enqueue_dma source(%dma_start3A_656 : memref<1x64xf32, #tpu.memory_space<hbm>>) target(%dma_start3A_654 : memref<1x64xf32, #tpu.memory_space<vmem>>) target_semaphore(%arg15 : memref<!tpu.dma_semaphore, #tpu.memory_space<semaphore_mem>>)
      %slice3A_657 = vector.extract_strided_slice %get3A_438 {offsets = [10], sizes = [1], strides = [1]} : vector<16xi32> to vector<1xi32>
      %squeeze3A_658 = vector.extract %slice3A_657[0] : i32 from vector<1xi32>
      %mul3A_659 = arith.constant 16 : i32
      %mul3A_660 = arith.muli %scan3A_432, %mul3A_659 : i32
      %add3A_661 = arith.constant 10 : i32
      %add3A_662 = arith.addi %mul3A_660, %add3A_661 : i32
      %dma_start3A_663 = arith.constant 0 : i32
      %dma_start3A_664 = arith.constant 0 : i32
      %dma_start3A_665 = tpu.memref_slice %arg11[%scan3A_98, %dma_start3A_663, %dma_start3A_664] : memref<7x128x64xf32, #tpu.memory_space<vmem>> -> memref<1x128x64xf32, #tpu.memory_space<vmem>>
      %dma_start3A_666 = tpu.memref_squeeze %dma_start3A_665 : memref<1x128x64xf32, #tpu.memory_space<vmem>> -> memref<128x64xf32, #tpu.memory_space<vmem>>
      %dma_start3A_667 = arith.constant 0 : i32
      %dma_start3A_668 = tpu.memref_slice %dma_start3A_666[%add3A_662, %dma_start3A_667] : memref<128x64xf32, #tpu.memory_space<vmem>> -> memref<1x64xf32, #tpu.memory_space<vmem>>
      %dma_start3A_669 = arith.constant 0 : i32
      %dma_start3A_670 = tpu.memref_slice %arg6[%squeeze3A_658, %dma_start3A_669] : memref<100000x64xf32, #tpu.memory_space<hbm>> -> memref<1x64xf32, #tpu.memory_space<hbm>>
      %dma_start3A_671 = arith.constant 0 : i32
      %dma_start3A_672 = arith.constant 0 : i32
      %dma_start3A_673 = tpu.memref_slice %arg11[%scan3A_98, %dma_start3A_671, %dma_start3A_672] : memref<7x128x64xf32, #tpu.memory_space<vmem>> -> memref<1x128x64xf32, #tpu.memory_space<vmem>>
      %dma_start3A_674 = tpu.memref_squeeze %dma_start3A_673 : memref<1x128x64xf32, #tpu.memory_space<vmem>> -> memref<128x64xf32, #tpu.memory_space<vmem>>
      %dma_start3A_675 = arith.constant 0 : i32
      %dma_start3A_676 = tpu.memref_slice %dma_start3A_674[%add3A_662, %dma_start3A_675] : memref<128x64xf32, #tpu.memory_space<vmem>> -> memref<1x64xf32, #tpu.memory_space<vmem>>
      %dma_start3A_677 = arith.constant 0 : i32
      %dma_start3A_678 = tpu.memref_slice %arg6[%squeeze3A_658, %dma_start3A_677] : memref<100000x64xf32, #tpu.memory_space<hbm>> -> memref<1x64xf32, #tpu.memory_space<hbm>>
      tpu.enqueue_dma source(%dma_start3A_678 : memref<1x64xf32, #tpu.memory_space<hbm>>) target(%dma_start3A_676 : memref<1x64xf32, #tpu.memory_space<vmem>>) target_semaphore(%arg15 : memref<!tpu.dma_semaphore, #tpu.memory_space<semaphore_mem>>)
      %slice3A_679 = vector.extract_strided_slice %get3A_438 {offsets = [11], sizes = [1], strides = [1]} : vector<16xi32> to vector<1xi32>
      %squeeze3A_680 = vector.extract %slice3A_679[0] : i32 from vector<1xi32>
      %mul3A_681 = arith.constant 16 : i32
      %mul3A_682 = arith.muli %scan3A_432, %mul3A_681 : i32
      %add3A_683 = arith.constant 11 : i32
      %add3A_684 = arith.addi %mul3A_682, %add3A_683 : i32
      %dma_start3A_685 = arith.constant 0 : i32
      %dma_start3A_686 = arith.constant 0 : i32
      %dma_start3A_687 = tpu.memref_slice %arg11[%scan3A_98, %dma_start3A_685, %dma_start3A_686] : memref<7x128x64xf32, #tpu.memory_space<vmem>> -> memref<1x128x64xf32, #tpu.memory_space<vmem>>
      %dma_start3A_688 = tpu.memref_squeeze %dma_start3A_687 : memref<1x128x64xf32, #tpu.memory_space<vmem>> -> memref<128x64xf32, #tpu.memory_space<vmem>>
      %dma_start3A_689 = arith.constant 0 : i32
      %dma_start3A_690 = tpu.memref_slice %dma_start3A_688[%add3A_684, %dma_start3A_689] : memref<128x64xf32, #tpu.memory_space<vmem>> -> memref<1x64xf32, #tpu.memory_space<vmem>>
      %dma_start3A_691 = arith.constant 0 : i32
      %dma_start3A_692 = tpu.memref_slice %arg6[%squeeze3A_680, %dma_start3A_691] : memref<100000x64xf32, #tpu.memory_space<hbm>> -> memref<1x64xf32, #tpu.memory_space<hbm>>
      %dma_start3A_693 = arith.constant 0 : i32
      %dma_start3A_694 = arith.constant 0 : i32
      %dma_start3A_695 = tpu.memref_slice %arg11[%scan3A_98, %dma_start3A_693, %dma_start3A_694] : memref<7x128x64xf32, #tpu.memory_space<vmem>> -> memref<1x128x64xf32, #tpu.memory_space<vmem>>
      %dma_start3A_696 = tpu.memref_squeeze %dma_start3A_695 : memref<1x128x64xf32, #tpu.memory_space<vmem>> -> memref<128x64xf32, #tpu.memory_space<vmem>>
      %dma_start3A_697 = arith.constant 0 : i32
      %dma_start3A_698 = tpu.memref_slice %dma_start3A_696[%add3A_684, %dma_start3A_697] : memref<128x64xf32, #tpu.memory_space<vmem>> -> memref<1x64xf32, #tpu.memory_space<vmem>>
      %dma_start3A_699 = arith.constant 0 : i32
      %dma_start3A_700 = tpu.memref_slice %arg6[%squeeze3A_680, %dma_start3A_699] : memref<100000x64xf32, #tpu.memory_space<hbm>> -> memref<1x64xf32, #tpu.memory_space<hbm>>
      tpu.enqueue_dma source(%dma_start3A_700 : memref<1x64xf32, #tpu.memory_space<hbm>>) target(%dma_start3A_698 : memref<1x64xf32, #tpu.memory_space<vmem>>) target_semaphore(%arg15 : memref<!tpu.dma_semaphore, #tpu.memory_space<semaphore_mem>>)
      %slice3A_701 = vector.extract_strided_slice %get3A_438 {offsets = [12], sizes = [1], strides = [1]} : vector<16xi32> to vector<1xi32>
      %squeeze3A_702 = vector.extract %slice3A_701[0] : i32 from vector<1xi32>
      %mul3A_703 = arith.constant 16 : i32
      %mul3A_704 = arith.muli %scan3A_432, %mul3A_703 : i32
      %add3A_705 = arith.constant 12 : i32
      %add3A_706 = arith.addi %mul3A_704, %add3A_705 : i32
      %dma_start3A_707 = arith.constant 0 : i32
      %dma_start3A_708 = arith.constant 0 : i32
      %dma_start3A_709 = tpu.memref_slice %arg11[%scan3A_98, %dma_start3A_707, %dma_start3A_708] : memref<7x128x64xf32, #tpu.memory_space<vmem>> -> memref<1x128x64xf32, #tpu.memory_space<vmem>>
      %dma_start3A_710 = tpu.memref_squeeze %dma_start3A_709 : memref<1x128x64xf32, #tpu.memory_space<vmem>> -> memref<128x64xf32, #tpu.memory_space<vmem>>
      %dma_start3A_711 = arith.constant 0 : i32
      %dma_start3A_712 = tpu.memref_slice %dma_start3A_710[%add3A_706, %dma_start3A_711] : memref<128x64xf32, #tpu.memory_space<vmem>> -> memref<1x64xf32, #tpu.memory_space<vmem>>
      %dma_start3A_713 = arith.constant 0 : i32
      %dma_start3A_714 = tpu.memref_slice %arg6[%squeeze3A_702, %dma_start3A_713] : memref<100000x64xf32, #tpu.memory_space<hbm>> -> memref<1x64xf32, #tpu.memory_space<hbm>>
      %dma_start3A_715 = arith.constant 0 : i32
      %dma_start3A_716 = arith.constant 0 : i32
      %dma_start3A_717 = tpu.memref_slice %arg11[%scan3A_98, %dma_start3A_715, %dma_start3A_716] : memref<7x128x64xf32, #tpu.memory_space<vmem>> -> memref<1x128x64xf32, #tpu.memory_space<vmem>>
      %dma_start3A_718 = tpu.memref_squeeze %dma_start3A_717 : memref<1x128x64xf32, #tpu.memory_space<vmem>> -> memref<128x64xf32, #tpu.memory_space<vmem>>
      %dma_start3A_719 = arith.constant 0 : i32
      %dma_start3A_720 = tpu.memref_slice %dma_start3A_718[%add3A_706, %dma_start3A_719] : memref<128x64xf32, #tpu.memory_space<vmem>> -> memref<1x64xf32, #tpu.memory_space<vmem>>
      %dma_start3A_721 = arith.constant 0 : i32
      %dma_start3A_722 = tpu.memref_slice %arg6[%squeeze3A_702, %dma_start3A_721] : memref<100000x64xf32, #tpu.memory_space<hbm>> -> memref<1x64xf32, #tpu.memory_space<hbm>>
      tpu.enqueue_dma source(%dma_start3A_722 : memref<1x64xf32, #tpu.memory_space<hbm>>) target(%dma_start3A_720 : memref<1x64xf32, #tpu.memory_space<vmem>>) target_semaphore(%arg15 : memref<!tpu.dma_semaphore, #tpu.memory_space<semaphore_mem>>)
      %slice3A_723 = vector.extract_strided_slice %get3A_438 {offsets = [13], sizes = [1], strides = [1]} : vector<16xi32> to vector<1xi32>
      %squeeze3A_724 = vector.extract %slice3A_723[0] : i32 from vector<1xi32>
      %mul3A_725 = arith.constant 16 : i32
      %mul3A_726 = arith.muli %scan3A_432, %mul3A_725 : i32
      %add3A_727 = arith.constant 13 : i32
      %add3A_728 = arith.addi %mul3A_726, %add3A_727 : i32
      %dma_start3A_729 = arith.constant 0 : i32
      %dma_start3A_730 = arith.constant 0 : i32
      %dma_start3A_731 = tpu.memref_slice %arg11[%scan3A_98, %dma_start3A_729, %dma_start3A_730] : memref<7x128x64xf32, #tpu.memory_space<vmem>> -> memref<1x128x64xf32, #tpu.memory_space<vmem>>
      %dma_start3A_732 = tpu.memref_squeeze %dma_start3A_731 : memref<1x128x64xf32, #tpu.memory_space<vmem>> -> memref<128x64xf32, #tpu.memory_space<vmem>>
      %dma_start3A_733 = arith.constant 0 : i32
      %dma_start3A_734 = tpu.memref_slice %dma_start3A_732[%add3A_728, %dma_start3A_733] : memref<128x64xf32, #tpu.memory_space<vmem>> -> memref<1x64xf32, #tpu.memory_space<vmem>>
      %dma_start3A_735 = arith.constant 0 : i32
      %dma_start3A_736 = tpu.memref_slice %arg6[%squeeze3A_724, %dma_start3A_735] : memref<100000x64xf32, #tpu.memory_space<hbm>> -> memref<1x64xf32, #tpu.memory_space<hbm>>
      %dma_start3A_737 = arith.constant 0 : i32
      %dma_start3A_738 = arith.constant 0 : i32
      %dma_start3A_739 = tpu.memref_slice %arg11[%scan3A_98, %dma_start3A_737, %dma_start3A_738] : memref<7x128x64xf32, #tpu.memory_space<vmem>> -> memref<1x128x64xf32, #tpu.memory_space<vmem>>
      %dma_start3A_740 = tpu.memref_squeeze %dma_start3A_739 : memref<1x128x64xf32, #tpu.memory_space<vmem>> -> memref<128x64xf32, #tpu.memory_space<vmem>>
      %dma_start3A_741 = arith.constant 0 : i32
      %dma_start3A_742 = tpu.memref_slice %dma_start3A_740[%add3A_728, %dma_start3A_741] : memref<128x64xf32, #tpu.memory_space<vmem>> -> memref<1x64xf32, #tpu.memory_space<vmem>>
      %dma_start3A_743 = arith.constant 0 : i32
      %dma_start3A_744 = tpu.memref_slice %arg6[%squeeze3A_724, %dma_start3A_743] : memref<100000x64xf32, #tpu.memory_space<hbm>> -> memref<1x64xf32, #tpu.memory_space<hbm>>
      tpu.enqueue_dma source(%dma_start3A_744 : memref<1x64xf32, #tpu.memory_space<hbm>>) target(%dma_start3A_742 : memref<1x64xf32, #tpu.memory_space<vmem>>) target_semaphore(%arg15 : memref<!tpu.dma_semaphore, #tpu.memory_space<semaphore_mem>>)
      %slice3A_745 = vector.extract_strided_slice %get3A_438 {offsets = [14], sizes = [1], strides = [1]} : vector<16xi32> to vector<1xi32>
      %squeeze3A_746 = vector.extract %slice3A_745[0] : i32 from vector<1xi32>
      %mul3A_747 = arith.constant 16 : i32
      %mul3A_748 = arith.muli %scan3A_432, %mul3A_747 : i32
      %add3A_749 = arith.constant 14 : i32
      %add3A_750 = arith.addi %mul3A_748, %add3A_749 : i32
      %dma_start3A_751 = arith.constant 0 : i32
      %dma_start3A_752 = arith.constant 0 : i32
      %dma_start3A_753 = tpu.memref_slice %arg11[%scan3A_98, %dma_start3A_751, %dma_start3A_752] : memref<7x128x64xf32, #tpu.memory_space<vmem>> -> memref<1x128x64xf32, #tpu.memory_space<vmem>>
      %dma_start3A_754 = tpu.memref_squeeze %dma_start3A_753 : memref<1x128x64xf32, #tpu.memory_space<vmem>> -> memref<128x64xf32, #tpu.memory_space<vmem>>
      %dma_start3A_755 = arith.constant 0 : i32
      %dma_start3A_756 = tpu.memref_slice %dma_start3A_754[%add3A_750, %dma_start3A_755] : memref<128x64xf32, #tpu.memory_space<vmem>> -> memref<1x64xf32, #tpu.memory_space<vmem>>
      %dma_start3A_757 = arith.constant 0 : i32
      %dma_start3A_758 = tpu.memref_slice %arg6[%squeeze3A_746, %dma_start3A_757] : memref<100000x64xf32, #tpu.memory_space<hbm>> -> memref<1x64xf32, #tpu.memory_space<hbm>>
      %dma_start3A_759 = arith.constant 0 : i32
      %dma_start3A_760 = arith.constant 0 : i32
      %dma_start3A_761 = tpu.memref_slice %arg11[%scan3A_98, %dma_start3A_759, %dma_start3A_760] : memref<7x128x64xf32, #tpu.memory_space<vmem>> -> memref<1x128x64xf32, #tpu.memory_space<vmem>>
      %dma_start3A_762 = tpu.memref_squeeze %dma_start3A_761 : memref<1x128x64xf32, #tpu.memory_space<vmem>> -> memref<128x64xf32, #tpu.memory_space<vmem>>
      %dma_start3A_763 = arith.constant 0 : i32
      %dma_start3A_764 = tpu.memref_slice %dma_start3A_762[%add3A_750, %dma_start3A_763] : memref<128x64xf32, #tpu.memory_space<vmem>> -> memref<1x64xf32, #tpu.memory_space<vmem>>
      %dma_start3A_765 = arith.constant 0 : i32
      %dma_start3A_766 = tpu.memref_slice %arg6[%squeeze3A_746, %dma_start3A_765] : memref<100000x64xf32, #tpu.memory_space<hbm>> -> memref<1x64xf32, #tpu.memory_space<hbm>>
      tpu.enqueue_dma source(%dma_start3A_766 : memref<1x64xf32, #tpu.memory_space<hbm>>) target(%dma_start3A_764 : memref<1x64xf32, #tpu.memory_space<vmem>>) target_semaphore(%arg15 : memref<!tpu.dma_semaphore, #tpu.memory_space<semaphore_mem>>)
      %slice3A_767 = vector.extract_strided_slice %get3A_438 {offsets = [15], sizes = [1], strides = [1]} : vector<16xi32> to vector<1xi32>
      %squeeze3A_768 = vector.extract %slice3A_767[0] : i32 from vector<1xi32>
      %mul3A_769 = arith.constant 16 : i32
      %mul3A_770 = arith.muli %scan3A_432, %mul3A_769 : i32
      %add3A_771 = arith.constant 15 : i32
      %add3A_772 = arith.addi %mul3A_770, %add3A_771 : i32
      %dma_start3A_773 = arith.constant 0 : i32
      %dma_start3A_774 = arith.constant 0 : i32
      %dma_start3A_775 = tpu.memref_slice %arg11[%scan3A_98, %dma_start3A_773, %dma_start3A_774] : memref<7x128x64xf32, #tpu.memory_space<vmem>> -> memref<1x128x64xf32, #tpu.memory_space<vmem>>
      %dma_start3A_776 = tpu.memref_squeeze %dma_start3A_775 : memref<1x128x64xf32, #tpu.memory_space<vmem>> -> memref<128x64xf32, #tpu.memory_space<vmem>>
      %dma_start3A_777 = arith.constant 0 : i32
      %dma_start3A_778 = tpu.memref_slice %dma_start3A_776[%add3A_772, %dma_start3A_777] : memref<128x64xf32, #tpu.memory_space<vmem>> -> memref<1x64xf32, #tpu.memory_space<vmem>>
      %dma_start3A_779 = arith.constant 0 : i32
      %dma_start3A_780 = tpu.memref_slice %arg6[%squeeze3A_768, %dma_start3A_779] : memref<100000x64xf32, #tpu.memory_space<hbm>> -> memref<1x64xf32, #tpu.memory_space<hbm>>
      %dma_start3A_781 = arith.constant 0 : i32
      %dma_start3A_782 = arith.constant 0 : i32
      %dma_start3A_783 = tpu.memref_slice %arg11[%scan3A_98, %dma_start3A_781, %dma_start3A_782] : memref<7x128x64xf32, #tpu.memory_space<vmem>> -> memref<1x128x64xf32, #tpu.memory_space<vmem>>
      %dma_start3A_784 = tpu.memref_squeeze %dma_start3A_783 : memref<1x128x64xf32, #tpu.memory_space<vmem>> -> memref<128x64xf32, #tpu.memory_space<vmem>>
      %dma_start3A_785 = arith.constant 0 : i32
      %dma_start3A_786 = tpu.memref_slice %dma_start3A_784[%add3A_772, %dma_start3A_785] : memref<128x64xf32, #tpu.memory_space<vmem>> -> memref<1x64xf32, #tpu.memory_space<vmem>>
      %dma_start3A_787 = arith.constant 0 : i32
      %dma_start3A_788 = tpu.memref_slice %arg6[%squeeze3A_768, %dma_start3A_787] : memref<100000x64xf32, #tpu.memory_space<hbm>> -> memref<1x64xf32, #tpu.memory_space<hbm>>
      tpu.enqueue_dma source(%dma_start3A_788 : memref<1x64xf32, #tpu.memory_space<hbm>>) target(%dma_start3A_786 : memref<1x64xf32, #tpu.memory_space<vmem>>) target_semaphore(%arg15 : memref<!tpu.dma_semaphore, #tpu.memory_space<semaphore_mem>>)
    }
    %scan3A_103 = arith.constant 8 : i32
    %scan3A_104 = arith.constant 0 : i32
    %scan3A_105 = arith.constant 2 : i32
    %scan3A_106 = arith.constant 0 : i32
    %scan3A_107 = arith.constant 8 : i32
    %scan3A_108 = arith.addi %scan3A_106, %scan3A_107 : i32
    %scan3A_109 = arith.constant 1 : i32
    scf.for %scan3A_432 = %scan3A_106 to %scan3A_108 step %scan3A_109  : i32 {
      %mul3A_433 = arith.constant 16 : i32
      %mul3A_434 = arith.muli %scan3A_432, %mul3A_433 : i32
      %add3A_435 = arith.constant 0 : i32
      %add3A_436 = arith.addi %add3A_435, %mul3A_434 : i32
      %get3A = arith.index_cast %add3A_436 : i32 to index
      %get3A_437 = tpu.vector_load %arg10[%get3A] {strides = array<i32>} : memref<640xi32, #tpu.memory_space<vmem>>, vector<16xi32>,
      %get3A_438 = vector.shape_cast %get3A_437 : vector<16xi32> to vector<16xi32>
      %slice3A = vector.extract_strided_slice %get3A_438 {offsets = [0], sizes = [1], strides = [1]} : vector<16xi32> to vector<1xi32>
      %squeeze3A = vector.extract %slice3A[0] : i32 from vector<1xi32>
      %mul3A_439 = arith.constant 16 : i32
      %mul3A_440 = arith.muli %scan3A_432, %mul3A_439 : i32
      %add3A_441 = arith.constant 0 : i32
      %add3A_442 = arith.addi %mul3A_440, %add3A_441 : i32
      %dma_start3A_443 = arith.constant 0 : i32
      %dma_start3A_444 = arith.constant 0 : i32
      %dma_start3A_445 = tpu.memref_slice %arg11[%scan3A_105, %dma_start3A_443, %dma_start3A_444] : memref<7x128x64xf32, #tpu.memory_space<vmem>> -> memref<1x128x64xf32, #tpu.memory_space<vmem>>
      %dma_start3A_446 = tpu.memref_squeeze %dma_start3A_445 : memref<1x128x64xf32, #tpu.memory_space<vmem>> -> memref<128x64xf32, #tpu.memory_space<vmem>>
      %dma_start3A_447 = arith.constant 0 : i32
      %dma_start3A_448 = tpu.memref_slice %dma_start3A_446[%add3A_442, %dma_start3A_447] : memref<128x64xf32, #tpu.memory_space<vmem>> -> memref<1x64xf32, #tpu.memory_space<vmem>>
      %dma_start3A_449 = arith.constant 0 : i32
      %dma_start3A_450 = tpu.memref_slice %arg6[%squeeze3A, %dma_start3A_449] : memref<100000x64xf32, #tpu.memory_space<hbm>> -> memref<1x64xf32, #tpu.memory_space<hbm>>
      %dma_start3A_451 = arith.constant 0 : i32
      %dma_start3A_452 = arith.constant 0 : i32
      %dma_start3A_453 = tpu.memref_slice %arg11[%scan3A_105, %dma_start3A_451, %dma_start3A_452] : memref<7x128x64xf32, #tpu.memory_space<vmem>> -> memref<1x128x64xf32, #tpu.memory_space<vmem>>
      %dma_start3A_454 = tpu.memref_squeeze %dma_start3A_453 : memref<1x128x64xf32, #tpu.memory_space<vmem>> -> memref<128x64xf32, #tpu.memory_space<vmem>>
      %dma_start3A_455 = arith.constant 0 : i32
      %dma_start3A_456 = tpu.memref_slice %dma_start3A_454[%add3A_442, %dma_start3A_455] : memref<128x64xf32, #tpu.memory_space<vmem>> -> memref<1x64xf32, #tpu.memory_space<vmem>>
      %dma_start3A_457 = arith.constant 0 : i32
      %dma_start3A_458 = tpu.memref_slice %arg6[%squeeze3A, %dma_start3A_457] : memref<100000x64xf32, #tpu.memory_space<hbm>> -> memref<1x64xf32, #tpu.memory_space<hbm>>
      tpu.enqueue_dma source(%dma_start3A_458 : memref<1x64xf32, #tpu.memory_space<hbm>>) target(%dma_start3A_456 : memref<1x64xf32, #tpu.memory_space<vmem>>) target_semaphore(%arg16 : memref<!tpu.dma_semaphore, #tpu.memory_space<semaphore_mem>>)
      %slice3A_459 = vector.extract_strided_slice %get3A_438 {offsets = [1], sizes = [1], strides = [1]} : vector<16xi32> to vector<1xi32>
      %squeeze3A_460 = vector.extract %slice3A_459[0] : i32 from vector<1xi32>
      %mul3A_461 = arith.constant 16 : i32
      %mul3A_462 = arith.muli %scan3A_432, %mul3A_461 : i32
      %add3A_463 = arith.constant 1 : i32
      %add3A_464 = arith.addi %mul3A_462, %add3A_463 : i32
      %dma_start3A_465 = arith.constant 0 : i32
      %dma_start3A_466 = arith.constant 0 : i32
      %dma_start3A_467 = tpu.memref_slice %arg11[%scan3A_105, %dma_start3A_465, %dma_start3A_466] : memref<7x128x64xf32, #tpu.memory_space<vmem>> -> memref<1x128x64xf32, #tpu.memory_space<vmem>>
      %dma_start3A_468 = tpu.memref_squeeze %dma_start3A_467 : memref<1x128x64xf32, #tpu.memory_space<vmem>> -> memref<128x64xf32, #tpu.memory_space<vmem>>
      %dma_start3A_469 = arith.constant 0 : i32
      %dma_start3A_470 = tpu.memref_slice %dma_start3A_468[%add3A_464, %dma_start3A_469] : memref<128x64xf32, #tpu.memory_space<vmem>> -> memref<1x64xf32, #tpu.memory_space<vmem>>
      %dma_start3A_471 = arith.constant 0 : i32
      %dma_start3A_472 = tpu.memref_slice %arg6[%squeeze3A_460, %dma_start3A_471] : memref<100000x64xf32, #tpu.memory_space<hbm>> -> memref<1x64xf32, #tpu.memory_space<hbm>>
      %dma_start3A_473 = arith.constant 0 : i32
      %dma_start3A_474 = arith.constant 0 : i32
      %dma_start3A_475 = tpu.memref_slice %arg11[%scan3A_105, %dma_start3A_473, %dma_start3A_474] : memref<7x128x64xf32, #tpu.memory_space<vmem>> -> memref<1x128x64xf32, #tpu.memory_space<vmem>>
      %dma_start3A_476 = tpu.memref_squeeze %dma_start3A_475 : memref<1x128x64xf32, #tpu.memory_space<vmem>> -> memref<128x64xf32, #tpu.memory_space<vmem>>
      %dma_start3A_477 = arith.constant 0 : i32
      %dma_start3A_478 = tpu.memref_slice %dma_start3A_476[%add3A_464, %dma_start3A_477] : memref<128x64xf32, #tpu.memory_space<vmem>> -> memref<1x64xf32, #tpu.memory_space<vmem>>
      %dma_start3A_479 = arith.constant 0 : i32
      %dma_start3A_480 = tpu.memref_slice %arg6[%squeeze3A_460, %dma_start3A_479] : memref<100000x64xf32, #tpu.memory_space<hbm>> -> memref<1x64xf32, #tpu.memory_space<hbm>>
      tpu.enqueue_dma source(%dma_start3A_480 : memref<1x64xf32, #tpu.memory_space<hbm>>) target(%dma_start3A_478 : memref<1x64xf32, #tpu.memory_space<vmem>>) target_semaphore(%arg16 : memref<!tpu.dma_semaphore, #tpu.memory_space<semaphore_mem>>)
      %slice3A_481 = vector.extract_strided_slice %get3A_438 {offsets = [2], sizes = [1], strides = [1]} : vector<16xi32> to vector<1xi32>
      %squeeze3A_482 = vector.extract %slice3A_481[0] : i32 from vector<1xi32>
      %mul3A_483 = arith.constant 16 : i32
      %mul3A_484 = arith.muli %scan3A_432, %mul3A_483 : i32
      %add3A_485 = arith.constant 2 : i32
      %add3A_486 = arith.addi %mul3A_484, %add3A_485 : i32
      %dma_start3A_487 = arith.constant 0 : i32
      %dma_start3A_488 = arith.constant 0 : i32
      %dma_start3A_489 = tpu.memref_slice %arg11[%scan3A_105, %dma_start3A_487, %dma_start3A_488] : memref<7x128x64xf32, #tpu.memory_space<vmem>> -> memref<1x128x64xf32, #tpu.memory_space<vmem>>
      %dma_start3A_490 = tpu.memref_squeeze %dma_start3A_489 : memref<1x128x64xf32, #tpu.memory_space<vmem>> -> memref<128x64xf32, #tpu.memory_space<vmem>>
      %dma_start3A_491 = arith.constant 0 : i32
      %dma_start3A_492 = tpu.memref_slice %dma_start3A_490[%add3A_486, %dma_start3A_491] : memref<128x64xf32, #tpu.memory_space<vmem>> -> memref<1x64xf32, #tpu.memory_space<vmem>>
      %dma_start3A_493 = arith.constant 0 : i32
      %dma_start3A_494 = tpu.memref_slice %arg6[%squeeze3A_482, %dma_start3A_493] : memref<100000x64xf32, #tpu.memory_space<hbm>> -> memref<1x64xf32, #tpu.memory_space<hbm>>
      %dma_start3A_495 = arith.constant 0 : i32
      %dma_start3A_496 = arith.constant 0 : i32
      %dma_start3A_497 = tpu.memref_slice %arg11[%scan3A_105, %dma_start3A_495, %dma_start3A_496] : memref<7x128x64xf32, #tpu.memory_space<vmem>> -> memref<1x128x64xf32, #tpu.memory_space<vmem>>
      %dma_start3A_498 = tpu.memref_squeeze %dma_start3A_497 : memref<1x128x64xf32, #tpu.memory_space<vmem>> -> memref<128x64xf32, #tpu.memory_space<vmem>>
      %dma_start3A_499 = arith.constant 0 : i32
      %dma_start3A_500 = tpu.memref_slice %dma_start3A_498[%add3A_486, %dma_start3A_499] : memref<128x64xf32, #tpu.memory_space<vmem>> -> memref<1x64xf32, #tpu.memory_space<vmem>>
      %dma_start3A_501 = arith.constant 0 : i32
      %dma_start3A_502 = tpu.memref_slice %arg6[%squeeze3A_482, %dma_start3A_501] : memref<100000x64xf32, #tpu.memory_space<hbm>> -> memref<1x64xf32, #tpu.memory_space<hbm>>
      tpu.enqueue_dma source(%dma_start3A_502 : memref<1x64xf32, #tpu.memory_space<hbm>>) target(%dma_start3A_500 : memref<1x64xf32, #tpu.memory_space<vmem>>) target_semaphore(%arg16 : memref<!tpu.dma_semaphore, #tpu.memory_space<semaphore_mem>>)
      %slice3A_503 = vector.extract_strided_slice %get3A_438 {offsets = [3], sizes = [1], strides = [1]} : vector<16xi32> to vector<1xi32>
      %squeeze3A_504 = vector.extract %slice3A_503[0] : i32 from vector<1xi32>
      %mul3A_505 = arith.constant 16 : i32
      %mul3A_506 = arith.muli %scan3A_432, %mul3A_505 : i32
      %add3A_507 = arith.constant 3 : i32
      %add3A_508 = arith.addi %mul3A_506, %add3A_507 : i32
      %dma_start3A_509 = arith.constant 0 : i32
      %dma_start3A_510 = arith.constant 0 : i32
      %dma_start3A_511 = tpu.memref_slice %arg11[%scan3A_105, %dma_start3A_509, %dma_start3A_510] : memref<7x128x64xf32, #tpu.memory_space<vmem>> -> memref<1x128x64xf32, #tpu.memory_space<vmem>>
      %dma_start3A_512 = tpu.memref_squeeze %dma_start3A_511 : memref<1x128x64xf32, #tpu.memory_space<vmem>> -> memref<128x64xf32, #tpu.memory_space<vmem>>
      %dma_start3A_513 = arith.constant 0 : i32
      %dma_start3A_514 = tpu.memref_slice %dma_start3A_512[%add3A_508, %dma_start3A_513] : memref<128x64xf32, #tpu.memory_space<vmem>> -> memref<1x64xf32, #tpu.memory_space<vmem>>
      %dma_start3A_515 = arith.constant 0 : i32
      %dma_start3A_516 = tpu.memref_slice %arg6[%squeeze3A_504, %dma_start3A_515] : memref<100000x64xf32, #tpu.memory_space<hbm>> -> memref<1x64xf32, #tpu.memory_space<hbm>>
      %dma_start3A_517 = arith.constant 0 : i32
      %dma_start3A_518 = arith.constant 0 : i32
      %dma_start3A_519 = tpu.memref_slice %arg11[%scan3A_105, %dma_start3A_517, %dma_start3A_518] : memref<7x128x64xf32, #tpu.memory_space<vmem>> -> memref<1x128x64xf32, #tpu.memory_space<vmem>>
      %dma_start3A_520 = tpu.memref_squeeze %dma_start3A_519 : memref<1x128x64xf32, #tpu.memory_space<vmem>> -> memref<128x64xf32, #tpu.memory_space<vmem>>
      %dma_start3A_521 = arith.constant 0 : i32
      %dma_start3A_522 = tpu.memref_slice %dma_start3A_520[%add3A_508, %dma_start3A_521] : memref<128x64xf32, #tpu.memory_space<vmem>> -> memref<1x64xf32, #tpu.memory_space<vmem>>
      %dma_start3A_523 = arith.constant 0 : i32
      %dma_start3A_524 = tpu.memref_slice %arg6[%squeeze3A_504, %dma_start3A_523] : memref<100000x64xf32, #tpu.memory_space<hbm>> -> memref<1x64xf32, #tpu.memory_space<hbm>>
      tpu.enqueue_dma source(%dma_start3A_524 : memref<1x64xf32, #tpu.memory_space<hbm>>) target(%dma_start3A_522 : memref<1x64xf32, #tpu.memory_space<vmem>>) target_semaphore(%arg16 : memref<!tpu.dma_semaphore, #tpu.memory_space<semaphore_mem>>)
      %slice3A_525 = vector.extract_strided_slice %get3A_438 {offsets = [4], sizes = [1], strides = [1]} : vector<16xi32> to vector<1xi32>
      %squeeze3A_526 = vector.extract %slice3A_525[0] : i32 from vector<1xi32>
      %mul3A_527 = arith.constant 16 : i32
      %mul3A_528 = arith.muli %scan3A_432, %mul3A_527 : i32
      %add3A_529 = arith.constant 4 : i32
      %add3A_530 = arith.addi %mul3A_528, %add3A_529 : i32
      %dma_start3A_531 = arith.constant 0 : i32
      %dma_start3A_532 = arith.constant 0 : i32
      %dma_start3A_533 = tpu.memref_slice %arg11[%scan3A_105, %dma_start3A_531, %dma_start3A_532] : memref<7x128x64xf32, #tpu.memory_space<vmem>> -> memref<1x128x64xf32, #tpu.memory_space<vmem>>
      %dma_start3A_534 = tpu.memref_squeeze %dma_start3A_533 : memref<1x128x64xf32, #tpu.memory_space<vmem>> -> memref<128x64xf32, #tpu.memory_space<vmem>>
      %dma_start3A_535 = arith.constant 0 : i32
      %dma_start3A_536 = tpu.memref_slice %dma_start3A_534[%add3A_530, %dma_start3A_535] : memref<128x64xf32, #tpu.memory_space<vmem>> -> memref<1x64xf32, #tpu.memory_space<vmem>>
      %dma_start3A_537 = arith.constant 0 : i32
      %dma_start3A_538 = tpu.memref_slice %arg6[%squeeze3A_526, %dma_start3A_537] : memref<100000x64xf32, #tpu.memory_space<hbm>> -> memref<1x64xf32, #tpu.memory_space<hbm>>
      %dma_start3A_539 = arith.constant 0 : i32
      %dma_start3A_540 = arith.constant 0 : i32
      %dma_start3A_541 = tpu.memref_slice %arg11[%scan3A_105, %dma_start3A_539, %dma_start3A_540] : memref<7x128x64xf32, #tpu.memory_space<vmem>> -> memref<1x128x64xf32, #tpu.memory_space<vmem>>
      %dma_start3A_542 = tpu.memref_squeeze %dma_start3A_541 : memref<1x128x64xf32, #tpu.memory_space<vmem>> -> memref<128x64xf32, #tpu.memory_space<vmem>>
      %dma_start3A_543 = arith.constant 0 : i32
      %dma_start3A_544 = tpu.memref_slice %dma_start3A_542[%add3A_530, %dma_start3A_543] : memref<128x64xf32, #tpu.memory_space<vmem>> -> memref<1x64xf32, #tpu.memory_space<vmem>>
      %dma_start3A_545 = arith.constant 0 : i32
      %dma_start3A_546 = tpu.memref_slice %arg6[%squeeze3A_526, %dma_start3A_545] : memref<100000x64xf32, #tpu.memory_space<hbm>> -> memref<1x64xf32, #tpu.memory_space<hbm>>
      tpu.enqueue_dma source(%dma_start3A_546 : memref<1x64xf32, #tpu.memory_space<hbm>>) target(%dma_start3A_544 : memref<1x64xf32, #tpu.memory_space<vmem>>) target_semaphore(%arg16 : memref<!tpu.dma_semaphore, #tpu.memory_space<semaphore_mem>>)
      %slice3A_547 = vector.extract_strided_slice %get3A_438 {offsets = [5], sizes = [1], strides = [1]} : vector<16xi32> to vector<1xi32>
      %squeeze3A_548 = vector.extract %slice3A_547[0] : i32 from vector<1xi32>
      %mul3A_549 = arith.constant 16 : i32
      %mul3A_550 = arith.muli %scan3A_432, %mul3A_549 : i32
      %add3A_551 = arith.constant 5 : i32
      %add3A_552 = arith.addi %mul3A_550, %add3A_551 : i32
      %dma_start3A_553 = arith.constant 0 : i32
      %dma_start3A_554 = arith.constant 0 : i32
      %dma_start3A_555 = tpu.memref_slice %arg11[%scan3A_105, %dma_start3A_553, %dma_start3A_554] : memref<7x128x64xf32, #tpu.memory_space<vmem>> -> memref<1x128x64xf32, #tpu.memory_space<vmem>>
      %dma_start3A_556 = tpu.memref_squeeze %dma_start3A_555 : memref<1x128x64xf32, #tpu.memory_space<vmem>> -> memref<128x64xf32, #tpu.memory_space<vmem>>
      %dma_start3A_557 = arith.constant 0 : i32
      %dma_start3A_558 = tpu.memref_slice %dma_start3A_556[%add3A_552, %dma_start3A_557] : memref<128x64xf32, #tpu.memory_space<vmem>> -> memref<1x64xf32, #tpu.memory_space<vmem>>
      %dma_start3A_559 = arith.constant 0 : i32
      %dma_start3A_560 = tpu.memref_slice %arg6[%squeeze3A_548, %dma_start3A_559] : memref<100000x64xf32, #tpu.memory_space<hbm>> -> memref<1x64xf32, #tpu.memory_space<hbm>>
      %dma_start3A_561 = arith.constant 0 : i32
      %dma_start3A_562 = arith.constant 0 : i32
      %dma_start3A_563 = tpu.memref_slice %arg11[%scan3A_105, %dma_start3A_561, %dma_start3A_562] : memref<7x128x64xf32, #tpu.memory_space<vmem>> -> memref<1x128x64xf32, #tpu.memory_space<vmem>>
      %dma_start3A_564 = tpu.memref_squeeze %dma_start3A_563 : memref<1x128x64xf32, #tpu.memory_space<vmem>> -> memref<128x64xf32, #tpu.memory_space<vmem>>
      %dma_start3A_565 = arith.constant 0 : i32
      %dma_start3A_566 = tpu.memref_slice %dma_start3A_564[%add3A_552, %dma_start3A_565] : memref<128x64xf32, #tpu.memory_space<vmem>> -> memref<1x64xf32, #tpu.memory_space<vmem>>
      %dma_start3A_567 = arith.constant 0 : i32
      %dma_start3A_568 = tpu.memref_slice %arg6[%squeeze3A_548, %dma_start3A_567] : memref<100000x64xf32, #tpu.memory_space<hbm>> -> memref<1x64xf32, #tpu.memory_space<hbm>>
      tpu.enqueue_dma source(%dma_start3A_568 : memref<1x64xf32, #tpu.memory_space<hbm>>) target(%dma_start3A_566 : memref<1x64xf32, #tpu.memory_space<vmem>>) target_semaphore(%arg16 : memref<!tpu.dma_semaphore, #tpu.memory_space<semaphore_mem>>)
      %slice3A_569 = vector.extract_strided_slice %get3A_438 {offsets = [6], sizes = [1], strides = [1]} : vector<16xi32> to vector<1xi32>
      %squeeze3A_570 = vector.extract %slice3A_569[0] : i32 from vector<1xi32>
      %mul3A_571 = arith.constant 16 : i32
      %mul3A_572 = arith.muli %scan3A_432, %mul3A_571 : i32
      %add3A_573 = arith.constant 6 : i32
      %add3A_574 = arith.addi %mul3A_572, %add3A_573 : i32
      %dma_start3A_575 = arith.constant 0 : i32
      %dma_start3A_576 = arith.constant 0 : i32
      %dma_start3A_577 = tpu.memref_slice %arg11[%scan3A_105, %dma_start3A_575, %dma_start3A_576] : memref<7x128x64xf32, #tpu.memory_space<vmem>> -> memref<1x128x64xf32, #tpu.memory_space<vmem>>
      %dma_start3A_578 = tpu.memref_squeeze %dma_start3A_577 : memref<1x128x64xf32, #tpu.memory_space<vmem>> -> memref<128x64xf32, #tpu.memory_space<vmem>>
      %dma_start3A_579 = arith.constant 0 : i32
      %dma_start3A_580 = tpu.memref_slice %dma_start3A_578[%add3A_574, %dma_start3A_579] : memref<128x64xf32, #tpu.memory_space<vmem>> -> memref<1x64xf32, #tpu.memory_space<vmem>>
      %dma_start3A_581 = arith.constant 0 : i32
      %dma_start3A_582 = tpu.memref_slice %arg6[%squeeze3A_570, %dma_start3A_581] : memref<100000x64xf32, #tpu.memory_space<hbm>> -> memref<1x64xf32, #tpu.memory_space<hbm>>
      %dma_start3A_583 = arith.constant 0 : i32
      %dma_start3A_584 = arith.constant 0 : i32
      %dma_start3A_585 = tpu.memref_slice %arg11[%scan3A_105, %dma_start3A_583, %dma_start3A_584] : memref<7x128x64xf32, #tpu.memory_space<vmem>> -> memref<1x128x64xf32, #tpu.memory_space<vmem>>
      %dma_start3A_586 = tpu.memref_squeeze %dma_start3A_585 : memref<1x128x64xf32, #tpu.memory_space<vmem>> -> memref<128x64xf32, #tpu.memory_space<vmem>>
      %dma_start3A_587 = arith.constant 0 : i32
      %dma_start3A_588 = tpu.memref_slice %dma_start3A_586[%add3A_574, %dma_start3A_587] : memref<128x64xf32, #tpu.memory_space<vmem>> -> memref<1x64xf32, #tpu.memory_space<vmem>>
      %dma_start3A_589 = arith.constant 0 : i32
      %dma_start3A_590 = tpu.memref_slice %arg6[%squeeze3A_570, %dma_start3A_589] : memref<100000x64xf32, #tpu.memory_space<hbm>> -> memref<1x64xf32, #tpu.memory_space<hbm>>
      tpu.enqueue_dma source(%dma_start3A_590 : memref<1x64xf32, #tpu.memory_space<hbm>>) target(%dma_start3A_588 : memref<1x64xf32, #tpu.memory_space<vmem>>) target_semaphore(%arg16 : memref<!tpu.dma_semaphore, #tpu.memory_space<semaphore_mem>>)
      %slice3A_591 = vector.extract_strided_slice %get3A_438 {offsets = [7], sizes = [1], strides = [1]} : vector<16xi32> to vector<1xi32>
      %squeeze3A_592 = vector.extract %slice3A_591[0] : i32 from vector<1xi32>
      %mul3A_593 = arith.constant 16 : i32
      %mul3A_594 = arith.muli %scan3A_432, %mul3A_593 : i32
      %add3A_595 = arith.constant 7 : i32
      %add3A_596 = arith.addi %mul3A_594, %add3A_595 : i32
      %dma_start3A_597 = arith.constant 0 : i32
      %dma_start3A_598 = arith.constant 0 : i32
      %dma_start3A_599 = tpu.memref_slice %arg11[%scan3A_105, %dma_start3A_597, %dma_start3A_598] : memref<7x128x64xf32, #tpu.memory_space<vmem>> -> memref<1x128x64xf32, #tpu.memory_space<vmem>>
      %dma_start3A_600 = tpu.memref_squeeze %dma_start3A_599 : memref<1x128x64xf32, #tpu.memory_space<vmem>> -> memref<128x64xf32, #tpu.memory_space<vmem>>
      %dma_start3A_601 = arith.constant 0 : i32
      %dma_start3A_602 = tpu.memref_slice %dma_start3A_600[%add3A_596, %dma_start3A_601] : memref<128x64xf32, #tpu.memory_space<vmem>> -> memref<1x64xf32, #tpu.memory_space<vmem>>
      %dma_start3A_603 = arith.constant 0 : i32
      %dma_start3A_604 = tpu.memref_slice %arg6[%squeeze3A_592, %dma_start3A_603] : memref<100000x64xf32, #tpu.memory_space<hbm>> -> memref<1x64xf32, #tpu.memory_space<hbm>>
      %dma_start3A_605 = arith.constant 0 : i32
      %dma_start3A_606 = arith.constant 0 : i32
      %dma_start3A_607 = tpu.memref_slice %arg11[%scan3A_105, %dma_start3A_605, %dma_start3A_606] : memref<7x128x64xf32, #tpu.memory_space<vmem>> -> memref<1x128x64xf32, #tpu.memory_space<vmem>>
      %dma_start3A_608 = tpu.memref_squeeze %dma_start3A_607 : memref<1x128x64xf32, #tpu.memory_space<vmem>> -> memref<128x64xf32, #tpu.memory_space<vmem>>
      %dma_start3A_609 = arith.constant 0 : i32
      %dma_start3A_610 = tpu.memref_slice %dma_start3A_608[%add3A_596, %dma_start3A_609] : memref<128x64xf32, #tpu.memory_space<vmem>> -> memref<1x64xf32, #tpu.memory_space<vmem>>
      %dma_start3A_611 = arith.constant 0 : i32
      %dma_start3A_612 = tpu.memref_slice %arg6[%squeeze3A_592, %dma_start3A_611] : memref<100000x64xf32, #tpu.memory_space<hbm>> -> memref<1x64xf32, #tpu.memory_space<hbm>>
      tpu.enqueue_dma source(%dma_start3A_612 : memref<1x64xf32, #tpu.memory_space<hbm>>) target(%dma_start3A_610 : memref<1x64xf32, #tpu.memory_space<vmem>>) target_semaphore(%arg16 : memref<!tpu.dma_semaphore, #tpu.memory_space<semaphore_mem>>)
      %slice3A_613 = vector.extract_strided_slice %get3A_438 {offsets = [8], sizes = [1], strides = [1]} : vector<16xi32> to vector<1xi32>
      %squeeze3A_614 = vector.extract %slice3A_613[0] : i32 from vector<1xi32>
      %mul3A_615 = arith.constant 16 : i32
      %mul3A_616 = arith.muli %scan3A_432, %mul3A_615 : i32
      %add3A_617 = arith.constant 8 : i32
      %add3A_618 = arith.addi %mul3A_616, %add3A_617 : i32
      %dma_start3A_619 = arith.constant 0 : i32
      %dma_start3A_620 = arith.constant 0 : i32
      %dma_start3A_621 = tpu.memref_slice %arg11[%scan3A_105, %dma_start3A_619, %dma_start3A_620] : memref<7x128x64xf32, #tpu.memory_space<vmem>> -> memref<1x128x64xf32, #tpu.memory_space<vmem>>
      %dma_start3A_622 = tpu.memref_squeeze %dma_start3A_621 : memref<1x128x64xf32, #tpu.memory_space<vmem>> -> memref<128x64xf32, #tpu.memory_space<vmem>>
      %dma_start3A_623 = arith.constant 0 : i32
      %dma_start3A_624 = tpu.memref_slice %dma_start3A_622[%add3A_618, %dma_start3A_623] : memref<128x64xf32, #tpu.memory_space<vmem>> -> memref<1x64xf32, #tpu.memory_space<vmem>>
      %dma_start3A_625 = arith.constant 0 : i32
      %dma_start3A_626 = tpu.memref_slice %arg6[%squeeze3A_614, %dma_start3A_625] : memref<100000x64xf32, #tpu.memory_space<hbm>> -> memref<1x64xf32, #tpu.memory_space<hbm>>
      %dma_start3A_627 = arith.constant 0 : i32
      %dma_start3A_628 = arith.constant 0 : i32
      %dma_start3A_629 = tpu.memref_slice %arg11[%scan3A_105, %dma_start3A_627, %dma_start3A_628] : memref<7x128x64xf32, #tpu.memory_space<vmem>> -> memref<1x128x64xf32, #tpu.memory_space<vmem>>
      %dma_start3A_630 = tpu.memref_squeeze %dma_start3A_629 : memref<1x128x64xf32, #tpu.memory_space<vmem>> -> memref<128x64xf32, #tpu.memory_space<vmem>>
      %dma_start3A_631 = arith.constant 0 : i32
      %dma_start3A_632 = tpu.memref_slice %dma_start3A_630[%add3A_618, %dma_start3A_631] : memref<128x64xf32, #tpu.memory_space<vmem>> -> memref<1x64xf32, #tpu.memory_space<vmem>>
      %dma_start3A_633 = arith.constant 0 : i32
      %dma_start3A_634 = tpu.memref_slice %arg6[%squeeze3A_614, %dma_start3A_633] : memref<100000x64xf32, #tpu.memory_space<hbm>> -> memref<1x64xf32, #tpu.memory_space<hbm>>
      tpu.enqueue_dma source(%dma_start3A_634 : memref<1x64xf32, #tpu.memory_space<hbm>>) target(%dma_start3A_632 : memref<1x64xf32, #tpu.memory_space<vmem>>) target_semaphore(%arg16 : memref<!tpu.dma_semaphore, #tpu.memory_space<semaphore_mem>>)
      %slice3A_635 = vector.extract_strided_slice %get3A_438 {offsets = [9], sizes = [1], strides = [1]} : vector<16xi32> to vector<1xi32>
      %squeeze3A_636 = vector.extract %slice3A_635[0] : i32 from vector<1xi32>
      %mul3A_637 = arith.constant 16 : i32
      %mul3A_638 = arith.muli %scan3A_432, %mul3A_637 : i32
      %add3A_639 = arith.constant 9 : i32
      %add3A_640 = arith.addi %mul3A_638, %add3A_639 : i32
      %dma_start3A_641 = arith.constant 0 : i32
      %dma_start3A_642 = arith.constant 0 : i32
      %dma_start3A_643 = tpu.memref_slice %arg11[%scan3A_105, %dma_start3A_641, %dma_start3A_642] : memref<7x128x64xf32, #tpu.memory_space<vmem>> -> memref<1x128x64xf32, #tpu.memory_space<vmem>>
      %dma_start3A_644 = tpu.memref_squeeze %dma_start3A_643 : memref<1x128x64xf32, #tpu.memory_space<vmem>> -> memref<128x64xf32, #tpu.memory_space<vmem>>
      %dma_start3A_645 = arith.constant 0 : i32
      %dma_start3A_646 = tpu.memref_slice %dma_start3A_644[%add3A_640, %dma_start3A_645] : memref<128x64xf32, #tpu.memory_space<vmem>> -> memref<1x64xf32, #tpu.memory_space<vmem>>
      %dma_start3A_647 = arith.constant 0 : i32
      %dma_start3A_648 = tpu.memref_slice %arg6[%squeeze3A_636, %dma_start3A_647] : memref<100000x64xf32, #tpu.memory_space<hbm>> -> memref<1x64xf32, #tpu.memory_space<hbm>>
      %dma_start3A_649 = arith.constant 0 : i32
      %dma_start3A_650 = arith.constant 0 : i32
      %dma_start3A_651 = tpu.memref_slice %arg11[%scan3A_105, %dma_start3A_649, %dma_start3A_650] : memref<7x128x64xf32, #tpu.memory_space<vmem>> -> memref<1x128x64xf32, #tpu.memory_space<vmem>>
      %dma_start3A_652 = tpu.memref_squeeze %dma_start3A_651 : memref<1x128x64xf32, #tpu.memory_space<vmem>> -> memref<128x64xf32, #tpu.memory_space<vmem>>
      %dma_start3A_653 = arith.constant 0 : i32
      %dma_start3A_654 = tpu.memref_slice %dma_start3A_652[%add3A_640, %dma_start3A_653] : memref<128x64xf32, #tpu.memory_space<vmem>> -> memref<1x64xf32, #tpu.memory_space<vmem>>
      %dma_start3A_655 = arith.constant 0 : i32
      %dma_start3A_656 = tpu.memref_slice %arg6[%squeeze3A_636, %dma_start3A_655] : memref<100000x64xf32, #tpu.memory_space<hbm>> -> memref<1x64xf32, #tpu.memory_space<hbm>>
      tpu.enqueue_dma source(%dma_start3A_656 : memref<1x64xf32, #tpu.memory_space<hbm>>) target(%dma_start3A_654 : memref<1x64xf32, #tpu.memory_space<vmem>>) target_semaphore(%arg16 : memref<!tpu.dma_semaphore, #tpu.memory_space<semaphore_mem>>)
      %slice3A_657 = vector.extract_strided_slice %get3A_438 {offsets = [10], sizes = [1], strides = [1]} : vector<16xi32> to vector<1xi32>
      %squeeze3A_658 = vector.extract %slice3A_657[0] : i32 from vector<1xi32>
      %mul3A_659 = arith.constant 16 : i32
      %mul3A_660 = arith.muli %scan3A_432, %mul3A_659 : i32
      %add3A_661 = arith.constant 10 : i32
      %add3A_662 = arith.addi %mul3A_660, %add3A_661 : i32
      %dma_start3A_663 = arith.constant 0 : i32
      %dma_start3A_664 = arith.constant 0 : i32
      %dma_start3A_665 = tpu.memref_slice %arg11[%scan3A_105, %dma_start3A_663, %dma_start3A_664] : memref<7x128x64xf32, #tpu.memory_space<vmem>> -> memref<1x128x64xf32, #tpu.memory_space<vmem>>
      %dma_start3A_666 = tpu.memref_squeeze %dma_start3A_665 : memref<1x128x64xf32, #tpu.memory_space<vmem>> -> memref<128x64xf32, #tpu.memory_space<vmem>>
      %dma_start3A_667 = arith.constant 0 : i32
      %dma_start3A_668 = tpu.memref_slice %dma_start3A_666[%add3A_662, %dma_start3A_667] : memref<128x64xf32, #tpu.memory_space<vmem>> -> memref<1x64xf32, #tpu.memory_space<vmem>>
      %dma_start3A_669 = arith.constant 0 : i32
      %dma_start3A_670 = tpu.memref_slice %arg6[%squeeze3A_658, %dma_start3A_669] : memref<100000x64xf32, #tpu.memory_space<hbm>> -> memref<1x64xf32, #tpu.memory_space<hbm>>
      %dma_start3A_671 = arith.constant 0 : i32
      %dma_start3A_672 = arith.constant 0 : i32
      %dma_start3A_673 = tpu.memref_slice %arg11[%scan3A_105, %dma_start3A_671, %dma_start3A_672] : memref<7x128x64xf32, #tpu.memory_space<vmem>> -> memref<1x128x64xf32, #tpu.memory_space<vmem>>
      %dma_start3A_674 = tpu.memref_squeeze %dma_start3A_673 : memref<1x128x64xf32, #tpu.memory_space<vmem>> -> memref<128x64xf32, #tpu.memory_space<vmem>>
      %dma_start3A_675 = arith.constant 0 : i32
      %dma_start3A_676 = tpu.memref_slice %dma_start3A_674[%add3A_662, %dma_start3A_675] : memref<128x64xf32, #tpu.memory_space<vmem>> -> memref<1x64xf32, #tpu.memory_space<vmem>>
      %dma_start3A_677 = arith.constant 0 : i32
      %dma_start3A_678 = tpu.memref_slice %arg6[%squeeze3A_658, %dma_start3A_677] : memref<100000x64xf32, #tpu.memory_space<hbm>> -> memref<1x64xf32, #tpu.memory_space<hbm>>
      tpu.enqueue_dma source(%dma_start3A_678 : memref<1x64xf32, #tpu.memory_space<hbm>>) target(%dma_start3A_676 : memref<1x64xf32, #tpu.memory_space<vmem>>) target_semaphore(%arg16 : memref<!tpu.dma_semaphore, #tpu.memory_space<semaphore_mem>>)
      %slice3A_679 = vector.extract_strided_slice %get3A_438 {offsets = [11], sizes = [1], strides = [1]} : vector<16xi32> to vector<1xi32>
      %squeeze3A_680 = vector.extract %slice3A_679[0] : i32 from vector<1xi32>
      %mul3A_681 = arith.constant 16 : i32
      %mul3A_682 = arith.muli %scan3A_432, %mul3A_681 : i32
      %add3A_683 = arith.constant 11 : i32
      %add3A_684 = arith.addi %mul3A_682, %add3A_683 : i32
      %dma_start3A_685 = arith.constant 0 : i32
      %dma_start3A_686 = arith.constant 0 : i32
      %dma_start3A_687 = tpu.memref_slice %arg11[%scan3A_105, %dma_start3A_685, %dma_start3A_686] : memref<7x128x64xf32, #tpu.memory_space<vmem>> -> memref<1x128x64xf32, #tpu.memory_space<vmem>>
      %dma_start3A_688 = tpu.memref_squeeze %dma_start3A_687 : memref<1x128x64xf32, #tpu.memory_space<vmem>> -> memref<128x64xf32, #tpu.memory_space<vmem>>
      %dma_start3A_689 = arith.constant 0 : i32
      %dma_start3A_690 = tpu.memref_slice %dma_start3A_688[%add3A_684, %dma_start3A_689] : memref<128x64xf32, #tpu.memory_space<vmem>> -> memref<1x64xf32, #tpu.memory_space<vmem>>
      %dma_start3A_691 = arith.constant 0 : i32
      %dma_start3A_692 = tpu.memref_slice %arg6[%squeeze3A_680, %dma_start3A_691] : memref<100000x64xf32, #tpu.memory_space<hbm>> -> memref<1x64xf32, #tpu.memory_space<hbm>>
      %dma_start3A_693 = arith.constant 0 : i32
      %dma_start3A_694 = arith.constant 0 : i32
      %dma_start3A_695 = tpu.memref_slice %arg11[%scan3A_105, %dma_start3A_693, %dma_start3A_694] : memref<7x128x64xf32, #tpu.memory_space<vmem>> -> memref<1x128x64xf32, #tpu.memory_space<vmem>>
      %dma_start3A_696 = tpu.memref_squeeze %dma_start3A_695 : memref<1x128x64xf32, #tpu.memory_space<vmem>> -> memref<128x64xf32, #tpu.memory_space<vmem>>
      %dma_start3A_697 = arith.constant 0 : i32
      %dma_start3A_698 = tpu.memref_slice %dma_start3A_696[%add3A_684, %dma_start3A_697] : memref<128x64xf32, #tpu.memory_space<vmem>> -> memref<1x64xf32, #tpu.memory_space<vmem>>
      %dma_start3A_699 = arith.constant 0 : i32
      %dma_start3A_700 = tpu.memref_slice %arg6[%squeeze3A_680, %dma_start3A_699] : memref<100000x64xf32, #tpu.memory_space<hbm>> -> memref<1x64xf32, #tpu.memory_space<hbm>>
      tpu.enqueue_dma source(%dma_start3A_700 : memref<1x64xf32, #tpu.memory_space<hbm>>) target(%dma_start3A_698 : memref<1x64xf32, #tpu.memory_space<vmem>>) target_semaphore(%arg16 : memref<!tpu.dma_semaphore, #tpu.memory_space<semaphore_mem>>)
      %slice3A_701 = vector.extract_strided_slice %get3A_438 {offsets = [12], sizes = [1], strides = [1]} : vector<16xi32> to vector<1xi32>
      %squeeze3A_702 = vector.extract %slice3A_701[0] : i32 from vector<1xi32>
      %mul3A_703 = arith.constant 16 : i32
      %mul3A_704 = arith.muli %scan3A_432, %mul3A_703 : i32
      %add3A_705 = arith.constant 12 : i32
      %add3A_706 = arith.addi %mul3A_704, %add3A_705 : i32
      %dma_start3A_707 = arith.constant 0 : i32
      %dma_start3A_708 = arith.constant 0 : i32
      %dma_start3A_709 = tpu.memref_slice %arg11[%scan3A_105, %dma_start3A_707, %dma_start3A_708] : memref<7x128x64xf32, #tpu.memory_space<vmem>> -> memref<1x128x64xf32, #tpu.memory_space<vmem>>
      %dma_start3A_710 = tpu.memref_squeeze %dma_start3A_709 : memref<1x128x64xf32, #tpu.memory_space<vmem>> -> memref<128x64xf32, #tpu.memory_space<vmem>>
      %dma_start3A_711 = arith.constant 0 : i32
      %dma_start3A_712 = tpu.memref_slice %dma_start3A_710[%add3A_706, %dma_start3A_711] : memref<128x64xf32, #tpu.memory_space<vmem>> -> memref<1x64xf32, #tpu.memory_space<vmem>>
      %dma_start3A_713 = arith.constant 0 : i32
      %dma_start3A_714 = tpu.memref_slice %arg6[%squeeze3A_702, %dma_start3A_713] : memref<100000x64xf32, #tpu.memory_space<hbm>> -> memref<1x64xf32, #tpu.memory_space<hbm>>
      %dma_start3A_715 = arith.constant 0 : i32
      %dma_start3A_716 = arith.constant 0 : i32
      %dma_start3A_717 = tpu.memref_slice %arg11[%scan3A_105, %dma_start3A_715, %dma_start3A_716] : memref<7x128x64xf32, #tpu.memory_space<vmem>> -> memref<1x128x64xf32, #tpu.memory_space<vmem>>
      %dma_start3A_718 = tpu.memref_squeeze %dma_start3A_717 : memref<1x128x64xf32, #tpu.memory_space<vmem>> -> memref<128x64xf32, #tpu.memory_space<vmem>>
      %dma_start3A_719 = arith.constant 0 : i32
      %dma_start3A_720 = tpu.memref_slice %dma_start3A_718[%add3A_706, %dma_start3A_719] : memref<128x64xf32, #tpu.memory_space<vmem>> -> memref<1x64xf32, #tpu.memory_space<vmem>>
      %dma_start3A_721 = arith.constant 0 : i32
      %dma_start3A_722 = tpu.memref_slice %arg6[%squeeze3A_702, %dma_start3A_721] : memref<100000x64xf32, #tpu.memory_space<hbm>> -> memref<1x64xf32, #tpu.memory_space<hbm>>
      tpu.enqueue_dma source(%dma_start3A_722 : memref<1x64xf32, #tpu.memory_space<hbm>>) target(%dma_start3A_720 : memref<1x64xf32, #tpu.memory_space<vmem>>) target_semaphore(%arg16 : memref<!tpu.dma_semaphore, #tpu.memory_space<semaphore_mem>>)
      %slice3A_723 = vector.extract_strided_slice %get3A_438 {offsets = [13], sizes = [1], strides = [1]} : vector<16xi32> to vector<1xi32>
      %squeeze3A_724 = vector.extract %slice3A_723[0] : i32 from vector<1xi32>
      %mul3A_725 = arith.constant 16 : i32
      %mul3A_726 = arith.muli %scan3A_432, %mul3A_725 : i32
      %add3A_727 = arith.constant 13 : i32
      %add3A_728 = arith.addi %mul3A_726, %add3A_727 : i32
      %dma_start3A_729 = arith.constant 0 : i32
      %dma_start3A_730 = arith.constant 0 : i32
      %dma_start3A_731 = tpu.memref_slice %arg11[%scan3A_105, %dma_start3A_729, %dma_start3A_730] : memref<7x128x64xf32, #tpu.memory_space<vmem>> -> memref<1x128x64xf32, #tpu.memory_space<vmem>>
      %dma_start3A_732 = tpu.memref_squeeze %dma_start3A_731 : memref<1x128x64xf32, #tpu.memory_space<vmem>> -> memref<128x64xf32, #tpu.memory_space<vmem>>
      %dma_start3A_733 = arith.constant 0 : i32
      %dma_start3A_734 = tpu.memref_slice %dma_start3A_732[%add3A_728, %dma_start3A_733] : memref<128x64xf32, #tpu.memory_space<vmem>> -> memref<1x64xf32, #tpu.memory_space<vmem>>
      %dma_start3A_735 = arith.constant 0 : i32
      %dma_start3A_736 = tpu.memref_slice %arg6[%squeeze3A_724, %dma_start3A_735] : memref<100000x64xf32, #tpu.memory_space<hbm>> -> memref<1x64xf32, #tpu.memory_space<hbm>>
      %dma_start3A_737 = arith.constant 0 : i32
      %dma_start3A_738 = arith.constant 0 : i32
      %dma_start3A_739 = tpu.memref_slice %arg11[%scan3A_105, %dma_start3A_737, %dma_start3A_738] : memref<7x128x64xf32, #tpu.memory_space<vmem>> -> memref<1x128x64xf32, #tpu.memory_space<vmem>>
      %dma_start3A_740 = tpu.memref_squeeze %dma_start3A_739 : memref<1x128x64xf32, #tpu.memory_space<vmem>> -> memref<128x64xf32, #tpu.memory_space<vmem>>
      %dma_start3A_741 = arith.constant 0 : i32
      %dma_start3A_742 = tpu.memref_slice %dma_start3A_740[%add3A_728, %dma_start3A_741] : memref<128x64xf32, #tpu.memory_space<vmem>> -> memref<1x64xf32, #tpu.memory_space<vmem>>
      %dma_start3A_743 = arith.constant 0 : i32
      %dma_start3A_744 = tpu.memref_slice %arg6[%squeeze3A_724, %dma_start3A_743] : memref<100000x64xf32, #tpu.memory_space<hbm>> -> memref<1x64xf32, #tpu.memory_space<hbm>>
      tpu.enqueue_dma source(%dma_start3A_744 : memref<1x64xf32, #tpu.memory_space<hbm>>) target(%dma_start3A_742 : memref<1x64xf32, #tpu.memory_space<vmem>>) target_semaphore(%arg16 : memref<!tpu.dma_semaphore, #tpu.memory_space<semaphore_mem>>)
      %slice3A_745 = vector.extract_strided_slice %get3A_438 {offsets = [14], sizes = [1], strides = [1]} : vector<16xi32> to vector<1xi32>
      %squeeze3A_746 = vector.extract %slice3A_745[0] : i32 from vector<1xi32>
      %mul3A_747 = arith.constant 16 : i32
      %mul3A_748 = arith.muli %scan3A_432, %mul3A_747 : i32
      %add3A_749 = arith.constant 14 : i32
      %add3A_750 = arith.addi %mul3A_748, %add3A_749 : i32
      %dma_start3A_751 = arith.constant 0 : i32
      %dma_start3A_752 = arith.constant 0 : i32
      %dma_start3A_753 = tpu.memref_slice %arg11[%scan3A_105, %dma_start3A_751, %dma_start3A_752] : memref<7x128x64xf32, #tpu.memory_space<vmem>> -> memref<1x128x64xf32, #tpu.memory_space<vmem>>
      %dma_start3A_754 = tpu.memref_squeeze %dma_start3A_753 : memref<1x128x64xf32, #tpu.memory_space<vmem>> -> memref<128x64xf32, #tpu.memory_space<vmem>>
      %dma_start3A_755 = arith.constant 0 : i32
      %dma_start3A_756 = tpu.memref_slice %dma_start3A_754[%add3A_750, %dma_start3A_755] : memref<128x64xf32, #tpu.memory_space<vmem>> -> memref<1x64xf32, #tpu.memory_space<vmem>>
      %dma_start3A_757 = arith.constant 0 : i32
      %dma_start3A_758 = tpu.memref_slice %arg6[%squeeze3A_746, %dma_start3A_757] : memref<100000x64xf32, #tpu.memory_space<hbm>> -> memref<1x64xf32, #tpu.memory_space<hbm>>
      %dma_start3A_759 = arith.constant 0 : i32
      %dma_start3A_760 = arith.constant 0 : i32
      %dma_start3A_761 = tpu.memref_slice %arg11[%scan3A_105, %dma_start3A_759, %dma_start3A_760] : memref<7x128x64xf32, #tpu.memory_space<vmem>> -> memref<1x128x64xf32, #tpu.memory_space<vmem>>
      %dma_start3A_762 = tpu.memref_squeeze %dma_start3A_761 : memref<1x128x64xf32, #tpu.memory_space<vmem>> -> memref<128x64xf32, #tpu.memory_space<vmem>>
      %dma_start3A_763 = arith.constant 0 : i32
      %dma_start3A_764 = tpu.memref_slice %dma_start3A_762[%add3A_750, %dma_start3A_763] : memref<128x64xf32, #tpu.memory_space<vmem>> -> memref<1x64xf32, #tpu.memory_space<vmem>>
      %dma_start3A_765 = arith.constant 0 : i32
      %dma_start3A_766 = tpu.memref_slice %arg6[%squeeze3A_746, %dma_start3A_765] : memref<100000x64xf32, #tpu.memory_space<hbm>> -> memref<1x64xf32, #tpu.memory_space<hbm>>
      tpu.enqueue_dma source(%dma_start3A_766 : memref<1x64xf32, #tpu.memory_space<hbm>>) target(%dma_start3A_764 : memref<1x64xf32, #tpu.memory_space<vmem>>) target_semaphore(%arg16 : memref<!tpu.dma_semaphore, #tpu.memory_space<semaphore_mem>>)
      %slice3A_767 = vector.extract_strided_slice %get3A_438 {offsets = [15], sizes = [1], strides = [1]} : vector<16xi32> to vector<1xi32>
      %squeeze3A_768 = vector.extract %slice3A_767[0] : i32 from vector<1xi32>
      %mul3A_769 = arith.constant 16 : i32
      %mul3A_770 = arith.muli %scan3A_432, %mul3A_769 : i32
      %add3A_771 = arith.constant 15 : i32
      %add3A_772 = arith.addi %mul3A_770, %add3A_771 : i32
      %dma_start3A_773 = arith.constant 0 : i32
      %dma_start3A_774 = arith.constant 0 : i32
      %dma_start3A_775 = tpu.memref_slice %arg11[%scan3A_105, %dma_start3A_773, %dma_start3A_774] : memref<7x128x64xf32, #tpu.memory_space<vmem>> -> memref<1x128x64xf32, #tpu.memory_space<vmem>>
      %dma_start3A_776 = tpu.memref_squeeze %dma_start3A_775 : memref<1x128x64xf32, #tpu.memory_space<vmem>> -> memref<128x64xf32, #tpu.memory_space<vmem>>
      %dma_start3A_777 = arith.constant 0 : i32
      %dma_start3A_778 = tpu.memref_slice %dma_start3A_776[%add3A_772, %dma_start3A_777] : memref<128x64xf32, #tpu.memory_space<vmem>> -> memref<1x64xf32, #tpu.memory_space<vmem>>
      %dma_start3A_779 = arith.constant 0 : i32
      %dma_start3A_780 = tpu.memref_slice %arg6[%squeeze3A_768, %dma_start3A_779] : memref<100000x64xf32, #tpu.memory_space<hbm>> -> memref<1x64xf32, #tpu.memory_space<hbm>>
      %dma_start3A_781 = arith.constant 0 : i32
      %dma_start3A_782 = arith.constant 0 : i32
      %dma_start3A_783 = tpu.memref_slice %arg11[%scan3A_105, %dma_start3A_781, %dma_start3A_782] : memref<7x128x64xf32, #tpu.memory_space<vmem>> -> memref<1x128x64xf32, #tpu.memory_space<vmem>>
      %dma_start3A_784 = tpu.memref_squeeze %dma_start3A_783 : memref<1x128x64xf32, #tpu.memory_space<vmem>> -> memref<128x64xf32, #tpu.memory_space<vmem>>
      %dma_start3A_785 = arith.constant 0 : i32
      %dma_start3A_786 = tpu.memref_slice %dma_start3A_784[%add3A_772, %dma_start3A_785] : memref<128x64xf32, #tpu.memory_space<vmem>> -> memref<1x64xf32, #tpu.memory_space<vmem>>
      %dma_start3A_787 = arith.constant 0 : i32
      %dma_start3A_788 = tpu.memref_slice %arg6[%squeeze3A_768, %dma_start3A_787] : memref<100000x64xf32, #tpu.memory_space<hbm>> -> memref<1x64xf32, #tpu.memory_space<hbm>>
      tpu.enqueue_dma source(%dma_start3A_788 : memref<1x64xf32, #tpu.memory_space<hbm>>) target(%dma_start3A_786 : memref<1x64xf32, #tpu.memory_space<vmem>>) target_semaphore(%arg16 : memref<!tpu.dma_semaphore, #tpu.memory_space<semaphore_mem>>)
    }
    %scan3A_110 = arith.constant 8 : i32
    %scan3A_111 = arith.constant 0 : i32
    %scan3A_112 = arith.constant 3 : i32
    %scan3A_113 = arith.constant 0 : i32
    %scan3A_114 = arith.constant 8 : i32
    %scan3A_115 = arith.addi %scan3A_113, %scan3A_114 : i32
    %scan3A_116 = arith.constant 1 : i32
    scf.for %scan3A_432 = %scan3A_113 to %scan3A_115 step %scan3A_116  : i32 {
      %mul3A_433 = arith.constant 16 : i32
      %mul3A_434 = arith.muli %scan3A_432, %mul3A_433 : i32
      %add3A_435 = arith.constant 128 : i32
      %add3A_436 = arith.addi %add3A_435, %mul3A_434 : i32
      %get3A = arith.index_cast %add3A_436 : i32 to index
      %get3A_437 = tpu.vector_load %arg10[%get3A] {strides = array<i32>} : memref<640xi32, #tpu.memory_space<vmem>>, vector<16xi32>,
      %get3A_438 = vector.shape_cast %get3A_437 : vector<16xi32> to vector<16xi32>
      %slice3A = vector.extract_strided_slice %get3A_438 {offsets = [0], sizes = [1], strides = [1]} : vector<16xi32> to vector<1xi32>
      %squeeze3A = vector.extract %slice3A[0] : i32 from vector<1xi32>
      %mul3A_439 = arith.constant 16 : i32
      %mul3A_440 = arith.muli %scan3A_432, %mul3A_439 : i32
      %add3A_441 = arith.constant 0 : i32
      %add3A_442 = arith.addi %mul3A_440, %add3A_441 : i32
      %dma_start3A_443 = arith.constant 0 : i32
      %dma_start3A_444 = arith.constant 0 : i32
      %dma_start3A_445 = tpu.memref_slice %arg11[%scan3A_112, %dma_start3A_443, %dma_start3A_444] : memref<7x128x64xf32, #tpu.memory_space<vmem>> -> memref<1x128x64xf32, #tpu.memory_space<vmem>>
      %dma_start3A_446 = tpu.memref_squeeze %dma_start3A_445 : memref<1x128x64xf32, #tpu.memory_space<vmem>> -> memref<128x64xf32, #tpu.memory_space<vmem>>
      %dma_start3A_447 = arith.constant 0 : i32
      %dma_start3A_448 = tpu.memref_slice %dma_start3A_446[%add3A_442, %dma_start3A_447] : memref<128x64xf32, #tpu.memory_space<vmem>> -> memref<1x64xf32, #tpu.memory_space<vmem>>
      %dma_start3A_449 = arith.constant 0 : i32
      %dma_start3A_450 = tpu.memref_slice %arg6[%squeeze3A, %dma_start3A_449] : memref<100000x64xf32, #tpu.memory_space<hbm>> -> memref<1x64xf32, #tpu.memory_space<hbm>>
      %dma_start3A_451 = arith.constant 0 : i32
      %dma_start3A_452 = arith.constant 0 : i32
      %dma_start3A_453 = tpu.memref_slice %arg11[%scan3A_112, %dma_start3A_451, %dma_start3A_452] : memref<7x128x64xf32, #tpu.memory_space<vmem>> -> memref<1x128x64xf32, #tpu.memory_space<vmem>>
      %dma_start3A_454 = tpu.memref_squeeze %dma_start3A_453 : memref<1x128x64xf32, #tpu.memory_space<vmem>> -> memref<128x64xf32, #tpu.memory_space<vmem>>
      %dma_start3A_455 = arith.constant 0 : i32
      %dma_start3A_456 = tpu.memref_slice %dma_start3A_454[%add3A_442, %dma_start3A_455] : memref<128x64xf32, #tpu.memory_space<vmem>> -> memref<1x64xf32, #tpu.memory_space<vmem>>
      %dma_start3A_457 = arith.constant 0 : i32
      %dma_start3A_458 = tpu.memref_slice %arg6[%squeeze3A, %dma_start3A_457] : memref<100000x64xf32, #tpu.memory_space<hbm>> -> memref<1x64xf32, #tpu.memory_space<hbm>>
      tpu.enqueue_dma source(%dma_start3A_458 : memref<1x64xf32, #tpu.memory_space<hbm>>) target(%dma_start3A_456 : memref<1x64xf32, #tpu.memory_space<vmem>>) target_semaphore(%arg17 : memref<!tpu.dma_semaphore, #tpu.memory_space<semaphore_mem>>)
      %slice3A_459 = vector.extract_strided_slice %get3A_438 {offsets = [1], sizes = [1], strides = [1]} : vector<16xi32> to vector<1xi32>
      %squeeze3A_460 = vector.extract %slice3A_459[0] : i32 from vector<1xi32>
      %mul3A_461 = arith.constant 16 : i32
      %mul3A_462 = arith.muli %scan3A_432, %mul3A_461 : i32
      %add3A_463 = arith.constant 1 : i32
      %add3A_464 = arith.addi %mul3A_462, %add3A_463 : i32
      %dma_start3A_465 = arith.constant 0 : i32
      %dma_start3A_466 = arith.constant 0 : i32
      %dma_start3A_467 = tpu.memref_slice %arg11[%scan3A_112, %dma_start3A_465, %dma_start3A_466] : memref<7x128x64xf32, #tpu.memory_space<vmem>> -> memref<1x128x64xf32, #tpu.memory_space<vmem>>
      %dma_start3A_468 = tpu.memref_squeeze %dma_start3A_467 : memref<1x128x64xf32, #tpu.memory_space<vmem>> -> memref<128x64xf32, #tpu.memory_space<vmem>>
      %dma_start3A_469 = arith.constant 0 : i32
      %dma_start3A_470 = tpu.memref_slice %dma_start3A_468[%add3A_464, %dma_start3A_469] : memref<128x64xf32, #tpu.memory_space<vmem>> -> memref<1x64xf32, #tpu.memory_space<vmem>>
      %dma_start3A_471 = arith.constant 0 : i32
      %dma_start3A_472 = tpu.memref_slice %arg6[%squeeze3A_460, %dma_start3A_471] : memref<100000x64xf32, #tpu.memory_space<hbm>> -> memref<1x64xf32, #tpu.memory_space<hbm>>
      %dma_start3A_473 = arith.constant 0 : i32
      %dma_start3A_474 = arith.constant 0 : i32
      %dma_start3A_475 = tpu.memref_slice %arg11[%scan3A_112, %dma_start3A_473, %dma_start3A_474] : memref<7x128x64xf32, #tpu.memory_space<vmem>> -> memref<1x128x64xf32, #tpu.memory_space<vmem>>
      %dma_start3A_476 = tpu.memref_squeeze %dma_start3A_475 : memref<1x128x64xf32, #tpu.memory_space<vmem>> -> memref<128x64xf32, #tpu.memory_space<vmem>>
      %dma_start3A_477 = arith.constant 0 : i32
      %dma_start3A_478 = tpu.memref_slice %dma_start3A_476[%add3A_464, %dma_start3A_477] : memref<128x64xf32, #tpu.memory_space<vmem>> -> memref<1x64xf32, #tpu.memory_space<vmem>>
      %dma_start3A_479 = arith.constant 0 : i32
      %dma_start3A_480 = tpu.memref_slice %arg6[%squeeze3A_460, %dma_start3A_479] : memref<100000x64xf32, #tpu.memory_space<hbm>> -> memref<1x64xf32, #tpu.memory_space<hbm>>
      tpu.enqueue_dma source(%dma_start3A_480 : memref<1x64xf32, #tpu.memory_space<hbm>>) target(%dma_start3A_478 : memref<1x64xf32, #tpu.memory_space<vmem>>) target_semaphore(%arg17 : memref<!tpu.dma_semaphore, #tpu.memory_space<semaphore_mem>>)
      %slice3A_481 = vector.extract_strided_slice %get3A_438 {offsets = [2], sizes = [1], strides = [1]} : vector<16xi32> to vector<1xi32>
      %squeeze3A_482 = vector.extract %slice3A_481[0] : i32 from vector<1xi32>
      %mul3A_483 = arith.constant 16 : i32
      %mul3A_484 = arith.muli %scan3A_432, %mul3A_483 : i32
      %add3A_485 = arith.constant 2 : i32
      %add3A_486 = arith.addi %mul3A_484, %add3A_485 : i32
      %dma_start3A_487 = arith.constant 0 : i32
      %dma_start3A_488 = arith.constant 0 : i32
      %dma_start3A_489 = tpu.memref_slice %arg11[%scan3A_112, %dma_start3A_487, %dma_start3A_488] : memref<7x128x64xf32, #tpu.memory_space<vmem>> -> memref<1x128x64xf32, #tpu.memory_space<vmem>>
      %dma_start3A_490 = tpu.memref_squeeze %dma_start3A_489 : memref<1x128x64xf32, #tpu.memory_space<vmem>> -> memref<128x64xf32, #tpu.memory_space<vmem>>
      %dma_start3A_491 = arith.constant 0 : i32
      %dma_start3A_492 = tpu.memref_slice %dma_start3A_490[%add3A_486, %dma_start3A_491] : memref<128x64xf32, #tpu.memory_space<vmem>> -> memref<1x64xf32, #tpu.memory_space<vmem>>
      %dma_start3A_493 = arith.constant 0 : i32
      %dma_start3A_494 = tpu.memref_slice %arg6[%squeeze3A_482, %dma_start3A_493] : memref<100000x64xf32, #tpu.memory_space<hbm>> -> memref<1x64xf32, #tpu.memory_space<hbm>>
      %dma_start3A_495 = arith.constant 0 : i32
      %dma_start3A_496 = arith.constant 0 : i32
      %dma_start3A_497 = tpu.memref_slice %arg11[%scan3A_112, %dma_start3A_495, %dma_start3A_496] : memref<7x128x64xf32, #tpu.memory_space<vmem>> -> memref<1x128x64xf32, #tpu.memory_space<vmem>>
      %dma_start3A_498 = tpu.memref_squeeze %dma_start3A_497 : memref<1x128x64xf32, #tpu.memory_space<vmem>> -> memref<128x64xf32, #tpu.memory_space<vmem>>
      %dma_start3A_499 = arith.constant 0 : i32
      %dma_start3A_500 = tpu.memref_slice %dma_start3A_498[%add3A_486, %dma_start3A_499] : memref<128x64xf32, #tpu.memory_space<vmem>> -> memref<1x64xf32, #tpu.memory_space<vmem>>
      %dma_start3A_501 = arith.constant 0 : i32
      %dma_start3A_502 = tpu.memref_slice %arg6[%squeeze3A_482, %dma_start3A_501] : memref<100000x64xf32, #tpu.memory_space<hbm>> -> memref<1x64xf32, #tpu.memory_space<hbm>>
      tpu.enqueue_dma source(%dma_start3A_502 : memref<1x64xf32, #tpu.memory_space<hbm>>) target(%dma_start3A_500 : memref<1x64xf32, #tpu.memory_space<vmem>>) target_semaphore(%arg17 : memref<!tpu.dma_semaphore, #tpu.memory_space<semaphore_mem>>)
      %slice3A_503 = vector.extract_strided_slice %get3A_438 {offsets = [3], sizes = [1], strides = [1]} : vector<16xi32> to vector<1xi32>
      %squeeze3A_504 = vector.extract %slice3A_503[0] : i32 from vector<1xi32>
      %mul3A_505 = arith.constant 16 : i32
      %mul3A_506 = arith.muli %scan3A_432, %mul3A_505 : i32
      %add3A_507 = arith.constant 3 : i32
      %add3A_508 = arith.addi %mul3A_506, %add3A_507 : i32
      %dma_start3A_509 = arith.constant 0 : i32
      %dma_start3A_510 = arith.constant 0 : i32
      %dma_start3A_511 = tpu.memref_slice %arg11[%scan3A_112, %dma_start3A_509, %dma_start3A_510] : memref<7x128x64xf32, #tpu.memory_space<vmem>> -> memref<1x128x64xf32, #tpu.memory_space<vmem>>
      %dma_start3A_512 = tpu.memref_squeeze %dma_start3A_511 : memref<1x128x64xf32, #tpu.memory_space<vmem>> -> memref<128x64xf32, #tpu.memory_space<vmem>>
      %dma_start3A_513 = arith.constant 0 : i32
      %dma_start3A_514 = tpu.memref_slice %dma_start3A_512[%add3A_508, %dma_start3A_513] : memref<128x64xf32, #tpu.memory_space<vmem>> -> memref<1x64xf32, #tpu.memory_space<vmem>>
      %dma_start3A_515 = arith.constant 0 : i32
      %dma_start3A_516 = tpu.memref_slice %arg6[%squeeze3A_504, %dma_start3A_515] : memref<100000x64xf32, #tpu.memory_space<hbm>> -> memref<1x64xf32, #tpu.memory_space<hbm>>
      %dma_start3A_517 = arith.constant 0 : i32
      %dma_start3A_518 = arith.constant 0 : i32
      %dma_start3A_519 = tpu.memref_slice %arg11[%scan3A_112, %dma_start3A_517, %dma_start3A_518] : memref<7x128x64xf32, #tpu.memory_space<vmem>> -> memref<1x128x64xf32, #tpu.memory_space<vmem>>
      %dma_start3A_520 = tpu.memref_squeeze %dma_start3A_519 : memref<1x128x64xf32, #tpu.memory_space<vmem>> -> memref<128x64xf32, #tpu.memory_space<vmem>>
      %dma_start3A_521 = arith.constant 0 : i32
      %dma_start3A_522 = tpu.memref_slice %dma_start3A_520[%add3A_508, %dma_start3A_521] : memref<128x64xf32, #tpu.memory_space<vmem>> -> memref<1x64xf32, #tpu.memory_space<vmem>>
      %dma_start3A_523 = arith.constant 0 : i32
      %dma_start3A_524 = tpu.memref_slice %arg6[%squeeze3A_504, %dma_start3A_523] : memref<100000x64xf32, #tpu.memory_space<hbm>> -> memref<1x64xf32, #tpu.memory_space<hbm>>
      tpu.enqueue_dma source(%dma_start3A_524 : memref<1x64xf32, #tpu.memory_space<hbm>>) target(%dma_start3A_522 : memref<1x64xf32, #tpu.memory_space<vmem>>) target_semaphore(%arg17 : memref<!tpu.dma_semaphore, #tpu.memory_space<semaphore_mem>>)
      %slice3A_525 = vector.extract_strided_slice %get3A_438 {offsets = [4], sizes = [1], strides = [1]} : vector<16xi32> to vector<1xi32>
      %squeeze3A_526 = vector.extract %slice3A_525[0] : i32 from vector<1xi32>
      %mul3A_527 = arith.constant 16 : i32
      %mul3A_528 = arith.muli %scan3A_432, %mul3A_527 : i32
      %add3A_529 = arith.constant 4 : i32
      %add3A_530 = arith.addi %mul3A_528, %add3A_529 : i32
      %dma_start3A_531 = arith.constant 0 : i32
      %dma_start3A_532 = arith.constant 0 : i32
      %dma_start3A_533 = tpu.memref_slice %arg11[%scan3A_112, %dma_start3A_531, %dma_start3A_532] : memref<7x128x64xf32, #tpu.memory_space<vmem>> -> memref<1x128x64xf32, #tpu.memory_space<vmem>>
      %dma_start3A_534 = tpu.memref_squeeze %dma_start3A_533 : memref<1x128x64xf32, #tpu.memory_space<vmem>> -> memref<128x64xf32, #tpu.memory_space<vmem>>
      %dma_start3A_535 = arith.constant 0 : i32
      %dma_start3A_536 = tpu.memref_slice %dma_start3A_534[%add3A_530, %dma_start3A_535] : memref<128x64xf32, #tpu.memory_space<vmem>> -> memref<1x64xf32, #tpu.memory_space<vmem>>
      %dma_start3A_537 = arith.constant 0 : i32
      %dma_start3A_538 = tpu.memref_slice %arg6[%squeeze3A_526, %dma_start3A_537] : memref<100000x64xf32, #tpu.memory_space<hbm>> -> memref<1x64xf32, #tpu.memory_space<hbm>>
      %dma_start3A_539 = arith.constant 0 : i32
      %dma_start3A_540 = arith.constant 0 : i32
      %dma_start3A_541 = tpu.memref_slice %arg11[%scan3A_112, %dma_start3A_539, %dma_start3A_540] : memref<7x128x64xf32, #tpu.memory_space<vmem>> -> memref<1x128x64xf32, #tpu.memory_space<vmem>>
      %dma_start3A_542 = tpu.memref_squeeze %dma_start3A_541 : memref<1x128x64xf32, #tpu.memory_space<vmem>> -> memref<128x64xf32, #tpu.memory_space<vmem>>
      %dma_start3A_543 = arith.constant 0 : i32
      %dma_start3A_544 = tpu.memref_slice %dma_start3A_542[%add3A_530, %dma_start3A_543] : memref<128x64xf32, #tpu.memory_space<vmem>> -> memref<1x64xf32, #tpu.memory_space<vmem>>
      %dma_start3A_545 = arith.constant 0 : i32
      %dma_start3A_546 = tpu.memref_slice %arg6[%squeeze3A_526, %dma_start3A_545] : memref<100000x64xf32, #tpu.memory_space<hbm>> -> memref<1x64xf32, #tpu.memory_space<hbm>>
      tpu.enqueue_dma source(%dma_start3A_546 : memref<1x64xf32, #tpu.memory_space<hbm>>) target(%dma_start3A_544 : memref<1x64xf32, #tpu.memory_space<vmem>>) target_semaphore(%arg17 : memref<!tpu.dma_semaphore, #tpu.memory_space<semaphore_mem>>)
      %slice3A_547 = vector.extract_strided_slice %get3A_438 {offsets = [5], sizes = [1], strides = [1]} : vector<16xi32> to vector<1xi32>
      %squeeze3A_548 = vector.extract %slice3A_547[0] : i32 from vector<1xi32>
      %mul3A_549 = arith.constant 16 : i32
      %mul3A_550 = arith.muli %scan3A_432, %mul3A_549 : i32
      %add3A_551 = arith.constant 5 : i32
      %add3A_552 = arith.addi %mul3A_550, %add3A_551 : i32
      %dma_start3A_553 = arith.constant 0 : i32
      %dma_start3A_554 = arith.constant 0 : i32
      %dma_start3A_555 = tpu.memref_slice %arg11[%scan3A_112, %dma_start3A_553, %dma_start3A_554] : memref<7x128x64xf32, #tpu.memory_space<vmem>> -> memref<1x128x64xf32, #tpu.memory_space<vmem>>
      %dma_start3A_556 = tpu.memref_squeeze %dma_start3A_555 : memref<1x128x64xf32, #tpu.memory_space<vmem>> -> memref<128x64xf32, #tpu.memory_space<vmem>>
      %dma_start3A_557 = arith.constant 0 : i32
      %dma_start3A_558 = tpu.memref_slice %dma_start3A_556[%add3A_552, %dma_start3A_557] : memref<128x64xf32, #tpu.memory_space<vmem>> -> memref<1x64xf32, #tpu.memory_space<vmem>>
      %dma_start3A_559 = arith.constant 0 : i32
      %dma_start3A_560 = tpu.memref_slice %arg6[%squeeze3A_548, %dma_start3A_559] : memref<100000x64xf32, #tpu.memory_space<hbm>> -> memref<1x64xf32, #tpu.memory_space<hbm>>
      %dma_start3A_561 = arith.constant 0 : i32
      %dma_start3A_562 = arith.constant 0 : i32
      %dma_start3A_563 = tpu.memref_slice %arg11[%scan3A_112, %dma_start3A_561, %dma_start3A_562] : memref<7x128x64xf32, #tpu.memory_space<vmem>> -> memref<1x128x64xf32, #tpu.memory_space<vmem>>
      %dma_start3A_564 = tpu.memref_squeeze %dma_start3A_563 : memref<1x128x64xf32, #tpu.memory_space<vmem>> -> memref<128x64xf32, #tpu.memory_space<vmem>>
      %dma_start3A_565 = arith.constant 0 : i32
      %dma_start3A_566 = tpu.memref_slice %dma_start3A_564[%add3A_552, %dma_start3A_565] : memref<128x64xf32, #tpu.memory_space<vmem>> -> memref<1x64xf32, #tpu.memory_space<vmem>>
      %dma_start3A_567 = arith.constant 0 : i32
      %dma_start3A_568 = tpu.memref_slice %arg6[%squeeze3A_548, %dma_start3A_567] : memref<100000x64xf32, #tpu.memory_space<hbm>> -> memref<1x64xf32, #tpu.memory_space<hbm>>
      tpu.enqueue_dma source(%dma_start3A_568 : memref<1x64xf32, #tpu.memory_space<hbm>>) target(%dma_start3A_566 : memref<1x64xf32, #tpu.memory_space<vmem>>) target_semaphore(%arg17 : memref<!tpu.dma_semaphore, #tpu.memory_space<semaphore_mem>>)
      %slice3A_569 = vector.extract_strided_slice %get3A_438 {offsets = [6], sizes = [1], strides = [1]} : vector<16xi32> to vector<1xi32>
      %squeeze3A_570 = vector.extract %slice3A_569[0] : i32 from vector<1xi32>
      %mul3A_571 = arith.constant 16 : i32
      %mul3A_572 = arith.muli %scan3A_432, %mul3A_571 : i32
      %add3A_573 = arith.constant 6 : i32
      %add3A_574 = arith.addi %mul3A_572, %add3A_573 : i32
      %dma_start3A_575 = arith.constant 0 : i32
      %dma_start3A_576 = arith.constant 0 : i32
      %dma_start3A_577 = tpu.memref_slice %arg11[%scan3A_112, %dma_start3A_575, %dma_start3A_576] : memref<7x128x64xf32, #tpu.memory_space<vmem>> -> memref<1x128x64xf32, #tpu.memory_space<vmem>>
      %dma_start3A_578 = tpu.memref_squeeze %dma_start3A_577 : memref<1x128x64xf32, #tpu.memory_space<vmem>> -> memref<128x64xf32, #tpu.memory_space<vmem>>
      %dma_start3A_579 = arith.constant 0 : i32
      %dma_start3A_580 = tpu.memref_slice %dma_start3A_578[%add3A_574, %dma_start3A_579] : memref<128x64xf32, #tpu.memory_space<vmem>> -> memref<1x64xf32, #tpu.memory_space<vmem>>
      %dma_start3A_581 = arith.constant 0 : i32
      %dma_start3A_582 = tpu.memref_slice %arg6[%squeeze3A_570, %dma_start3A_581] : memref<100000x64xf32, #tpu.memory_space<hbm>> -> memref<1x64xf32, #tpu.memory_space<hbm>>
      %dma_start3A_583 = arith.constant 0 : i32
      %dma_start3A_584 = arith.constant 0 : i32
      %dma_start3A_585 = tpu.memref_slice %arg11[%scan3A_112, %dma_start3A_583, %dma_start3A_584] : memref<7x128x64xf32, #tpu.memory_space<vmem>> -> memref<1x128x64xf32, #tpu.memory_space<vmem>>
      %dma_start3A_586 = tpu.memref_squeeze %dma_start3A_585 : memref<1x128x64xf32, #tpu.memory_space<vmem>> -> memref<128x64xf32, #tpu.memory_space<vmem>>
      %dma_start3A_587 = arith.constant 0 : i32
      %dma_start3A_588 = tpu.memref_slice %dma_start3A_586[%add3A_574, %dma_start3A_587] : memref<128x64xf32, #tpu.memory_space<vmem>> -> memref<1x64xf32, #tpu.memory_space<vmem>>
      %dma_start3A_589 = arith.constant 0 : i32
      %dma_start3A_590 = tpu.memref_slice %arg6[%squeeze3A_570, %dma_start3A_589] : memref<100000x64xf32, #tpu.memory_space<hbm>> -> memref<1x64xf32, #tpu.memory_space<hbm>>
      tpu.enqueue_dma source(%dma_start3A_590 : memref<1x64xf32, #tpu.memory_space<hbm>>) target(%dma_start3A_588 : memref<1x64xf32, #tpu.memory_space<vmem>>) target_semaphore(%arg17 : memref<!tpu.dma_semaphore, #tpu.memory_space<semaphore_mem>>)
      %slice3A_591 = vector.extract_strided_slice %get3A_438 {offsets = [7], sizes = [1], strides = [1]} : vector<16xi32> to vector<1xi32>
      %squeeze3A_592 = vector.extract %slice3A_591[0] : i32 from vector<1xi32>
      %mul3A_593 = arith.constant 16 : i32
      %mul3A_594 = arith.muli %scan3A_432, %mul3A_593 : i32
      %add3A_595 = arith.constant 7 : i32
      %add3A_596 = arith.addi %mul3A_594, %add3A_595 : i32
      %dma_start3A_597 = arith.constant 0 : i32
      %dma_start3A_598 = arith.constant 0 : i32
      %dma_start3A_599 = tpu.memref_slice %arg11[%scan3A_112, %dma_start3A_597, %dma_start3A_598] : memref<7x128x64xf32, #tpu.memory_space<vmem>> -> memref<1x128x64xf32, #tpu.memory_space<vmem>>
      %dma_start3A_600 = tpu.memref_squeeze %dma_start3A_599 : memref<1x128x64xf32, #tpu.memory_space<vmem>> -> memref<128x64xf32, #tpu.memory_space<vmem>>
      %dma_start3A_601 = arith.constant 0 : i32
      %dma_start3A_602 = tpu.memref_slice %dma_start3A_600[%add3A_596, %dma_start3A_601] : memref<128x64xf32, #tpu.memory_space<vmem>> -> memref<1x64xf32, #tpu.memory_space<vmem>>
      %dma_start3A_603 = arith.constant 0 : i32
      %dma_start3A_604 = tpu.memref_slice %arg6[%squeeze3A_592, %dma_start3A_603] : memref<100000x64xf32, #tpu.memory_space<hbm>> -> memref<1x64xf32, #tpu.memory_space<hbm>>
      %dma_start3A_605 = arith.constant 0 : i32
      %dma_start3A_606 = arith.constant 0 : i32
      %dma_start3A_607 = tpu.memref_slice %arg11[%scan3A_112, %dma_start3A_605, %dma_start3A_606] : memref<7x128x64xf32, #tpu.memory_space<vmem>> -> memref<1x128x64xf32, #tpu.memory_space<vmem>>
      %dma_start3A_608 = tpu.memref_squeeze %dma_start3A_607 : memref<1x128x64xf32, #tpu.memory_space<vmem>> -> memref<128x64xf32, #tpu.memory_space<vmem>>
      %dma_start3A_609 = arith.constant 0 : i32
      %dma_start3A_610 = tpu.memref_slice %dma_start3A_608[%add3A_596, %dma_start3A_609] : memref<128x64xf32, #tpu.memory_space<vmem>> -> memref<1x64xf32, #tpu.memory_space<vmem>>
      %dma_start3A_611 = arith.constant 0 : i32
      %dma_start3A_612 = tpu.memref_slice %arg6[%squeeze3A_592, %dma_start3A_611] : memref<100000x64xf32, #tpu.memory_space<hbm>> -> memref<1x64xf32, #tpu.memory_space<hbm>>
      tpu.enqueue_dma source(%dma_start3A_612 : memref<1x64xf32, #tpu.memory_space<hbm>>) target(%dma_start3A_610 : memref<1x64xf32, #tpu.memory_space<vmem>>) target_semaphore(%arg17 : memref<!tpu.dma_semaphore, #tpu.memory_space<semaphore_mem>>)
      %slice3A_613 = vector.extract_strided_slice %get3A_438 {offsets = [8], sizes = [1], strides = [1]} : vector<16xi32> to vector<1xi32>
      %squeeze3A_614 = vector.extract %slice3A_613[0] : i32 from vector<1xi32>
      %mul3A_615 = arith.constant 16 : i32
      %mul3A_616 = arith.muli %scan3A_432, %mul3A_615 : i32
      %add3A_617 = arith.constant 8 : i32
      %add3A_618 = arith.addi %mul3A_616, %add3A_617 : i32
      %dma_start3A_619 = arith.constant 0 : i32
      %dma_start3A_620 = arith.constant 0 : i32
      %dma_start3A_621 = tpu.memref_slice %arg11[%scan3A_112, %dma_start3A_619, %dma_start3A_620] : memref<7x128x64xf32, #tpu.memory_space<vmem>> -> memref<1x128x64xf32, #tpu.memory_space<vmem>>
      %dma_start3A_622 = tpu.memref_squeeze %dma_start3A_621 : memref<1x128x64xf32, #tpu.memory_space<vmem>> -> memref<128x64xf32, #tpu.memory_space<vmem>>
      %dma_start3A_623 = arith.constant 0 : i32
      %dma_start3A_624 = tpu.memref_slice %dma_start3A_622[%add3A_618, %dma_start3A_623] : memref<128x64xf32, #tpu.memory_space<vmem>> -> memref<1x64xf32, #tpu.memory_space<vmem>>
      %dma_start3A_625 = arith.constant 0 : i32
      %dma_start3A_626 = tpu.memref_slice %arg6[%squeeze3A_614, %dma_start3A_625] : memref<100000x64xf32, #tpu.memory_space<hbm>> -> memref<1x64xf32, #tpu.memory_space<hbm>>
      %dma_start3A_627 = arith.constant 0 : i32
      %dma_start3A_628 = arith.constant 0 : i32
      %dma_start3A_629 = tpu.memref_slice %arg11[%scan3A_112, %dma_start3A_627, %dma_start3A_628] : memref<7x128x64xf32, #tpu.memory_space<vmem>> -> memref<1x128x64xf32, #tpu.memory_space<vmem>>
      %dma_start3A_630 = tpu.memref_squeeze %dma_start3A_629 : memref<1x128x64xf32, #tpu.memory_space<vmem>> -> memref<128x64xf32, #tpu.memory_space<vmem>>
      %dma_start3A_631 = arith.constant 0 : i32
      %dma_start3A_632 = tpu.memref_slice %dma_start3A_630[%add3A_618, %dma_start3A_631] : memref<128x64xf32, #tpu.memory_space<vmem>> -> memref<1x64xf32, #tpu.memory_space<vmem>>
      %dma_start3A_633 = arith.constant 0 : i32
      %dma_start3A_634 = tpu.memref_slice %arg6[%squeeze3A_614, %dma_start3A_633] : memref<100000x64xf32, #tpu.memory_space<hbm>> -> memref<1x64xf32, #tpu.memory_space<hbm>>
      tpu.enqueue_dma source(%dma_start3A_634 : memref<1x64xf32, #tpu.memory_space<hbm>>) target(%dma_start3A_632 : memref<1x64xf32, #tpu.memory_space<vmem>>) target_semaphore(%arg17 : memref<!tpu.dma_semaphore, #tpu.memory_space<semaphore_mem>>)
      %slice3A_635 = vector.extract_strided_slice %get3A_438 {offsets = [9], sizes = [1], strides = [1]} : vector<16xi32> to vector<1xi32>
      %squeeze3A_636 = vector.extract %slice3A_635[0] : i32 from vector<1xi32>
      %mul3A_637 = arith.constant 16 : i32
      %mul3A_638 = arith.muli %scan3A_432, %mul3A_637 : i32
      %add3A_639 = arith.constant 9 : i32
      %add3A_640 = arith.addi %mul3A_638, %add3A_639 : i32
      %dma_start3A_641 = arith.constant 0 : i32
      %dma_start3A_642 = arith.constant 0 : i32
      %dma_start3A_643 = tpu.memref_slice %arg11[%scan3A_112, %dma_start3A_641, %dma_start3A_642] : memref<7x128x64xf32, #tpu.memory_space<vmem>> -> memref<1x128x64xf32, #tpu.memory_space<vmem>>
      %dma_start3A_644 = tpu.memref_squeeze %dma_start3A_643 : memref<1x128x64xf32, #tpu.memory_space<vmem>> -> memref<128x64xf32, #tpu.memory_space<vmem>>
      %dma_start3A_645 = arith.constant 0 : i32
      %dma_start3A_646 = tpu.memref_slice %dma_start3A_644[%add3A_640, %dma_start3A_645] : memref<128x64xf32, #tpu.memory_space<vmem>> -> memref<1x64xf32, #tpu.memory_space<vmem>>
      %dma_start3A_647 = arith.constant 0 : i32
      %dma_start3A_648 = tpu.memref_slice %arg6[%squeeze3A_636, %dma_start3A_647] : memref<100000x64xf32, #tpu.memory_space<hbm>> -> memref<1x64xf32, #tpu.memory_space<hbm>>
      %dma_start3A_649 = arith.constant 0 : i32
      %dma_start3A_650 = arith.constant 0 : i32
      %dma_start3A_651 = tpu.memref_slice %arg11[%scan3A_112, %dma_start3A_649, %dma_start3A_650] : memref<7x128x64xf32, #tpu.memory_space<vmem>> -> memref<1x128x64xf32, #tpu.memory_space<vmem>>
      %dma_start3A_652 = tpu.memref_squeeze %dma_start3A_651 : memref<1x128x64xf32, #tpu.memory_space<vmem>> -> memref<128x64xf32, #tpu.memory_space<vmem>>
      %dma_start3A_653 = arith.constant 0 : i32
      %dma_start3A_654 = tpu.memref_slice %dma_start3A_652[%add3A_640, %dma_start3A_653] : memref<128x64xf32, #tpu.memory_space<vmem>> -> memref<1x64xf32, #tpu.memory_space<vmem>>
      %dma_start3A_655 = arith.constant 0 : i32
      %dma_start3A_656 = tpu.memref_slice %arg6[%squeeze3A_636, %dma_start3A_655] : memref<100000x64xf32, #tpu.memory_space<hbm>> -> memref<1x64xf32, #tpu.memory_space<hbm>>
      tpu.enqueue_dma source(%dma_start3A_656 : memref<1x64xf32, #tpu.memory_space<hbm>>) target(%dma_start3A_654 : memref<1x64xf32, #tpu.memory_space<vmem>>) target_semaphore(%arg17 : memref<!tpu.dma_semaphore, #tpu.memory_space<semaphore_mem>>)
      %slice3A_657 = vector.extract_strided_slice %get3A_438 {offsets = [10], sizes = [1], strides = [1]} : vector<16xi32> to vector<1xi32>
      %squeeze3A_658 = vector.extract %slice3A_657[0] : i32 from vector<1xi32>
      %mul3A_659 = arith.constant 16 : i32
      %mul3A_660 = arith.muli %scan3A_432, %mul3A_659 : i32
      %add3A_661 = arith.constant 10 : i32
      %add3A_662 = arith.addi %mul3A_660, %add3A_661 : i32
      %dma_start3A_663 = arith.constant 0 : i32
      %dma_start3A_664 = arith.constant 0 : i32
      %dma_start3A_665 = tpu.memref_slice %arg11[%scan3A_112, %dma_start3A_663, %dma_start3A_664] : memref<7x128x64xf32, #tpu.memory_space<vmem>> -> memref<1x128x64xf32, #tpu.memory_space<vmem>>
      %dma_start3A_666 = tpu.memref_squeeze %dma_start3A_665 : memref<1x128x64xf32, #tpu.memory_space<vmem>> -> memref<128x64xf32, #tpu.memory_space<vmem>>
      %dma_start3A_667 = arith.constant 0 : i32
      %dma_start3A_668 = tpu.memref_slice %dma_start3A_666[%add3A_662, %dma_start3A_667] : memref<128x64xf32, #tpu.memory_space<vmem>> -> memref<1x64xf32, #tpu.memory_space<vmem>>
      %dma_start3A_669 = arith.constant 0 : i32
      %dma_start3A_670 = tpu.memref_slice %arg6[%squeeze3A_658, %dma_start3A_669] : memref<100000x64xf32, #tpu.memory_space<hbm>> -> memref<1x64xf32, #tpu.memory_space<hbm>>
      %dma_start3A_671 = arith.constant 0 : i32
      %dma_start3A_672 = arith.constant 0 : i32
      %dma_start3A_673 = tpu.memref_slice %arg11[%scan3A_112, %dma_start3A_671, %dma_start3A_672] : memref<7x128x64xf32, #tpu.memory_space<vmem>> -> memref<1x128x64xf32, #tpu.memory_space<vmem>>
      %dma_start3A_674 = tpu.memref_squeeze %dma_start3A_673 : memref<1x128x64xf32, #tpu.memory_space<vmem>> -> memref<128x64xf32, #tpu.memory_space<vmem>>
      %dma_start3A_675 = arith.constant 0 : i32
      %dma_start3A_676 = tpu.memref_slice %dma_start3A_674[%add3A_662, %dma_start3A_675] : memref<128x64xf32, #tpu.memory_space<vmem>> -> memref<1x64xf32, #tpu.memory_space<vmem>>
      %dma_start3A_677 = arith.constant 0 : i32
      %dma_start3A_678 = tpu.memref_slice %arg6[%squeeze3A_658, %dma_start3A_677] : memref<100000x64xf32, #tpu.memory_space<hbm>> -> memref<1x64xf32, #tpu.memory_space<hbm>>
      tpu.enqueue_dma source(%dma_start3A_678 : memref<1x64xf32, #tpu.memory_space<hbm>>) target(%dma_start3A_676 : memref<1x64xf32, #tpu.memory_space<vmem>>) target_semaphore(%arg17 : memref<!tpu.dma_semaphore, #tpu.memory_space<semaphore_mem>>)
      %slice3A_679 = vector.extract_strided_slice %get3A_438 {offsets = [11], sizes = [1], strides = [1]} : vector<16xi32> to vector<1xi32>
      %squeeze3A_680 = vector.extract %slice3A_679[0] : i32 from vector<1xi32>
      %mul3A_681 = arith.constant 16 : i32
      %mul3A_682 = arith.muli %scan3A_432, %mul3A_681 : i32
      %add3A_683 = arith.constant 11 : i32
      %add3A_684 = arith.addi %mul3A_682, %add3A_683 : i32
      %dma_start3A_685 = arith.constant 0 : i32
      %dma_start3A_686 = arith.constant 0 : i32
      %dma_start3A_687 = tpu.memref_slice %arg11[%scan3A_112, %dma_start3A_685, %dma_start3A_686] : memref<7x128x64xf32, #tpu.memory_space<vmem>> -> memref<1x128x64xf32, #tpu.memory_space<vmem>>
      %dma_start3A_688 = tpu.memref_squeeze %dma_start3A_687 : memref<1x128x64xf32, #tpu.memory_space<vmem>> -> memref<128x64xf32, #tpu.memory_space<vmem>>
      %dma_start3A_689 = arith.constant 0 : i32
      %dma_start3A_690 = tpu.memref_slice %dma_start3A_688[%add3A_684, %dma_start3A_689] : memref<128x64xf32, #tpu.memory_space<vmem>> -> memref<1x64xf32, #tpu.memory_space<vmem>>
      %dma_start3A_691 = arith.constant 0 : i32
      %dma_start3A_692 = tpu.memref_slice %arg6[%squeeze3A_680, %dma_start3A_691] : memref<100000x64xf32, #tpu.memory_space<hbm>> -> memref<1x64xf32, #tpu.memory_space<hbm>>
      %dma_start3A_693 = arith.constant 0 : i32
      %dma_start3A_694 = arith.constant 0 : i32
      %dma_start3A_695 = tpu.memref_slice %arg11[%scan3A_112, %dma_start3A_693, %dma_start3A_694] : memref<7x128x64xf32, #tpu.memory_space<vmem>> -> memref<1x128x64xf32, #tpu.memory_space<vmem>>
      %dma_start3A_696 = tpu.memref_squeeze %dma_start3A_695 : memref<1x128x64xf32, #tpu.memory_space<vmem>> -> memref<128x64xf32, #tpu.memory_space<vmem>>
      %dma_start3A_697 = arith.constant 0 : i32
      %dma_start3A_698 = tpu.memref_slice %dma_start3A_696[%add3A_684, %dma_start3A_697] : memref<128x64xf32, #tpu.memory_space<vmem>> -> memref<1x64xf32, #tpu.memory_space<vmem>>
      %dma_start3A_699 = arith.constant 0 : i32
      %dma_start3A_700 = tpu.memref_slice %arg6[%squeeze3A_680, %dma_start3A_699] : memref<100000x64xf32, #tpu.memory_space<hbm>> -> memref<1x64xf32, #tpu.memory_space<hbm>>
      tpu.enqueue_dma source(%dma_start3A_700 : memref<1x64xf32, #tpu.memory_space<hbm>>) target(%dma_start3A_698 : memref<1x64xf32, #tpu.memory_space<vmem>>) target_semaphore(%arg17 : memref<!tpu.dma_semaphore, #tpu.memory_space<semaphore_mem>>)
      %slice3A_701 = vector.extract_strided_slice %get3A_438 {offsets = [12], sizes = [1], strides = [1]} : vector<16xi32> to vector<1xi32>
      %squeeze3A_702 = vector.extract %slice3A_701[0] : i32 from vector<1xi32>
      %mul3A_703 = arith.constant 16 : i32
      %mul3A_704 = arith.muli %scan3A_432, %mul3A_703 : i32
      %add3A_705 = arith.constant 12 : i32
      %add3A_706 = arith.addi %mul3A_704, %add3A_705 : i32
      %dma_start3A_707 = arith.constant 0 : i32
      %dma_start3A_708 = arith.constant 0 : i32
      %dma_start3A_709 = tpu.memref_slice %arg11[%scan3A_112, %dma_start3A_707, %dma_start3A_708] : memref<7x128x64xf32, #tpu.memory_space<vmem>> -> memref<1x128x64xf32, #tpu.memory_space<vmem>>
      %dma_start3A_710 = tpu.memref_squeeze %dma_start3A_709 : memref<1x128x64xf32, #tpu.memory_space<vmem>> -> memref<128x64xf32, #tpu.memory_space<vmem>>
      %dma_start3A_711 = arith.constant 0 : i32
      %dma_start3A_712 = tpu.memref_slice %dma_start3A_710[%add3A_706, %dma_start3A_711] : memref<128x64xf32, #tpu.memory_space<vmem>> -> memref<1x64xf32, #tpu.memory_space<vmem>>
      %dma_start3A_713 = arith.constant 0 : i32
      %dma_start3A_714 = tpu.memref_slice %arg6[%squeeze3A_702, %dma_start3A_713] : memref<100000x64xf32, #tpu.memory_space<hbm>> -> memref<1x64xf32, #tpu.memory_space<hbm>>
      %dma_start3A_715 = arith.constant 0 : i32
      %dma_start3A_716 = arith.constant 0 : i32
      %dma_start3A_717 = tpu.memref_slice %arg11[%scan3A_112, %dma_start3A_715, %dma_start3A_716] : memref<7x128x64xf32, #tpu.memory_space<vmem>> -> memref<1x128x64xf32, #tpu.memory_space<vmem>>
      %dma_start3A_718 = tpu.memref_squeeze %dma_start3A_717 : memref<1x128x64xf32, #tpu.memory_space<vmem>> -> memref<128x64xf32, #tpu.memory_space<vmem>>
      %dma_start3A_719 = arith.constant 0 : i32
      %dma_start3A_720 = tpu.memref_slice %dma_start3A_718[%add3A_706, %dma_start3A_719] : memref<128x64xf32, #tpu.memory_space<vmem>> -> memref<1x64xf32, #tpu.memory_space<vmem>>
      %dma_start3A_721 = arith.constant 0 : i32
      %dma_start3A_722 = tpu.memref_slice %arg6[%squeeze3A_702, %dma_start3A_721] : memref<100000x64xf32, #tpu.memory_space<hbm>> -> memref<1x64xf32, #tpu.memory_space<hbm>>
      tpu.enqueue_dma source(%dma_start3A_722 : memref<1x64xf32, #tpu.memory_space<hbm>>) target(%dma_start3A_720 : memref<1x64xf32, #tpu.memory_space<vmem>>) target_semaphore(%arg17 : memref<!tpu.dma_semaphore, #tpu.memory_space<semaphore_mem>>)
      %slice3A_723 = vector.extract_strided_slice %get3A_438 {offsets = [13], sizes = [1], strides = [1]} : vector<16xi32> to vector<1xi32>
      %squeeze3A_724 = vector.extract %slice3A_723[0] : i32 from vector<1xi32>
      %mul3A_725 = arith.constant 16 : i32
      %mul3A_726 = arith.muli %scan3A_432, %mul3A_725 : i32
      %add3A_727 = arith.constant 13 : i32
      %add3A_728 = arith.addi %mul3A_726, %add3A_727 : i32
      %dma_start3A_729 = arith.constant 0 : i32
      %dma_start3A_730 = arith.constant 0 : i32
      %dma_start3A_731 = tpu.memref_slice %arg11[%scan3A_112, %dma_start3A_729, %dma_start3A_730] : memref<7x128x64xf32, #tpu.memory_space<vmem>> -> memref<1x128x64xf32, #tpu.memory_space<vmem>>
      %dma_start3A_732 = tpu.memref_squeeze %dma_start3A_731 : memref<1x128x64xf32, #tpu.memory_space<vmem>> -> memref<128x64xf32, #tpu.memory_space<vmem>>
      %dma_start3A_733 = arith.constant 0 : i32
      %dma_start3A_734 = tpu.memref_slice %dma_start3A_732[%add3A_728, %dma_start3A_733] : memref<128x64xf32, #tpu.memory_space<vmem>> -> memref<1x64xf32, #tpu.memory_space<vmem>>
      %dma_start3A_735 = arith.constant 0 : i32
      %dma_start3A_736 = tpu.memref_slice %arg6[%squeeze3A_724, %dma_start3A_735] : memref<100000x64xf32, #tpu.memory_space<hbm>> -> memref<1x64xf32, #tpu.memory_space<hbm>>
      %dma_start3A_737 = arith.constant 0 : i32
      %dma_start3A_738 = arith.constant 0 : i32
      %dma_start3A_739 = tpu.memref_slice %arg11[%scan3A_112, %dma_start3A_737, %dma_start3A_738] : memref<7x128x64xf32, #tpu.memory_space<vmem>> -> memref<1x128x64xf32, #tpu.memory_space<vmem>>
      %dma_start3A_740 = tpu.memref_squeeze %dma_start3A_739 : memref<1x128x64xf32, #tpu.memory_space<vmem>> -> memref<128x64xf32, #tpu.memory_space<vmem>>
      %dma_start3A_741 = arith.constant 0 : i32
      %dma_start3A_742 = tpu.memref_slice %dma_start3A_740[%add3A_728, %dma_start3A_741] : memref<128x64xf32, #tpu.memory_space<vmem>> -> memref<1x64xf32, #tpu.memory_space<vmem>>
      %dma_start3A_743 = arith.constant 0 : i32
      %dma_start3A_744 = tpu.memref_slice %arg6[%squeeze3A_724, %dma_start3A_743] : memref<100000x64xf32, #tpu.memory_space<hbm>> -> memref<1x64xf32, #tpu.memory_space<hbm>>
      tpu.enqueue_dma source(%dma_start3A_744 : memref<1x64xf32, #tpu.memory_space<hbm>>) target(%dma_start3A_742 : memref<1x64xf32, #tpu.memory_space<vmem>>) target_semaphore(%arg17 : memref<!tpu.dma_semaphore, #tpu.memory_space<semaphore_mem>>)
      %slice3A_745 = vector.extract_strided_slice %get3A_438 {offsets = [14], sizes = [1], strides = [1]} : vector<16xi32> to vector<1xi32>
      %squeeze3A_746 = vector.extract %slice3A_745[0] : i32 from vector<1xi32>
      %mul3A_747 = arith.constant 16 : i32
      %mul3A_748 = arith.muli %scan3A_432, %mul3A_747 : i32
      %add3A_749 = arith.constant 14 : i32
      %add3A_750 = arith.addi %mul3A_748, %add3A_749 : i32
      %dma_start3A_751 = arith.constant 0 : i32
      %dma_start3A_752 = arith.constant 0 : i32
      %dma_start3A_753 = tpu.memref_slice %arg11[%scan3A_112, %dma_start3A_751, %dma_start3A_752] : memref<7x128x64xf32, #tpu.memory_space<vmem>> -> memref<1x128x64xf32, #tpu.memory_space<vmem>>
      %dma_start3A_754 = tpu.memref_squeeze %dma_start3A_753 : memref<1x128x64xf32, #tpu.memory_space<vmem>> -> memref<128x64xf32, #tpu.memory_space<vmem>>
      %dma_start3A_755 = arith.constant 0 : i32
      %dma_start3A_756 = tpu.memref_slice %dma_start3A_754[%add3A_750, %dma_start3A_755] : memref<128x64xf32, #tpu.memory_space<vmem>> -> memref<1x64xf32, #tpu.memory_space<vmem>>
      %dma_start3A_757 = arith.constant 0 : i32
      %dma_start3A_758 = tpu.memref_slice %arg6[%squeeze3A_746, %dma_start3A_757] : memref<100000x64xf32, #tpu.memory_space<hbm>> -> memref<1x64xf32, #tpu.memory_space<hbm>>
      %dma_start3A_759 = arith.constant 0 : i32
      %dma_start3A_760 = arith.constant 0 : i32
      %dma_start3A_761 = tpu.memref_slice %arg11[%scan3A_112, %dma_start3A_759, %dma_start3A_760] : memref<7x128x64xf32, #tpu.memory_space<vmem>> -> memref<1x128x64xf32, #tpu.memory_space<vmem>>
      %dma_start3A_762 = tpu.memref_squeeze %dma_start3A_761 : memref<1x128x64xf32, #tpu.memory_space<vmem>> -> memref<128x64xf32, #tpu.memory_space<vmem>>
      %dma_start3A_763 = arith.constant 0 : i32
      %dma_start3A_764 = tpu.memref_slice %dma_start3A_762[%add3A_750, %dma_start3A_763] : memref<128x64xf32, #tpu.memory_space<vmem>> -> memref<1x64xf32, #tpu.memory_space<vmem>>
      %dma_start3A_765 = arith.constant 0 : i32
      %dma_start3A_766 = tpu.memref_slice %arg6[%squeeze3A_746, %dma_start3A_765] : memref<100000x64xf32, #tpu.memory_space<hbm>> -> memref<1x64xf32, #tpu.memory_space<hbm>>
      tpu.enqueue_dma source(%dma_start3A_766 : memref<1x64xf32, #tpu.memory_space<hbm>>) target(%dma_start3A_764 : memref<1x64xf32, #tpu.memory_space<vmem>>) target_semaphore(%arg17 : memref<!tpu.dma_semaphore, #tpu.memory_space<semaphore_mem>>)
      %slice3A_767 = vector.extract_strided_slice %get3A_438 {offsets = [15], sizes = [1], strides = [1]} : vector<16xi32> to vector<1xi32>
      %squeeze3A_768 = vector.extract %slice3A_767[0] : i32 from vector<1xi32>
      %mul3A_769 = arith.constant 16 : i32
      %mul3A_770 = arith.muli %scan3A_432, %mul3A_769 : i32
      %add3A_771 = arith.constant 15 : i32
      %add3A_772 = arith.addi %mul3A_770, %add3A_771 : i32
      %dma_start3A_773 = arith.constant 0 : i32
      %dma_start3A_774 = arith.constant 0 : i32
      %dma_start3A_775 = tpu.memref_slice %arg11[%scan3A_112, %dma_start3A_773, %dma_start3A_774] : memref<7x128x64xf32, #tpu.memory_space<vmem>> -> memref<1x128x64xf32, #tpu.memory_space<vmem>>
      %dma_start3A_776 = tpu.memref_squeeze %dma_start3A_775 : memref<1x128x64xf32, #tpu.memory_space<vmem>> -> memref<128x64xf32, #tpu.memory_space<vmem>>
      %dma_start3A_777 = arith.constant 0 : i32
      %dma_start3A_778 = tpu.memref_slice %dma_start3A_776[%add3A_772, %dma_start3A_777] : memref<128x64xf32, #tpu.memory_space<vmem>> -> memref<1x64xf32, #tpu.memory_space<vmem>>
      %dma_start3A_779 = arith.constant 0 : i32
      %dma_start3A_780 = tpu.memref_slice %arg6[%squeeze3A_768, %dma_start3A_779] : memref<100000x64xf32, #tpu.memory_space<hbm>> -> memref<1x64xf32, #tpu.memory_space<hbm>>
      %dma_start3A_781 = arith.constant 0 : i32
      %dma_start3A_782 = arith.constant 0 : i32
      %dma_start3A_783 = tpu.memref_slice %arg11[%scan3A_112, %dma_start3A_781, %dma_start3A_782] : memref<7x128x64xf32, #tpu.memory_space<vmem>> -> memref<1x128x64xf32, #tpu.memory_space<vmem>>
      %dma_start3A_784 = tpu.memref_squeeze %dma_start3A_783 : memref<1x128x64xf32, #tpu.memory_space<vmem>> -> memref<128x64xf32, #tpu.memory_space<vmem>>
      %dma_start3A_785 = arith.constant 0 : i32
      %dma_start3A_786 = tpu.memref_slice %dma_start3A_784[%add3A_772, %dma_start3A_785] : memref<128x64xf32, #tpu.memory_space<vmem>> -> memref<1x64xf32, #tpu.memory_space<vmem>>
      %dma_start3A_787 = arith.constant 0 : i32
      %dma_start3A_788 = tpu.memref_slice %arg6[%squeeze3A_768, %dma_start3A_787] : memref<100000x64xf32, #tpu.memory_space<hbm>> -> memref<1x64xf32, #tpu.memory_space<hbm>>
      tpu.enqueue_dma source(%dma_start3A_788 : memref<1x64xf32, #tpu.memory_space<hbm>>) target(%dma_start3A_786 : memref<1x64xf32, #tpu.memory_space<vmem>>) target_semaphore(%arg17 : memref<!tpu.dma_semaphore, #tpu.memory_space<semaphore_mem>>)
    }
    %scan3A_117 = arith.constant 8 : i32
    %scan3A_118 = arith.constant 0 : i32
    %scan3A_119 = arith.constant 4 : i32
    %scan3A_120 = arith.constant 0 : i32
    %scan3A_121 = arith.constant 8 : i32
    %scan3A_122 = arith.addi %scan3A_120, %scan3A_121 : i32
    %scan3A_123 = arith.constant 1 : i32
    scf.for %scan3A_432 = %scan3A_120 to %scan3A_122 step %scan3A_123  : i32 {
      %mul3A_433 = arith.constant 16 : i32
      %mul3A_434 = arith.muli %scan3A_432, %mul3A_433 : i32
      %add3A_435 = arith.constant 256 : i32
      %add3A_436 = arith.addi %add3A_435, %mul3A_434 : i32
      %get3A = arith.index_cast %add3A_436 : i32 to index
      %get3A_437 = tpu.vector_load %arg10[%get3A] {strides = array<i32>} : memref<640xi32, #tpu.memory_space<vmem>>, vector<16xi32>,
      %get3A_438 = vector.shape_cast %get3A_437 : vector<16xi32> to vector<16xi32>
      %slice3A = vector.extract_strided_slice %get3A_438 {offsets = [0], sizes = [1], strides = [1]} : vector<16xi32> to vector<1xi32>
      %squeeze3A = vector.extract %slice3A[0] : i32 from vector<1xi32>
      %mul3A_439 = arith.constant 16 : i32
      %mul3A_440 = arith.muli %scan3A_432, %mul3A_439 : i32
      %add3A_441 = arith.constant 0 : i32
      %add3A_442 = arith.addi %mul3A_440, %add3A_441 : i32
      %dma_start3A_443 = arith.constant 0 : i32
      %dma_start3A_444 = arith.constant 0 : i32
      %dma_start3A_445 = tpu.memref_slice %arg11[%scan3A_119, %dma_start3A_443, %dma_start3A_444] : memref<7x128x64xf32, #tpu.memory_space<vmem>> -> memref<1x128x64xf32, #tpu.memory_space<vmem>>
      %dma_start3A_446 = tpu.memref_squeeze %dma_start3A_445 : memref<1x128x64xf32, #tpu.memory_space<vmem>> -> memref<128x64xf32, #tpu.memory_space<vmem>>
      %dma_start3A_447 = arith.constant 0 : i32
      %dma_start3A_448 = tpu.memref_slice %dma_start3A_446[%add3A_442, %dma_start3A_447] : memref<128x64xf32, #tpu.memory_space<vmem>> -> memref<1x64xf32, #tpu.memory_space<vmem>>
      %dma_start3A_449 = arith.constant 0 : i32
      %dma_start3A_450 = tpu.memref_slice %arg6[%squeeze3A, %dma_start3A_449] : memref<100000x64xf32, #tpu.memory_space<hbm>> -> memref<1x64xf32, #tpu.memory_space<hbm>>
      %dma_start3A_451 = arith.constant 0 : i32
      %dma_start3A_452 = arith.constant 0 : i32
      %dma_start3A_453 = tpu.memref_slice %arg11[%scan3A_119, %dma_start3A_451, %dma_start3A_452] : memref<7x128x64xf32, #tpu.memory_space<vmem>> -> memref<1x128x64xf32, #tpu.memory_space<vmem>>
      %dma_start3A_454 = tpu.memref_squeeze %dma_start3A_453 : memref<1x128x64xf32, #tpu.memory_space<vmem>> -> memref<128x64xf32, #tpu.memory_space<vmem>>
      %dma_start3A_455 = arith.constant 0 : i32
      %dma_start3A_456 = tpu.memref_slice %dma_start3A_454[%add3A_442, %dma_start3A_455] : memref<128x64xf32, #tpu.memory_space<vmem>> -> memref<1x64xf32, #tpu.memory_space<vmem>>
      %dma_start3A_457 = arith.constant 0 : i32
      %dma_start3A_458 = tpu.memref_slice %arg6[%squeeze3A, %dma_start3A_457] : memref<100000x64xf32, #tpu.memory_space<hbm>> -> memref<1x64xf32, #tpu.memory_space<hbm>>
      tpu.enqueue_dma source(%dma_start3A_458 : memref<1x64xf32, #tpu.memory_space<hbm>>) target(%dma_start3A_456 : memref<1x64xf32, #tpu.memory_space<vmem>>) target_semaphore(%arg18 : memref<!tpu.dma_semaphore, #tpu.memory_space<semaphore_mem>>)
      %slice3A_459 = vector.extract_strided_slice %get3A_438 {offsets = [1], sizes = [1], strides = [1]} : vector<16xi32> to vector<1xi32>
      %squeeze3A_460 = vector.extract %slice3A_459[0] : i32 from vector<1xi32>
      %mul3A_461 = arith.constant 16 : i32
      %mul3A_462 = arith.muli %scan3A_432, %mul3A_461 : i32
      %add3A_463 = arith.constant 1 : i32
      %add3A_464 = arith.addi %mul3A_462, %add3A_463 : i32
      %dma_start3A_465 = arith.constant 0 : i32
      %dma_start3A_466 = arith.constant 0 : i32
      %dma_start3A_467 = tpu.memref_slice %arg11[%scan3A_119, %dma_start3A_465, %dma_start3A_466] : memref<7x128x64xf32, #tpu.memory_space<vmem>> -> memref<1x128x64xf32, #tpu.memory_space<vmem>>
      %dma_start3A_468 = tpu.memref_squeeze %dma_start3A_467 : memref<1x128x64xf32, #tpu.memory_space<vmem>> -> memref<128x64xf32, #tpu.memory_space<vmem>>
      %dma_start3A_469 = arith.constant 0 : i32
      %dma_start3A_470 = tpu.memref_slice %dma_start3A_468[%add3A_464, %dma_start3A_469] : memref<128x64xf32, #tpu.memory_space<vmem>> -> memref<1x64xf32, #tpu.memory_space<vmem>>
      %dma_start3A_471 = arith.constant 0 : i32
      %dma_start3A_472 = tpu.memref_slice %arg6[%squeeze3A_460, %dma_start3A_471] : memref<100000x64xf32, #tpu.memory_space<hbm>> -> memref<1x64xf32, #tpu.memory_space<hbm>>
      %dma_start3A_473 = arith.constant 0 : i32
      %dma_start3A_474 = arith.constant 0 : i32
      %dma_start3A_475 = tpu.memref_slice %arg11[%scan3A_119, %dma_start3A_473, %dma_start3A_474] : memref<7x128x64xf32, #tpu.memory_space<vmem>> -> memref<1x128x64xf32, #tpu.memory_space<vmem>>
      %dma_start3A_476 = tpu.memref_squeeze %dma_start3A_475 : memref<1x128x64xf32, #tpu.memory_space<vmem>> -> memref<128x64xf32, #tpu.memory_space<vmem>>
      %dma_start3A_477 = arith.constant 0 : i32
      %dma_start3A_478 = tpu.memref_slice %dma_start3A_476[%add3A_464, %dma_start3A_477] : memref<128x64xf32, #tpu.memory_space<vmem>> -> memref<1x64xf32, #tpu.memory_space<vmem>>
      %dma_start3A_479 = arith.constant 0 : i32
      %dma_start3A_480 = tpu.memref_slice %arg6[%squeeze3A_460, %dma_start3A_479] : memref<100000x64xf32, #tpu.memory_space<hbm>> -> memref<1x64xf32, #tpu.memory_space<hbm>>
      tpu.enqueue_dma source(%dma_start3A_480 : memref<1x64xf32, #tpu.memory_space<hbm>>) target(%dma_start3A_478 : memref<1x64xf32, #tpu.memory_space<vmem>>) target_semaphore(%arg18 : memref<!tpu.dma_semaphore, #tpu.memory_space<semaphore_mem>>)
      %slice3A_481 = vector.extract_strided_slice %get3A_438 {offsets = [2], sizes = [1], strides = [1]} : vector<16xi32> to vector<1xi32>
      %squeeze3A_482 = vector.extract %slice3A_481[0] : i32 from vector<1xi32>
      %mul3A_483 = arith.constant 16 : i32
      %mul3A_484 = arith.muli %scan3A_432, %mul3A_483 : i32
      %add3A_485 = arith.constant 2 : i32
      %add3A_486 = arith.addi %mul3A_484, %add3A_485 : i32
      %dma_start3A_487 = arith.constant 0 : i32
      %dma_start3A_488 = arith.constant 0 : i32
      %dma_start3A_489 = tpu.memref_slice %arg11[%scan3A_119, %dma_start3A_487, %dma_start3A_488] : memref<7x128x64xf32, #tpu.memory_space<vmem>> -> memref<1x128x64xf32, #tpu.memory_space<vmem>>
      %dma_start3A_490 = tpu.memref_squeeze %dma_start3A_489 : memref<1x128x64xf32, #tpu.memory_space<vmem>> -> memref<128x64xf32, #tpu.memory_space<vmem>>
      %dma_start3A_491 = arith.constant 0 : i32
      %dma_start3A_492 = tpu.memref_slice %dma_start3A_490[%add3A_486, %dma_start3A_491] : memref<128x64xf32, #tpu.memory_space<vmem>> -> memref<1x64xf32, #tpu.memory_space<vmem>>
      %dma_start3A_493 = arith.constant 0 : i32
      %dma_start3A_494 = tpu.memref_slice %arg6[%squeeze3A_482, %dma_start3A_493] : memref<100000x64xf32, #tpu.memory_space<hbm>> -> memref<1x64xf32, #tpu.memory_space<hbm>>
      %dma_start3A_495 = arith.constant 0 : i32
      %dma_start3A_496 = arith.constant 0 : i32
      %dma_start3A_497 = tpu.memref_slice %arg11[%scan3A_119, %dma_start3A_495, %dma_start3A_496] : memref<7x128x64xf32, #tpu.memory_space<vmem>> -> memref<1x128x64xf32, #tpu.memory_space<vmem>>
      %dma_start3A_498 = tpu.memref_squeeze %dma_start3A_497 : memref<1x128x64xf32, #tpu.memory_space<vmem>> -> memref<128x64xf32, #tpu.memory_space<vmem>>
      %dma_start3A_499 = arith.constant 0 : i32
      %dma_start3A_500 = tpu.memref_slice %dma_start3A_498[%add3A_486, %dma_start3A_499] : memref<128x64xf32, #tpu.memory_space<vmem>> -> memref<1x64xf32, #tpu.memory_space<vmem>>
      %dma_start3A_501 = arith.constant 0 : i32
      %dma_start3A_502 = tpu.memref_slice %arg6[%squeeze3A_482, %dma_start3A_501] : memref<100000x64xf32, #tpu.memory_space<hbm>> -> memref<1x64xf32, #tpu.memory_space<hbm>>
      tpu.enqueue_dma source(%dma_start3A_502 : memref<1x64xf32, #tpu.memory_space<hbm>>) target(%dma_start3A_500 : memref<1x64xf32, #tpu.memory_space<vmem>>) target_semaphore(%arg18 : memref<!tpu.dma_semaphore, #tpu.memory_space<semaphore_mem>>)
      %slice3A_503 = vector.extract_strided_slice %get3A_438 {offsets = [3], sizes = [1], strides = [1]} : vector<16xi32> to vector<1xi32>
      %squeeze3A_504 = vector.extract %slice3A_503[0] : i32 from vector<1xi32>
      %mul3A_505 = arith.constant 16 : i32
      %mul3A_506 = arith.muli %scan3A_432, %mul3A_505 : i32
      %add3A_507 = arith.constant 3 : i32
      %add3A_508 = arith.addi %mul3A_506, %add3A_507 : i32
      %dma_start3A_509 = arith.constant 0 : i32
      %dma_start3A_510 = arith.constant 0 : i32
      %dma_start3A_511 = tpu.memref_slice %arg11[%scan3A_119, %dma_start3A_509, %dma_start3A_510] : memref<7x128x64xf32, #tpu.memory_space<vmem>> -> memref<1x128x64xf32, #tpu.memory_space<vmem>>
      %dma_start3A_512 = tpu.memref_squeeze %dma_start3A_511 : memref<1x128x64xf32, #tpu.memory_space<vmem>> -> memref<128x64xf32, #tpu.memory_space<vmem>>
      %dma_start3A_513 = arith.constant 0 : i32
      %dma_start3A_514 = tpu.memref_slice %dma_start3A_512[%add3A_508, %dma_start3A_513] : memref<128x64xf32, #tpu.memory_space<vmem>> -> memref<1x64xf32, #tpu.memory_space<vmem>>
      %dma_start3A_515 = arith.constant 0 : i32
      %dma_start3A_516 = tpu.memref_slice %arg6[%squeeze3A_504, %dma_start3A_515] : memref<100000x64xf32, #tpu.memory_space<hbm>> -> memref<1x64xf32, #tpu.memory_space<hbm>>
      %dma_start3A_517 = arith.constant 0 : i32
      %dma_start3A_518 = arith.constant 0 : i32
      %dma_start3A_519 = tpu.memref_slice %arg11[%scan3A_119, %dma_start3A_517, %dma_start3A_518] : memref<7x128x64xf32, #tpu.memory_space<vmem>> -> memref<1x128x64xf32, #tpu.memory_space<vmem>>
      %dma_start3A_520 = tpu.memref_squeeze %dma_start3A_519 : memref<1x128x64xf32, #tpu.memory_space<vmem>> -> memref<128x64xf32, #tpu.memory_space<vmem>>
      %dma_start3A_521 = arith.constant 0 : i32
      %dma_start3A_522 = tpu.memref_slice %dma_start3A_520[%add3A_508, %dma_start3A_521] : memref<128x64xf32, #tpu.memory_space<vmem>> -> memref<1x64xf32, #tpu.memory_space<vmem>>
      %dma_start3A_523 = arith.constant 0 : i32
      %dma_start3A_524 = tpu.memref_slice %arg6[%squeeze3A_504, %dma_start3A_523] : memref<100000x64xf32, #tpu.memory_space<hbm>> -> memref<1x64xf32, #tpu.memory_space<hbm>>
      tpu.enqueue_dma source(%dma_start3A_524 : memref<1x64xf32, #tpu.memory_space<hbm>>) target(%dma_start3A_522 : memref<1x64xf32, #tpu.memory_space<vmem>>) target_semaphore(%arg18 : memref<!tpu.dma_semaphore, #tpu.memory_space<semaphore_mem>>)
      %slice3A_525 = vector.extract_strided_slice %get3A_438 {offsets = [4], sizes = [1], strides = [1]} : vector<16xi32> to vector<1xi32>
      %squeeze3A_526 = vector.extract %slice3A_525[0] : i32 from vector<1xi32>
      %mul3A_527 = arith.constant 16 : i32
      %mul3A_528 = arith.muli %scan3A_432, %mul3A_527 : i32
      %add3A_529 = arith.constant 4 : i32
      %add3A_530 = arith.addi %mul3A_528, %add3A_529 : i32
      %dma_start3A_531 = arith.constant 0 : i32
      %dma_start3A_532 = arith.constant 0 : i32
      %dma_start3A_533 = tpu.memref_slice %arg11[%scan3A_119, %dma_start3A_531, %dma_start3A_532] : memref<7x128x64xf32, #tpu.memory_space<vmem>> -> memref<1x128x64xf32, #tpu.memory_space<vmem>>
      %dma_start3A_534 = tpu.memref_squeeze %dma_start3A_533 : memref<1x128x64xf32, #tpu.memory_space<vmem>> -> memref<128x64xf32, #tpu.memory_space<vmem>>
      %dma_start3A_535 = arith.constant 0 : i32
      %dma_start3A_536 = tpu.memref_slice %dma_start3A_534[%add3A_530, %dma_start3A_535] : memref<128x64xf32, #tpu.memory_space<vmem>> -> memref<1x64xf32, #tpu.memory_space<vmem>>
      %dma_start3A_537 = arith.constant 0 : i32
      %dma_start3A_538 = tpu.memref_slice %arg6[%squeeze3A_526, %dma_start3A_537] : memref<100000x64xf32, #tpu.memory_space<hbm>> -> memref<1x64xf32, #tpu.memory_space<hbm>>
      %dma_start3A_539 = arith.constant 0 : i32
      %dma_start3A_540 = arith.constant 0 : i32
      %dma_start3A_541 = tpu.memref_slice %arg11[%scan3A_119, %dma_start3A_539, %dma_start3A_540] : memref<7x128x64xf32, #tpu.memory_space<vmem>> -> memref<1x128x64xf32, #tpu.memory_space<vmem>>
      %dma_start3A_542 = tpu.memref_squeeze %dma_start3A_541 : memref<1x128x64xf32, #tpu.memory_space<vmem>> -> memref<128x64xf32, #tpu.memory_space<vmem>>
      %dma_start3A_543 = arith.constant 0 : i32
      %dma_start3A_544 = tpu.memref_slice %dma_start3A_542[%add3A_530, %dma_start3A_543] : memref<128x64xf32, #tpu.memory_space<vmem>> -> memref<1x64xf32, #tpu.memory_space<vmem>>
      %dma_start3A_545 = arith.constant 0 : i32
      %dma_start3A_546 = tpu.memref_slice %arg6[%squeeze3A_526, %dma_start3A_545] : memref<100000x64xf32, #tpu.memory_space<hbm>> -> memref<1x64xf32, #tpu.memory_space<hbm>>
      tpu.enqueue_dma source(%dma_start3A_546 : memref<1x64xf32, #tpu.memory_space<hbm>>) target(%dma_start3A_544 : memref<1x64xf32, #tpu.memory_space<vmem>>) target_semaphore(%arg18 : memref<!tpu.dma_semaphore, #tpu.memory_space<semaphore_mem>>)
      %slice3A_547 = vector.extract_strided_slice %get3A_438 {offsets = [5], sizes = [1], strides = [1]} : vector<16xi32> to vector<1xi32>
      %squeeze3A_548 = vector.extract %slice3A_547[0] : i32 from vector<1xi32>
      %mul3A_549 = arith.constant 16 : i32
      %mul3A_550 = arith.muli %scan3A_432, %mul3A_549 : i32
      %add3A_551 = arith.constant 5 : i32
      %add3A_552 = arith.addi %mul3A_550, %add3A_551 : i32
      %dma_start3A_553 = arith.constant 0 : i32
      %dma_start3A_554 = arith.constant 0 : i32
      %dma_start3A_555 = tpu.memref_slice %arg11[%scan3A_119, %dma_start3A_553, %dma_start3A_554] : memref<7x128x64xf32, #tpu.memory_space<vmem>> -> memref<1x128x64xf32, #tpu.memory_space<vmem>>
      %dma_start3A_556 = tpu.memref_squeeze %dma_start3A_555 : memref<1x128x64xf32, #tpu.memory_space<vmem>> -> memref<128x64xf32, #tpu.memory_space<vmem>>
      %dma_start3A_557 = arith.constant 0 : i32
      %dma_start3A_558 = tpu.memref_slice %dma_start3A_556[%add3A_552, %dma_start3A_557] : memref<128x64xf32, #tpu.memory_space<vmem>> -> memref<1x64xf32, #tpu.memory_space<vmem>>
      %dma_start3A_559 = arith.constant 0 : i32
      %dma_start3A_560 = tpu.memref_slice %arg6[%squeeze3A_548, %dma_start3A_559] : memref<100000x64xf32, #tpu.memory_space<hbm>> -> memref<1x64xf32, #tpu.memory_space<hbm>>
      %dma_start3A_561 = arith.constant 0 : i32
      %dma_start3A_562 = arith.constant 0 : i32
      %dma_start3A_563 = tpu.memref_slice %arg11[%scan3A_119, %dma_start3A_561, %dma_start3A_562] : memref<7x128x64xf32, #tpu.memory_space<vmem>> -> memref<1x128x64xf32, #tpu.memory_space<vmem>>
      %dma_start3A_564 = tpu.memref_squeeze %dma_start3A_563 : memref<1x128x64xf32, #tpu.memory_space<vmem>> -> memref<128x64xf32, #tpu.memory_space<vmem>>
      %dma_start3A_565 = arith.constant 0 : i32
      %dma_start3A_566 = tpu.memref_slice %dma_start3A_564[%add3A_552, %dma_start3A_565] : memref<128x64xf32, #tpu.memory_space<vmem>> -> memref<1x64xf32, #tpu.memory_space<vmem>>
      %dma_start3A_567 = arith.constant 0 : i32
      %dma_start3A_568 = tpu.memref_slice %arg6[%squeeze3A_548, %dma_start3A_567] : memref<100000x64xf32, #tpu.memory_space<hbm>> -> memref<1x64xf32, #tpu.memory_space<hbm>>
      tpu.enqueue_dma source(%dma_start3A_568 : memref<1x64xf32, #tpu.memory_space<hbm>>) target(%dma_start3A_566 : memref<1x64xf32, #tpu.memory_space<vmem>>) target_semaphore(%arg18 : memref<!tpu.dma_semaphore, #tpu.memory_space<semaphore_mem>>)
      %slice3A_569 = vector.extract_strided_slice %get3A_438 {offsets = [6], sizes = [1], strides = [1]} : vector<16xi32> to vector<1xi32>
      %squeeze3A_570 = vector.extract %slice3A_569[0] : i32 from vector<1xi32>
      %mul3A_571 = arith.constant 16 : i32
      %mul3A_572 = arith.muli %scan3A_432, %mul3A_571 : i32
      %add3A_573 = arith.constant 6 : i32
      %add3A_574 = arith.addi %mul3A_572, %add3A_573 : i32
      %dma_start3A_575 = arith.constant 0 : i32
      %dma_start3A_576 = arith.constant 0 : i32
      %dma_start3A_577 = tpu.memref_slice %arg11[%scan3A_119, %dma_start3A_575, %dma_start3A_576] : memref<7x128x64xf32, #tpu.memory_space<vmem>> -> memref<1x128x64xf32, #tpu.memory_space<vmem>>
      %dma_start3A_578 = tpu.memref_squeeze %dma_start3A_577 : memref<1x128x64xf32, #tpu.memory_space<vmem>> -> memref<128x64xf32, #tpu.memory_space<vmem>>
      %dma_start3A_579 = arith.constant 0 : i32
      %dma_start3A_580 = tpu.memref_slice %dma_start3A_578[%add3A_574, %dma_start3A_579] : memref<128x64xf32, #tpu.memory_space<vmem>> -> memref<1x64xf32, #tpu.memory_space<vmem>>
      %dma_start3A_581 = arith.constant 0 : i32
      %dma_start3A_582 = tpu.memref_slice %arg6[%squeeze3A_570, %dma_start3A_581] : memref<100000x64xf32, #tpu.memory_space<hbm>> -> memref<1x64xf32, #tpu.memory_space<hbm>>
      %dma_start3A_583 = arith.constant 0 : i32
      %dma_start3A_584 = arith.constant 0 : i32
      %dma_start3A_585 = tpu.memref_slice %arg11[%scan3A_119, %dma_start3A_583, %dma_start3A_584] : memref<7x128x64xf32, #tpu.memory_space<vmem>> -> memref<1x128x64xf32, #tpu.memory_space<vmem>>
      %dma_start3A_586 = tpu.memref_squeeze %dma_start3A_585 : memref<1x128x64xf32, #tpu.memory_space<vmem>> -> memref<128x64xf32, #tpu.memory_space<vmem>>
      %dma_start3A_587 = arith.constant 0 : i32
      %dma_start3A_588 = tpu.memref_slice %dma_start3A_586[%add3A_574, %dma_start3A_587] : memref<128x64xf32, #tpu.memory_space<vmem>> -> memref<1x64xf32, #tpu.memory_space<vmem>>
      %dma_start3A_589 = arith.constant 0 : i32
      %dma_start3A_590 = tpu.memref_slice %arg6[%squeeze3A_570, %dma_start3A_589] : memref<100000x64xf32, #tpu.memory_space<hbm>> -> memref<1x64xf32, #tpu.memory_space<hbm>>
      tpu.enqueue_dma source(%dma_start3A_590 : memref<1x64xf32, #tpu.memory_space<hbm>>) target(%dma_start3A_588 : memref<1x64xf32, #tpu.memory_space<vmem>>) target_semaphore(%arg18 : memref<!tpu.dma_semaphore, #tpu.memory_space<semaphore_mem>>)
      %slice3A_591 = vector.extract_strided_slice %get3A_438 {offsets = [7], sizes = [1], strides = [1]} : vector<16xi32> to vector<1xi32>
      %squeeze3A_592 = vector.extract %slice3A_591[0] : i32 from vector<1xi32>
      %mul3A_593 = arith.constant 16 : i32
      %mul3A_594 = arith.muli %scan3A_432, %mul3A_593 : i32
      %add3A_595 = arith.constant 7 : i32
      %add3A_596 = arith.addi %mul3A_594, %add3A_595 : i32
      %dma_start3A_597 = arith.constant 0 : i32
      %dma_start3A_598 = arith.constant 0 : i32
      %dma_start3A_599 = tpu.memref_slice %arg11[%scan3A_119, %dma_start3A_597, %dma_start3A_598] : memref<7x128x64xf32, #tpu.memory_space<vmem>> -> memref<1x128x64xf32, #tpu.memory_space<vmem>>
      %dma_start3A_600 = tpu.memref_squeeze %dma_start3A_599 : memref<1x128x64xf32, #tpu.memory_space<vmem>> -> memref<128x64xf32, #tpu.memory_space<vmem>>
      %dma_start3A_601 = arith.constant 0 : i32
      %dma_start3A_602 = tpu.memref_slice %dma_start3A_600[%add3A_596, %dma_start3A_601] : memref<128x64xf32, #tpu.memory_space<vmem>> -> memref<1x64xf32, #tpu.memory_space<vmem>>
      %dma_start3A_603 = arith.constant 0 : i32
      %dma_start3A_604 = tpu.memref_slice %arg6[%squeeze3A_592, %dma_start3A_603] : memref<100000x64xf32, #tpu.memory_space<hbm>> -> memref<1x64xf32, #tpu.memory_space<hbm>>
      %dma_start3A_605 = arith.constant 0 : i32
      %dma_start3A_606 = arith.constant 0 : i32
      %dma_start3A_607 = tpu.memref_slice %arg11[%scan3A_119, %dma_start3A_605, %dma_start3A_606] : memref<7x128x64xf32, #tpu.memory_space<vmem>> -> memref<1x128x64xf32, #tpu.memory_space<vmem>>
      %dma_start3A_608 = tpu.memref_squeeze %dma_start3A_607 : memref<1x128x64xf32, #tpu.memory_space<vmem>> -> memref<128x64xf32, #tpu.memory_space<vmem>>
      %dma_start3A_609 = arith.constant 0 : i32
      %dma_start3A_610 = tpu.memref_slice %dma_start3A_608[%add3A_596, %dma_start3A_609] : memref<128x64xf32, #tpu.memory_space<vmem>> -> memref<1x64xf32, #tpu.memory_space<vmem>>
      %dma_start3A_611 = arith.constant 0 : i32
      %dma_start3A_612 = tpu.memref_slice %arg6[%squeeze3A_592, %dma_start3A_611] : memref<100000x64xf32, #tpu.memory_space<hbm>> -> memref<1x64xf32, #tpu.memory_space<hbm>>
      tpu.enqueue_dma source(%dma_start3A_612 : memref<1x64xf32, #tpu.memory_space<hbm>>) target(%dma_start3A_610 : memref<1x64xf32, #tpu.memory_space<vmem>>) target_semaphore(%arg18 : memref<!tpu.dma_semaphore, #tpu.memory_space<semaphore_mem>>)
      %slice3A_613 = vector.extract_strided_slice %get3A_438 {offsets = [8], sizes = [1], strides = [1]} : vector<16xi32> to vector<1xi32>
      %squeeze3A_614 = vector.extract %slice3A_613[0] : i32 from vector<1xi32>
      %mul3A_615 = arith.constant 16 : i32
      %mul3A_616 = arith.muli %scan3A_432, %mul3A_615 : i32
      %add3A_617 = arith.constant 8 : i32
      %add3A_618 = arith.addi %mul3A_616, %add3A_617 : i32
      %dma_start3A_619 = arith.constant 0 : i32
      %dma_start3A_620 = arith.constant 0 : i32
      %dma_start3A_621 = tpu.memref_slice %arg11[%scan3A_119, %dma_start3A_619, %dma_start3A_620] : memref<7x128x64xf32, #tpu.memory_space<vmem>> -> memref<1x128x64xf32, #tpu.memory_space<vmem>>
      %dma_start3A_622 = tpu.memref_squeeze %dma_start3A_621 : memref<1x128x64xf32, #tpu.memory_space<vmem>> -> memref<128x64xf32, #tpu.memory_space<vmem>>
      %dma_start3A_623 = arith.constant 0 : i32
      %dma_start3A_624 = tpu.memref_slice %dma_start3A_622[%add3A_618, %dma_start3A_623] : memref<128x64xf32, #tpu.memory_space<vmem>> -> memref<1x64xf32, #tpu.memory_space<vmem>>
      %dma_start3A_625 = arith.constant 0 : i32
      %dma_start3A_626 = tpu.memref_slice %arg6[%squeeze3A_614, %dma_start3A_625] : memref<100000x64xf32, #tpu.memory_space<hbm>> -> memref<1x64xf32, #tpu.memory_space<hbm>>
      %dma_start3A_627 = arith.constant 0 : i32
      %dma_start3A_628 = arith.constant 0 : i32
      %dma_start3A_629 = tpu.memref_slice %arg11[%scan3A_119, %dma_start3A_627, %dma_start3A_628] : memref<7x128x64xf32, #tpu.memory_space<vmem>> -> memref<1x128x64xf32, #tpu.memory_space<vmem>>
      %dma_start3A_630 = tpu.memref_squeeze %dma_start3A_629 : memref<1x128x64xf32, #tpu.memory_space<vmem>> -> memref<128x64xf32, #tpu.memory_space<vmem>>
      %dma_start3A_631 = arith.constant 0 : i32
      %dma_start3A_632 = tpu.memref_slice %dma_start3A_630[%add3A_618, %dma_start3A_631] : memref<128x64xf32, #tpu.memory_space<vmem>> -> memref<1x64xf32, #tpu.memory_space<vmem>>
      %dma_start3A_633 = arith.constant 0 : i32
      %dma_start3A_634 = tpu.memref_slice %arg6[%squeeze3A_614, %dma_start3A_633] : memref<100000x64xf32, #tpu.memory_space<hbm>> -> memref<1x64xf32, #tpu.memory_space<hbm>>
      tpu.enqueue_dma source(%dma_start3A_634 : memref<1x64xf32, #tpu.memory_space<hbm>>) target(%dma_start3A_632 : memref<1x64xf32, #tpu.memory_space<vmem>>) target_semaphore(%arg18 : memref<!tpu.dma_semaphore, #tpu.memory_space<semaphore_mem>>)
      %slice3A_635 = vector.extract_strided_slice %get3A_438 {offsets = [9], sizes = [1], strides = [1]} : vector<16xi32> to vector<1xi32>
      %squeeze3A_636 = vector.extract %slice3A_635[0] : i32 from vector<1xi32>
      %mul3A_637 = arith.constant 16 : i32
      %mul3A_638 = arith.muli %scan3A_432, %mul3A_637 : i32
      %add3A_639 = arith.constant 9 : i32
      %add3A_640 = arith.addi %mul3A_638, %add3A_639 : i32
      %dma_start3A_641 = arith.constant 0 : i32
      %dma_start3A_642 = arith.constant 0 : i32
      %dma_start3A_643 = tpu.memref_slice %arg11[%scan3A_119, %dma_start3A_641, %dma_start3A_642] : memref<7x128x64xf32, #tpu.memory_space<vmem>> -> memref<1x128x64xf32, #tpu.memory_space<vmem>>
      %dma_start3A_644 = tpu.memref_squeeze %dma_start3A_643 : memref<1x128x64xf32, #tpu.memory_space<vmem>> -> memref<128x64xf32, #tpu.memory_space<vmem>>
      %dma_start3A_645 = arith.constant 0 : i32
      %dma_start3A_646 = tpu.memref_slice %dma_start3A_644[%add3A_640, %dma_start3A_645] : memref<128x64xf32, #tpu.memory_space<vmem>> -> memref<1x64xf32, #tpu.memory_space<vmem>>
      %dma_start3A_647 = arith.constant 0 : i32
      %dma_start3A_648 = tpu.memref_slice %arg6[%squeeze3A_636, %dma_start3A_647] : memref<100000x64xf32, #tpu.memory_space<hbm>> -> memref<1x64xf32, #tpu.memory_space<hbm>>
      %dma_start3A_649 = arith.constant 0 : i32
      %dma_start3A_650 = arith.constant 0 : i32
      %dma_start3A_651 = tpu.memref_slice %arg11[%scan3A_119, %dma_start3A_649, %dma_start3A_650] : memref<7x128x64xf32, #tpu.memory_space<vmem>> -> memref<1x128x64xf32, #tpu.memory_space<vmem>>
      %dma_start3A_652 = tpu.memref_squeeze %dma_start3A_651 : memref<1x128x64xf32, #tpu.memory_space<vmem>> -> memref<128x64xf32, #tpu.memory_space<vmem>>
      %dma_start3A_653 = arith.constant 0 : i32
      %dma_start3A_654 = tpu.memref_slice %dma_start3A_652[%add3A_640, %dma_start3A_653] : memref<128x64xf32, #tpu.memory_space<vmem>> -> memref<1x64xf32, #tpu.memory_space<vmem>>
      %dma_start3A_655 = arith.constant 0 : i32
      %dma_start3A_656 = tpu.memref_slice %arg6[%squeeze3A_636, %dma_start3A_655] : memref<100000x64xf32, #tpu.memory_space<hbm>> -> memref<1x64xf32, #tpu.memory_space<hbm>>
      tpu.enqueue_dma source(%dma_start3A_656 : memref<1x64xf32, #tpu.memory_space<hbm>>) target(%dma_start3A_654 : memref<1x64xf32, #tpu.memory_space<vmem>>) target_semaphore(%arg18 : memref<!tpu.dma_semaphore, #tpu.memory_space<semaphore_mem>>)
      %slice3A_657 = vector.extract_strided_slice %get3A_438 {offsets = [10], sizes = [1], strides = [1]} : vector<16xi32> to vector<1xi32>
      %squeeze3A_658 = vector.extract %slice3A_657[0] : i32 from vector<1xi32>
      %mul3A_659 = arith.constant 16 : i32
      %mul3A_660 = arith.muli %scan3A_432, %mul3A_659 : i32
      %add3A_661 = arith.constant 10 : i32
      %add3A_662 = arith.addi %mul3A_660, %add3A_661 : i32
      %dma_start3A_663 = arith.constant 0 : i32
      %dma_start3A_664 = arith.constant 0 : i32
      %dma_start3A_665 = tpu.memref_slice %arg11[%scan3A_119, %dma_start3A_663, %dma_start3A_664] : memref<7x128x64xf32, #tpu.memory_space<vmem>> -> memref<1x128x64xf32, #tpu.memory_space<vmem>>
      %dma_start3A_666 = tpu.memref_squeeze %dma_start3A_665 : memref<1x128x64xf32, #tpu.memory_space<vmem>> -> memref<128x64xf32, #tpu.memory_space<vmem>>
      %dma_start3A_667 = arith.constant 0 : i32
      %dma_start3A_668 = tpu.memref_slice %dma_start3A_666[%add3A_662, %dma_start3A_667] : memref<128x64xf32, #tpu.memory_space<vmem>> -> memref<1x64xf32, #tpu.memory_space<vmem>>
      %dma_start3A_669 = arith.constant 0 : i32
      %dma_start3A_670 = tpu.memref_slice %arg6[%squeeze3A_658, %dma_start3A_669] : memref<100000x64xf32, #tpu.memory_space<hbm>> -> memref<1x64xf32, #tpu.memory_space<hbm>>
      %dma_start3A_671 = arith.constant 0 : i32
      %dma_start3A_672 = arith.constant 0 : i32
      %dma_start3A_673 = tpu.memref_slice %arg11[%scan3A_119, %dma_start3A_671, %dma_start3A_672] : memref<7x128x64xf32, #tpu.memory_space<vmem>> -> memref<1x128x64xf32, #tpu.memory_space<vmem>>
      %dma_start3A_674 = tpu.memref_squeeze %dma_start3A_673 : memref<1x128x64xf32, #tpu.memory_space<vmem>> -> memref<128x64xf32, #tpu.memory_space<vmem>>
      %dma_start3A_675 = arith.constant 0 : i32
      %dma_start3A_676 = tpu.memref_slice %dma_start3A_674[%add3A_662, %dma_start3A_675] : memref<128x64xf32, #tpu.memory_space<vmem>> -> memref<1x64xf32, #tpu.memory_space<vmem>>
      %dma_start3A_677 = arith.constant 0 : i32
      %dma_start3A_678 = tpu.memref_slice %arg6[%squeeze3A_658, %dma_start3A_677] : memref<100000x64xf32, #tpu.memory_space<hbm>> -> memref<1x64xf32, #tpu.memory_space<hbm>>
      tpu.enqueue_dma source(%dma_start3A_678 : memref<1x64xf32, #tpu.memory_space<hbm>>) target(%dma_start3A_676 : memref<1x64xf32, #tpu.memory_space<vmem>>) target_semaphore(%arg18 : memref<!tpu.dma_semaphore, #tpu.memory_space<semaphore_mem>>)
      %slice3A_679 = vector.extract_strided_slice %get3A_438 {offsets = [11], sizes = [1], strides = [1]} : vector<16xi32> to vector<1xi32>
      %squeeze3A_680 = vector.extract %slice3A_679[0] : i32 from vector<1xi32>
      %mul3A_681 = arith.constant 16 : i32
      %mul3A_682 = arith.muli %scan3A_432, %mul3A_681 : i32
      %add3A_683 = arith.constant 11 : i32
      %add3A_684 = arith.addi %mul3A_682, %add3A_683 : i32
      %dma_start3A_685 = arith.constant 0 : i32
      %dma_start3A_686 = arith.constant 0 : i32
      %dma_start3A_687 = tpu.memref_slice %arg11[%scan3A_119, %dma_start3A_685, %dma_start3A_686] : memref<7x128x64xf32, #tpu.memory_space<vmem>> -> memref<1x128x64xf32, #tpu.memory_space<vmem>>
      %dma_start3A_688 = tpu.memref_squeeze %dma_start3A_687 : memref<1x128x64xf32, #tpu.memory_space<vmem>> -> memref<128x64xf32, #tpu.memory_space<vmem>>
      %dma_start3A_689 = arith.constant 0 : i32
      %dma_start3A_690 = tpu.memref_slice %dma_start3A_688[%add3A_684, %dma_start3A_689] : memref<128x64xf32, #tpu.memory_space<vmem>> -> memref<1x64xf32, #tpu.memory_space<vmem>>
      %dma_start3A_691 = arith.constant 0 : i32
      %dma_start3A_692 = tpu.memref_slice %arg6[%squeeze3A_680, %dma_start3A_691] : memref<100000x64xf32, #tpu.memory_space<hbm>> -> memref<1x64xf32, #tpu.memory_space<hbm>>
      %dma_start3A_693 = arith.constant 0 : i32
      %dma_start3A_694 = arith.constant 0 : i32
      %dma_start3A_695 = tpu.memref_slice %arg11[%scan3A_119, %dma_start3A_693, %dma_start3A_694] : memref<7x128x64xf32, #tpu.memory_space<vmem>> -> memref<1x128x64xf32, #tpu.memory_space<vmem>>
      %dma_start3A_696 = tpu.memref_squeeze %dma_start3A_695 : memref<1x128x64xf32, #tpu.memory_space<vmem>> -> memref<128x64xf32, #tpu.memory_space<vmem>>
      %dma_start3A_697 = arith.constant 0 : i32
      %dma_start3A_698 = tpu.memref_slice %dma_start3A_696[%add3A_684, %dma_start3A_697] : memref<128x64xf32, #tpu.memory_space<vmem>> -> memref<1x64xf32, #tpu.memory_space<vmem>>
      %dma_start3A_699 = arith.constant 0 : i32
      %dma_start3A_700 = tpu.memref_slice %arg6[%squeeze3A_680, %dma_start3A_699] : memref<100000x64xf32, #tpu.memory_space<hbm>> -> memref<1x64xf32, #tpu.memory_space<hbm>>
      tpu.enqueue_dma source(%dma_start3A_700 : memref<1x64xf32, #tpu.memory_space<hbm>>) target(%dma_start3A_698 : memref<1x64xf32, #tpu.memory_space<vmem>>) target_semaphore(%arg18 : memref<!tpu.dma_semaphore, #tpu.memory_space<semaphore_mem>>)
      %slice3A_701 = vector.extract_strided_slice %get3A_438 {offsets = [12], sizes = [1], strides = [1]} : vector<16xi32> to vector<1xi32>
      %squeeze3A_702 = vector.extract %slice3A_701[0] : i32 from vector<1xi32>
      %mul3A_703 = arith.constant 16 : i32
      %mul3A_704 = arith.muli %scan3A_432, %mul3A_703 : i32
      %add3A_705 = arith.constant 12 : i32
      %add3A_706 = arith.addi %mul3A_704, %add3A_705 : i32
      %dma_start3A_707 = arith.constant 0 : i32
      %dma_start3A_708 = arith.constant 0 : i32
      %dma_start3A_709 = tpu.memref_slice %arg11[%scan3A_119, %dma_start3A_707, %dma_start3A_708] : memref<7x128x64xf32, #tpu.memory_space<vmem>> -> memref<1x128x64xf32, #tpu.memory_space<vmem>>
      %dma_start3A_710 = tpu.memref_squeeze %dma_start3A_709 : memref<1x128x64xf32, #tpu.memory_space<vmem>> -> memref<128x64xf32, #tpu.memory_space<vmem>>
      %dma_start3A_711 = arith.constant 0 : i32
      %dma_start3A_712 = tpu.memref_slice %dma_start3A_710[%add3A_706, %dma_start3A_711] : memref<128x64xf32, #tpu.memory_space<vmem>> -> memref<1x64xf32, #tpu.memory_space<vmem>>
      %dma_start3A_713 = arith.constant 0 : i32
      %dma_start3A_714 = tpu.memref_slice %arg6[%squeeze3A_702, %dma_start3A_713] : memref<100000x64xf32, #tpu.memory_space<hbm>> -> memref<1x64xf32, #tpu.memory_space<hbm>>
      %dma_start3A_715 = arith.constant 0 : i32
      %dma_start3A_716 = arith.constant 0 : i32
      %dma_start3A_717 = tpu.memref_slice %arg11[%scan3A_119, %dma_start3A_715, %dma_start3A_716] : memref<7x128x64xf32, #tpu.memory_space<vmem>> -> memref<1x128x64xf32, #tpu.memory_space<vmem>>
      %dma_start3A_718 = tpu.memref_squeeze %dma_start3A_717 : memref<1x128x64xf32, #tpu.memory_space<vmem>> -> memref<128x64xf32, #tpu.memory_space<vmem>>
      %dma_start3A_719 = arith.constant 0 : i32
      %dma_start3A_720 = tpu.memref_slice %dma_start3A_718[%add3A_706, %dma_start3A_719] : memref<128x64xf32, #tpu.memory_space<vmem>> -> memref<1x64xf32, #tpu.memory_space<vmem>>
      %dma_start3A_721 = arith.constant 0 : i32
      %dma_start3A_722 = tpu.memref_slice %arg6[%squeeze3A_702, %dma_start3A_721] : memref<100000x64xf32, #tpu.memory_space<hbm>> -> memref<1x64xf32, #tpu.memory_space<hbm>>
      tpu.enqueue_dma source(%dma_start3A_722 : memref<1x64xf32, #tpu.memory_space<hbm>>) target(%dma_start3A_720 : memref<1x64xf32, #tpu.memory_space<vmem>>) target_semaphore(%arg18 : memref<!tpu.dma_semaphore, #tpu.memory_space<semaphore_mem>>)
      %slice3A_723 = vector.extract_strided_slice %get3A_438 {offsets = [13], sizes = [1], strides = [1]} : vector<16xi32> to vector<1xi32>
      %squeeze3A_724 = vector.extract %slice3A_723[0] : i32 from vector<1xi32>
      %mul3A_725 = arith.constant 16 : i32
      %mul3A_726 = arith.muli %scan3A_432, %mul3A_725 : i32
      %add3A_727 = arith.constant 13 : i32
      %add3A_728 = arith.addi %mul3A_726, %add3A_727 : i32
      %dma_start3A_729 = arith.constant 0 : i32
      %dma_start3A_730 = arith.constant 0 : i32
      %dma_start3A_731 = tpu.memref_slice %arg11[%scan3A_119, %dma_start3A_729, %dma_start3A_730] : memref<7x128x64xf32, #tpu.memory_space<vmem>> -> memref<1x128x64xf32, #tpu.memory_space<vmem>>
      %dma_start3A_732 = tpu.memref_squeeze %dma_start3A_731 : memref<1x128x64xf32, #tpu.memory_space<vmem>> -> memref<128x64xf32, #tpu.memory_space<vmem>>
      %dma_start3A_733 = arith.constant 0 : i32
      %dma_start3A_734 = tpu.memref_slice %dma_start3A_732[%add3A_728, %dma_start3A_733] : memref<128x64xf32, #tpu.memory_space<vmem>> -> memref<1x64xf32, #tpu.memory_space<vmem>>
      %dma_start3A_735 = arith.constant 0 : i32
      %dma_start3A_736 = tpu.memref_slice %arg6[%squeeze3A_724, %dma_start3A_735] : memref<100000x64xf32, #tpu.memory_space<hbm>> -> memref<1x64xf32, #tpu.memory_space<hbm>>
      %dma_start3A_737 = arith.constant 0 : i32
      %dma_start3A_738 = arith.constant 0 : i32
      %dma_start3A_739 = tpu.memref_slice %arg11[%scan3A_119, %dma_start3A_737, %dma_start3A_738] : memref<7x128x64xf32, #tpu.memory_space<vmem>> -> memref<1x128x64xf32, #tpu.memory_space<vmem>>
      %dma_start3A_740 = tpu.memref_squeeze %dma_start3A_739 : memref<1x128x64xf32, #tpu.memory_space<vmem>> -> memref<128x64xf32, #tpu.memory_space<vmem>>
      %dma_start3A_741 = arith.constant 0 : i32
      %dma_start3A_742 = tpu.memref_slice %dma_start3A_740[%add3A_728, %dma_start3A_741] : memref<128x64xf32, #tpu.memory_space<vmem>> -> memref<1x64xf32, #tpu.memory_space<vmem>>
      %dma_start3A_743 = arith.constant 0 : i32
      %dma_start3A_744 = tpu.memref_slice %arg6[%squeeze3A_724, %dma_start3A_743] : memref<100000x64xf32, #tpu.memory_space<hbm>> -> memref<1x64xf32, #tpu.memory_space<hbm>>
      tpu.enqueue_dma source(%dma_start3A_744 : memref<1x64xf32, #tpu.memory_space<hbm>>) target(%dma_start3A_742 : memref<1x64xf32, #tpu.memory_space<vmem>>) target_semaphore(%arg18 : memref<!tpu.dma_semaphore, #tpu.memory_space<semaphore_mem>>)
      %slice3A_745 = vector.extract_strided_slice %get3A_438 {offsets = [14], sizes = [1], strides = [1]} : vector<16xi32> to vector<1xi32>
      %squeeze3A_746 = vector.extract %slice3A_745[0] : i32 from vector<1xi32>
      %mul3A_747 = arith.constant 16 : i32
      %mul3A_748 = arith.muli %scan3A_432, %mul3A_747 : i32
      %add3A_749 = arith.constant 14 : i32
      %add3A_750 = arith.addi %mul3A_748, %add3A_749 : i32
      %dma_start3A_751 = arith.constant 0 : i32
      %dma_start3A_752 = arith.constant 0 : i32
      %dma_start3A_753 = tpu.memref_slice %arg11[%scan3A_119, %dma_start3A_751, %dma_start3A_752] : memref<7x128x64xf32, #tpu.memory_space<vmem>> -> memref<1x128x64xf32, #tpu.memory_space<vmem>>
      %dma_start3A_754 = tpu.memref_squeeze %dma_start3A_753 : memref<1x128x64xf32, #tpu.memory_space<vmem>> -> memref<128x64xf32, #tpu.memory_space<vmem>>
      %dma_start3A_755 = arith.constant 0 : i32
      %dma_start3A_756 = tpu.memref_slice %dma_start3A_754[%add3A_750, %dma_start3A_755] : memref<128x64xf32, #tpu.memory_space<vmem>> -> memref<1x64xf32, #tpu.memory_space<vmem>>
      %dma_start3A_757 = arith.constant 0 : i32
      %dma_start3A_758 = tpu.memref_slice %arg6[%squeeze3A_746, %dma_start3A_757] : memref<100000x64xf32, #tpu.memory_space<hbm>> -> memref<1x64xf32, #tpu.memory_space<hbm>>
      %dma_start3A_759 = arith.constant 0 : i32
      %dma_start3A_760 = arith.constant 0 : i32
      %dma_start3A_761 = tpu.memref_slice %arg11[%scan3A_119, %dma_start3A_759, %dma_start3A_760] : memref<7x128x64xf32, #tpu.memory_space<vmem>> -> memref<1x128x64xf32, #tpu.memory_space<vmem>>
      %dma_start3A_762 = tpu.memref_squeeze %dma_start3A_761 : memref<1x128x64xf32, #tpu.memory_space<vmem>> -> memref<128x64xf32, #tpu.memory_space<vmem>>
      %dma_start3A_763 = arith.constant 0 : i32
      %dma_start3A_764 = tpu.memref_slice %dma_start3A_762[%add3A_750, %dma_start3A_763] : memref<128x64xf32, #tpu.memory_space<vmem>> -> memref<1x64xf32, #tpu.memory_space<vmem>>
      %dma_start3A_765 = arith.constant 0 : i32
      %dma_start3A_766 = tpu.memref_slice %arg6[%squeeze3A_746, %dma_start3A_765] : memref<100000x64xf32, #tpu.memory_space<hbm>> -> memref<1x64xf32, #tpu.memory_space<hbm>>
      tpu.enqueue_dma source(%dma_start3A_766 : memref<1x64xf32, #tpu.memory_space<hbm>>) target(%dma_start3A_764 : memref<1x64xf32, #tpu.memory_space<vmem>>) target_semaphore(%arg18 : memref<!tpu.dma_semaphore, #tpu.memory_space<semaphore_mem>>)
      %slice3A_767 = vector.extract_strided_slice %get3A_438 {offsets = [15], sizes = [1], strides = [1]} : vector<16xi32> to vector<1xi32>
      %squeeze3A_768 = vector.extract %slice3A_767[0] : i32 from vector<1xi32>
      %mul3A_769 = arith.constant 16 : i32
      %mul3A_770 = arith.muli %scan3A_432, %mul3A_769 : i32
      %add3A_771 = arith.constant 15 : i32
      %add3A_772 = arith.addi %mul3A_770, %add3A_771 : i32
      %dma_start3A_773 = arith.constant 0 : i32
      %dma_start3A_774 = arith.constant 0 : i32
      %dma_start3A_775 = tpu.memref_slice %arg11[%scan3A_119, %dma_start3A_773, %dma_start3A_774] : memref<7x128x64xf32, #tpu.memory_space<vmem>> -> memref<1x128x64xf32, #tpu.memory_space<vmem>>
      %dma_start3A_776 = tpu.memref_squeeze %dma_start3A_775 : memref<1x128x64xf32, #tpu.memory_space<vmem>> -> memref<128x64xf32, #tpu.memory_space<vmem>>
      %dma_start3A_777 = arith.constant 0 : i32
      %dma_start3A_778 = tpu.memref_slice %dma_start3A_776[%add3A_772, %dma_start3A_777] : memref<128x64xf32, #tpu.memory_space<vmem>> -> memref<1x64xf32, #tpu.memory_space<vmem>>
      %dma_start3A_779 = arith.constant 0 : i32
      %dma_start3A_780 = tpu.memref_slice %arg6[%squeeze3A_768, %dma_start3A_779] : memref<100000x64xf32, #tpu.memory_space<hbm>> -> memref<1x64xf32, #tpu.memory_space<hbm>>
      %dma_start3A_781 = arith.constant 0 : i32
      %dma_start3A_782 = arith.constant 0 : i32
      %dma_start3A_783 = tpu.memref_slice %arg11[%scan3A_119, %dma_start3A_781, %dma_start3A_782] : memref<7x128x64xf32, #tpu.memory_space<vmem>> -> memref<1x128x64xf32, #tpu.memory_space<vmem>>
      %dma_start3A_784 = tpu.memref_squeeze %dma_start3A_783 : memref<1x128x64xf32, #tpu.memory_space<vmem>> -> memref<128x64xf32, #tpu.memory_space<vmem>>
      %dma_start3A_785 = arith.constant 0 : i32
      %dma_start3A_786 = tpu.memref_slice %dma_start3A_784[%add3A_772, %dma_start3A_785] : memref<128x64xf32, #tpu.memory_space<vmem>> -> memref<1x64xf32, #tpu.memory_space<vmem>>
      %dma_start3A_787 = arith.constant 0 : i32
      %dma_start3A_788 = tpu.memref_slice %arg6[%squeeze3A_768, %dma_start3A_787] : memref<100000x64xf32, #tpu.memory_space<hbm>> -> memref<1x64xf32, #tpu.memory_space<hbm>>
      tpu.enqueue_dma source(%dma_start3A_788 : memref<1x64xf32, #tpu.memory_space<hbm>>) target(%dma_start3A_786 : memref<1x64xf32, #tpu.memory_space<vmem>>) target_semaphore(%arg18 : memref<!tpu.dma_semaphore, #tpu.memory_space<semaphore_mem>>)
    }
    %scan3A_124 = arith.constant 8 : i32
    %scan3A_125 = arith.constant 0 : i32
    %scan3A_126 = arith.constant 5 : i32
    %scan3A_127 = arith.constant 0 : i32
    %scan3A_128 = arith.constant 8 : i32
    %scan3A_129 = arith.addi %scan3A_127, %scan3A_128 : i32
    %scan3A_130 = arith.constant 1 : i32
    scf.for %scan3A_432 = %scan3A_127 to %scan3A_129 step %scan3A_130  : i32 {
      %mul3A_433 = arith.constant 16 : i32
      %mul3A_434 = arith.muli %scan3A_432, %mul3A_433 : i32
      %add3A_435 = arith.constant 384 : i32
      %add3A_436 = arith.addi %add3A_435, %mul3A_434 : i32
      %get3A = arith.index_cast %add3A_436 : i32 to index
      %get3A_437 = tpu.vector_load %arg10[%get3A] {strides = array<i32>} : memref<640xi32, #tpu.memory_space<vmem>>, vector<16xi32>,
      %get3A_438 = vector.shape_cast %get3A_437 : vector<16xi32> to vector<16xi32>
      %slice3A = vector.extract_strided_slice %get3A_438 {offsets = [0], sizes = [1], strides = [1]} : vector<16xi32> to vector<1xi32>
      %squeeze3A = vector.extract %slice3A[0] : i32 from vector<1xi32>
      %mul3A_439 = arith.constant 16 : i32
      %mul3A_440 = arith.muli %scan3A_432, %mul3A_439 : i32
      %add3A_441 = arith.constant 0 : i32
      %add3A_442 = arith.addi %mul3A_440, %add3A_441 : i32
      %dma_start3A_443 = arith.constant 0 : i32
      %dma_start3A_444 = arith.constant 0 : i32
      %dma_start3A_445 = tpu.memref_slice %arg11[%scan3A_126, %dma_start3A_443, %dma_start3A_444] : memref<7x128x64xf32, #tpu.memory_space<vmem>> -> memref<1x128x64xf32, #tpu.memory_space<vmem>>
      %dma_start3A_446 = tpu.memref_squeeze %dma_start3A_445 : memref<1x128x64xf32, #tpu.memory_space<vmem>> -> memref<128x64xf32, #tpu.memory_space<vmem>>
      %dma_start3A_447 = arith.constant 0 : i32
      %dma_start3A_448 = tpu.memref_slice %dma_start3A_446[%add3A_442, %dma_start3A_447] : memref<128x64xf32, #tpu.memory_space<vmem>> -> memref<1x64xf32, #tpu.memory_space<vmem>>
      %dma_start3A_449 = arith.constant 0 : i32
      %dma_start3A_450 = tpu.memref_slice %arg6[%squeeze3A, %dma_start3A_449] : memref<100000x64xf32, #tpu.memory_space<hbm>> -> memref<1x64xf32, #tpu.memory_space<hbm>>
      %dma_start3A_451 = arith.constant 0 : i32
      %dma_start3A_452 = arith.constant 0 : i32
      %dma_start3A_453 = tpu.memref_slice %arg11[%scan3A_126, %dma_start3A_451, %dma_start3A_452] : memref<7x128x64xf32, #tpu.memory_space<vmem>> -> memref<1x128x64xf32, #tpu.memory_space<vmem>>
      %dma_start3A_454 = tpu.memref_squeeze %dma_start3A_453 : memref<1x128x64xf32, #tpu.memory_space<vmem>> -> memref<128x64xf32, #tpu.memory_space<vmem>>
      %dma_start3A_455 = arith.constant 0 : i32
      %dma_start3A_456 = tpu.memref_slice %dma_start3A_454[%add3A_442, %dma_start3A_455] : memref<128x64xf32, #tpu.memory_space<vmem>> -> memref<1x64xf32, #tpu.memory_space<vmem>>
      %dma_start3A_457 = arith.constant 0 : i32
      %dma_start3A_458 = tpu.memref_slice %arg6[%squeeze3A, %dma_start3A_457] : memref<100000x64xf32, #tpu.memory_space<hbm>> -> memref<1x64xf32, #tpu.memory_space<hbm>>
      tpu.enqueue_dma source(%dma_start3A_458 : memref<1x64xf32, #tpu.memory_space<hbm>>) target(%dma_start3A_456 : memref<1x64xf32, #tpu.memory_space<vmem>>) target_semaphore(%arg19 : memref<!tpu.dma_semaphore, #tpu.memory_space<semaphore_mem>>)
      %slice3A_459 = vector.extract_strided_slice %get3A_438 {offsets = [1], sizes = [1], strides = [1]} : vector<16xi32> to vector<1xi32>
      %squeeze3A_460 = vector.extract %slice3A_459[0] : i32 from vector<1xi32>
      %mul3A_461 = arith.constant 16 : i32
      %mul3A_462 = arith.muli %scan3A_432, %mul3A_461 : i32
      %add3A_463 = arith.constant 1 : i32
      %add3A_464 = arith.addi %mul3A_462, %add3A_463 : i32
      %dma_start3A_465 = arith.constant 0 : i32
      %dma_start3A_466 = arith.constant 0 : i32
      %dma_start3A_467 = tpu.memref_slice %arg11[%scan3A_126, %dma_start3A_465, %dma_start3A_466] : memref<7x128x64xf32, #tpu.memory_space<vmem>> -> memref<1x128x64xf32, #tpu.memory_space<vmem>>
      %dma_start3A_468 = tpu.memref_squeeze %dma_start3A_467 : memref<1x128x64xf32, #tpu.memory_space<vmem>> -> memref<128x64xf32, #tpu.memory_space<vmem>>
      %dma_start3A_469 = arith.constant 0 : i32
      %dma_start3A_470 = tpu.memref_slice %dma_start3A_468[%add3A_464, %dma_start3A_469] : memref<128x64xf32, #tpu.memory_space<vmem>> -> memref<1x64xf32, #tpu.memory_space<vmem>>
      %dma_start3A_471 = arith.constant 0 : i32
      %dma_start3A_472 = tpu.memref_slice %arg6[%squeeze3A_460, %dma_start3A_471] : memref<100000x64xf32, #tpu.memory_space<hbm>> -> memref<1x64xf32, #tpu.memory_space<hbm>>
      %dma_start3A_473 = arith.constant 0 : i32
      %dma_start3A_474 = arith.constant 0 : i32
      %dma_start3A_475 = tpu.memref_slice %arg11[%scan3A_126, %dma_start3A_473, %dma_start3A_474] : memref<7x128x64xf32, #tpu.memory_space<vmem>> -> memref<1x128x64xf32, #tpu.memory_space<vmem>>
      %dma_start3A_476 = tpu.memref_squeeze %dma_start3A_475 : memref<1x128x64xf32, #tpu.memory_space<vmem>> -> memref<128x64xf32, #tpu.memory_space<vmem>>
      %dma_start3A_477 = arith.constant 0 : i32
      %dma_start3A_478 = tpu.memref_slice %dma_start3A_476[%add3A_464, %dma_start3A_477] : memref<128x64xf32, #tpu.memory_space<vmem>> -> memref<1x64xf32, #tpu.memory_space<vmem>>
      %dma_start3A_479 = arith.constant 0 : i32
      %dma_start3A_480 = tpu.memref_slice %arg6[%squeeze3A_460, %dma_start3A_479] : memref<100000x64xf32, #tpu.memory_space<hbm>> -> memref<1x64xf32, #tpu.memory_space<hbm>>
      tpu.enqueue_dma source(%dma_start3A_480 : memref<1x64xf32, #tpu.memory_space<hbm>>) target(%dma_start3A_478 : memref<1x64xf32, #tpu.memory_space<vmem>>) target_semaphore(%arg19 : memref<!tpu.dma_semaphore, #tpu.memory_space<semaphore_mem>>)
      %slice3A_481 = vector.extract_strided_slice %get3A_438 {offsets = [2], sizes = [1], strides = [1]} : vector<16xi32> to vector<1xi32>
      %squeeze3A_482 = vector.extract %slice3A_481[0] : i32 from vector<1xi32>
      %mul3A_483 = arith.constant 16 : i32
      %mul3A_484 = arith.muli %scan3A_432, %mul3A_483 : i32
      %add3A_485 = arith.constant 2 : i32
      %add3A_486 = arith.addi %mul3A_484, %add3A_485 : i32
      %dma_start3A_487 = arith.constant 0 : i32
      %dma_start3A_488 = arith.constant 0 : i32
      %dma_start3A_489 = tpu.memref_slice %arg11[%scan3A_126, %dma_start3A_487, %dma_start3A_488] : memref<7x128x64xf32, #tpu.memory_space<vmem>> -> memref<1x128x64xf32, #tpu.memory_space<vmem>>
      %dma_start3A_490 = tpu.memref_squeeze %dma_start3A_489 : memref<1x128x64xf32, #tpu.memory_space<vmem>> -> memref<128x64xf32, #tpu.memory_space<vmem>>
      %dma_start3A_491 = arith.constant 0 : i32
      %dma_start3A_492 = tpu.memref_slice %dma_start3A_490[%add3A_486, %dma_start3A_491] : memref<128x64xf32, #tpu.memory_space<vmem>> -> memref<1x64xf32, #tpu.memory_space<vmem>>
      %dma_start3A_493 = arith.constant 0 : i32
      %dma_start3A_494 = tpu.memref_slice %arg6[%squeeze3A_482, %dma_start3A_493] : memref<100000x64xf32, #tpu.memory_space<hbm>> -> memref<1x64xf32, #tpu.memory_space<hbm>>
      %dma_start3A_495 = arith.constant 0 : i32
      %dma_start3A_496 = arith.constant 0 : i32
      %dma_start3A_497 = tpu.memref_slice %arg11[%scan3A_126, %dma_start3A_495, %dma_start3A_496] : memref<7x128x64xf32, #tpu.memory_space<vmem>> -> memref<1x128x64xf32, #tpu.memory_space<vmem>>
      %dma_start3A_498 = tpu.memref_squeeze %dma_start3A_497 : memref<1x128x64xf32, #tpu.memory_space<vmem>> -> memref<128x64xf32, #tpu.memory_space<vmem>>
      %dma_start3A_499 = arith.constant 0 : i32
      %dma_start3A_500 = tpu.memref_slice %dma_start3A_498[%add3A_486, %dma_start3A_499] : memref<128x64xf32, #tpu.memory_space<vmem>> -> memref<1x64xf32, #tpu.memory_space<vmem>>
      %dma_start3A_501 = arith.constant 0 : i32
      %dma_start3A_502 = tpu.memref_slice %arg6[%squeeze3A_482, %dma_start3A_501] : memref<100000x64xf32, #tpu.memory_space<hbm>> -> memref<1x64xf32, #tpu.memory_space<hbm>>
      tpu.enqueue_dma source(%dma_start3A_502 : memref<1x64xf32, #tpu.memory_space<hbm>>) target(%dma_start3A_500 : memref<1x64xf32, #tpu.memory_space<vmem>>) target_semaphore(%arg19 : memref<!tpu.dma_semaphore, #tpu.memory_space<semaphore_mem>>)
      %slice3A_503 = vector.extract_strided_slice %get3A_438 {offsets = [3], sizes = [1], strides = [1]} : vector<16xi32> to vector<1xi32>
      %squeeze3A_504 = vector.extract %slice3A_503[0] : i32 from vector<1xi32>
      %mul3A_505 = arith.constant 16 : i32
      %mul3A_506 = arith.muli %scan3A_432, %mul3A_505 : i32
      %add3A_507 = arith.constant 3 : i32
      %add3A_508 = arith.addi %mul3A_506, %add3A_507 : i32
      %dma_start3A_509 = arith.constant 0 : i32
      %dma_start3A_510 = arith.constant 0 : i32
      %dma_start3A_511 = tpu.memref_slice %arg11[%scan3A_126, %dma_start3A_509, %dma_start3A_510] : memref<7x128x64xf32, #tpu.memory_space<vmem>> -> memref<1x128x64xf32, #tpu.memory_space<vmem>>
      %dma_start3A_512 = tpu.memref_squeeze %dma_start3A_511 : memref<1x128x64xf32, #tpu.memory_space<vmem>> -> memref<128x64xf32, #tpu.memory_space<vmem>>
      %dma_start3A_513 = arith.constant 0 : i32
      %dma_start3A_514 = tpu.memref_slice %dma_start3A_512[%add3A_508, %dma_start3A_513] : memref<128x64xf32, #tpu.memory_space<vmem>> -> memref<1x64xf32, #tpu.memory_space<vmem>>
      %dma_start3A_515 = arith.constant 0 : i32
      %dma_start3A_516 = tpu.memref_slice %arg6[%squeeze3A_504, %dma_start3A_515] : memref<100000x64xf32, #tpu.memory_space<hbm>> -> memref<1x64xf32, #tpu.memory_space<hbm>>
      %dma_start3A_517 = arith.constant 0 : i32
      %dma_start3A_518 = arith.constant 0 : i32
      %dma_start3A_519 = tpu.memref_slice %arg11[%scan3A_126, %dma_start3A_517, %dma_start3A_518] : memref<7x128x64xf32, #tpu.memory_space<vmem>> -> memref<1x128x64xf32, #tpu.memory_space<vmem>>
      %dma_start3A_520 = tpu.memref_squeeze %dma_start3A_519 : memref<1x128x64xf32, #tpu.memory_space<vmem>> -> memref<128x64xf32, #tpu.memory_space<vmem>>
      %dma_start3A_521 = arith.constant 0 : i32
      %dma_start3A_522 = tpu.memref_slice %dma_start3A_520[%add3A_508, %dma_start3A_521] : memref<128x64xf32, #tpu.memory_space<vmem>> -> memref<1x64xf32, #tpu.memory_space<vmem>>
      %dma_start3A_523 = arith.constant 0 : i32
      %dma_start3A_524 = tpu.memref_slice %arg6[%squeeze3A_504, %dma_start3A_523] : memref<100000x64xf32, #tpu.memory_space<hbm>> -> memref<1x64xf32, #tpu.memory_space<hbm>>
      tpu.enqueue_dma source(%dma_start3A_524 : memref<1x64xf32, #tpu.memory_space<hbm>>) target(%dma_start3A_522 : memref<1x64xf32, #tpu.memory_space<vmem>>) target_semaphore(%arg19 : memref<!tpu.dma_semaphore, #tpu.memory_space<semaphore_mem>>)
      %slice3A_525 = vector.extract_strided_slice %get3A_438 {offsets = [4], sizes = [1], strides = [1]} : vector<16xi32> to vector<1xi32>
      %squeeze3A_526 = vector.extract %slice3A_525[0] : i32 from vector<1xi32>
      %mul3A_527 = arith.constant 16 : i32
      %mul3A_528 = arith.muli %scan3A_432, %mul3A_527 : i32
      %add3A_529 = arith.constant 4 : i32
      %add3A_530 = arith.addi %mul3A_528, %add3A_529 : i32
      %dma_start3A_531 = arith.constant 0 : i32
      %dma_start3A_532 = arith.constant 0 : i32
      %dma_start3A_533 = tpu.memref_slice %arg11[%scan3A_126, %dma_start3A_531, %dma_start3A_532] : memref<7x128x64xf32, #tpu.memory_space<vmem>> -> memref<1x128x64xf32, #tpu.memory_space<vmem>>
      %dma_start3A_534 = tpu.memref_squeeze %dma_start3A_533 : memref<1x128x64xf32, #tpu.memory_space<vmem>> -> memref<128x64xf32, #tpu.memory_space<vmem>>
      %dma_start3A_535 = arith.constant 0 : i32
      %dma_start3A_536 = tpu.memref_slice %dma_start3A_534[%add3A_530, %dma_start3A_535] : memref<128x64xf32, #tpu.memory_space<vmem>> -> memref<1x64xf32, #tpu.memory_space<vmem>>
      %dma_start3A_537 = arith.constant 0 : i32
      %dma_start3A_538 = tpu.memref_slice %arg6[%squeeze3A_526, %dma_start3A_537] : memref<100000x64xf32, #tpu.memory_space<hbm>> -> memref<1x64xf32, #tpu.memory_space<hbm>>
      %dma_start3A_539 = arith.constant 0 : i32
      %dma_start3A_540 = arith.constant 0 : i32
      %dma_start3A_541 = tpu.memref_slice %arg11[%scan3A_126, %dma_start3A_539, %dma_start3A_540] : memref<7x128x64xf32, #tpu.memory_space<vmem>> -> memref<1x128x64xf32, #tpu.memory_space<vmem>>
      %dma_start3A_542 = tpu.memref_squeeze %dma_start3A_541 : memref<1x128x64xf32, #tpu.memory_space<vmem>> -> memref<128x64xf32, #tpu.memory_space<vmem>>
      %dma_start3A_543 = arith.constant 0 : i32
      %dma_start3A_544 = tpu.memref_slice %dma_start3A_542[%add3A_530, %dma_start3A_543] : memref<128x64xf32, #tpu.memory_space<vmem>> -> memref<1x64xf32, #tpu.memory_space<vmem>>
      %dma_start3A_545 = arith.constant 0 : i32
      %dma_start3A_546 = tpu.memref_slice %arg6[%squeeze3A_526, %dma_start3A_545] : memref<100000x64xf32, #tpu.memory_space<hbm>> -> memref<1x64xf32, #tpu.memory_space<hbm>>
      tpu.enqueue_dma source(%dma_start3A_546 : memref<1x64xf32, #tpu.memory_space<hbm>>) target(%dma_start3A_544 : memref<1x64xf32, #tpu.memory_space<vmem>>) target_semaphore(%arg19 : memref<!tpu.dma_semaphore, #tpu.memory_space<semaphore_mem>>)
      %slice3A_547 = vector.extract_strided_slice %get3A_438 {offsets = [5], sizes = [1], strides = [1]} : vector<16xi32> to vector<1xi32>
      %squeeze3A_548 = vector.extract %slice3A_547[0] : i32 from vector<1xi32>
      %mul3A_549 = arith.constant 16 : i32
      %mul3A_550 = arith.muli %scan3A_432, %mul3A_549 : i32
      %add3A_551 = arith.constant 5 : i32
      %add3A_552 = arith.addi %mul3A_550, %add3A_551 : i32
      %dma_start3A_553 = arith.constant 0 : i32
      %dma_start3A_554 = arith.constant 0 : i32
      %dma_start3A_555 = tpu.memref_slice %arg11[%scan3A_126, %dma_start3A_553, %dma_start3A_554] : memref<7x128x64xf32, #tpu.memory_space<vmem>> -> memref<1x128x64xf32, #tpu.memory_space<vmem>>
      %dma_start3A_556 = tpu.memref_squeeze %dma_start3A_555 : memref<1x128x64xf32, #tpu.memory_space<vmem>> -> memref<128x64xf32, #tpu.memory_space<vmem>>
      %dma_start3A_557 = arith.constant 0 : i32
      %dma_start3A_558 = tpu.memref_slice %dma_start3A_556[%add3A_552, %dma_start3A_557] : memref<128x64xf32, #tpu.memory_space<vmem>> -> memref<1x64xf32, #tpu.memory_space<vmem>>
      %dma_start3A_559 = arith.constant 0 : i32
      %dma_start3A_560 = tpu.memref_slice %arg6[%squeeze3A_548, %dma_start3A_559] : memref<100000x64xf32, #tpu.memory_space<hbm>> -> memref<1x64xf32, #tpu.memory_space<hbm>>
      %dma_start3A_561 = arith.constant 0 : i32
      %dma_start3A_562 = arith.constant 0 : i32
      %dma_start3A_563 = tpu.memref_slice %arg11[%scan3A_126, %dma_start3A_561, %dma_start3A_562] : memref<7x128x64xf32, #tpu.memory_space<vmem>> -> memref<1x128x64xf32, #tpu.memory_space<vmem>>
      %dma_start3A_564 = tpu.memref_squeeze %dma_start3A_563 : memref<1x128x64xf32, #tpu.memory_space<vmem>> -> memref<128x64xf32, #tpu.memory_space<vmem>>
      %dma_start3A_565 = arith.constant 0 : i32
      %dma_start3A_566 = tpu.memref_slice %dma_start3A_564[%add3A_552, %dma_start3A_565] : memref<128x64xf32, #tpu.memory_space<vmem>> -> memref<1x64xf32, #tpu.memory_space<vmem>>
      %dma_start3A_567 = arith.constant 0 : i32
      %dma_start3A_568 = tpu.memref_slice %arg6[%squeeze3A_548, %dma_start3A_567] : memref<100000x64xf32, #tpu.memory_space<hbm>> -> memref<1x64xf32, #tpu.memory_space<hbm>>
      tpu.enqueue_dma source(%dma_start3A_568 : memref<1x64xf32, #tpu.memory_space<hbm>>) target(%dma_start3A_566 : memref<1x64xf32, #tpu.memory_space<vmem>>) target_semaphore(%arg19 : memref<!tpu.dma_semaphore, #tpu.memory_space<semaphore_mem>>)
      %slice3A_569 = vector.extract_strided_slice %get3A_438 {offsets = [6], sizes = [1], strides = [1]} : vector<16xi32> to vector<1xi32>
      %squeeze3A_570 = vector.extract %slice3A_569[0] : i32 from vector<1xi32>
      %mul3A_571 = arith.constant 16 : i32
      %mul3A_572 = arith.muli %scan3A_432, %mul3A_571 : i32
      %add3A_573 = arith.constant 6 : i32
      %add3A_574 = arith.addi %mul3A_572, %add3A_573 : i32
      %dma_start3A_575 = arith.constant 0 : i32
      %dma_start3A_576 = arith.constant 0 : i32
      %dma_start3A_577 = tpu.memref_slice %arg11[%scan3A_126, %dma_start3A_575, %dma_start3A_576] : memref<7x128x64xf32, #tpu.memory_space<vmem>> -> memref<1x128x64xf32, #tpu.memory_space<vmem>>
      %dma_start3A_578 = tpu.memref_squeeze %dma_start3A_577 : memref<1x128x64xf32, #tpu.memory_space<vmem>> -> memref<128x64xf32, #tpu.memory_space<vmem>>
      %dma_start3A_579 = arith.constant 0 : i32
      %dma_start3A_580 = tpu.memref_slice %dma_start3A_578[%add3A_574, %dma_start3A_579] : memref<128x64xf32, #tpu.memory_space<vmem>> -> memref<1x64xf32, #tpu.memory_space<vmem>>
      %dma_start3A_581 = arith.constant 0 : i32
      %dma_start3A_582 = tpu.memref_slice %arg6[%squeeze3A_570, %dma_start3A_581] : memref<100000x64xf32, #tpu.memory_space<hbm>> -> memref<1x64xf32, #tpu.memory_space<hbm>>
      %dma_start3A_583 = arith.constant 0 : i32
      %dma_start3A_584 = arith.constant 0 : i32
      %dma_start3A_585 = tpu.memref_slice %arg11[%scan3A_126, %dma_start3A_583, %dma_start3A_584] : memref<7x128x64xf32, #tpu.memory_space<vmem>> -> memref<1x128x64xf32, #tpu.memory_space<vmem>>
      %dma_start3A_586 = tpu.memref_squeeze %dma_start3A_585 : memref<1x128x64xf32, #tpu.memory_space<vmem>> -> memref<128x64xf32, #tpu.memory_space<vmem>>
      %dma_start3A_587 = arith.constant 0 : i32
      %dma_start3A_588 = tpu.memref_slice %dma_start3A_586[%add3A_574, %dma_start3A_587] : memref<128x64xf32, #tpu.memory_space<vmem>> -> memref<1x64xf32, #tpu.memory_space<vmem>>
      %dma_start3A_589 = arith.constant 0 : i32
      %dma_start3A_590 = tpu.memref_slice %arg6[%squeeze3A_570, %dma_start3A_589] : memref<100000x64xf32, #tpu.memory_space<hbm>> -> memref<1x64xf32, #tpu.memory_space<hbm>>
      tpu.enqueue_dma source(%dma_start3A_590 : memref<1x64xf32, #tpu.memory_space<hbm>>) target(%dma_start3A_588 : memref<1x64xf32, #tpu.memory_space<vmem>>) target_semaphore(%arg19 : memref<!tpu.dma_semaphore, #tpu.memory_space<semaphore_mem>>)
      %slice3A_591 = vector.extract_strided_slice %get3A_438 {offsets = [7], sizes = [1], strides = [1]} : vector<16xi32> to vector<1xi32>
      %squeeze3A_592 = vector.extract %slice3A_591[0] : i32 from vector<1xi32>
      %mul3A_593 = arith.constant 16 : i32
      %mul3A_594 = arith.muli %scan3A_432, %mul3A_593 : i32
      %add3A_595 = arith.constant 7 : i32
      %add3A_596 = arith.addi %mul3A_594, %add3A_595 : i32
      %dma_start3A_597 = arith.constant 0 : i32
      %dma_start3A_598 = arith.constant 0 : i32
      %dma_start3A_599 = tpu.memref_slice %arg11[%scan3A_126, %dma_start3A_597, %dma_start3A_598] : memref<7x128x64xf32, #tpu.memory_space<vmem>> -> memref<1x128x64xf32, #tpu.memory_space<vmem>>
      %dma_start3A_600 = tpu.memref_squeeze %dma_start3A_599 : memref<1x128x64xf32, #tpu.memory_space<vmem>> -> memref<128x64xf32, #tpu.memory_space<vmem>>
      %dma_start3A_601 = arith.constant 0 : i32
      %dma_start3A_602 = tpu.memref_slice %dma_start3A_600[%add3A_596, %dma_start3A_601] : memref<128x64xf32, #tpu.memory_space<vmem>> -> memref<1x64xf32, #tpu.memory_space<vmem>>
      %dma_start3A_603 = arith.constant 0 : i32
      %dma_start3A_604 = tpu.memref_slice %arg6[%squeeze3A_592, %dma_start3A_603] : memref<100000x64xf32, #tpu.memory_space<hbm>> -> memref<1x64xf32, #tpu.memory_space<hbm>>
      %dma_start3A_605 = arith.constant 0 : i32
      %dma_start3A_606 = arith.constant 0 : i32
      %dma_start3A_607 = tpu.memref_slice %arg11[%scan3A_126, %dma_start3A_605, %dma_start3A_606] : memref<7x128x64xf32, #tpu.memory_space<vmem>> -> memref<1x128x64xf32, #tpu.memory_space<vmem>>
      %dma_start3A_608 = tpu.memref_squeeze %dma_start3A_607 : memref<1x128x64xf32, #tpu.memory_space<vmem>> -> memref<128x64xf32, #tpu.memory_space<vmem>>
      %dma_start3A_609 = arith.constant 0 : i32
      %dma_start3A_610 = tpu.memref_slice %dma_start3A_608[%add3A_596, %dma_start3A_609] : memref<128x64xf32, #tpu.memory_space<vmem>> -> memref<1x64xf32, #tpu.memory_space<vmem>>
      %dma_start3A_611 = arith.constant 0 : i32
      %dma_start3A_612 = tpu.memref_slice %arg6[%squeeze3A_592, %dma_start3A_611] : memref<100000x64xf32, #tpu.memory_space<hbm>> -> memref<1x64xf32, #tpu.memory_space<hbm>>
      tpu.enqueue_dma source(%dma_start3A_612 : memref<1x64xf32, #tpu.memory_space<hbm>>) target(%dma_start3A_610 : memref<1x64xf32, #tpu.memory_space<vmem>>) target_semaphore(%arg19 : memref<!tpu.dma_semaphore, #tpu.memory_space<semaphore_mem>>)
      %slice3A_613 = vector.extract_strided_slice %get3A_438 {offsets = [8], sizes = [1], strides = [1]} : vector<16xi32> to vector<1xi32>
      %squeeze3A_614 = vector.extract %slice3A_613[0] : i32 from vector<1xi32>
      %mul3A_615 = arith.constant 16 : i32
      %mul3A_616 = arith.muli %scan3A_432, %mul3A_615 : i32
      %add3A_617 = arith.constant 8 : i32
      %add3A_618 = arith.addi %mul3A_616, %add3A_617 : i32
      %dma_start3A_619 = arith.constant 0 : i32
      %dma_start3A_620 = arith.constant 0 : i32
      %dma_start3A_621 = tpu.memref_slice %arg11[%scan3A_126, %dma_start3A_619, %dma_start3A_620] : memref<7x128x64xf32, #tpu.memory_space<vmem>> -> memref<1x128x64xf32, #tpu.memory_space<vmem>>
      %dma_start3A_622 = tpu.memref_squeeze %dma_start3A_621 : memref<1x128x64xf32, #tpu.memory_space<vmem>> -> memref<128x64xf32, #tpu.memory_space<vmem>>
      %dma_start3A_623 = arith.constant 0 : i32
      %dma_start3A_624 = tpu.memref_slice %dma_start3A_622[%add3A_618, %dma_start3A_623] : memref<128x64xf32, #tpu.memory_space<vmem>> -> memref<1x64xf32, #tpu.memory_space<vmem>>
      %dma_start3A_625 = arith.constant 0 : i32
      %dma_start3A_626 = tpu.memref_slice %arg6[%squeeze3A_614, %dma_start3A_625] : memref<100000x64xf32, #tpu.memory_space<hbm>> -> memref<1x64xf32, #tpu.memory_space<hbm>>
      %dma_start3A_627 = arith.constant 0 : i32
      %dma_start3A_628 = arith.constant 0 : i32
      %dma_start3A_629 = tpu.memref_slice %arg11[%scan3A_126, %dma_start3A_627, %dma_start3A_628] : memref<7x128x64xf32, #tpu.memory_space<vmem>> -> memref<1x128x64xf32, #tpu.memory_space<vmem>>
      %dma_start3A_630 = tpu.memref_squeeze %dma_start3A_629 : memref<1x128x64xf32, #tpu.memory_space<vmem>> -> memref<128x64xf32, #tpu.memory_space<vmem>>
      %dma_start3A_631 = arith.constant 0 : i32
      %dma_start3A_632 = tpu.memref_slice %dma_start3A_630[%add3A_618, %dma_start3A_631] : memref<128x64xf32, #tpu.memory_space<vmem>> -> memref<1x64xf32, #tpu.memory_space<vmem>>
      %dma_start3A_633 = arith.constant 0 : i32
      %dma_start3A_634 = tpu.memref_slice %arg6[%squeeze3A_614, %dma_start3A_633] : memref<100000x64xf32, #tpu.memory_space<hbm>> -> memref<1x64xf32, #tpu.memory_space<hbm>>
      tpu.enqueue_dma source(%dma_start3A_634 : memref<1x64xf32, #tpu.memory_space<hbm>>) target(%dma_start3A_632 : memref<1x64xf32, #tpu.memory_space<vmem>>) target_semaphore(%arg19 : memref<!tpu.dma_semaphore, #tpu.memory_space<semaphore_mem>>)
      %slice3A_635 = vector.extract_strided_slice %get3A_438 {offsets = [9], sizes = [1], strides = [1]} : vector<16xi32> to vector<1xi32>
      %squeeze3A_636 = vector.extract %slice3A_635[0] : i32 from vector<1xi32>
      %mul3A_637 = arith.constant 16 : i32
      %mul3A_638 = arith.muli %scan3A_432, %mul3A_637 : i32
      %add3A_639 = arith.constant 9 : i32
      %add3A_640 = arith.addi %mul3A_638, %add3A_639 : i32
      %dma_start3A_641 = arith.constant 0 : i32
      %dma_start3A_642 = arith.constant 0 : i32
      %dma_start3A_643 = tpu.memref_slice %arg11[%scan3A_126, %dma_start3A_641, %dma_start3A_642] : memref<7x128x64xf32, #tpu.memory_space<vmem>> -> memref<1x128x64xf32, #tpu.memory_space<vmem>>
      %dma_start3A_644 = tpu.memref_squeeze %dma_start3A_643 : memref<1x128x64xf32, #tpu.memory_space<vmem>> -> memref<128x64xf32, #tpu.memory_space<vmem>>
      %dma_start3A_645 = arith.constant 0 : i32
      %dma_start3A_646 = tpu.memref_slice %dma_start3A_644[%add3A_640, %dma_start3A_645] : memref<128x64xf32, #tpu.memory_space<vmem>> -> memref<1x64xf32, #tpu.memory_space<vmem>>
      %dma_start3A_647 = arith.constant 0 : i32
      %dma_start3A_648 = tpu.memref_slice %arg6[%squeeze3A_636, %dma_start3A_647] : memref<100000x64xf32, #tpu.memory_space<hbm>> -> memref<1x64xf32, #tpu.memory_space<hbm>>
      %dma_start3A_649 = arith.constant 0 : i32
      %dma_start3A_650 = arith.constant 0 : i32
      %dma_start3A_651 = tpu.memref_slice %arg11[%scan3A_126, %dma_start3A_649, %dma_start3A_650] : memref<7x128x64xf32, #tpu.memory_space<vmem>> -> memref<1x128x64xf32, #tpu.memory_space<vmem>>
      %dma_start3A_652 = tpu.memref_squeeze %dma_start3A_651 : memref<1x128x64xf32, #tpu.memory_space<vmem>> -> memref<128x64xf32, #tpu.memory_space<vmem>>
      %dma_start3A_653 = arith.constant 0 : i32
      %dma_start3A_654 = tpu.memref_slice %dma_start3A_652[%add3A_640, %dma_start3A_653] : memref<128x64xf32, #tpu.memory_space<vmem>> -> memref<1x64xf32, #tpu.memory_space<vmem>>
      %dma_start3A_655 = arith.constant 0 : i32
      %dma_start3A_656 = tpu.memref_slice %arg6[%squeeze3A_636, %dma_start3A_655] : memref<100000x64xf32, #tpu.memory_space<hbm>> -> memref<1x64xf32, #tpu.memory_space<hbm>>
      tpu.enqueue_dma source(%dma_start3A_656 : memref<1x64xf32, #tpu.memory_space<hbm>>) target(%dma_start3A_654 : memref<1x64xf32, #tpu.memory_space<vmem>>) target_semaphore(%arg19 : memref<!tpu.dma_semaphore, #tpu.memory_space<semaphore_mem>>)
      %slice3A_657 = vector.extract_strided_slice %get3A_438 {offsets = [10], sizes = [1], strides = [1]} : vector<16xi32> to vector<1xi32>
      %squeeze3A_658 = vector.extract %slice3A_657[0] : i32 from vector<1xi32>
      %mul3A_659 = arith.constant 16 : i32
      %mul3A_660 = arith.muli %scan3A_432, %mul3A_659 : i32
      %add3A_661 = arith.constant 10 : i32
      %add3A_662 = arith.addi %mul3A_660, %add3A_661 : i32
      %dma_start3A_663 = arith.constant 0 : i32
      %dma_start3A_664 = arith.constant 0 : i32
      %dma_start3A_665 = tpu.memref_slice %arg11[%scan3A_126, %dma_start3A_663, %dma_start3A_664] : memref<7x128x64xf32, #tpu.memory_space<vmem>> -> memref<1x128x64xf32, #tpu.memory_space<vmem>>
      %dma_start3A_666 = tpu.memref_squeeze %dma_start3A_665 : memref<1x128x64xf32, #tpu.memory_space<vmem>> -> memref<128x64xf32, #tpu.memory_space<vmem>>
      %dma_start3A_667 = arith.constant 0 : i32
      %dma_start3A_668 = tpu.memref_slice %dma_start3A_666[%add3A_662, %dma_start3A_667] : memref<128x64xf32, #tpu.memory_space<vmem>> -> memref<1x64xf32, #tpu.memory_space<vmem>>
      %dma_start3A_669 = arith.constant 0 : i32
      %dma_start3A_670 = tpu.memref_slice %arg6[%squeeze3A_658, %dma_start3A_669] : memref<100000x64xf32, #tpu.memory_space<hbm>> -> memref<1x64xf32, #tpu.memory_space<hbm>>
      %dma_start3A_671 = arith.constant 0 : i32
      %dma_start3A_672 = arith.constant 0 : i32
      %dma_start3A_673 = tpu.memref_slice %arg11[%scan3A_126, %dma_start3A_671, %dma_start3A_672] : memref<7x128x64xf32, #tpu.memory_space<vmem>> -> memref<1x128x64xf32, #tpu.memory_space<vmem>>
      %dma_start3A_674 = tpu.memref_squeeze %dma_start3A_673 : memref<1x128x64xf32, #tpu.memory_space<vmem>> -> memref<128x64xf32, #tpu.memory_space<vmem>>
      %dma_start3A_675 = arith.constant 0 : i32
      %dma_start3A_676 = tpu.memref_slice %dma_start3A_674[%add3A_662, %dma_start3A_675] : memref<128x64xf32, #tpu.memory_space<vmem>> -> memref<1x64xf32, #tpu.memory_space<vmem>>
      %dma_start3A_677 = arith.constant 0 : i32
      %dma_start3A_678 = tpu.memref_slice %arg6[%squeeze3A_658, %dma_start3A_677] : memref<100000x64xf32, #tpu.memory_space<hbm>> -> memref<1x64xf32, #tpu.memory_space<hbm>>
      tpu.enqueue_dma source(%dma_start3A_678 : memref<1x64xf32, #tpu.memory_space<hbm>>) target(%dma_start3A_676 : memref<1x64xf32, #tpu.memory_space<vmem>>) target_semaphore(%arg19 : memref<!tpu.dma_semaphore, #tpu.memory_space<semaphore_mem>>)
      %slice3A_679 = vector.extract_strided_slice %get3A_438 {offsets = [11], sizes = [1], strides = [1]} : vector<16xi32> to vector<1xi32>
      %squeeze3A_680 = vector.extract %slice3A_679[0] : i32 from vector<1xi32>
      %mul3A_681 = arith.constant 16 : i32
      %mul3A_682 = arith.muli %scan3A_432, %mul3A_681 : i32
      %add3A_683 = arith.constant 11 : i32
      %add3A_684 = arith.addi %mul3A_682, %add3A_683 : i32
      %dma_start3A_685 = arith.constant 0 : i32
      %dma_start3A_686 = arith.constant 0 : i32
      %dma_start3A_687 = tpu.memref_slice %arg11[%scan3A_126, %dma_start3A_685, %dma_start3A_686] : memref<7x128x64xf32, #tpu.memory_space<vmem>> -> memref<1x128x64xf32, #tpu.memory_space<vmem>>
      %dma_start3A_688 = tpu.memref_squeeze %dma_start3A_687 : memref<1x128x64xf32, #tpu.memory_space<vmem>> -> memref<128x64xf32, #tpu.memory_space<vmem>>
      %dma_start3A_689 = arith.constant 0 : i32
      %dma_start3A_690 = tpu.memref_slice %dma_start3A_688[%add3A_684, %dma_start3A_689] : memref<128x64xf32, #tpu.memory_space<vmem>> -> memref<1x64xf32, #tpu.memory_space<vmem>>
      %dma_start3A_691 = arith.constant 0 : i32
      %dma_start3A_692 = tpu.memref_slice %arg6[%squeeze3A_680, %dma_start3A_691] : memref<100000x64xf32, #tpu.memory_space<hbm>> -> memref<1x64xf32, #tpu.memory_space<hbm>>
      %dma_start3A_693 = arith.constant 0 : i32
      %dma_start3A_694 = arith.constant 0 : i32
      %dma_start3A_695 = tpu.memref_slice %arg11[%scan3A_126, %dma_start3A_693, %dma_start3A_694] : memref<7x128x64xf32, #tpu.memory_space<vmem>> -> memref<1x128x64xf32, #tpu.memory_space<vmem>>
      %dma_start3A_696 = tpu.memref_squeeze %dma_start3A_695 : memref<1x128x64xf32, #tpu.memory_space<vmem>> -> memref<128x64xf32, #tpu.memory_space<vmem>>
      %dma_start3A_697 = arith.constant 0 : i32
      %dma_start3A_698 = tpu.memref_slice %dma_start3A_696[%add3A_684, %dma_start3A_697] : memref<128x64xf32, #tpu.memory_space<vmem>> -> memref<1x64xf32, #tpu.memory_space<vmem>>
      %dma_start3A_699 = arith.constant 0 : i32
      %dma_start3A_700 = tpu.memref_slice %arg6[%squeeze3A_680, %dma_start3A_699] : memref<100000x64xf32, #tpu.memory_space<hbm>> -> memref<1x64xf32, #tpu.memory_space<hbm>>
      tpu.enqueue_dma source(%dma_start3A_700 : memref<1x64xf32, #tpu.memory_space<hbm>>) target(%dma_start3A_698 : memref<1x64xf32, #tpu.memory_space<vmem>>) target_semaphore(%arg19 : memref<!tpu.dma_semaphore, #tpu.memory_space<semaphore_mem>>)
      %slice3A_701 = vector.extract_strided_slice %get3A_438 {offsets = [12], sizes = [1], strides = [1]} : vector<16xi32> to vector<1xi32>
      %squeeze3A_702 = vector.extract %slice3A_701[0] : i32 from vector<1xi32>
      %mul3A_703 = arith.constant 16 : i32
      %mul3A_704 = arith.muli %scan3A_432, %mul3A_703 : i32
      %add3A_705 = arith.constant 12 : i32
      %add3A_706 = arith.addi %mul3A_704, %add3A_705 : i32
      %dma_start3A_707 = arith.constant 0 : i32
      %dma_start3A_708 = arith.constant 0 : i32
      %dma_start3A_709 = tpu.memref_slice %arg11[%scan3A_126, %dma_start3A_707, %dma_start3A_708] : memref<7x128x64xf32, #tpu.memory_space<vmem>> -> memref<1x128x64xf32, #tpu.memory_space<vmem>>
      %dma_start3A_710 = tpu.memref_squeeze %dma_start3A_709 : memref<1x128x64xf32, #tpu.memory_space<vmem>> -> memref<128x64xf32, #tpu.memory_space<vmem>>
      %dma_start3A_711 = arith.constant 0 : i32
      %dma_start3A_712 = tpu.memref_slice %dma_start3A_710[%add3A_706, %dma_start3A_711] : memref<128x64xf32, #tpu.memory_space<vmem>> -> memref<1x64xf32, #tpu.memory_space<vmem>>
      %dma_start3A_713 = arith.constant 0 : i32
      %dma_start3A_714 = tpu.memref_slice %arg6[%squeeze3A_702, %dma_start3A_713] : memref<100000x64xf32, #tpu.memory_space<hbm>> -> memref<1x64xf32, #tpu.memory_space<hbm>>
      %dma_start3A_715 = arith.constant 0 : i32
      %dma_start3A_716 = arith.constant 0 : i32
      %dma_start3A_717 = tpu.memref_slice %arg11[%scan3A_126, %dma_start3A_715, %dma_start3A_716] : memref<7x128x64xf32, #tpu.memory_space<vmem>> -> memref<1x128x64xf32, #tpu.memory_space<vmem>>
      %dma_start3A_718 = tpu.memref_squeeze %dma_start3A_717 : memref<1x128x64xf32, #tpu.memory_space<vmem>> -> memref<128x64xf32, #tpu.memory_space<vmem>>
      %dma_start3A_719 = arith.constant 0 : i32
      %dma_start3A_720 = tpu.memref_slice %dma_start3A_718[%add3A_706, %dma_start3A_719] : memref<128x64xf32, #tpu.memory_space<vmem>> -> memref<1x64xf32, #tpu.memory_space<vmem>>
      %dma_start3A_721 = arith.constant 0 : i32
      %dma_start3A_722 = tpu.memref_slice %arg6[%squeeze3A_702, %dma_start3A_721] : memref<100000x64xf32, #tpu.memory_space<hbm>> -> memref<1x64xf32, #tpu.memory_space<hbm>>
      tpu.enqueue_dma source(%dma_start3A_722 : memref<1x64xf32, #tpu.memory_space<hbm>>) target(%dma_start3A_720 : memref<1x64xf32, #tpu.memory_space<vmem>>) target_semaphore(%arg19 : memref<!tpu.dma_semaphore, #tpu.memory_space<semaphore_mem>>)
      %slice3A_723 = vector.extract_strided_slice %get3A_438 {offsets = [13], sizes = [1], strides = [1]} : vector<16xi32> to vector<1xi32>
      %squeeze3A_724 = vector.extract %slice3A_723[0] : i32 from vector<1xi32>
      %mul3A_725 = arith.constant 16 : i32
      %mul3A_726 = arith.muli %scan3A_432, %mul3A_725 : i32
      %add3A_727 = arith.constant 13 : i32
      %add3A_728 = arith.addi %mul3A_726, %add3A_727 : i32
      %dma_start3A_729 = arith.constant 0 : i32
      %dma_start3A_730 = arith.constant 0 : i32
      %dma_start3A_731 = tpu.memref_slice %arg11[%scan3A_126, %dma_start3A_729, %dma_start3A_730] : memref<7x128x64xf32, #tpu.memory_space<vmem>> -> memref<1x128x64xf32, #tpu.memory_space<vmem>>
      %dma_start3A_732 = tpu.memref_squeeze %dma_start3A_731 : memref<1x128x64xf32, #tpu.memory_space<vmem>> -> memref<128x64xf32, #tpu.memory_space<vmem>>
      %dma_start3A_733 = arith.constant 0 : i32
      %dma_start3A_734 = tpu.memref_slice %dma_start3A_732[%add3A_728, %dma_start3A_733] : memref<128x64xf32, #tpu.memory_space<vmem>> -> memref<1x64xf32, #tpu.memory_space<vmem>>
      %dma_start3A_735 = arith.constant 0 : i32
      %dma_start3A_736 = tpu.memref_slice %arg6[%squeeze3A_724, %dma_start3A_735] : memref<100000x64xf32, #tpu.memory_space<hbm>> -> memref<1x64xf32, #tpu.memory_space<hbm>>
      %dma_start3A_737 = arith.constant 0 : i32
      %dma_start3A_738 = arith.constant 0 : i32
      %dma_start3A_739 = tpu.memref_slice %arg11[%scan3A_126, %dma_start3A_737, %dma_start3A_738] : memref<7x128x64xf32, #tpu.memory_space<vmem>> -> memref<1x128x64xf32, #tpu.memory_space<vmem>>
      %dma_start3A_740 = tpu.memref_squeeze %dma_start3A_739 : memref<1x128x64xf32, #tpu.memory_space<vmem>> -> memref<128x64xf32, #tpu.memory_space<vmem>>
      %dma_start3A_741 = arith.constant 0 : i32
      %dma_start3A_742 = tpu.memref_slice %dma_start3A_740[%add3A_728, %dma_start3A_741] : memref<128x64xf32, #tpu.memory_space<vmem>> -> memref<1x64xf32, #tpu.memory_space<vmem>>
      %dma_start3A_743 = arith.constant 0 : i32
      %dma_start3A_744 = tpu.memref_slice %arg6[%squeeze3A_724, %dma_start3A_743] : memref<100000x64xf32, #tpu.memory_space<hbm>> -> memref<1x64xf32, #tpu.memory_space<hbm>>
      tpu.enqueue_dma source(%dma_start3A_744 : memref<1x64xf32, #tpu.memory_space<hbm>>) target(%dma_start3A_742 : memref<1x64xf32, #tpu.memory_space<vmem>>) target_semaphore(%arg19 : memref<!tpu.dma_semaphore, #tpu.memory_space<semaphore_mem>>)
      %slice3A_745 = vector.extract_strided_slice %get3A_438 {offsets = [14], sizes = [1], strides = [1]} : vector<16xi32> to vector<1xi32>
      %squeeze3A_746 = vector.extract %slice3A_745[0] : i32 from vector<1xi32>
      %mul3A_747 = arith.constant 16 : i32
      %mul3A_748 = arith.muli %scan3A_432, %mul3A_747 : i32
      %add3A_749 = arith.constant 14 : i32
      %add3A_750 = arith.addi %mul3A_748, %add3A_749 : i32
      %dma_start3A_751 = arith.constant 0 : i32
      %dma_start3A_752 = arith.constant 0 : i32
      %dma_start3A_753 = tpu.memref_slice %arg11[%scan3A_126, %dma_start3A_751, %dma_start3A_752] : memref<7x128x64xf32, #tpu.memory_space<vmem>> -> memref<1x128x64xf32, #tpu.memory_space<vmem>>
      %dma_start3A_754 = tpu.memref_squeeze %dma_start3A_753 : memref<1x128x64xf32, #tpu.memory_space<vmem>> -> memref<128x64xf32, #tpu.memory_space<vmem>>
      %dma_start3A_755 = arith.constant 0 : i32
      %dma_start3A_756 = tpu.memref_slice %dma_start3A_754[%add3A_750, %dma_start3A_755] : memref<128x64xf32, #tpu.memory_space<vmem>> -> memref<1x64xf32, #tpu.memory_space<vmem>>
      %dma_start3A_757 = arith.constant 0 : i32
      %dma_start3A_758 = tpu.memref_slice %arg6[%squeeze3A_746, %dma_start3A_757] : memref<100000x64xf32, #tpu.memory_space<hbm>> -> memref<1x64xf32, #tpu.memory_space<hbm>>
      %dma_start3A_759 = arith.constant 0 : i32
      %dma_start3A_760 = arith.constant 0 : i32
      %dma_start3A_761 = tpu.memref_slice %arg11[%scan3A_126, %dma_start3A_759, %dma_start3A_760] : memref<7x128x64xf32, #tpu.memory_space<vmem>> -> memref<1x128x64xf32, #tpu.memory_space<vmem>>
      %dma_start3A_762 = tpu.memref_squeeze %dma_start3A_761 : memref<1x128x64xf32, #tpu.memory_space<vmem>> -> memref<128x64xf32, #tpu.memory_space<vmem>>
      %dma_start3A_763 = arith.constant 0 : i32
      %dma_start3A_764 = tpu.memref_slice %dma_start3A_762[%add3A_750, %dma_start3A_763] : memref<128x64xf32, #tpu.memory_space<vmem>> -> memref<1x64xf32, #tpu.memory_space<vmem>>
      %dma_start3A_765 = arith.constant 0 : i32
      %dma_start3A_766 = tpu.memref_slice %arg6[%squeeze3A_746, %dma_start3A_765] : memref<100000x64xf32, #tpu.memory_space<hbm>> -> memref<1x64xf32, #tpu.memory_space<hbm>>
      tpu.enqueue_dma source(%dma_start3A_766 : memref<1x64xf32, #tpu.memory_space<hbm>>) target(%dma_start3A_764 : memref<1x64xf32, #tpu.memory_space<vmem>>) target_semaphore(%arg19 : memref<!tpu.dma_semaphore, #tpu.memory_space<semaphore_mem>>)
      %slice3A_767 = vector.extract_strided_slice %get3A_438 {offsets = [15], sizes = [1], strides = [1]} : vector<16xi32> to vector<1xi32>
      %squeeze3A_768 = vector.extract %slice3A_767[0] : i32 from vector<1xi32>
      %mul3A_769 = arith.constant 16 : i32
      %mul3A_770 = arith.muli %scan3A_432, %mul3A_769 : i32
      %add3A_771 = arith.constant 15 : i32
      %add3A_772 = arith.addi %mul3A_770, %add3A_771 : i32
      %dma_start3A_773 = arith.constant 0 : i32
      %dma_start3A_774 = arith.constant 0 : i32
      %dma_start3A_775 = tpu.memref_slice %arg11[%scan3A_126, %dma_start3A_773, %dma_start3A_774] : memref<7x128x64xf32, #tpu.memory_space<vmem>> -> memref<1x128x64xf32, #tpu.memory_space<vmem>>
      %dma_start3A_776 = tpu.memref_squeeze %dma_start3A_775 : memref<1x128x64xf32, #tpu.memory_space<vmem>> -> memref<128x64xf32, #tpu.memory_space<vmem>>
      %dma_start3A_777 = arith.constant 0 : i32
      %dma_start3A_778 = tpu.memref_slice %dma_start3A_776[%add3A_772, %dma_start3A_777] : memref<128x64xf32, #tpu.memory_space<vmem>> -> memref<1x64xf32, #tpu.memory_space<vmem>>
      %dma_start3A_779 = arith.constant 0 : i32
      %dma_start3A_780 = tpu.memref_slice %arg6[%squeeze3A_768, %dma_start3A_779] : memref<100000x64xf32, #tpu.memory_space<hbm>> -> memref<1x64xf32, #tpu.memory_space<hbm>>
      %dma_start3A_781 = arith.constant 0 : i32
      %dma_start3A_782 = arith.constant 0 : i32
      %dma_start3A_783 = tpu.memref_slice %arg11[%scan3A_126, %dma_start3A_781, %dma_start3A_782] : memref<7x128x64xf32, #tpu.memory_space<vmem>> -> memref<1x128x64xf32, #tpu.memory_space<vmem>>
      %dma_start3A_784 = tpu.memref_squeeze %dma_start3A_783 : memref<1x128x64xf32, #tpu.memory_space<vmem>> -> memref<128x64xf32, #tpu.memory_space<vmem>>
      %dma_start3A_785 = arith.constant 0 : i32
      %dma_start3A_786 = tpu.memref_slice %dma_start3A_784[%add3A_772, %dma_start3A_785] : memref<128x64xf32, #tpu.memory_space<vmem>> -> memref<1x64xf32, #tpu.memory_space<vmem>>
      %dma_start3A_787 = arith.constant 0 : i32
      %dma_start3A_788 = tpu.memref_slice %arg6[%squeeze3A_768, %dma_start3A_787] : memref<100000x64xf32, #tpu.memory_space<hbm>> -> memref<1x64xf32, #tpu.memory_space<hbm>>
      tpu.enqueue_dma source(%dma_start3A_788 : memref<1x64xf32, #tpu.memory_space<hbm>>) target(%dma_start3A_786 : memref<1x64xf32, #tpu.memory_space<vmem>>) target_semaphore(%arg19 : memref<!tpu.dma_semaphore, #tpu.memory_space<semaphore_mem>>)
    }
    %scan3A_131 = arith.constant 8 : i32
    %scan3A_132 = arith.constant 0 : i32
    %scan3A_133 = arith.constant 6 : i32
    %scan3A_134 = arith.constant 0 : i32
    %scan3A_135 = arith.constant 8 : i32
    %scan3A_136 = arith.addi %scan3A_134, %scan3A_135 : i32
    %scan3A_137 = arith.constant 1 : i32
    scf.for %scan3A_432 = %scan3A_134 to %scan3A_136 step %scan3A_137  : i32 {
      %mul3A_433 = arith.constant 16 : i32
      %mul3A_434 = arith.muli %scan3A_432, %mul3A_433 : i32
      %add3A_435 = arith.constant 512 : i32
      %add3A_436 = arith.addi %add3A_435, %mul3A_434 : i32
      %get3A = arith.index_cast %add3A_436 : i32 to index
      %get3A_437 = tpu.vector_load %arg10[%get3A] {strides = array<i32>} : memref<640xi32, #tpu.memory_space<vmem>>, vector<16xi32>,
      %get3A_438 = vector.shape_cast %get3A_437 : vector<16xi32> to vector<16xi32>
      %slice3A = vector.extract_strided_slice %get3A_438 {offsets = [0], sizes = [1], strides = [1]} : vector<16xi32> to vector<1xi32>
      %squeeze3A = vector.extract %slice3A[0] : i32 from vector<1xi32>
      %mul3A_439 = arith.constant 16 : i32
      %mul3A_440 = arith.muli %scan3A_432, %mul3A_439 : i32
      %add3A_441 = arith.constant 0 : i32
      %add3A_442 = arith.addi %mul3A_440, %add3A_441 : i32
      %dma_start3A_443 = arith.constant 0 : i32
      %dma_start3A_444 = arith.constant 0 : i32
      %dma_start3A_445 = tpu.memref_slice %arg11[%scan3A_133, %dma_start3A_443, %dma_start3A_444] : memref<7x128x64xf32, #tpu.memory_space<vmem>> -> memref<1x128x64xf32, #tpu.memory_space<vmem>>
      %dma_start3A_446 = tpu.memref_squeeze %dma_start3A_445 : memref<1x128x64xf32, #tpu.memory_space<vmem>> -> memref<128x64xf32, #tpu.memory_space<vmem>>
      %dma_start3A_447 = arith.constant 0 : i32
      %dma_start3A_448 = tpu.memref_slice %dma_start3A_446[%add3A_442, %dma_start3A_447] : memref<128x64xf32, #tpu.memory_space<vmem>> -> memref<1x64xf32, #tpu.memory_space<vmem>>
      %dma_start3A_449 = arith.constant 0 : i32
      %dma_start3A_450 = tpu.memref_slice %arg6[%squeeze3A, %dma_start3A_449] : memref<100000x64xf32, #tpu.memory_space<hbm>> -> memref<1x64xf32, #tpu.memory_space<hbm>>
      %dma_start3A_451 = arith.constant 0 : i32
      %dma_start3A_452 = arith.constant 0 : i32
      %dma_start3A_453 = tpu.memref_slice %arg11[%scan3A_133, %dma_start3A_451, %dma_start3A_452] : memref<7x128x64xf32, #tpu.memory_space<vmem>> -> memref<1x128x64xf32, #tpu.memory_space<vmem>>
      %dma_start3A_454 = tpu.memref_squeeze %dma_start3A_453 : memref<1x128x64xf32, #tpu.memory_space<vmem>> -> memref<128x64xf32, #tpu.memory_space<vmem>>
      %dma_start3A_455 = arith.constant 0 : i32
      %dma_start3A_456 = tpu.memref_slice %dma_start3A_454[%add3A_442, %dma_start3A_455] : memref<128x64xf32, #tpu.memory_space<vmem>> -> memref<1x64xf32, #tpu.memory_space<vmem>>
      %dma_start3A_457 = arith.constant 0 : i32
      %dma_start3A_458 = tpu.memref_slice %arg6[%squeeze3A, %dma_start3A_457] : memref<100000x64xf32, #tpu.memory_space<hbm>> -> memref<1x64xf32, #tpu.memory_space<hbm>>
      tpu.enqueue_dma source(%dma_start3A_458 : memref<1x64xf32, #tpu.memory_space<hbm>>) target(%dma_start3A_456 : memref<1x64xf32, #tpu.memory_space<vmem>>) target_semaphore(%arg20 : memref<!tpu.dma_semaphore, #tpu.memory_space<semaphore_mem>>)
      %slice3A_459 = vector.extract_strided_slice %get3A_438 {offsets = [1], sizes = [1], strides = [1]} : vector<16xi32> to vector<1xi32>
      %squeeze3A_460 = vector.extract %slice3A_459[0] : i32 from vector<1xi32>
      %mul3A_461 = arith.constant 16 : i32
      %mul3A_462 = arith.muli %scan3A_432, %mul3A_461 : i32
      %add3A_463 = arith.constant 1 : i32
      %add3A_464 = arith.addi %mul3A_462, %add3A_463 : i32
      %dma_start3A_465 = arith.constant 0 : i32
      %dma_start3A_466 = arith.constant 0 : i32
      %dma_start3A_467 = tpu.memref_slice %arg11[%scan3A_133, %dma_start3A_465, %dma_start3A_466] : memref<7x128x64xf32, #tpu.memory_space<vmem>> -> memref<1x128x64xf32, #tpu.memory_space<vmem>>
      %dma_start3A_468 = tpu.memref_squeeze %dma_start3A_467 : memref<1x128x64xf32, #tpu.memory_space<vmem>> -> memref<128x64xf32, #tpu.memory_space<vmem>>
      %dma_start3A_469 = arith.constant 0 : i32
      %dma_start3A_470 = tpu.memref_slice %dma_start3A_468[%add3A_464, %dma_start3A_469] : memref<128x64xf32, #tpu.memory_space<vmem>> -> memref<1x64xf32, #tpu.memory_space<vmem>>
      %dma_start3A_471 = arith.constant 0 : i32
      %dma_start3A_472 = tpu.memref_slice %arg6[%squeeze3A_460, %dma_start3A_471] : memref<100000x64xf32, #tpu.memory_space<hbm>> -> memref<1x64xf32, #tpu.memory_space<hbm>>
      %dma_start3A_473 = arith.constant 0 : i32
      %dma_start3A_474 = arith.constant 0 : i32
      %dma_start3A_475 = tpu.memref_slice %arg11[%scan3A_133, %dma_start3A_473, %dma_start3A_474] : memref<7x128x64xf32, #tpu.memory_space<vmem>> -> memref<1x128x64xf32, #tpu.memory_space<vmem>>
      %dma_start3A_476 = tpu.memref_squeeze %dma_start3A_475 : memref<1x128x64xf32, #tpu.memory_space<vmem>> -> memref<128x64xf32, #tpu.memory_space<vmem>>
      %dma_start3A_477 = arith.constant 0 : i32
      %dma_start3A_478 = tpu.memref_slice %dma_start3A_476[%add3A_464, %dma_start3A_477] : memref<128x64xf32, #tpu.memory_space<vmem>> -> memref<1x64xf32, #tpu.memory_space<vmem>>
      %dma_start3A_479 = arith.constant 0 : i32
      %dma_start3A_480 = tpu.memref_slice %arg6[%squeeze3A_460, %dma_start3A_479] : memref<100000x64xf32, #tpu.memory_space<hbm>> -> memref<1x64xf32, #tpu.memory_space<hbm>>
      tpu.enqueue_dma source(%dma_start3A_480 : memref<1x64xf32, #tpu.memory_space<hbm>>) target(%dma_start3A_478 : memref<1x64xf32, #tpu.memory_space<vmem>>) target_semaphore(%arg20 : memref<!tpu.dma_semaphore, #tpu.memory_space<semaphore_mem>>)
      %slice3A_481 = vector.extract_strided_slice %get3A_438 {offsets = [2], sizes = [1], strides = [1]} : vector<16xi32> to vector<1xi32>
      %squeeze3A_482 = vector.extract %slice3A_481[0] : i32 from vector<1xi32>
      %mul3A_483 = arith.constant 16 : i32
      %mul3A_484 = arith.muli %scan3A_432, %mul3A_483 : i32
      %add3A_485 = arith.constant 2 : i32
      %add3A_486 = arith.addi %mul3A_484, %add3A_485 : i32
      %dma_start3A_487 = arith.constant 0 : i32
      %dma_start3A_488 = arith.constant 0 : i32
      %dma_start3A_489 = tpu.memref_slice %arg11[%scan3A_133, %dma_start3A_487, %dma_start3A_488] : memref<7x128x64xf32, #tpu.memory_space<vmem>> -> memref<1x128x64xf32, #tpu.memory_space<vmem>>
      %dma_start3A_490 = tpu.memref_squeeze %dma_start3A_489 : memref<1x128x64xf32, #tpu.memory_space<vmem>> -> memref<128x64xf32, #tpu.memory_space<vmem>>
      %dma_start3A_491 = arith.constant 0 : i32
      %dma_start3A_492 = tpu.memref_slice %dma_start3A_490[%add3A_486, %dma_start3A_491] : memref<128x64xf32, #tpu.memory_space<vmem>> -> memref<1x64xf32, #tpu.memory_space<vmem>>
      %dma_start3A_493 = arith.constant 0 : i32
      %dma_start3A_494 = tpu.memref_slice %arg6[%squeeze3A_482, %dma_start3A_493] : memref<100000x64xf32, #tpu.memory_space<hbm>> -> memref<1x64xf32, #tpu.memory_space<hbm>>
      %dma_start3A_495 = arith.constant 0 : i32
      %dma_start3A_496 = arith.constant 0 : i32
      %dma_start3A_497 = tpu.memref_slice %arg11[%scan3A_133, %dma_start3A_495, %dma_start3A_496] : memref<7x128x64xf32, #tpu.memory_space<vmem>> -> memref<1x128x64xf32, #tpu.memory_space<vmem>>
      %dma_start3A_498 = tpu.memref_squeeze %dma_start3A_497 : memref<1x128x64xf32, #tpu.memory_space<vmem>> -> memref<128x64xf32, #tpu.memory_space<vmem>>
      %dma_start3A_499 = arith.constant 0 : i32
      %dma_start3A_500 = tpu.memref_slice %dma_start3A_498[%add3A_486, %dma_start3A_499] : memref<128x64xf32, #tpu.memory_space<vmem>> -> memref<1x64xf32, #tpu.memory_space<vmem>>
      %dma_start3A_501 = arith.constant 0 : i32
      %dma_start3A_502 = tpu.memref_slice %arg6[%squeeze3A_482, %dma_start3A_501] : memref<100000x64xf32, #tpu.memory_space<hbm>> -> memref<1x64xf32, #tpu.memory_space<hbm>>
      tpu.enqueue_dma source(%dma_start3A_502 : memref<1x64xf32, #tpu.memory_space<hbm>>) target(%dma_start3A_500 : memref<1x64xf32, #tpu.memory_space<vmem>>) target_semaphore(%arg20 : memref<!tpu.dma_semaphore, #tpu.memory_space<semaphore_mem>>)
      %slice3A_503 = vector.extract_strided_slice %get3A_438 {offsets = [3], sizes = [1], strides = [1]} : vector<16xi32> to vector<1xi32>
      %squeeze3A_504 = vector.extract %slice3A_503[0] : i32 from vector<1xi32>
      %mul3A_505 = arith.constant 16 : i32
      %mul3A_506 = arith.muli %scan3A_432, %mul3A_505 : i32
      %add3A_507 = arith.constant 3 : i32
      %add3A_508 = arith.addi %mul3A_506, %add3A_507 : i32
      %dma_start3A_509 = arith.constant 0 : i32
      %dma_start3A_510 = arith.constant 0 : i32
      %dma_start3A_511 = tpu.memref_slice %arg11[%scan3A_133, %dma_start3A_509, %dma_start3A_510] : memref<7x128x64xf32, #tpu.memory_space<vmem>> -> memref<1x128x64xf32, #tpu.memory_space<vmem>>
      %dma_start3A_512 = tpu.memref_squeeze %dma_start3A_511 : memref<1x128x64xf32, #tpu.memory_space<vmem>> -> memref<128x64xf32, #tpu.memory_space<vmem>>
      %dma_start3A_513 = arith.constant 0 : i32
      %dma_start3A_514 = tpu.memref_slice %dma_start3A_512[%add3A_508, %dma_start3A_513] : memref<128x64xf32, #tpu.memory_space<vmem>> -> memref<1x64xf32, #tpu.memory_space<vmem>>
      %dma_start3A_515 = arith.constant 0 : i32
      %dma_start3A_516 = tpu.memref_slice %arg6[%squeeze3A_504, %dma_start3A_515] : memref<100000x64xf32, #tpu.memory_space<hbm>> -> memref<1x64xf32, #tpu.memory_space<hbm>>
      %dma_start3A_517 = arith.constant 0 : i32
      %dma_start3A_518 = arith.constant 0 : i32
      %dma_start3A_519 = tpu.memref_slice %arg11[%scan3A_133, %dma_start3A_517, %dma_start3A_518] : memref<7x128x64xf32, #tpu.memory_space<vmem>> -> memref<1x128x64xf32, #tpu.memory_space<vmem>>
      %dma_start3A_520 = tpu.memref_squeeze %dma_start3A_519 : memref<1x128x64xf32, #tpu.memory_space<vmem>> -> memref<128x64xf32, #tpu.memory_space<vmem>>
      %dma_start3A_521 = arith.constant 0 : i32
      %dma_start3A_522 = tpu.memref_slice %dma_start3A_520[%add3A_508, %dma_start3A_521] : memref<128x64xf32, #tpu.memory_space<vmem>> -> memref<1x64xf32, #tpu.memory_space<vmem>>
      %dma_start3A_523 = arith.constant 0 : i32
      %dma_start3A_524 = tpu.memref_slice %arg6[%squeeze3A_504, %dma_start3A_523] : memref<100000x64xf32, #tpu.memory_space<hbm>> -> memref<1x64xf32, #tpu.memory_space<hbm>>
      tpu.enqueue_dma source(%dma_start3A_524 : memref<1x64xf32, #tpu.memory_space<hbm>>) target(%dma_start3A_522 : memref<1x64xf32, #tpu.memory_space<vmem>>) target_semaphore(%arg20 : memref<!tpu.dma_semaphore, #tpu.memory_space<semaphore_mem>>)
      %slice3A_525 = vector.extract_strided_slice %get3A_438 {offsets = [4], sizes = [1], strides = [1]} : vector<16xi32> to vector<1xi32>
      %squeeze3A_526 = vector.extract %slice3A_525[0] : i32 from vector<1xi32>
      %mul3A_527 = arith.constant 16 : i32
      %mul3A_528 = arith.muli %scan3A_432, %mul3A_527 : i32
      %add3A_529 = arith.constant 4 : i32
      %add3A_530 = arith.addi %mul3A_528, %add3A_529 : i32
      %dma_start3A_531 = arith.constant 0 : i32
      %dma_start3A_532 = arith.constant 0 : i32
      %dma_start3A_533 = tpu.memref_slice %arg11[%scan3A_133, %dma_start3A_531, %dma_start3A_532] : memref<7x128x64xf32, #tpu.memory_space<vmem>> -> memref<1x128x64xf32, #tpu.memory_space<vmem>>
      %dma_start3A_534 = tpu.memref_squeeze %dma_start3A_533 : memref<1x128x64xf32, #tpu.memory_space<vmem>> -> memref<128x64xf32, #tpu.memory_space<vmem>>
      %dma_start3A_535 = arith.constant 0 : i32
      %dma_start3A_536 = tpu.memref_slice %dma_start3A_534[%add3A_530, %dma_start3A_535] : memref<128x64xf32, #tpu.memory_space<vmem>> -> memref<1x64xf32, #tpu.memory_space<vmem>>
      %dma_start3A_537 = arith.constant 0 : i32
      %dma_start3A_538 = tpu.memref_slice %arg6[%squeeze3A_526, %dma_start3A_537] : memref<100000x64xf32, #tpu.memory_space<hbm>> -> memref<1x64xf32, #tpu.memory_space<hbm>>
      %dma_start3A_539 = arith.constant 0 : i32
      %dma_start3A_540 = arith.constant 0 : i32
      %dma_start3A_541 = tpu.memref_slice %arg11[%scan3A_133, %dma_start3A_539, %dma_start3A_540] : memref<7x128x64xf32, #tpu.memory_space<vmem>> -> memref<1x128x64xf32, #tpu.memory_space<vmem>>
      %dma_start3A_542 = tpu.memref_squeeze %dma_start3A_541 : memref<1x128x64xf32, #tpu.memory_space<vmem>> -> memref<128x64xf32, #tpu.memory_space<vmem>>
      %dma_start3A_543 = arith.constant 0 : i32
      %dma_start3A_544 = tpu.memref_slice %dma_start3A_542[%add3A_530, %dma_start3A_543] : memref<128x64xf32, #tpu.memory_space<vmem>> -> memref<1x64xf32, #tpu.memory_space<vmem>>
      %dma_start3A_545 = arith.constant 0 : i32
      %dma_start3A_546 = tpu.memref_slice %arg6[%squeeze3A_526, %dma_start3A_545] : memref<100000x64xf32, #tpu.memory_space<hbm>> -> memref<1x64xf32, #tpu.memory_space<hbm>>
      tpu.enqueue_dma source(%dma_start3A_546 : memref<1x64xf32, #tpu.memory_space<hbm>>) target(%dma_start3A_544 : memref<1x64xf32, #tpu.memory_space<vmem>>) target_semaphore(%arg20 : memref<!tpu.dma_semaphore, #tpu.memory_space<semaphore_mem>>)
      %slice3A_547 = vector.extract_strided_slice %get3A_438 {offsets = [5], sizes = [1], strides = [1]} : vector<16xi32> to vector<1xi32>
      %squeeze3A_548 = vector.extract %slice3A_547[0] : i32 from vector<1xi32>
      %mul3A_549 = arith.constant 16 : i32
      %mul3A_550 = arith.muli %scan3A_432, %mul3A_549 : i32
      %add3A_551 = arith.constant 5 : i32
      %add3A_552 = arith.addi %mul3A_550, %add3A_551 : i32
      %dma_start3A_553 = arith.constant 0 : i32
      %dma_start3A_554 = arith.constant 0 : i32
      %dma_start3A_555 = tpu.memref_slice %arg11[%scan3A_133, %dma_start3A_553, %dma_start3A_554] : memref<7x128x64xf32, #tpu.memory_space<vmem>> -> memref<1x128x64xf32, #tpu.memory_space<vmem>>
      %dma_start3A_556 = tpu.memref_squeeze %dma_start3A_555 : memref<1x128x64xf32, #tpu.memory_space<vmem>> -> memref<128x64xf32, #tpu.memory_space<vmem>>
      %dma_start3A_557 = arith.constant 0 : i32
      %dma_start3A_558 = tpu.memref_slice %dma_start3A_556[%add3A_552, %dma_start3A_557] : memref<128x64xf32, #tpu.memory_space<vmem>> -> memref<1x64xf32, #tpu.memory_space<vmem>>
      %dma_start3A_559 = arith.constant 0 : i32
      %dma_start3A_560 = tpu.memref_slice %arg6[%squeeze3A_548, %dma_start3A_559] : memref<100000x64xf32, #tpu.memory_space<hbm>> -> memref<1x64xf32, #tpu.memory_space<hbm>>
      %dma_start3A_561 = arith.constant 0 : i32
      %dma_start3A_562 = arith.constant 0 : i32
      %dma_start3A_563 = tpu.memref_slice %arg11[%scan3A_133, %dma_start3A_561, %dma_start3A_562] : memref<7x128x64xf32, #tpu.memory_space<vmem>> -> memref<1x128x64xf32, #tpu.memory_space<vmem>>
      %dma_start3A_564 = tpu.memref_squeeze %dma_start3A_563 : memref<1x128x64xf32, #tpu.memory_space<vmem>> -> memref<128x64xf32, #tpu.memory_space<vmem>>
      %dma_start3A_565 = arith.constant 0 : i32
      %dma_start3A_566 = tpu.memref_slice %dma_start3A_564[%add3A_552, %dma_start3A_565] : memref<128x64xf32, #tpu.memory_space<vmem>> -> memref<1x64xf32, #tpu.memory_space<vmem>>
      %dma_start3A_567 = arith.constant 0 : i32
      %dma_start3A_568 = tpu.memref_slice %arg6[%squeeze3A_548, %dma_start3A_567] : memref<100000x64xf32, #tpu.memory_space<hbm>> -> memref<1x64xf32, #tpu.memory_space<hbm>>
      tpu.enqueue_dma source(%dma_start3A_568 : memref<1x64xf32, #tpu.memory_space<hbm>>) target(%dma_start3A_566 : memref<1x64xf32, #tpu.memory_space<vmem>>) target_semaphore(%arg20 : memref<!tpu.dma_semaphore, #tpu.memory_space<semaphore_mem>>)
      %slice3A_569 = vector.extract_strided_slice %get3A_438 {offsets = [6], sizes = [1], strides = [1]} : vector<16xi32> to vector<1xi32>
      %squeeze3A_570 = vector.extract %slice3A_569[0] : i32 from vector<1xi32>
      %mul3A_571 = arith.constant 16 : i32
      %mul3A_572 = arith.muli %scan3A_432, %mul3A_571 : i32
      %add3A_573 = arith.constant 6 : i32
      %add3A_574 = arith.addi %mul3A_572, %add3A_573 : i32
      %dma_start3A_575 = arith.constant 0 : i32
      %dma_start3A_576 = arith.constant 0 : i32
      %dma_start3A_577 = tpu.memref_slice %arg11[%scan3A_133, %dma_start3A_575, %dma_start3A_576] : memref<7x128x64xf32, #tpu.memory_space<vmem>> -> memref<1x128x64xf32, #tpu.memory_space<vmem>>
      %dma_start3A_578 = tpu.memref_squeeze %dma_start3A_577 : memref<1x128x64xf32, #tpu.memory_space<vmem>> -> memref<128x64xf32, #tpu.memory_space<vmem>>
      %dma_start3A_579 = arith.constant 0 : i32
      %dma_start3A_580 = tpu.memref_slice %dma_start3A_578[%add3A_574, %dma_start3A_579] : memref<128x64xf32, #tpu.memory_space<vmem>> -> memref<1x64xf32, #tpu.memory_space<vmem>>
      %dma_start3A_581 = arith.constant 0 : i32
      %dma_start3A_582 = tpu.memref_slice %arg6[%squeeze3A_570, %dma_start3A_581] : memref<100000x64xf32, #tpu.memory_space<hbm>> -> memref<1x64xf32, #tpu.memory_space<hbm>>
      %dma_start3A_583 = arith.constant 0 : i32
      %dma_start3A_584 = arith.constant 0 : i32
      %dma_start3A_585 = tpu.memref_slice %arg11[%scan3A_133, %dma_start3A_583, %dma_start3A_584] : memref<7x128x64xf32, #tpu.memory_space<vmem>> -> memref<1x128x64xf32, #tpu.memory_space<vmem>>
      %dma_start3A_586 = tpu.memref_squeeze %dma_start3A_585 : memref<1x128x64xf32, #tpu.memory_space<vmem>> -> memref<128x64xf32, #tpu.memory_space<vmem>>
      %dma_start3A_587 = arith.constant 0 : i32
      %dma_start3A_588 = tpu.memref_slice %dma_start3A_586[%add3A_574, %dma_start3A_587] : memref<128x64xf32, #tpu.memory_space<vmem>> -> memref<1x64xf32, #tpu.memory_space<vmem>>
      %dma_start3A_589 = arith.constant 0 : i32
      %dma_start3A_590 = tpu.memref_slice %arg6[%squeeze3A_570, %dma_start3A_589] : memref<100000x64xf32, #tpu.memory_space<hbm>> -> memref<1x64xf32, #tpu.memory_space<hbm>>
      tpu.enqueue_dma source(%dma_start3A_590 : memref<1x64xf32, #tpu.memory_space<hbm>>) target(%dma_start3A_588 : memref<1x64xf32, #tpu.memory_space<vmem>>) target_semaphore(%arg20 : memref<!tpu.dma_semaphore, #tpu.memory_space<semaphore_mem>>)
      %slice3A_591 = vector.extract_strided_slice %get3A_438 {offsets = [7], sizes = [1], strides = [1]} : vector<16xi32> to vector<1xi32>
      %squeeze3A_592 = vector.extract %slice3A_591[0] : i32 from vector<1xi32>
      %mul3A_593 = arith.constant 16 : i32
      %mul3A_594 = arith.muli %scan3A_432, %mul3A_593 : i32
      %add3A_595 = arith.constant 7 : i32
      %add3A_596 = arith.addi %mul3A_594, %add3A_595 : i32
      %dma_start3A_597 = arith.constant 0 : i32
      %dma_start3A_598 = arith.constant 0 : i32
      %dma_start3A_599 = tpu.memref_slice %arg11[%scan3A_133, %dma_start3A_597, %dma_start3A_598] : memref<7x128x64xf32, #tpu.memory_space<vmem>> -> memref<1x128x64xf32, #tpu.memory_space<vmem>>
      %dma_start3A_600 = tpu.memref_squeeze %dma_start3A_599 : memref<1x128x64xf32, #tpu.memory_space<vmem>> -> memref<128x64xf32, #tpu.memory_space<vmem>>
      %dma_start3A_601 = arith.constant 0 : i32
      %dma_start3A_602 = tpu.memref_slice %dma_start3A_600[%add3A_596, %dma_start3A_601] : memref<128x64xf32, #tpu.memory_space<vmem>> -> memref<1x64xf32, #tpu.memory_space<vmem>>
      %dma_start3A_603 = arith.constant 0 : i32
      %dma_start3A_604 = tpu.memref_slice %arg6[%squeeze3A_592, %dma_start3A_603] : memref<100000x64xf32, #tpu.memory_space<hbm>> -> memref<1x64xf32, #tpu.memory_space<hbm>>
      %dma_start3A_605 = arith.constant 0 : i32
      %dma_start3A_606 = arith.constant 0 : i32
      %dma_start3A_607 = tpu.memref_slice %arg11[%scan3A_133, %dma_start3A_605, %dma_start3A_606] : memref<7x128x64xf32, #tpu.memory_space<vmem>> -> memref<1x128x64xf32, #tpu.memory_space<vmem>>
      %dma_start3A_608 = tpu.memref_squeeze %dma_start3A_607 : memref<1x128x64xf32, #tpu.memory_space<vmem>> -> memref<128x64xf32, #tpu.memory_space<vmem>>
      %dma_start3A_609 = arith.constant 0 : i32
      %dma_start3A_610 = tpu.memref_slice %dma_start3A_608[%add3A_596, %dma_start3A_609] : memref<128x64xf32, #tpu.memory_space<vmem>> -> memref<1x64xf32, #tpu.memory_space<vmem>>
      %dma_start3A_611 = arith.constant 0 : i32
      %dma_start3A_612 = tpu.memref_slice %arg6[%squeeze3A_592, %dma_start3A_611] : memref<100000x64xf32, #tpu.memory_space<hbm>> -> memref<1x64xf32, #tpu.memory_space<hbm>>
      tpu.enqueue_dma source(%dma_start3A_612 : memref<1x64xf32, #tpu.memory_space<hbm>>) target(%dma_start3A_610 : memref<1x64xf32, #tpu.memory_space<vmem>>) target_semaphore(%arg20 : memref<!tpu.dma_semaphore, #tpu.memory_space<semaphore_mem>>)
      %slice3A_613 = vector.extract_strided_slice %get3A_438 {offsets = [8], sizes = [1], strides = [1]} : vector<16xi32> to vector<1xi32>
      %squeeze3A_614 = vector.extract %slice3A_613[0] : i32 from vector<1xi32>
      %mul3A_615 = arith.constant 16 : i32
      %mul3A_616 = arith.muli %scan3A_432, %mul3A_615 : i32
      %add3A_617 = arith.constant 8 : i32
      %add3A_618 = arith.addi %mul3A_616, %add3A_617 : i32
      %dma_start3A_619 = arith.constant 0 : i32
      %dma_start3A_620 = arith.constant 0 : i32
      %dma_start3A_621 = tpu.memref_slice %arg11[%scan3A_133, %dma_start3A_619, %dma_start3A_620] : memref<7x128x64xf32, #tpu.memory_space<vmem>> -> memref<1x128x64xf32, #tpu.memory_space<vmem>>
      %dma_start3A_622 = tpu.memref_squeeze %dma_start3A_621 : memref<1x128x64xf32, #tpu.memory_space<vmem>> -> memref<128x64xf32, #tpu.memory_space<vmem>>
      %dma_start3A_623 = arith.constant 0 : i32
      %dma_start3A_624 = tpu.memref_slice %dma_start3A_622[%add3A_618, %dma_start3A_623] : memref<128x64xf32, #tpu.memory_space<vmem>> -> memref<1x64xf32, #tpu.memory_space<vmem>>
      %dma_start3A_625 = arith.constant 0 : i32
      %dma_start3A_626 = tpu.memref_slice %arg6[%squeeze3A_614, %dma_start3A_625] : memref<100000x64xf32, #tpu.memory_space<hbm>> -> memref<1x64xf32, #tpu.memory_space<hbm>>
      %dma_start3A_627 = arith.constant 0 : i32
      %dma_start3A_628 = arith.constant 0 : i32
      %dma_start3A_629 = tpu.memref_slice %arg11[%scan3A_133, %dma_start3A_627, %dma_start3A_628] : memref<7x128x64xf32, #tpu.memory_space<vmem>> -> memref<1x128x64xf32, #tpu.memory_space<vmem>>
      %dma_start3A_630 = tpu.memref_squeeze %dma_start3A_629 : memref<1x128x64xf32, #tpu.memory_space<vmem>> -> memref<128x64xf32, #tpu.memory_space<vmem>>
      %dma_start3A_631 = arith.constant 0 : i32
      %dma_start3A_632 = tpu.memref_slice %dma_start3A_630[%add3A_618, %dma_start3A_631] : memref<128x64xf32, #tpu.memory_space<vmem>> -> memref<1x64xf32, #tpu.memory_space<vmem>>
      %dma_start3A_633 = arith.constant 0 : i32
      %dma_start3A_634 = tpu.memref_slice %arg6[%squeeze3A_614, %dma_start3A_633] : memref<100000x64xf32, #tpu.memory_space<hbm>> -> memref<1x64xf32, #tpu.memory_space<hbm>>
      tpu.enqueue_dma source(%dma_start3A_634 : memref<1x64xf32, #tpu.memory_space<hbm>>) target(%dma_start3A_632 : memref<1x64xf32, #tpu.memory_space<vmem>>) target_semaphore(%arg20 : memref<!tpu.dma_semaphore, #tpu.memory_space<semaphore_mem>>)
      %slice3A_635 = vector.extract_strided_slice %get3A_438 {offsets = [9], sizes = [1], strides = [1]} : vector<16xi32> to vector<1xi32>
      %squeeze3A_636 = vector.extract %slice3A_635[0] : i32 from vector<1xi32>
      %mul3A_637 = arith.constant 16 : i32
      %mul3A_638 = arith.muli %scan3A_432, %mul3A_637 : i32
      %add3A_639 = arith.constant 9 : i32
      %add3A_640 = arith.addi %mul3A_638, %add3A_639 : i32
      %dma_start3A_641 = arith.constant 0 : i32
      %dma_start3A_642 = arith.constant 0 : i32
      %dma_start3A_643 = tpu.memref_slice %arg11[%scan3A_133, %dma_start3A_641, %dma_start3A_642] : memref<7x128x64xf32, #tpu.memory_space<vmem>> -> memref<1x128x64xf32, #tpu.memory_space<vmem>>
      %dma_start3A_644 = tpu.memref_squeeze %dma_start3A_643 : memref<1x128x64xf32, #tpu.memory_space<vmem>> -> memref<128x64xf32, #tpu.memory_space<vmem>>
      %dma_start3A_645 = arith.constant 0 : i32
      %dma_start3A_646 = tpu.memref_slice %dma_start3A_644[%add3A_640, %dma_start3A_645] : memref<128x64xf32, #tpu.memory_space<vmem>> -> memref<1x64xf32, #tpu.memory_space<vmem>>
      %dma_start3A_647 = arith.constant 0 : i32
      %dma_start3A_648 = tpu.memref_slice %arg6[%squeeze3A_636, %dma_start3A_647] : memref<100000x64xf32, #tpu.memory_space<hbm>> -> memref<1x64xf32, #tpu.memory_space<hbm>>
      %dma_start3A_649 = arith.constant 0 : i32
      %dma_start3A_650 = arith.constant 0 : i32
      %dma_start3A_651 = tpu.memref_slice %arg11[%scan3A_133, %dma_start3A_649, %dma_start3A_650] : memref<7x128x64xf32, #tpu.memory_space<vmem>> -> memref<1x128x64xf32, #tpu.memory_space<vmem>>
      %dma_start3A_652 = tpu.memref_squeeze %dma_start3A_651 : memref<1x128x64xf32, #tpu.memory_space<vmem>> -> memref<128x64xf32, #tpu.memory_space<vmem>>
      %dma_start3A_653 = arith.constant 0 : i32
      %dma_start3A_654 = tpu.memref_slice %dma_start3A_652[%add3A_640, %dma_start3A_653] : memref<128x64xf32, #tpu.memory_space<vmem>> -> memref<1x64xf32, #tpu.memory_space<vmem>>
      %dma_start3A_655 = arith.constant 0 : i32
      %dma_start3A_656 = tpu.memref_slice %arg6[%squeeze3A_636, %dma_start3A_655] : memref<100000x64xf32, #tpu.memory_space<hbm>> -> memref<1x64xf32, #tpu.memory_space<hbm>>
      tpu.enqueue_dma source(%dma_start3A_656 : memref<1x64xf32, #tpu.memory_space<hbm>>) target(%dma_start3A_654 : memref<1x64xf32, #tpu.memory_space<vmem>>) target_semaphore(%arg20 : memref<!tpu.dma_semaphore, #tpu.memory_space<semaphore_mem>>)
      %slice3A_657 = vector.extract_strided_slice %get3A_438 {offsets = [10], sizes = [1], strides = [1]} : vector<16xi32> to vector<1xi32>
      %squeeze3A_658 = vector.extract %slice3A_657[0] : i32 from vector<1xi32>
      %mul3A_659 = arith.constant 16 : i32
      %mul3A_660 = arith.muli %scan3A_432, %mul3A_659 : i32
      %add3A_661 = arith.constant 10 : i32
      %add3A_662 = arith.addi %mul3A_660, %add3A_661 : i32
      %dma_start3A_663 = arith.constant 0 : i32
      %dma_start3A_664 = arith.constant 0 : i32
      %dma_start3A_665 = tpu.memref_slice %arg11[%scan3A_133, %dma_start3A_663, %dma_start3A_664] : memref<7x128x64xf32, #tpu.memory_space<vmem>> -> memref<1x128x64xf32, #tpu.memory_space<vmem>>
      %dma_start3A_666 = tpu.memref_squeeze %dma_start3A_665 : memref<1x128x64xf32, #tpu.memory_space<vmem>> -> memref<128x64xf32, #tpu.memory_space<vmem>>
      %dma_start3A_667 = arith.constant 0 : i32
      %dma_start3A_668 = tpu.memref_slice %dma_start3A_666[%add3A_662, %dma_start3A_667] : memref<128x64xf32, #tpu.memory_space<vmem>> -> memref<1x64xf32, #tpu.memory_space<vmem>>
      %dma_start3A_669 = arith.constant 0 : i32
      %dma_start3A_670 = tpu.memref_slice %arg6[%squeeze3A_658, %dma_start3A_669] : memref<100000x64xf32, #tpu.memory_space<hbm>> -> memref<1x64xf32, #tpu.memory_space<hbm>>
      %dma_start3A_671 = arith.constant 0 : i32
      %dma_start3A_672 = arith.constant 0 : i32
      %dma_start3A_673 = tpu.memref_slice %arg11[%scan3A_133, %dma_start3A_671, %dma_start3A_672] : memref<7x128x64xf32, #tpu.memory_space<vmem>> -> memref<1x128x64xf32, #tpu.memory_space<vmem>>
      %dma_start3A_674 = tpu.memref_squeeze %dma_start3A_673 : memref<1x128x64xf32, #tpu.memory_space<vmem>> -> memref<128x64xf32, #tpu.memory_space<vmem>>
      %dma_start3A_675 = arith.constant 0 : i32
      %dma_start3A_676 = tpu.memref_slice %dma_start3A_674[%add3A_662, %dma_start3A_675] : memref<128x64xf32, #tpu.memory_space<vmem>> -> memref<1x64xf32, #tpu.memory_space<vmem>>
      %dma_start3A_677 = arith.constant 0 : i32
      %dma_start3A_678 = tpu.memref_slice %arg6[%squeeze3A_658, %dma_start3A_677] : memref<100000x64xf32, #tpu.memory_space<hbm>> -> memref<1x64xf32, #tpu.memory_space<hbm>>
      tpu.enqueue_dma source(%dma_start3A_678 : memref<1x64xf32, #tpu.memory_space<hbm>>) target(%dma_start3A_676 : memref<1x64xf32, #tpu.memory_space<vmem>>) target_semaphore(%arg20 : memref<!tpu.dma_semaphore, #tpu.memory_space<semaphore_mem>>)
      %slice3A_679 = vector.extract_strided_slice %get3A_438 {offsets = [11], sizes = [1], strides = [1]} : vector<16xi32> to vector<1xi32>
      %squeeze3A_680 = vector.extract %slice3A_679[0] : i32 from vector<1xi32>
      %mul3A_681 = arith.constant 16 : i32
      %mul3A_682 = arith.muli %scan3A_432, %mul3A_681 : i32
      %add3A_683 = arith.constant 11 : i32
      %add3A_684 = arith.addi %mul3A_682, %add3A_683 : i32
      %dma_start3A_685 = arith.constant 0 : i32
      %dma_start3A_686 = arith.constant 0 : i32
      %dma_start3A_687 = tpu.memref_slice %arg11[%scan3A_133, %dma_start3A_685, %dma_start3A_686] : memref<7x128x64xf32, #tpu.memory_space<vmem>> -> memref<1x128x64xf32, #tpu.memory_space<vmem>>
      %dma_start3A_688 = tpu.memref_squeeze %dma_start3A_687 : memref<1x128x64xf32, #tpu.memory_space<vmem>> -> memref<128x64xf32, #tpu.memory_space<vmem>>
      %dma_start3A_689 = arith.constant 0 : i32
      %dma_start3A_690 = tpu.memref_slice %dma_start3A_688[%add3A_684, %dma_start3A_689] : memref<128x64xf32, #tpu.memory_space<vmem>> -> memref<1x64xf32, #tpu.memory_space<vmem>>
      %dma_start3A_691 = arith.constant 0 : i32
      %dma_start3A_692 = tpu.memref_slice %arg6[%squeeze3A_680, %dma_start3A_691] : memref<100000x64xf32, #tpu.memory_space<hbm>> -> memref<1x64xf32, #tpu.memory_space<hbm>>
      %dma_start3A_693 = arith.constant 0 : i32
      %dma_start3A_694 = arith.constant 0 : i32
      %dma_start3A_695 = tpu.memref_slice %arg11[%scan3A_133, %dma_start3A_693, %dma_start3A_694] : memref<7x128x64xf32, #tpu.memory_space<vmem>> -> memref<1x128x64xf32, #tpu.memory_space<vmem>>
      %dma_start3A_696 = tpu.memref_squeeze %dma_start3A_695 : memref<1x128x64xf32, #tpu.memory_space<vmem>> -> memref<128x64xf32, #tpu.memory_space<vmem>>
      %dma_start3A_697 = arith.constant 0 : i32
      %dma_start3A_698 = tpu.memref_slice %dma_start3A_696[%add3A_684, %dma_start3A_697] : memref<128x64xf32, #tpu.memory_space<vmem>> -> memref<1x64xf32, #tpu.memory_space<vmem>>
      %dma_start3A_699 = arith.constant 0 : i32
      %dma_start3A_700 = tpu.memref_slice %arg6[%squeeze3A_680, %dma_start3A_699] : memref<100000x64xf32, #tpu.memory_space<hbm>> -> memref<1x64xf32, #tpu.memory_space<hbm>>
      tpu.enqueue_dma source(%dma_start3A_700 : memref<1x64xf32, #tpu.memory_space<hbm>>) target(%dma_start3A_698 : memref<1x64xf32, #tpu.memory_space<vmem>>) target_semaphore(%arg20 : memref<!tpu.dma_semaphore, #tpu.memory_space<semaphore_mem>>)
      %slice3A_701 = vector.extract_strided_slice %get3A_438 {offsets = [12], sizes = [1], strides = [1]} : vector<16xi32> to vector<1xi32>
      %squeeze3A_702 = vector.extract %slice3A_701[0] : i32 from vector<1xi32>
      %mul3A_703 = arith.constant 16 : i32
      %mul3A_704 = arith.muli %scan3A_432, %mul3A_703 : i32
      %add3A_705 = arith.constant 12 : i32
      %add3A_706 = arith.addi %mul3A_704, %add3A_705 : i32
      %dma_start3A_707 = arith.constant 0 : i32
      %dma_start3A_708 = arith.constant 0 : i32
      %dma_start3A_709 = tpu.memref_slice %arg11[%scan3A_133, %dma_start3A_707, %dma_start3A_708] : memref<7x128x64xf32, #tpu.memory_space<vmem>> -> memref<1x128x64xf32, #tpu.memory_space<vmem>>
      %dma_start3A_710 = tpu.memref_squeeze %dma_start3A_709 : memref<1x128x64xf32, #tpu.memory_space<vmem>> -> memref<128x64xf32, #tpu.memory_space<vmem>>
      %dma_start3A_711 = arith.constant 0 : i32
      %dma_start3A_712 = tpu.memref_slice %dma_start3A_710[%add3A_706, %dma_start3A_711] : memref<128x64xf32, #tpu.memory_space<vmem>> -> memref<1x64xf32, #tpu.memory_space<vmem>>
      %dma_start3A_713 = arith.constant 0 : i32
      %dma_start3A_714 = tpu.memref_slice %arg6[%squeeze3A_702, %dma_start3A_713] : memref<100000x64xf32, #tpu.memory_space<hbm>> -> memref<1x64xf32, #tpu.memory_space<hbm>>
      %dma_start3A_715 = arith.constant 0 : i32
      %dma_start3A_716 = arith.constant 0 : i32
      %dma_start3A_717 = tpu.memref_slice %arg11[%scan3A_133, %dma_start3A_715, %dma_start3A_716] : memref<7x128x64xf32, #tpu.memory_space<vmem>> -> memref<1x128x64xf32, #tpu.memory_space<vmem>>
      %dma_start3A_718 = tpu.memref_squeeze %dma_start3A_717 : memref<1x128x64xf32, #tpu.memory_space<vmem>> -> memref<128x64xf32, #tpu.memory_space<vmem>>
      %dma_start3A_719 = arith.constant 0 : i32
      %dma_start3A_720 = tpu.memref_slice %dma_start3A_718[%add3A_706, %dma_start3A_719] : memref<128x64xf32, #tpu.memory_space<vmem>> -> memref<1x64xf32, #tpu.memory_space<vmem>>
      %dma_start3A_721 = arith.constant 0 : i32
      %dma_start3A_722 = tpu.memref_slice %arg6[%squeeze3A_702, %dma_start3A_721] : memref<100000x64xf32, #tpu.memory_space<hbm>> -> memref<1x64xf32, #tpu.memory_space<hbm>>
      tpu.enqueue_dma source(%dma_start3A_722 : memref<1x64xf32, #tpu.memory_space<hbm>>) target(%dma_start3A_720 : memref<1x64xf32, #tpu.memory_space<vmem>>) target_semaphore(%arg20 : memref<!tpu.dma_semaphore, #tpu.memory_space<semaphore_mem>>)
      %slice3A_723 = vector.extract_strided_slice %get3A_438 {offsets = [13], sizes = [1], strides = [1]} : vector<16xi32> to vector<1xi32>
      %squeeze3A_724 = vector.extract %slice3A_723[0] : i32 from vector<1xi32>
      %mul3A_725 = arith.constant 16 : i32
      %mul3A_726 = arith.muli %scan3A_432, %mul3A_725 : i32
      %add3A_727 = arith.constant 13 : i32
      %add3A_728 = arith.addi %mul3A_726, %add3A_727 : i32
      %dma_start3A_729 = arith.constant 0 : i32
      %dma_start3A_730 = arith.constant 0 : i32
      %dma_start3A_731 = tpu.memref_slice %arg11[%scan3A_133, %dma_start3A_729, %dma_start3A_730] : memref<7x128x64xf32, #tpu.memory_space<vmem>> -> memref<1x128x64xf32, #tpu.memory_space<vmem>>
      %dma_start3A_732 = tpu.memref_squeeze %dma_start3A_731 : memref<1x128x64xf32, #tpu.memory_space<vmem>> -> memref<128x64xf32, #tpu.memory_space<vmem>>
      %dma_start3A_733 = arith.constant 0 : i32
      %dma_start3A_734 = tpu.memref_slice %dma_start3A_732[%add3A_728, %dma_start3A_733] : memref<128x64xf32, #tpu.memory_space<vmem>> -> memref<1x64xf32, #tpu.memory_space<vmem>>
      %dma_start3A_735 = arith.constant 0 : i32
      %dma_start3A_736 = tpu.memref_slice %arg6[%squeeze3A_724, %dma_start3A_735] : memref<100000x64xf32, #tpu.memory_space<hbm>> -> memref<1x64xf32, #tpu.memory_space<hbm>>
      %dma_start3A_737 = arith.constant 0 : i32
      %dma_start3A_738 = arith.constant 0 : i32
      %dma_start3A_739 = tpu.memref_slice %arg11[%scan3A_133, %dma_start3A_737, %dma_start3A_738] : memref<7x128x64xf32, #tpu.memory_space<vmem>> -> memref<1x128x64xf32, #tpu.memory_space<vmem>>
      %dma_start3A_740 = tpu.memref_squeeze %dma_start3A_739 : memref<1x128x64xf32, #tpu.memory_space<vmem>> -> memref<128x64xf32, #tpu.memory_space<vmem>>
      %dma_start3A_741 = arith.constant 0 : i32
      %dma_start3A_742 = tpu.memref_slice %dma_start3A_740[%add3A_728, %dma_start3A_741] : memref<128x64xf32, #tpu.memory_space<vmem>> -> memref<1x64xf32, #tpu.memory_space<vmem>>
      %dma_start3A_743 = arith.constant 0 : i32
      %dma_start3A_744 = tpu.memref_slice %arg6[%squeeze3A_724, %dma_start3A_743] : memref<100000x64xf32, #tpu.memory_space<hbm>> -> memref<1x64xf32, #tpu.memory_space<hbm>>
      tpu.enqueue_dma source(%dma_start3A_744 : memref<1x64xf32, #tpu.memory_space<hbm>>) target(%dma_start3A_742 : memref<1x64xf32, #tpu.memory_space<vmem>>) target_semaphore(%arg20 : memref<!tpu.dma_semaphore, #tpu.memory_space<semaphore_mem>>)
      %slice3A_745 = vector.extract_strided_slice %get3A_438 {offsets = [14], sizes = [1], strides = [1]} : vector<16xi32> to vector<1xi32>
      %squeeze3A_746 = vector.extract %slice3A_745[0] : i32 from vector<1xi32>
      %mul3A_747 = arith.constant 16 : i32
      %mul3A_748 = arith.muli %scan3A_432, %mul3A_747 : i32
      %add3A_749 = arith.constant 14 : i32
      %add3A_750 = arith.addi %mul3A_748, %add3A_749 : i32
      %dma_start3A_751 = arith.constant 0 : i32
      %dma_start3A_752 = arith.constant 0 : i32
      %dma_start3A_753 = tpu.memref_slice %arg11[%scan3A_133, %dma_start3A_751, %dma_start3A_752] : memref<7x128x64xf32, #tpu.memory_space<vmem>> -> memref<1x128x64xf32, #tpu.memory_space<vmem>>
      %dma_start3A_754 = tpu.memref_squeeze %dma_start3A_753 : memref<1x128x64xf32, #tpu.memory_space<vmem>> -> memref<128x64xf32, #tpu.memory_space<vmem>>
      %dma_start3A_755 = arith.constant 0 : i32
      %dma_start3A_756 = tpu.memref_slice %dma_start3A_754[%add3A_750, %dma_start3A_755] : memref<128x64xf32, #tpu.memory_space<vmem>> -> memref<1x64xf32, #tpu.memory_space<vmem>>
      %dma_start3A_757 = arith.constant 0 : i32
      %dma_start3A_758 = tpu.memref_slice %arg6[%squeeze3A_746, %dma_start3A_757] : memref<100000x64xf32, #tpu.memory_space<hbm>> -> memref<1x64xf32, #tpu.memory_space<hbm>>
      %dma_start3A_759 = arith.constant 0 : i32
      %dma_start3A_760 = arith.constant 0 : i32
      %dma_start3A_761 = tpu.memref_slice %arg11[%scan3A_133, %dma_start3A_759, %dma_start3A_760] : memref<7x128x64xf32, #tpu.memory_space<vmem>> -> memref<1x128x64xf32, #tpu.memory_space<vmem>>
      %dma_start3A_762 = tpu.memref_squeeze %dma_start3A_761 : memref<1x128x64xf32, #tpu.memory_space<vmem>> -> memref<128x64xf32, #tpu.memory_space<vmem>>
      %dma_start3A_763 = arith.constant 0 : i32
      %dma_start3A_764 = tpu.memref_slice %dma_start3A_762[%add3A_750, %dma_start3A_763] : memref<128x64xf32, #tpu.memory_space<vmem>> -> memref<1x64xf32, #tpu.memory_space<vmem>>
      %dma_start3A_765 = arith.constant 0 : i32
      %dma_start3A_766 = tpu.memref_slice %arg6[%squeeze3A_746, %dma_start3A_765] : memref<100000x64xf32, #tpu.memory_space<hbm>> -> memref<1x64xf32, #tpu.memory_space<hbm>>
      tpu.enqueue_dma source(%dma_start3A_766 : memref<1x64xf32, #tpu.memory_space<hbm>>) target(%dma_start3A_764 : memref<1x64xf32, #tpu.memory_space<vmem>>) target_semaphore(%arg20 : memref<!tpu.dma_semaphore, #tpu.memory_space<semaphore_mem>>)
      %slice3A_767 = vector.extract_strided_slice %get3A_438 {offsets = [15], sizes = [1], strides = [1]} : vector<16xi32> to vector<1xi32>
      %squeeze3A_768 = vector.extract %slice3A_767[0] : i32 from vector<1xi32>
      %mul3A_769 = arith.constant 16 : i32
      %mul3A_770 = arith.muli %scan3A_432, %mul3A_769 : i32
      %add3A_771 = arith.constant 15 : i32
      %add3A_772 = arith.addi %mul3A_770, %add3A_771 : i32
      %dma_start3A_773 = arith.constant 0 : i32
      %dma_start3A_774 = arith.constant 0 : i32
      %dma_start3A_775 = tpu.memref_slice %arg11[%scan3A_133, %dma_start3A_773, %dma_start3A_774] : memref<7x128x64xf32, #tpu.memory_space<vmem>> -> memref<1x128x64xf32, #tpu.memory_space<vmem>>
      %dma_start3A_776 = tpu.memref_squeeze %dma_start3A_775 : memref<1x128x64xf32, #tpu.memory_space<vmem>> -> memref<128x64xf32, #tpu.memory_space<vmem>>
      %dma_start3A_777 = arith.constant 0 : i32
      %dma_start3A_778 = tpu.memref_slice %dma_start3A_776[%add3A_772, %dma_start3A_777] : memref<128x64xf32, #tpu.memory_space<vmem>> -> memref<1x64xf32, #tpu.memory_space<vmem>>
      %dma_start3A_779 = arith.constant 0 : i32
      %dma_start3A_780 = tpu.memref_slice %arg6[%squeeze3A_768, %dma_start3A_779] : memref<100000x64xf32, #tpu.memory_space<hbm>> -> memref<1x64xf32, #tpu.memory_space<hbm>>
      %dma_start3A_781 = arith.constant 0 : i32
      %dma_start3A_782 = arith.constant 0 : i32
      %dma_start3A_783 = tpu.memref_slice %arg11[%scan3A_133, %dma_start3A_781, %dma_start3A_782] : memref<7x128x64xf32, #tpu.memory_space<vmem>> -> memref<1x128x64xf32, #tpu.memory_space<vmem>>
      %dma_start3A_784 = tpu.memref_squeeze %dma_start3A_783 : memref<1x128x64xf32, #tpu.memory_space<vmem>> -> memref<128x64xf32, #tpu.memory_space<vmem>>
      %dma_start3A_785 = arith.constant 0 : i32
      %dma_start3A_786 = tpu.memref_slice %dma_start3A_784[%add3A_772, %dma_start3A_785] : memref<128x64xf32, #tpu.memory_space<vmem>> -> memref<1x64xf32, #tpu.memory_space<vmem>>
      %dma_start3A_787 = arith.constant 0 : i32
      %dma_start3A_788 = tpu.memref_slice %arg6[%squeeze3A_768, %dma_start3A_787] : memref<100000x64xf32, #tpu.memory_space<hbm>> -> memref<1x64xf32, #tpu.memory_space<hbm>>
      tpu.enqueue_dma source(%dma_start3A_788 : memref<1x64xf32, #tpu.memory_space<hbm>>) target(%dma_start3A_786 : memref<1x64xf32, #tpu.memory_space<vmem>>) target_semaphore(%arg20 : memref<!tpu.dma_semaphore, #tpu.memory_space<semaphore_mem>>)
    }
    %scan3A_138 = arith.constant 8 : i32
    %dma_wait3A_139 = arith.constant 0 : i32
    %dma_wait3A_140 = arith.constant 0 : i32
    %dma_wait3A_141 = arith.constant 0 : i32
    %dma_wait3A_142 = tpu.memref_slice %arg11[%dma_wait3A_139, %dma_wait3A_140, %dma_wait3A_141] : memref<7x128x64xf32, #tpu.memory_space<vmem>> -> memref<1x128x64xf32, #tpu.memory_space<vmem>>
    %dma_wait3A_143 = tpu.memref_squeeze %dma_wait3A_142 : memref<1x128x64xf32, #tpu.memory_space<vmem>> -> memref<128x64xf32, #tpu.memory_space<vmem>>
    %dma_wait3A_144 = arith.constant 0 : i32
    %dma_wait3A_145 = arith.constant 0 : i32
    %dma_wait3A_146 = tpu.memref_slice %arg5[%dma_wait3A_144, %dma_wait3A_145] : memref<100000x64xf32, #tpu.memory_space<hbm>> -> memref<128x64xf32, #tpu.memory_space<hbm>>
    %dma_wait3A_147 = arith.constant 0 : i32
    %dma_wait3A_148 = arith.constant 0 : i32
    %dma_wait3A_149 = tpu.memref_slice %arg11[%dma_wait3A_139, %dma_wait3A_147, %dma_wait3A_148] : memref<7x128x64xf32, #tpu.memory_space<vmem>> -> memref<1x128x64xf32, #tpu.memory_space<vmem>>
    %dma_wait3A_150 = tpu.memref_squeeze %dma_wait3A_149 : memref<1x128x64xf32, #tpu.memory_space<vmem>> -> memref<128x64xf32, #tpu.memory_space<vmem>>
    %dma_wait3A_151 = arith.constant 0 : i32
    %dma_wait3A_152 = arith.constant 0 : i32
    %dma_wait3A_153 = tpu.memref_slice %arg5[%dma_wait3A_151, %dma_wait3A_152] : memref<100000x64xf32, #tpu.memory_space<hbm>> -> memref<128x64xf32, #tpu.memory_space<hbm>>
    tpu.wait_dma2 semaphore(%arg14 : memref<!tpu.dma_semaphore, #tpu.memory_space<semaphore_mem>>) src(%dma_wait3A_153 : memref<128x64xf32, #tpu.memory_space<hbm>>) dst(%dma_wait3A_150 : memref<128x64xf32, #tpu.memory_space<vmem>>)
    %multiple_of3A = tpu.assume_multiple %mul3A_2, 128 : i32
    %dma_start3A_154 = arith.constant 0 : i32
    %dma_start3A_155 = arith.constant 0 : i32
    %dma_start3A_156 = arith.constant 0 : i32
    %dma_start3A_157 = tpu.memref_slice %arg11[%dma_start3A_154, %dma_start3A_155, %dma_start3A_156] : memref<7x128x64xf32, #tpu.memory_space<vmem>> -> memref<1x128x64xf32, #tpu.memory_space<vmem>>
    %dma_start3A_158 = tpu.memref_squeeze %dma_start3A_157 : memref<1x128x64xf32, #tpu.memory_space<vmem>> -> memref<128x64xf32, #tpu.memory_space<vmem>>
    %dma_start3A_159 = arith.constant 0 : i32
    %dma_start3A_160 = tpu.memref_slice %arg7[%multiple_of3A, %dma_start3A_159] : memref<28672x64xf32, #tpu.memory_space<hbm>> -> memref<128x64xf32, #tpu.memory_space<hbm>>
    %dma_start3A_161 = arith.constant 0 : i32
    %dma_start3A_162 = tpu.memref_slice %arg7[%multiple_of3A, %dma_start3A_161] : memref<28672x64xf32, #tpu.memory_space<hbm>> -> memref<128x64xf32, #tpu.memory_space<hbm>>
    %dma_start3A_163 = arith.constant 0 : i32
    %dma_start3A_164 = arith.constant 0 : i32
    %dma_start3A_165 = tpu.memref_slice %arg11[%dma_start3A_154, %dma_start3A_163, %dma_start3A_164] : memref<7x128x64xf32, #tpu.memory_space<vmem>> -> memref<1x128x64xf32, #tpu.memory_space<vmem>>
    %dma_start3A_166 = tpu.memref_squeeze %dma_start3A_165 : memref<1x128x64xf32, #tpu.memory_space<vmem>> -> memref<128x64xf32, #tpu.memory_space<vmem>>
    tpu.enqueue_dma source(%dma_start3A_166 : memref<128x64xf32, #tpu.memory_space<vmem>>) target(%dma_start3A_162 : memref<128x64xf32, #tpu.memory_space<hbm>>) target_semaphore(%arg13 : memref<!tpu.dma_semaphore, #tpu.memory_space<semaphore_mem>>)
    %dma_wait3A_167 = arith.constant 1 : i32
    %dma_wait3A_168 = arith.constant 0 : i32
    %dma_wait3A_169 = arith.constant 0 : i32
    %dma_wait3A_170 = tpu.memref_slice %arg11[%dma_wait3A_167, %dma_wait3A_168, %dma_wait3A_169] : memref<7x128x64xf32, #tpu.memory_space<vmem>> -> memref<1x128x64xf32, #tpu.memory_space<vmem>>
    %dma_wait3A_171 = tpu.memref_squeeze %dma_wait3A_170 : memref<1x128x64xf32, #tpu.memory_space<vmem>> -> memref<128x64xf32, #tpu.memory_space<vmem>>
    %dma_wait3A_172 = arith.constant 0 : i32
    %dma_wait3A_173 = arith.constant 0 : i32
    %dma_wait3A_174 = tpu.memref_slice %arg5[%dma_wait3A_172, %dma_wait3A_173] : memref<100000x64xf32, #tpu.memory_space<hbm>> -> memref<128x64xf32, #tpu.memory_space<hbm>>
    %dma_wait3A_175 = arith.constant 0 : i32
    %dma_wait3A_176 = arith.constant 0 : i32
    %dma_wait3A_177 = tpu.memref_slice %arg11[%dma_wait3A_167, %dma_wait3A_175, %dma_wait3A_176] : memref<7x128x64xf32, #tpu.memory_space<vmem>> -> memref<1x128x64xf32, #tpu.memory_space<vmem>>
    %dma_wait3A_178 = tpu.memref_squeeze %dma_wait3A_177 : memref<1x128x64xf32, #tpu.memory_space<vmem>> -> memref<128x64xf32, #tpu.memory_space<vmem>>
    %dma_wait3A_179 = arith.constant 0 : i32
    %dma_wait3A_180 = arith.constant 0 : i32
    %dma_wait3A_181 = tpu.memref_slice %arg5[%dma_wait3A_179, %dma_wait3A_180] : memref<100000x64xf32, #tpu.memory_space<hbm>> -> memref<128x64xf32, #tpu.memory_space<hbm>>
    tpu.wait_dma2 semaphore(%arg15 : memref<!tpu.dma_semaphore, #tpu.memory_space<semaphore_mem>>) src(%dma_wait3A_181 : memref<128x64xf32, #tpu.memory_space<hbm>>) dst(%dma_wait3A_178 : memref<128x64xf32, #tpu.memory_space<vmem>>)
    %multiple_of3A_182 = tpu.assume_multiple %add3A_80, 128 : i32
    %dma_start3A_183 = arith.constant 1 : i32
    %dma_start3A_184 = arith.constant 0 : i32
    %dma_start3A_185 = arith.constant 0 : i32
    %dma_start3A_186 = tpu.memref_slice %arg11[%dma_start3A_183, %dma_start3A_184, %dma_start3A_185] : memref<7x128x64xf32, #tpu.memory_space<vmem>> -> memref<1x128x64xf32, #tpu.memory_space<vmem>>
    %dma_start3A_187 = tpu.memref_squeeze %dma_start3A_186 : memref<1x128x64xf32, #tpu.memory_space<vmem>> -> memref<128x64xf32, #tpu.memory_space<vmem>>
    %dma_start3A_188 = arith.constant 0 : i32
    %dma_start3A_189 = tpu.memref_slice %arg7[%multiple_of3A_182, %dma_start3A_188] : memref<28672x64xf32, #tpu.memory_space<hbm>> -> memref<128x64xf32, #tpu.memory_space<hbm>>
    %dma_start3A_190 = arith.constant 0 : i32
    %dma_start3A_191 = tpu.memref_slice %arg7[%multiple_of3A_182, %dma_start3A_190] : memref<28672x64xf32, #tpu.memory_space<hbm>> -> memref<128x64xf32, #tpu.memory_space<hbm>>
    %dma_start3A_192 = arith.constant 0 : i32
    %dma_start3A_193 = arith.constant 0 : i32
    %dma_start3A_194 = tpu.memref_slice %arg11[%dma_start3A_183, %dma_start3A_192, %dma_start3A_193] : memref<7x128x64xf32, #tpu.memory_space<vmem>> -> memref<1x128x64xf32, #tpu.memory_space<vmem>>
    %dma_start3A_195 = tpu.memref_squeeze %dma_start3A_194 : memref<1x128x64xf32, #tpu.memory_space<vmem>> -> memref<128x64xf32, #tpu.memory_space<vmem>>
    tpu.enqueue_dma source(%dma_start3A_195 : memref<128x64xf32, #tpu.memory_space<vmem>>) target(%dma_start3A_191 : memref<128x64xf32, #tpu.memory_space<hbm>>) target_semaphore(%arg13 : memref<!tpu.dma_semaphore, #tpu.memory_space<semaphore_mem>>)
    %dma_wait3A_196 = arith.constant 2 : i32
    %dma_wait3A_197 = arith.constant 0 : i32
    %dma_wait3A_198 = arith.constant 0 : i32
    %dma_wait3A_199 = tpu.memref_slice %arg11[%dma_wait3A_196, %dma_wait3A_197, %dma_wait3A_198] : memref<7x128x64xf32, #tpu.memory_space<vmem>> -> memref<1x128x64xf32, #tpu.memory_space<vmem>>
    %dma_wait3A_200 = tpu.memref_squeeze %dma_wait3A_199 : memref<1x128x64xf32, #tpu.memory_space<vmem>> -> memref<128x64xf32, #tpu.memory_space<vmem>>
    %dma_wait3A_201 = arith.constant 0 : i32
    %dma_wait3A_202 = arith.constant 0 : i32
    %dma_wait3A_203 = tpu.memref_slice %arg5[%dma_wait3A_201, %dma_wait3A_202] : memref<100000x64xf32, #tpu.memory_space<hbm>> -> memref<128x64xf32, #tpu.memory_space<hbm>>
    %dma_wait3A_204 = arith.constant 0 : i32
    %dma_wait3A_205 = arith.constant 0 : i32
    %dma_wait3A_206 = tpu.memref_slice %arg11[%dma_wait3A_196, %dma_wait3A_204, %dma_wait3A_205] : memref<7x128x64xf32, #tpu.memory_space<vmem>> -> memref<1x128x64xf32, #tpu.memory_space<vmem>>
    %dma_wait3A_207 = tpu.memref_squeeze %dma_wait3A_206 : memref<1x128x64xf32, #tpu.memory_space<vmem>> -> memref<128x64xf32, #tpu.memory_space<vmem>>
    %dma_wait3A_208 = arith.constant 0 : i32
    %dma_wait3A_209 = arith.constant 0 : i32
    %dma_wait3A_210 = tpu.memref_slice %arg5[%dma_wait3A_208, %dma_wait3A_209] : memref<100000x64xf32, #tpu.memory_space<hbm>> -> memref<128x64xf32, #tpu.memory_space<hbm>>
    tpu.wait_dma2 semaphore(%arg16 : memref<!tpu.dma_semaphore, #tpu.memory_space<semaphore_mem>>) src(%dma_wait3A_210 : memref<128x64xf32, #tpu.memory_space<hbm>>) dst(%dma_wait3A_207 : memref<128x64xf32, #tpu.memory_space<vmem>>)
    %multiple_of3A_211 = tpu.assume_multiple %add3A_82, 128 : i32
    %dma_start3A_212 = arith.constant 2 : i32
    %dma_start3A_213 = arith.constant 0 : i32
    %dma_start3A_214 = arith.constant 0 : i32
    %dma_start3A_215 = tpu.memref_slice %arg11[%dma_start3A_212, %dma_start3A_213, %dma_start3A_214] : memref<7x128x64xf32, #tpu.memory_space<vmem>> -> memref<1x128x64xf32, #tpu.memory_space<vmem>>
    %dma_start3A_216 = tpu.memref_squeeze %dma_start3A_215 : memref<1x128x64xf32, #tpu.memory_space<vmem>> -> memref<128x64xf32, #tpu.memory_space<vmem>>
    %dma_start3A_217 = arith.constant 0 : i32
    %dma_start3A_218 = tpu.memref_slice %arg7[%multiple_of3A_211, %dma_start3A_217] : memref<28672x64xf32, #tpu.memory_space<hbm>> -> memref<128x64xf32, #tpu.memory_space<hbm>>
    %dma_start3A_219 = arith.constant 0 : i32
    %dma_start3A_220 = tpu.memref_slice %arg7[%multiple_of3A_211, %dma_start3A_219] : memref<28672x64xf32, #tpu.memory_space<hbm>> -> memref<128x64xf32, #tpu.memory_space<hbm>>
    %dma_start3A_221 = arith.constant 0 : i32
    %dma_start3A_222 = arith.constant 0 : i32
    %dma_start3A_223 = tpu.memref_slice %arg11[%dma_start3A_212, %dma_start3A_221, %dma_start3A_222] : memref<7x128x64xf32, #tpu.memory_space<vmem>> -> memref<1x128x64xf32, #tpu.memory_space<vmem>>
    %dma_start3A_224 = tpu.memref_squeeze %dma_start3A_223 : memref<1x128x64xf32, #tpu.memory_space<vmem>> -> memref<128x64xf32, #tpu.memory_space<vmem>>
    tpu.enqueue_dma source(%dma_start3A_224 : memref<128x64xf32, #tpu.memory_space<vmem>>) target(%dma_start3A_220 : memref<128x64xf32, #tpu.memory_space<hbm>>) target_semaphore(%arg13 : memref<!tpu.dma_semaphore, #tpu.memory_space<semaphore_mem>>)
    %dma_wait3A_225 = arith.constant 3 : i32
    %dma_wait3A_226 = arith.constant 0 : i32
    %dma_wait3A_227 = arith.constant 0 : i32
    %dma_wait3A_228 = tpu.memref_slice %arg11[%dma_wait3A_225, %dma_wait3A_226, %dma_wait3A_227] : memref<7x128x64xf32, #tpu.memory_space<vmem>> -> memref<1x128x64xf32, #tpu.memory_space<vmem>>
    %dma_wait3A_229 = tpu.memref_squeeze %dma_wait3A_228 : memref<1x128x64xf32, #tpu.memory_space<vmem>> -> memref<128x64xf32, #tpu.memory_space<vmem>>
    %dma_wait3A_230 = arith.constant 0 : i32
    %dma_wait3A_231 = arith.constant 0 : i32
    %dma_wait3A_232 = tpu.memref_slice %arg5[%dma_wait3A_230, %dma_wait3A_231] : memref<100000x64xf32, #tpu.memory_space<hbm>> -> memref<128x64xf32, #tpu.memory_space<hbm>>
    %dma_wait3A_233 = arith.constant 0 : i32
    %dma_wait3A_234 = arith.constant 0 : i32
    %dma_wait3A_235 = tpu.memref_slice %arg11[%dma_wait3A_225, %dma_wait3A_233, %dma_wait3A_234] : memref<7x128x64xf32, #tpu.memory_space<vmem>> -> memref<1x128x64xf32, #tpu.memory_space<vmem>>
    %dma_wait3A_236 = tpu.memref_squeeze %dma_wait3A_235 : memref<1x128x64xf32, #tpu.memory_space<vmem>> -> memref<128x64xf32, #tpu.memory_space<vmem>>
    %dma_wait3A_237 = arith.constant 0 : i32
    %dma_wait3A_238 = arith.constant 0 : i32
    %dma_wait3A_239 = tpu.memref_slice %arg5[%dma_wait3A_237, %dma_wait3A_238] : memref<100000x64xf32, #tpu.memory_space<hbm>> -> memref<128x64xf32, #tpu.memory_space<hbm>>
    tpu.wait_dma2 semaphore(%arg17 : memref<!tpu.dma_semaphore, #tpu.memory_space<semaphore_mem>>) src(%dma_wait3A_239 : memref<128x64xf32, #tpu.memory_space<hbm>>) dst(%dma_wait3A_236 : memref<128x64xf32, #tpu.memory_space<vmem>>)
    %multiple_of3A_240 = tpu.assume_multiple %add3A_84, 128 : i32
    %dma_start3A_241 = arith.constant 3 : i32
    %dma_start3A_242 = arith.constant 0 : i32
    %dma_start3A_243 = arith.constant 0 : i32
    %dma_start3A_244 = tpu.memref_slice %arg11[%dma_start3A_241, %dma_start3A_242, %dma_start3A_243] : memref<7x128x64xf32, #tpu.memory_space<vmem>> -> memref<1x128x64xf32, #tpu.memory_space<vmem>>
    %dma_start3A_245 = tpu.memref_squeeze %dma_start3A_244 : memref<1x128x64xf32, #tpu.memory_space<vmem>> -> memref<128x64xf32, #tpu.memory_space<vmem>>
    %dma_start3A_246 = arith.constant 0 : i32
    %dma_start3A_247 = tpu.memref_slice %arg7[%multiple_of3A_240, %dma_start3A_246] : memref<28672x64xf32, #tpu.memory_space<hbm>> -> memref<128x64xf32, #tpu.memory_space<hbm>>
    %dma_start3A_248 = arith.constant 0 : i32
    %dma_start3A_249 = tpu.memref_slice %arg7[%multiple_of3A_240, %dma_start3A_248] : memref<28672x64xf32, #tpu.memory_space<hbm>> -> memref<128x64xf32, #tpu.memory_space<hbm>>
    %dma_start3A_250 = arith.constant 0 : i32
    %dma_start3A_251 = arith.constant 0 : i32
    %dma_start3A_252 = tpu.memref_slice %arg11[%dma_start3A_241, %dma_start3A_250, %dma_start3A_251] : memref<7x128x64xf32, #tpu.memory_space<vmem>> -> memref<1x128x64xf32, #tpu.memory_space<vmem>>
    %dma_start3A_253 = tpu.memref_squeeze %dma_start3A_252 : memref<1x128x64xf32, #tpu.memory_space<vmem>> -> memref<128x64xf32, #tpu.memory_space<vmem>>
    tpu.enqueue_dma source(%dma_start3A_253 : memref<128x64xf32, #tpu.memory_space<vmem>>) target(%dma_start3A_249 : memref<128x64xf32, #tpu.memory_space<hbm>>) target_semaphore(%arg13 : memref<!tpu.dma_semaphore, #tpu.memory_space<semaphore_mem>>)
    %dma_wait3A_254 = arith.constant 4 : i32
    %dma_wait3A_255 = arith.constant 0 : i32
    %dma_wait3A_256 = arith.constant 0 : i32
    %dma_wait3A_257 = tpu.memref_slice %arg11[%dma_wait3A_254, %dma_wait3A_255, %dma_wait3A_256] : memref<7x128x64xf32, #tpu.memory_space<vmem>> -> memref<1x128x64xf32, #tpu.memory_space<vmem>>
    %dma_wait3A_258 = tpu.memref_squeeze %dma_wait3A_257 : memref<1x128x64xf32, #tpu.memory_space<vmem>> -> memref<128x64xf32, #tpu.memory_space<vmem>>
    %dma_wait3A_259 = arith.constant 0 : i32
    %dma_wait3A_260 = arith.constant 0 : i32
    %dma_wait3A_261 = tpu.memref_slice %arg5[%dma_wait3A_259, %dma_wait3A_260] : memref<100000x64xf32, #tpu.memory_space<hbm>> -> memref<128x64xf32, #tpu.memory_space<hbm>>
    %dma_wait3A_262 = arith.constant 0 : i32
    %dma_wait3A_263 = arith.constant 0 : i32
    %dma_wait3A_264 = tpu.memref_slice %arg11[%dma_wait3A_254, %dma_wait3A_262, %dma_wait3A_263] : memref<7x128x64xf32, #tpu.memory_space<vmem>> -> memref<1x128x64xf32, #tpu.memory_space<vmem>>
    %dma_wait3A_265 = tpu.memref_squeeze %dma_wait3A_264 : memref<1x128x64xf32, #tpu.memory_space<vmem>> -> memref<128x64xf32, #tpu.memory_space<vmem>>
    %dma_wait3A_266 = arith.constant 0 : i32
    %dma_wait3A_267 = arith.constant 0 : i32
    %dma_wait3A_268 = tpu.memref_slice %arg5[%dma_wait3A_266, %dma_wait3A_267] : memref<100000x64xf32, #tpu.memory_space<hbm>> -> memref<128x64xf32, #tpu.memory_space<hbm>>
    tpu.wait_dma2 semaphore(%arg18 : memref<!tpu.dma_semaphore, #tpu.memory_space<semaphore_mem>>) src(%dma_wait3A_268 : memref<128x64xf32, #tpu.memory_space<hbm>>) dst(%dma_wait3A_265 : memref<128x64xf32, #tpu.memory_space<vmem>>)
    %multiple_of3A_269 = tpu.assume_multiple %add3A_86, 128 : i32
    %dma_start3A_270 = arith.constant 4 : i32
    %dma_start3A_271 = arith.constant 0 : i32
    %dma_start3A_272 = arith.constant 0 : i32
    %dma_start3A_273 = tpu.memref_slice %arg11[%dma_start3A_270, %dma_start3A_271, %dma_start3A_272] : memref<7x128x64xf32, #tpu.memory_space<vmem>> -> memref<1x128x64xf32, #tpu.memory_space<vmem>>
    %dma_start3A_274 = tpu.memref_squeeze %dma_start3A_273 : memref<1x128x64xf32, #tpu.memory_space<vmem>> -> memref<128x64xf32, #tpu.memory_space<vmem>>
    %dma_start3A_275 = arith.constant 0 : i32
    %dma_start3A_276 = tpu.memref_slice %arg7[%multiple_of3A_269, %dma_start3A_275] : memref<28672x64xf32, #tpu.memory_space<hbm>> -> memref<128x64xf32, #tpu.memory_space<hbm>>
    %dma_start3A_277 = arith.constant 0 : i32
    %dma_start3A_278 = tpu.memref_slice %arg7[%multiple_of3A_269, %dma_start3A_277] : memref<28672x64xf32, #tpu.memory_space<hbm>> -> memref<128x64xf32, #tpu.memory_space<hbm>>
    %dma_start3A_279 = arith.constant 0 : i32
    %dma_start3A_280 = arith.constant 0 : i32
    %dma_start3A_281 = tpu.memref_slice %arg11[%dma_start3A_270, %dma_start3A_279, %dma_start3A_280] : memref<7x128x64xf32, #tpu.memory_space<vmem>> -> memref<1x128x64xf32, #tpu.memory_space<vmem>>
    %dma_start3A_282 = tpu.memref_squeeze %dma_start3A_281 : memref<1x128x64xf32, #tpu.memory_space<vmem>> -> memref<128x64xf32, #tpu.memory_space<vmem>>
    tpu.enqueue_dma source(%dma_start3A_282 : memref<128x64xf32, #tpu.memory_space<vmem>>) target(%dma_start3A_278 : memref<128x64xf32, #tpu.memory_space<hbm>>) target_semaphore(%arg13 : memref<!tpu.dma_semaphore, #tpu.memory_space<semaphore_mem>>)
    %dma_wait3A_283 = arith.constant 5 : i32
    %dma_wait3A_284 = arith.constant 0 : i32
    %dma_wait3A_285 = arith.constant 0 : i32
    %dma_wait3A_286 = tpu.memref_slice %arg11[%dma_wait3A_283, %dma_wait3A_284, %dma_wait3A_285] : memref<7x128x64xf32, #tpu.memory_space<vmem>> -> memref<1x128x64xf32, #tpu.memory_space<vmem>>
    %dma_wait3A_287 = tpu.memref_squeeze %dma_wait3A_286 : memref<1x128x64xf32, #tpu.memory_space<vmem>> -> memref<128x64xf32, #tpu.memory_space<vmem>>
    %dma_wait3A_288 = arith.constant 0 : i32
    %dma_wait3A_289 = arith.constant 0 : i32
    %dma_wait3A_290 = tpu.memref_slice %arg5[%dma_wait3A_288, %dma_wait3A_289] : memref<100000x64xf32, #tpu.memory_space<hbm>> -> memref<128x64xf32, #tpu.memory_space<hbm>>
    %dma_wait3A_291 = arith.constant 0 : i32
    %dma_wait3A_292 = arith.constant 0 : i32
    %dma_wait3A_293 = tpu.memref_slice %arg11[%dma_wait3A_283, %dma_wait3A_291, %dma_wait3A_292] : memref<7x128x64xf32, #tpu.memory_space<vmem>> -> memref<1x128x64xf32, #tpu.memory_space<vmem>>
    %dma_wait3A_294 = tpu.memref_squeeze %dma_wait3A_293 : memref<1x128x64xf32, #tpu.memory_space<vmem>> -> memref<128x64xf32, #tpu.memory_space<vmem>>
    %dma_wait3A_295 = arith.constant 0 : i32
    %dma_wait3A_296 = arith.constant 0 : i32
    %dma_wait3A_297 = tpu.memref_slice %arg5[%dma_wait3A_295, %dma_wait3A_296] : memref<100000x64xf32, #tpu.memory_space<hbm>> -> memref<128x64xf32, #tpu.memory_space<hbm>>
    tpu.wait_dma2 semaphore(%arg19 : memref<!tpu.dma_semaphore, #tpu.memory_space<semaphore_mem>>) src(%dma_wait3A_297 : memref<128x64xf32, #tpu.memory_space<hbm>>) dst(%dma_wait3A_294 : memref<128x64xf32, #tpu.memory_space<vmem>>)
    %multiple_of3A_298 = tpu.assume_multiple %add3A_88, 128 : i32
    %dma_start3A_299 = arith.constant 5 : i32
    %dma_start3A_300 = arith.constant 0 : i32
    %dma_start3A_301 = arith.constant 0 : i32
    %dma_start3A_302 = tpu.memref_slice %arg11[%dma_start3A_299, %dma_start3A_300, %dma_start3A_301] : memref<7x128x64xf32, #tpu.memory_space<vmem>> -> memref<1x128x64xf32, #tpu.memory_space<vmem>>
    %dma_start3A_303 = tpu.memref_squeeze %dma_start3A_302 : memref<1x128x64xf32, #tpu.memory_space<vmem>> -> memref<128x64xf32, #tpu.memory_space<vmem>>
    %dma_start3A_304 = arith.constant 0 : i32
    %dma_start3A_305 = tpu.memref_slice %arg7[%multiple_of3A_298, %dma_start3A_304] : memref<28672x64xf32, #tpu.memory_space<hbm>> -> memref<128x64xf32, #tpu.memory_space<hbm>>
    %dma_start3A_306 = arith.constant 0 : i32
    %dma_start3A_307 = tpu.memref_slice %arg7[%multiple_of3A_298, %dma_start3A_306] : memref<28672x64xf32, #tpu.memory_space<hbm>> -> memref<128x64xf32, #tpu.memory_space<hbm>>
    %dma_start3A_308 = arith.constant 0 : i32
    %dma_start3A_309 = arith.constant 0 : i32
    %dma_start3A_310 = tpu.memref_slice %arg11[%dma_start3A_299, %dma_start3A_308, %dma_start3A_309] : memref<7x128x64xf32, #tpu.memory_space<vmem>> -> memref<1x128x64xf32, #tpu.memory_space<vmem>>
    %dma_start3A_311 = tpu.memref_squeeze %dma_start3A_310 : memref<1x128x64xf32, #tpu.memory_space<vmem>> -> memref<128x64xf32, #tpu.memory_space<vmem>>
    tpu.enqueue_dma source(%dma_start3A_311 : memref<128x64xf32, #tpu.memory_space<vmem>>) target(%dma_start3A_307 : memref<128x64xf32, #tpu.memory_space<hbm>>) target_semaphore(%arg13 : memref<!tpu.dma_semaphore, #tpu.memory_space<semaphore_mem>>)
    %dma_wait3A_312 = arith.constant 6 : i32
    %dma_wait3A_313 = arith.constant 0 : i32
    %dma_wait3A_314 = arith.constant 0 : i32
    %dma_wait3A_315 = tpu.memref_slice %arg11[%dma_wait3A_312, %dma_wait3A_313, %dma_wait3A_314] : memref<7x128x64xf32, #tpu.memory_space<vmem>> -> memref<1x128x64xf32, #tpu.memory_space<vmem>>
    %dma_wait3A_316 = tpu.memref_squeeze %dma_wait3A_315 : memref<1x128x64xf32, #tpu.memory_space<vmem>> -> memref<128x64xf32, #tpu.memory_space<vmem>>
    %dma_wait3A_317 = arith.constant 0 : i32
    %dma_wait3A_318 = arith.constant 0 : i32
    %dma_wait3A_319 = tpu.memref_slice %arg5[%dma_wait3A_317, %dma_wait3A_318] : memref<100000x64xf32, #tpu.memory_space<hbm>> -> memref<128x64xf32, #tpu.memory_space<hbm>>
    %dma_wait3A_320 = arith.constant 0 : i32
    %dma_wait3A_321 = arith.constant 0 : i32
    %dma_wait3A_322 = tpu.memref_slice %arg11[%dma_wait3A_312, %dma_wait3A_320, %dma_wait3A_321] : memref<7x128x64xf32, #tpu.memory_space<vmem>> -> memref<1x128x64xf32, #tpu.memory_space<vmem>>
    %dma_wait3A_323 = tpu.memref_squeeze %dma_wait3A_322 : memref<1x128x64xf32, #tpu.memory_space<vmem>> -> memref<128x64xf32, #tpu.memory_space<vmem>>
    %dma_wait3A_324 = arith.constant 0 : i32
    %dma_wait3A_325 = arith.constant 0 : i32
    %dma_wait3A_326 = tpu.memref_slice %arg5[%dma_wait3A_324, %dma_wait3A_325] : memref<100000x64xf32, #tpu.memory_space<hbm>> -> memref<128x64xf32, #tpu.memory_space<hbm>>
    tpu.wait_dma2 semaphore(%arg20 : memref<!tpu.dma_semaphore, #tpu.memory_space<semaphore_mem>>) src(%dma_wait3A_326 : memref<128x64xf32, #tpu.memory_space<hbm>>) dst(%dma_wait3A_323 : memref<128x64xf32, #tpu.memory_space<vmem>>)
    %multiple_of3A_327 = tpu.assume_multiple %add3A_90, 128 : i32
    %dma_start3A_328 = arith.constant 6 : i32
    %dma_start3A_329 = arith.constant 0 : i32
    %dma_start3A_330 = arith.constant 0 : i32
    %dma_start3A_331 = tpu.memref_slice %arg11[%dma_start3A_328, %dma_start3A_329, %dma_start3A_330] : memref<7x128x64xf32, #tpu.memory_space<vmem>> -> memref<1x128x64xf32, #tpu.memory_space<vmem>>
    %dma_start3A_332 = tpu.memref_squeeze %dma_start3A_331 : memref<1x128x64xf32, #tpu.memory_space<vmem>> -> memref<128x64xf32, #tpu.memory_space<vmem>>
    %dma_start3A_333 = arith.constant 0 : i32
    %dma_start3A_334 = tpu.memref_slice %arg7[%multiple_of3A_327, %dma_start3A_333] : memref<28672x64xf32, #tpu.memory_space<hbm>> -> memref<128x64xf32, #tpu.memory_space<hbm>>
    %dma_start3A_335 = arith.constant 0 : i32
    %dma_start3A_336 = tpu.memref_slice %arg7[%multiple_of3A_327, %dma_start3A_335] : memref<28672x64xf32, #tpu.memory_space<hbm>> -> memref<128x64xf32, #tpu.memory_space<hbm>>
    %dma_start3A_337 = arith.constant 0 : i32
    %dma_start3A_338 = arith.constant 0 : i32
    %dma_start3A_339 = tpu.memref_slice %arg11[%dma_start3A_328, %dma_start3A_337, %dma_start3A_338] : memref<7x128x64xf32, #tpu.memory_space<vmem>> -> memref<1x128x64xf32, #tpu.memory_space<vmem>>
    %dma_start3A_340 = tpu.memref_squeeze %dma_start3A_339 : memref<1x128x64xf32, #tpu.memory_space<vmem>> -> memref<128x64xf32, #tpu.memory_space<vmem>>
    tpu.enqueue_dma source(%dma_start3A_340 : memref<128x64xf32, #tpu.memory_space<vmem>>) target(%dma_start3A_336 : memref<128x64xf32, #tpu.memory_space<hbm>>) target_semaphore(%arg13 : memref<!tpu.dma_semaphore, #tpu.memory_space<semaphore_mem>>)
    %dma_wait3A_341 = arith.constant 0 : i32
    %dma_wait3A_342 = arith.constant 0 : i32
    %dma_wait3A_343 = arith.constant 0 : i32
    %dma_wait3A_344 = tpu.memref_slice %arg11[%dma_wait3A_341, %dma_wait3A_342, %dma_wait3A_343] : memref<7x128x64xf32, #tpu.memory_space<vmem>> -> memref<1x128x64xf32, #tpu.memory_space<vmem>>
    %dma_wait3A_345 = tpu.memref_squeeze %dma_wait3A_344 : memref<1x128x64xf32, #tpu.memory_space<vmem>> -> memref<128x64xf32, #tpu.memory_space<vmem>>
    %dma_wait3A_346 = arith.constant 0 : i32
    %dma_wait3A_347 = tpu.memref_slice %arg7[%multiple_of3A, %dma_wait3A_346] : memref<28672x64xf32, #tpu.memory_space<hbm>> -> memref<128x64xf32, #tpu.memory_space<hbm>>
    %dma_wait3A_348 = arith.constant 0 : i32
    %dma_wait3A_349 = tpu.memref_slice %arg7[%multiple_of3A, %dma_wait3A_348] : memref<28672x64xf32, #tpu.memory_space<hbm>> -> memref<128x64xf32, #tpu.memory_space<hbm>>
    %dma_wait3A_350 = arith.constant 0 : i32
    %dma_wait3A_351 = arith.constant 0 : i32
    %dma_wait3A_352 = tpu.memref_slice %arg11[%dma_wait3A_341, %dma_wait3A_350, %dma_wait3A_351] : memref<7x128x64xf32, #tpu.memory_space<vmem>> -> memref<1x128x64xf32, #tpu.memory_space<vmem>>
    %dma_wait3A_353 = tpu.memref_squeeze %dma_wait3A_352 : memref<1x128x64xf32, #tpu.memory_space<vmem>> -> memref<128x64xf32, #tpu.memory_space<vmem>>
    tpu.wait_dma2 semaphore(%arg13 : memref<!tpu.dma_semaphore, #tpu.memory_space<semaphore_mem>>) src(%dma_wait3A_353 : memref<128x64xf32, #tpu.memory_space<vmem>>) dst(%dma_wait3A_349 : memref<128x64xf32, #tpu.memory_space<hbm>>)
    %dma_wait3A_354 = arith.constant 1 : i32
    %dma_wait3A_355 = arith.constant 0 : i32
    %dma_wait3A_356 = arith.constant 0 : i32
    %dma_wait3A_357 = tpu.memref_slice %arg11[%dma_wait3A_354, %dma_wait3A_355, %dma_wait3A_356] : memref<7x128x64xf32, #tpu.memory_space<vmem>> -> memref<1x128x64xf32, #tpu.memory_space<vmem>>
    %dma_wait3A_358 = tpu.memref_squeeze %dma_wait3A_357 : memref<1x128x64xf32, #tpu.memory_space<vmem>> -> memref<128x64xf32, #tpu.memory_space<vmem>>
    %dma_wait3A_359 = arith.constant 0 : i32
    %dma_wait3A_360 = tpu.memref_slice %arg7[%multiple_of3A_182, %dma_wait3A_359] : memref<28672x64xf32, #tpu.memory_space<hbm>> -> memref<128x64xf32, #tpu.memory_space<hbm>>
    %dma_wait3A_361 = arith.constant 0 : i32
    %dma_wait3A_362 = tpu.memref_slice %arg7[%multiple_of3A_182, %dma_wait3A_361] : memref<28672x64xf32, #tpu.memory_space<hbm>> -> memref<128x64xf32, #tpu.memory_space<hbm>>
    %dma_wait3A_363 = arith.constant 0 : i32
    %dma_wait3A_364 = arith.constant 0 : i32
    %dma_wait3A_365 = tpu.memref_slice %arg11[%dma_wait3A_354, %dma_wait3A_363, %dma_wait3A_364] : memref<7x128x64xf32, #tpu.memory_space<vmem>> -> memref<1x128x64xf32, #tpu.memory_space<vmem>>
    %dma_wait3A_366 = tpu.memref_squeeze %dma_wait3A_365 : memref<1x128x64xf32, #tpu.memory_space<vmem>> -> memref<128x64xf32, #tpu.memory_space<vmem>>
    tpu.wait_dma2 semaphore(%arg13 : memref<!tpu.dma_semaphore, #tpu.memory_space<semaphore_mem>>) src(%dma_wait3A_366 : memref<128x64xf32, #tpu.memory_space<vmem>>) dst(%dma_wait3A_362 : memref<128x64xf32, #tpu.memory_space<hbm>>)
    %dma_wait3A_367 = arith.constant 2 : i32
    %dma_wait3A_368 = arith.constant 0 : i32
    %dma_wait3A_369 = arith.constant 0 : i32
    %dma_wait3A_370 = tpu.memref_slice %arg11[%dma_wait3A_367, %dma_wait3A_368, %dma_wait3A_369] : memref<7x128x64xf32, #tpu.memory_space<vmem>> -> memref<1x128x64xf32, #tpu.memory_space<vmem>>
    %dma_wait3A_371 = tpu.memref_squeeze %dma_wait3A_370 : memref<1x128x64xf32, #tpu.memory_space<vmem>> -> memref<128x64xf32, #tpu.memory_space<vmem>>
    %dma_wait3A_372 = arith.constant 0 : i32
    %dma_wait3A_373 = tpu.memref_slice %arg7[%multiple_of3A_211, %dma_wait3A_372] : memref<28672x64xf32, #tpu.memory_space<hbm>> -> memref<128x64xf32, #tpu.memory_space<hbm>>
    %dma_wait3A_374 = arith.constant 0 : i32
    %dma_wait3A_375 = tpu.memref_slice %arg7[%multiple_of3A_211, %dma_wait3A_374] : memref<28672x64xf32, #tpu.memory_space<hbm>> -> memref<128x64xf32, #tpu.memory_space<hbm>>
    %dma_wait3A_376 = arith.constant 0 : i32
    %dma_wait3A_377 = arith.constant 0 : i32
    %dma_wait3A_378 = tpu.memref_slice %arg11[%dma_wait3A_367, %dma_wait3A_376, %dma_wait3A_377] : memref<7x128x64xf32, #tpu.memory_space<vmem>> -> memref<1x128x64xf32, #tpu.memory_space<vmem>>
    %dma_wait3A_379 = tpu.memref_squeeze %dma_wait3A_378 : memref<1x128x64xf32, #tpu.memory_space<vmem>> -> memref<128x64xf32, #tpu.memory_space<vmem>>
    tpu.wait_dma2 semaphore(%arg13 : memref<!tpu.dma_semaphore, #tpu.memory_space<semaphore_mem>>) src(%dma_wait3A_379 : memref<128x64xf32, #tpu.memory_space<vmem>>) dst(%dma_wait3A_375 : memref<128x64xf32, #tpu.memory_space<hbm>>)
    %dma_wait3A_380 = arith.constant 3 : i32
    %dma_wait3A_381 = arith.constant 0 : i32
    %dma_wait3A_382 = arith.constant 0 : i32
    %dma_wait3A_383 = tpu.memref_slice %arg11[%dma_wait3A_380, %dma_wait3A_381, %dma_wait3A_382] : memref<7x128x64xf32, #tpu.memory_space<vmem>> -> memref<1x128x64xf32, #tpu.memory_space<vmem>>
    %dma_wait3A_384 = tpu.memref_squeeze %dma_wait3A_383 : memref<1x128x64xf32, #tpu.memory_space<vmem>> -> memref<128x64xf32, #tpu.memory_space<vmem>>
    %dma_wait3A_385 = arith.constant 0 : i32
    %dma_wait3A_386 = tpu.memref_slice %arg7[%multiple_of3A_240, %dma_wait3A_385] : memref<28672x64xf32, #tpu.memory_space<hbm>> -> memref<128x64xf32, #tpu.memory_space<hbm>>
    %dma_wait3A_387 = arith.constant 0 : i32
    %dma_wait3A_388 = tpu.memref_slice %arg7[%multiple_of3A_240, %dma_wait3A_387] : memref<28672x64xf32, #tpu.memory_space<hbm>> -> memref<128x64xf32, #tpu.memory_space<hbm>>
    %dma_wait3A_389 = arith.constant 0 : i32
    %dma_wait3A_390 = arith.constant 0 : i32
    %dma_wait3A_391 = tpu.memref_slice %arg11[%dma_wait3A_380, %dma_wait3A_389, %dma_wait3A_390] : memref<7x128x64xf32, #tpu.memory_space<vmem>> -> memref<1x128x64xf32, #tpu.memory_space<vmem>>
    %dma_wait3A_392 = tpu.memref_squeeze %dma_wait3A_391 : memref<1x128x64xf32, #tpu.memory_space<vmem>> -> memref<128x64xf32, #tpu.memory_space<vmem>>
    tpu.wait_dma2 semaphore(%arg13 : memref<!tpu.dma_semaphore, #tpu.memory_space<semaphore_mem>>) src(%dma_wait3A_392 : memref<128x64xf32, #tpu.memory_space<vmem>>) dst(%dma_wait3A_388 : memref<128x64xf32, #tpu.memory_space<hbm>>)
    %dma_wait3A_393 = arith.constant 4 : i32
    %dma_wait3A_394 = arith.constant 0 : i32
    %dma_wait3A_395 = arith.constant 0 : i32
    %dma_wait3A_396 = tpu.memref_slice %arg11[%dma_wait3A_393, %dma_wait3A_394, %dma_wait3A_395] : memref<7x128x64xf32, #tpu.memory_space<vmem>> -> memref<1x128x64xf32, #tpu.memory_space<vmem>>
    %dma_wait3A_397 = tpu.memref_squeeze %dma_wait3A_396 : memref<1x128x64xf32, #tpu.memory_space<vmem>> -> memref<128x64xf32, #tpu.memory_space<vmem>>
    %dma_wait3A_398 = arith.constant 0 : i32
    %dma_wait3A_399 = tpu.memref_slice %arg7[%multiple_of3A_269, %dma_wait3A_398] : memref<28672x64xf32, #tpu.memory_space<hbm>> -> memref<128x64xf32, #tpu.memory_space<hbm>>
    %dma_wait3A_400 = arith.constant 0 : i32
    %dma_wait3A_401 = tpu.memref_slice %arg7[%multiple_of3A_269, %dma_wait3A_400] : memref<28672x64xf32, #tpu.memory_space<hbm>> -> memref<128x64xf32, #tpu.memory_space<hbm>>
    %dma_wait3A_402 = arith.constant 0 : i32
    %dma_wait3A_403 = arith.constant 0 : i32
    %dma_wait3A_404 = tpu.memref_slice %arg11[%dma_wait3A_393, %dma_wait3A_402, %dma_wait3A_403] : memref<7x128x64xf32, #tpu.memory_space<vmem>> -> memref<1x128x64xf32, #tpu.memory_space<vmem>>
    %dma_wait3A_405 = tpu.memref_squeeze %dma_wait3A_404 : memref<1x128x64xf32, #tpu.memory_space<vmem>> -> memref<128x64xf32, #tpu.memory_space<vmem>>
    tpu.wait_dma2 semaphore(%arg13 : memref<!tpu.dma_semaphore, #tpu.memory_space<semaphore_mem>>) src(%dma_wait3A_405 : memref<128x64xf32, #tpu.memory_space<vmem>>) dst(%dma_wait3A_401 : memref<128x64xf32, #tpu.memory_space<hbm>>)
    %dma_wait3A_406 = arith.constant 5 : i32
    %dma_wait3A_407 = arith.constant 0 : i32
    %dma_wait3A_408 = arith.constant 0 : i32
    %dma_wait3A_409 = tpu.memref_slice %arg11[%dma_wait3A_406, %dma_wait3A_407, %dma_wait3A_408] : memref<7x128x64xf32, #tpu.memory_space<vmem>> -> memref<1x128x64xf32, #tpu.memory_space<vmem>>
    %dma_wait3A_410 = tpu.memref_squeeze %dma_wait3A_409 : memref<1x128x64xf32, #tpu.memory_space<vmem>> -> memref<128x64xf32, #tpu.memory_space<vmem>>
    %dma_wait3A_411 = arith.constant 0 : i32
    %dma_wait3A_412 = tpu.memref_slice %arg7[%multiple_of3A_298, %dma_wait3A_411] : memref<28672x64xf32, #tpu.memory_space<hbm>> -> memref<128x64xf32, #tpu.memory_space<hbm>>
    %dma_wait3A_413 = arith.constant 0 : i32
    %dma_wait3A_414 = tpu.memref_slice %arg7[%multiple_of3A_298, %dma_wait3A_413] : memref<28672x64xf32, #tpu.memory_space<hbm>> -> memref<128x64xf32, #tpu.memory_space<hbm>>
    %dma_wait3A_415 = arith.constant 0 : i32
    %dma_wait3A_416 = arith.constant 0 : i32
    %dma_wait3A_417 = tpu.memref_slice %arg11[%dma_wait3A_406, %dma_wait3A_415, %dma_wait3A_416] : memref<7x128x64xf32, #tpu.memory_space<vmem>> -> memref<1x128x64xf32, #tpu.memory_space<vmem>>
    %dma_wait3A_418 = tpu.memref_squeeze %dma_wait3A_417 : memref<1x128x64xf32, #tpu.memory_space<vmem>> -> memref<128x64xf32, #tpu.memory_space<vmem>>
    tpu.wait_dma2 semaphore(%arg13 : memref<!tpu.dma_semaphore, #tpu.memory_space<semaphore_mem>>) src(%dma_wait3A_418 : memref<128x64xf32, #tpu.memory_space<vmem>>) dst(%dma_wait3A_414 : memref<128x64xf32, #tpu.memory_space<hbm>>)
    %dma_wait3A_419 = arith.constant 6 : i32
    %dma_wait3A_420 = arith.constant 0 : i32
    %dma_wait3A_421 = arith.constant 0 : i32
    %dma_wait3A_422 = tpu.memref_slice %arg11[%dma_wait3A_419, %dma_wait3A_420, %dma_wait3A_421] : memref<7x128x64xf32, #tpu.memory_space<vmem>> -> memref<1x128x64xf32, #tpu.memory_space<vmem>>
    %dma_wait3A_423 = tpu.memref_squeeze %dma_wait3A_422 : memref<1x128x64xf32, #tpu.memory_space<vmem>> -> memref<128x64xf32, #tpu.memory_space<vmem>>
    %dma_wait3A_424 = arith.constant 0 : i32
    %dma_wait3A_425 = tpu.memref_slice %arg7[%multiple_of3A_327, %dma_wait3A_424] : memref<28672x64xf32, #tpu.memory_space<hbm>> -> memref<128x64xf32, #tpu.memory_space<hbm>>
    %dma_wait3A_426 = arith.constant 0 : i32
    %dma_wait3A_427 = tpu.memref_slice %arg7[%multiple_of3A_327, %dma_wait3A_426] : memref<28672x64xf32, #tpu.memory_space<hbm>> -> memref<128x64xf32, #tpu.memory_space<hbm>>
    %dma_wait3A_428 = arith.constant 0 : i32
    %dma_wait3A_429 = arith.constant 0 : i32
    %dma_wait3A_430 = tpu.memref_slice %arg11[%dma_wait3A_419, %dma_wait3A_428, %dma_wait3A_429] : memref<7x128x64xf32, #tpu.memory_space<vmem>> -> memref<1x128x64xf32, #tpu.memory_space<vmem>>
    %dma_wait3A_431 = tpu.memref_squeeze %dma_wait3A_430 : memref<1x128x64xf32, #tpu.memory_space<vmem>> -> memref<128x64xf32, #tpu.memory_space<vmem>>
    tpu.wait_dma2 semaphore(%arg13 : memref<!tpu.dma_semaphore, #tpu.memory_space<semaphore_mem>>) src(%dma_wait3A_431 : memref<128x64xf32, #tpu.memory_space<vmem>>) dst(%dma_wait3A_427 : memref<128x64xf32, #tpu.memory_space<hbm>>)
    return
  }
}

module attributes {stable_mosaic.version = 14 : i64} {
  func.func @tc_body(%arg0: memref<28672x64xf32, #tpu.memory_space<vmem>>, %arg1: memref<1x1xf32, #tpu.memory_space<smem>>) attributes {dimension_semantics = [], scalar_prefetch = 0 : i64, scratch_operands = 0 : i64, tpu.core_type = #tpu.core_type<tc>} {
    %get3A = arith.constant 0 : index
    %get3A_0 = arith.constant 0 : index
    %get3A_1 = vector.load %arg0[%get3A, %get3A_0] : memref<28672x64xf32, #tpu.memory_space<vmem>>, vector<4096x64xf32>
    %get3A_2 = arith.constant 4096 : index
    %get3A_3 = arith.constant 0 : index
    %get3A_4 = vector.load %arg0[%get3A_2, %get3A_3] : memref<28672x64xf32, #tpu.memory_space<vmem>>, vector<24576x64xf32>
    %concatenate3A = tpu.concatenate %get3A_1, %get3A_1, %get3A_1, %get3A_1, %get3A_1, %get3A_1 in 0 : vector<4096x64xf32>, vector<4096x64xf32>, vector<4096x64xf32>, vector<4096x64xf32>, vector<4096x64xf32>, vector<4096x64xf32> -> vector<24576x64xf32>
    %mul3A = arith.mulf %get3A_4, %concatenate3A : vector<24576x64xf32>
    %broadcast_in_dim3A = arith.constant 1.000000e+00 : f32
    %broadcast_in_dim3A_5 = vector.broadcast %broadcast_in_dim3A : f32 to vector<64x128xf32>
    %dot_general3A = arith.constant dense<0.000000e+00> : vector<24576x128xf32>
    %dot_general3A_6 = tpu.matmul %mul3A, %broadcast_in_dim3A_5, %dot_general3A {dimension_numbers = #tpu.dot_dimension_numbers<[1], [0], [0], [1], [0, 0, 1, 1], [], []>, transpose_lhs_hint = false} : vector<24576x64xf32>, vector<64x128xf32>, vector<24576x128xf32> -> vector<24576x128xf32>
    %iota3A = tpu.iota {dimensions = array<i32: 0>} : vector<24576x128xi32>
    %lt3A = arith.constant 4096 : i32
    %lt3A_7 = vector.broadcast %lt3A : i32 to vector<24576x128xi32>
    %lt3A_8 = arith.cmpi slt, %iota3A, %lt3A_7 : vector<24576x128xi32>
    %neg3A = arith.constant 0.000000e+00 : f32
    %neg3A_9 = vector.broadcast %neg3A : f32 to vector<24576x128xf32>
    %neg3A_10 = arith.subf %neg3A_9, %dot_general3A_6 : vector<24576x128xf32>
    %select_n3A = arith.select %lt3A_8, %dot_general3A_6, %neg3A_10 : vector<24576x128xi1>, vector<24576x128xf32>
    %neg3A_11 = arith.constant 0.000000e+00 : f32
    %neg3A_12 = vector.broadcast %neg3A_11 : f32 to vector<24576x128xf32>
    %neg3A_13 = arith.subf %neg3A_12, %select_n3A : vector<24576x128xf32>
    %exp3A = math.exp %neg3A_13 : vector<24576x128xf32>
    %add3A = arith.constant 1.000000e+00 : f32
    %add3A_14 = vector.broadcast %add3A : f32 to vector<24576x128xf32>
    %add3A_15 = arith.addf %add3A_14, %exp3A : vector<24576x128xf32>
    %div3A = arith.constant 1.000000e+00 : f32
    %div3A_16 = vector.broadcast %div3A : f32 to vector<24576x128xf32>
    %div3A_17 = arith.divf %div3A_16, %add3A_15 : vector<24576x128xf32>
    %add3A_18 = arith.constant 1.000000e-10 : f32
    %add3A_19 = vector.broadcast %add3A_18 : f32 to vector<24576x128xf32>
    %add3A_20 = arith.addf %div3A_17, %add3A_19 : vector<24576x128xf32>
    %log3A = math.log %add3A_20 : vector<24576x128xf32>
    %reduce_sum3A = vector.shape_cast %log3A : vector<24576x128xf32> to vector<1x24576x128xf32>
    %reduce_sum3A_21 = arith.constant dense<0.000000e+00> : vector<1xf32>
    %reduce_sum3A_22 = vector.multi_reduction <add>, %reduce_sum3A, %reduce_sum3A_21 [1, 2] : vector<1x24576x128xf32> to vector<1xf32>
    %reduce_sum3A_23 = vector.shape_cast %reduce_sum3A_22 : vector<1xf32> to vector<1x1x1xf32>
    %reduce_sum3A_24 = vector.extract %reduce_sum3A_23[0, 0, 0] : f32 from vector<1x1x1xf32>
    %neg3A_25 = arith.constant 0.000000e+00 : f32
    %neg3A_26 = arith.subf %neg3A_25, %reduce_sum3A_24 : f32
    %div3A_27 = arith.constant 5.242880e+05 : f32
    %div3A_28 = arith.divf %neg3A_26, %div3A_27 : f32
    %swap3A = arith.constant 0 : index
    %swap3A_29 = arith.constant 0 : index
    %swap3A_30 = memref.load %arg1[%swap3A, %swap3A_29] : memref<1x1xf32, #tpu.memory_space<smem>>
    memref.store %div3A_28, %arg1[%swap3A, %swap3A_29] : memref<1x1xf32, #tpu.memory_space<smem>>
    return
  }
}

</mosaic_0001>

<sc_bundles>
// kernel: kernel.4.cloned.1.call-start
scs
__scs_entry_jumppad:
0x0: {  	(pc) =	sbr.rel $0x88, $3  }
0x1: {  	(tag) =	ssettag $0x0;
	lr =	simm.s32 $0x1  }
0x2: {  	[smem:$0x3F9C] =	sst lr;
	_ =	strace $0xD0000000  }
0x3: {  	_ = 	snop  }
0x4: {  	_ = 	snop  }
0x5: {  	_ = 	snop  }
0x6: {  	_ = 	snop  }
0x7: {  	_ = 	snop  }
__scs_overlays_trampoline_lowered:
0x8: {  	[smem:$0x3FAB] =	sst s0  }
0x9: {  	[smem:$0x3FAC] =	sst s1  }
0xa: {  	[smem:$0x3FAD] =	sst s2  }
0xb: {  	[smem:$0x3FAE] =	sst s3  }
0xc: {  	[smem:$0x3FAF] =	sst s4  }
0xd: {  	[smem:$0x3FB0] =	sst s5  }
0xe: {  	[smem:$0x3FB1] =	sst s6  }
0xf: {  	[smem:$0x3FB2] =	sst s7  }
0x10: {  	[smem:$0x3FB3] =	sst s8  }
0x11: {  	[smem:$0x3FB4] =	sst s9;
	s0 =	simm.s32 @!p0 $0x0  }
0x12: {  	s1 =	sld [smem:$0x3F9A];
	s0 =	simm.s32 @p0 $0x1  }
0x13: {  	[smem:$0x3FB5] =	sst s0;
	s0 =	simm.s32 @!p1 $0x0  }
0x14: {  	s2 =	sld [smem:$0x3F99];
	s0 =	simm.s32 @p1 $0x1  }
0x15: {  	[smem:$0x3FB6] =	sst s0;
	s0 =	simm.s32 @!p2 $0x0  }
0x16: {  	s3 =	sld [smem:$0x3FDB];
	s0 =	simm.s32 @p2 $0x1  }
0x17: {  	s4 =	simm.s32 $0x1BF5;
	[smem:$0x3FB8] =	sst s0  }
0x18: {  	s0 =	sld [smem:$0x3F9B];
	_ =	swait.ge [sflag:s4], $0x0  }
0x19: {  	s7 =	sld [smem:$0x3F9C]  }
0x1a: {  	s8 =	sadd.s32 $0xFFFFE003, lr  }
0x1b: {  	s9 =	sadd.s32 $0xFFFFFEF7, lr;
	s5 =	simm.s32 $0xFFFFFFFF;
	p2 =	slt.u32 s8, $0xFFFFF086  }
0x1c: {  	p1 =	slt.u32 s9, $0xF7A;
	s5 =	simm.s32 @!p2 $0x0  }
0x1d: {  	s5 =	simm.s32 @p1 $0x1;
	p0 =	seq.s32 s7, s2  }
0x1e: {  	s7 =	smul.u32 @!p0 $0xF7A, s2;
	p2 =	seq.s32 @!p0 s5, $0x0  }
0x1f: {  	s9 =	smul.u32 $0xF7A, s1;
	s8 =	simm.s32 @!p0 $0x1BF5;
	p2 =	por !p2, p0  }
0x20: {  	[sflag:s8] =	ssyncset.s32 @!p0 $0xFFFFF086;
	s6 =	sadd.s32 @!p0 s3, s7;
	s7 =	simm.s32 @!p0 $0x108  }
0x21: {  	s3 =	sadd.s32 s3, s9;
	s6 =	sadd.s32 @!p0 $0x88, s6;
	s7 =	simm.s32 @p2 $0x1082  }
0x22: {  	[simem:s7], [sflag:s8] =	dma.local @!p0 [hbm:s6], $0xF7A  }
0x23: {  	s9 =	sor.u32 $0xD0000000, s2;
	s6 =	simm.s32 $0x108;
	_ =	swait.ge @!p0 [sflag:s8], $0x0  }
0x24: {  	s3 =	sadd.s32 $0x88, s3;
	s6 =	simm.s32 @!p1 $0x1082;
	[sflag:s4] =	ssyncset.s32 $0xFFFFF086  }
0x25: {  	[simem:s6], [sflag:s4] =	dma.local [hbm:s3], $0xF7A  }
0x26: {  	[smem:$0x3F9C] =	sst s1;
	(tag) =	ssettag s2;
	_ =	strace s9  }
0x27: {  	s1 =	sld [smem:$0x3FAC]  }
0x28: {  	s2 =	sld [smem:$0x3FAD]  }
0x29: {  	s4 =	sld [smem:$0x3FAF]  }
0x2a: {  	p0 =	seq.s32 s5, $0x0;
	s5 =	sld [smem:$0x3FB0]  }
0x2b: {  	s6 =	sld [smem:$0x3FB1]  }
0x2c: {  	s7 =	sld [smem:$0x3FB2]  }
0x2d: {  	s3 =	simm.s32 $0x108;
	s8 =	sld [smem:$0x3FB3]  }
0x2e: {  	s3 =	simm.s32 @!p0 $0x1082;
	s9 =	sld [smem:$0x3FB4]  }
0x2f: {  	lr =	sadd.s32 s0, s3;
	s0 =	sld [smem:$0x3FAB]  }
0x30: {  	s3 =	sld [smem:$0x3FAE]  }
0x31: {  	[smem:$0x3FB7] =	sst s10  }
0x32: {  	s10 =	sld [smem:$0x3FB5];
	_ =	sdelay $0x3  }
0x33: {  	p0 =	seq.s32 s10, $0x1;
	s10 =	sld [smem:$0x3FB7];
	_ =	sdelay $0x3  }
0x34: {  	[smem:$0x3FB7] =	sst s10  }
0x35: {  	s10 =	sld [smem:$0x3FB6];
	_ =	sdelay $0x3  }
0x36: {  	p1 =	seq.s32 s10, $0x1;
	s10 =	sld [smem:$0x3FB7];
	_ =	sdelay $0x3  }
0x37: {  	[smem:$0x3FB7] =	sst s10  }
0x38: {  	s10 =	sld [smem:$0x3FB8]  }
0x39: {  	_ = 	snop;
	(pc) =	sbr.ind lr, $3  }
0x3a: {  	_ = 	snop  }
0x3b: {  	_ = 	snop  }
0x3c: {  	p2 =	seq.s32 s10, $0x1;
	s10 =	sld [smem:$0x3FB7]  }
0x3d: {  	_ =	shalt  }
0x3e: {  	_ =	shalt  }
0x3f: {  	_ =	shalt  }
0x40: {  	_ =	shalt  }
0x41: {  	_ =	shalt  }
0x42: {  	_ =	shalt  }
0x43: {  	_ =	shalt  }
0x44: {  	_ =	shalt  }
0x45: {  	_ =	shalt  }
0x46: {  	_ =	shalt  }
0x47: {  	_ =	shalt  }
0x48: {  	_ =	shalt  }
0x49: {  	_ =	shalt  }
0x4a: {  	_ =	shalt  }
0x4b: {  	_ =	shalt  }
0x4c: {  	_ =	shalt  }
0x4d: {  	_ =	shalt  }
0x4e: {  	_ =	shalt  }
0x4f: {  	_ =	shalt  }
0x50: {  	_ =	shalt  }
0x51: {  	_ =	shalt  }
0x52: {  	_ =	shalt  }
0x53: {  	_ =	shalt  }
0x54: {  	_ =	shalt  }
0x55: {  	_ =	shalt  }
0x56: {  	_ =	shalt  }
0x57: {  	_ =	shalt  }
0x58: {  	_ =	shalt  }
0x59: {  	_ =	shalt  }
0x5a: {  	_ =	shalt  }
0x5b: {  	_ =	shalt  }
0x5c: {  	_ =	shalt  }
0x5d: {  	_ =	shalt  }
0x5e: {  	_ =	shalt  }
0x5f: {  	_ =	shalt  }
0x60: {  	_ =	shalt  }
0x61: {  	_ =	shalt  }
0x62: {  	_ =	shalt  }
0x63: {  	_ =	shalt  }
0x64: {  	_ =	shalt  }
0x65: {  	_ =	shalt  }
0x66: {  	_ =	shalt  }
0x67: {  	_ =	shalt  }
0x68: {  	_ =	shalt  }
0x69: {  	_ =	shalt  }
0x6a: {  	_ =	shalt  }
0x6b: {  	_ =	shalt  }
0x6c: {  	_ =	shalt  }
0x6d: {  	_ =	shalt  }
0x6e: {  	_ =	shalt  }
0x6f: {  	_ =	shalt  }
0x70: {  	_ =	shalt  }
0x71: {  	_ =	shalt  }
0x72: {  	_ =	shalt  }
0x73: {  	_ =	shalt  }
0x74: {  	_ =	shalt  }
0x75: {  	_ =	shalt  }
0x76: {  	_ =	shalt  }
0x77: {  	_ =	shalt  }
0x78: {  	_ =	shalt  }
0x79: {  	_ =	shalt  }
0x7a: {  	_ =	shalt  }
0x7b: {  	_ =	shalt  }
0x7c: {  	_ =	shalt  }
0x7d: {  	_ =	shalt  }
0x7e: {  	_ =	shalt  }
0x7f: {  	_ =	shalt  }
0x80: {  	_ =	shalt  }
0x81: {  	_ =	shalt  }
0x82: {  	_ =	shalt  }
0x83: {  	_ =	shalt  }
0x84: {  	_ =	shalt  }
0x85: {  	_ =	shalt  }
0x86: {  	_ =	shalt  }
0x87: {  	_ =	shalt  }
.Lfunc_end0:
.L_simem_size_0:
called_computation_lowered:
.L_overlay_start_0:
0x88: {  	s2 =	sld [smem:$0x3FD9]  }
0x89: {  	s3 =	sld [smem:$0x3FFE];
	_ =	sdelay $0x1  }
0x8a: {  	s1 =	srdreg.scid  }
0x8b: {  	s0 =	sand.u32 $0x1, s1  }
0x8c: {  	s17 =	sshll.u32 s0, $0xA;
	s2 =	sadd.s32 s3, s2  }
0x8d: {  	s2 =	sadd.s32 s2, s17  }
0x8e: {  	[smem:$0x3FC3] =	sst s2  }
0x8f: {  	_ = 	snop  }
0x90: {  	s2 =	sld [smem:$0x3FC9]  }
0x91: {  	s18 =	sld [smem:$0x3FC8];
	(tm) =	ssettm $0x1  }
0x92: {  	s4 =	sld [smem:$0x3FFB];
	_ =	sdelay $0x3  }
0x93: {  	_ =	strace s4  }
0x94: {  	s4 =	sld [smem:$0x3FFC];
	_ =	sdelay $0x3  }
0x95: {  	_ =	strace s4  }
0x96: {  	s4 =	sld [smem:$0x3FFD];
	_ =	sdelay $0x3  }
0x97: {  	_ =	strace s4  }
0x98: {  	_ =	strace $0x8FFFFFFF  }
0x99: {  	s19 =	sld [smem:$0x3FDB];
	_ =	sdelay $0x1  }
0x9a: {  	s5 =	simm.s32 $_scs_section_size  }
0x9b: {  	s6 =	simm.s32 $_size__tile_overlayer_lowered;
	s7 =	simm.s32 $_tile_overlayer_lowered  }
0x9c: {  	s22 =	simm.s32 $0x1BFF;
	s21 =	sshll.u32 s7, $0x1;
	s4 =	sadd.s32 s5, s19  }
0x9d: {  	s8 =	simm.s32 $0x0;
	s20 =	sshll.u32 s6, $0x1;
	s6 =	sadd.s32 s21, s4  }
0x9e: {  	[timem:s8], [sflag:s22] =	dma.local [hbm:s6], s20  }
0x9f: {  	_ =	swait.ge [sflag:s22], s20  }
0xa0: {  	s5 =	ssub.s32 $0x0, s20;
	[sflag:s22] =	ssyncset.done $0x0  }
0xa1: {  	[sflag:s22] =	ssyncadd.s32 s5;
	_ =	sdelay $0x1  }
0xa2: {  	s23 =	simm.s32 $0x1B8B  }
0xa3: {  	_ =	swait.ge [sflag:s23], $0x1  }
0xa4: {  	[sflag:s23] =	ssyncset.done $0x0  }
0xa5: {  	s25 =	simm.s32 $0x1B8E;
	s24 =	sld [smem:$0x3FFE];
	[sflag:s23] =	ssyncadd.s32 $0xFFFFFFFF  }
0xa6: {  	s26 =	simm.s32 $execute0_lowered;
	[smem:$0x3FD2] =	sst s25  }
0xa7: {  	s6 =	sshll.u32 s26, $0x1;
	_ =	strace $0x80000046;
	[dreg:$0x1] =	wrdreg $0xFFFFFFFF  }
0xa8: {  	s28 =	simm.s32 $_size_execute0_lowered;
	s4 =	sadd.s32 s4, s6;
	[dreg:$0x0] =	wrdreg $0x0  }
0xa9: {  	s6 =	sshll.u32 s28, $0x1;
	[dreg:$0x2] =	wrdreg s4  }
0xaa: {  	[dreg:$0x3] =	wrdreg s6  }
0xab: {  	[dreg:$0x4] =	wrdreg $0xC0  }
0xac: {  	_ =	task [dreg:s8], $0x5FFFF  }
0xad: {  	[dreg:$0x1] =	wrdreg $0xFFFFFFFF  }
0xae: {  	[dreg:$0x0] =	wrdreg $0x60  }
0xaf: {  	[dreg:$0x2] =	wrdreg s2  }
0xb0: {  	[dreg:$0x3] =	wrdreg s18  }
0xb1: {  	[dreg:$0x4] =	wrdreg s24  }
0xb2: {  	[dreg:$0x5] =	wrdreg $0x9  }
0xb3: {  	_ =	task.clear_ibuf [dreg:s8], $0x6FFFF;
	_ =	strace $0x90000046  }
0xb4: {  	s29 =	simm.s32 $0x9;
	_ =	strace $0x80000048  }
0xb5: {  	_ =	swait.ge [sflag:s29], $0x1  }
0xb6: {  	[sflag:s29] =	ssyncadd.s32 $0xFFFFFFFF  }
0xb7: {  	_ =	strace $0x90000048  }
0xb8: {  	_ =	sfence  }
0xb9: {  	s30 =	sld [smem:$0x0];
	_ =	sdelay $0x2  }
0xba: {  	s31 =	sshll.u32 s1, $0xD;
	s1 =	sshrl.u32 s1, $0x2  }
0xbb: {  	s3 =	sand.u32 $0x4000, s31;
	s1 =	sadd.s32 s1, s30  }
0xbc: {  	s0 =	sor.u32 s3, s0;
	s1 =	sshll.u32 s1, $0x11  }
0xbd: {  	s0 =	sor.u32 s1, s0  }
0xbe: {  	s0 =	sadd.s32 $0x8F2B, s0  }
0xbf: {  	[sflag:s0] =	ssyncadd.remote.s32 $0x1  }
0xc0: {  	_ =	sfence.sel $0xFFFF  }
0xc1: {  	[dreg:$0x0] =	wrdreg $0xFFFFFFFF;
	(pc) =	sbr.abs _section_cstart, $3  }
0xc2: {  	[dreg:$0x1] =	wrdreg $0xFFFFFFFF  }
0xc3: {  	_ =	task.clear_ibuf [dreg:s8], $0x2FFFF;
	_ =	strace $0x9FFFFFFF  }
0xc4: {  	(tm) =	ssettm $0x7FFFFFFF  }
0xc5: {  	_ =	shalt  }
tec
execute0_lowered:
.L_overlay_start_1:
0x0: {  	(tag) =	ssettag $0x1  }
0x1: {  	s0 =	rddreg [dreg:$0x0]  }
0x2: {  	s2 =	rddreg [dreg:$0x1]  }
0x3: {  	s5 =	rddreg [dreg:$0x2];
	s1 =	simm.s32 $0x0  }
0x4: {  	s4 =	srdreg.scid;
	s8 =	stileid.u32;
	s29 =	simm.s32 $0x9  }
0x5: {  	[smem:$0x7FF] =	sst s1;
	s6 =	sadd.s32 $0x800, s5;
	s3 =	sadd.s32 $0x1200, s5  }
0x6: {  	s4 =	sand.u32 $0x1, s4;
	s8 =	sshll.u32 s8, $0x8;
	_ =	strace $0x80000047  }
0x7: {  	s7 =	ssub.s32 $0x2, s4;
	s9 =	sshll.u32 s4, $0x7;
	s4 =	sadd.s32 $0x187C00, s5  }
0x8: {  	s5 =	sadd.s32 $0x30E600, s5;
	s10 =	sshrl.u32 s7, $0x1;
	s8 =	sor.u32 s9, s8  }
0x9: {  	s7 =	ssub.s32 s7, s10;
	s9 =	sshrl.u32 s8, $0x3;
	s14 =	sor.u32 $0x1000, s8  }
0xa: {  	s17 =	sor.u32 $0x2000, s8;
	s19 =	sor.u32 $0x3000, s8;
	s0 =	sadd.s32 s0, s9  }
0xb: {  	s11 =	sor.u32 $0x4000, s8;
	s13 =	sadd.s32 s2, s9;
	[dreg:$0x4] =	wrdreg s0  }
0xc: {  	s8 =	sshll.u32 s8, $0x4;
	s15 =	sadd.s32 s6, s9;
	[dreg:$0x5] =	wrdreg s13  }
0xd: {  	s16 =	sshrl.u32 s14, $0x3;
	s22 =	sadd.s32 s5, s8;
	[dreg:$0x6] =	wrdreg s15  }
0xe: {  	s18 =	sshrl.u32 s17, $0x3;
	s31 =	smax.u32 s7, $0x1;
	[dreg:$0xb] =	wrdreg s22  }
0xf: {  	s24 =	sshll.u32 s19, $0x4;
	s2 =	sadd.s32 s6, s16;
	[dreg:$0x12] =	wrdreg s31  }
0x10: {  	s20 =	sshrl.u32 s19, $0x3;
	s25 =	sadd.s32 s5, s24;
	[dreg:$0x7] =	wrdreg s2  }
0x11: {  	s21 =	sshrl.u32 s11, $0x3;
	s28 =	sadd.s32 $0x50000, s22;
	[dreg:$0xe] =	wrdreg s25  }
0x12: {  	s23 =	sshll.u32 s17, $0x4;
	s30 =	sadd.s32 $0x60000, s22;
	[dreg:$0x10] =	wrdreg s28  }
0x13: {  	s0 =	sshll.u32 s14, $0x4;
	s2 =	sadd.s32 s6, s18;
	[dreg:$0x11] =	wrdreg s30  }
0x14: {  	s26 =	sshll.u32 s11, $0x4;
	s0 =	sadd.s32 s5, s0;
	[dreg:$0x8] =	wrdreg s2  }
0x15: {  	s22 =	simm.s32 $0x7;
	s2 =	sadd.s32 s6, s20;
	[dreg:$0xc] =	wrdreg s0  }
0x16: {  	s24 =	simm.s32 $0x8;
	s0 =	sadd.s32 s5, s23;
	[dreg:$0x9] =	wrdreg s2  }
0x17: {  	s20 =	simm.s32 $0x6;
	s2 =	sadd.s32 s6, s21;
	[dreg:$0xd] =	wrdreg s0  }
0x18: {  	s0 =	sadd.s32 s5, s26;
	s26 =	simm.s32 $0x1;
	[dreg:$0xa] =	wrdreg s2  }
0x19: {  	s21 =	simm.s32 $0x0;
	[dreg:$0xf] =	wrdreg s0;
	s2 =	simm.s32 $0x2  }
.LBB2_1:
0x1a: {  	s0 =	rddreg [dreg:$0x4]  }
0x1b: {  	[tilespmem:s1], [sflag:$0x1] =	stream.linear.gather [hbm4b:s0+s1], $0x80, $0x38;
	[tilespmem:$0x1C380] =	vst v63  }
0x1c: {  	s13 =	rddreg [dreg:$0x5];
	s5 =	simm.s32 $0x80  }
0x1d: {  	[tilespmem:s5], [sflag:$0x1] =	stream.linear.gather [hbm4b:s13+s1], $0x80, $0x38;
	[tilespmem:$0x1C380] =	vst v63  }
0x1e: {  	s14 =	rddreg [dreg:$0x6];
	s15 =	simm.s32 $0x100  }
0x1f: {  	[tilespmem:s15], [sflag:$0x1] =	stream.linear.gather [hbm4b:s14+s1], $0x80, $0x38;
	[tilespmem:$0x1C380] =	vst v63  }
0x20: {  	s16 =	rddreg [dreg:$0x7];
	s17 =	simm.s32 $0x180  }
0x21: {  	[tilespmem:s17], [sflag:$0x1] =	stream.linear.gather [hbm4b:s16+s1], $0x80, $0x38;
	[tilespmem:$0x1C380] =	vst v63  }
0x22: {  	s18 =	rddreg [dreg:$0x8];
	s19 =	simm.s32 $0x200  }
0x23: {  	[tilespmem:s19], [sflag:$0x1] =	stream.linear.gather [hbm4b:s18+s1], $0x80, $0x38;
	[tilespmem:$0x1C380] =	vst v63  }
0x24: {  	s23 =	rddreg [dreg:$0x9];
	s25 =	simm.s32 $0x280  }
0x25: {  	[tilespmem:s25], [sflag:$0x1] =	stream.linear.gather [hbm4b:s23+s1], $0x80, $0x38;
	[tilespmem:$0x1C380] =	vst v63  }
0x26: {  	s28 =	rddreg [dreg:$0xa];
	s30 =	simm.s32 $0x300  }
0x27: {  	[tilespmem:s30], [sflag:$0x1] =	stream.linear.gather [hbm4b:s28+s1], $0x80, $0x38;
	[tilespmem:$0x1C380] =	vst v63  }
0x28: {  	_ =	swait.ge [sflag:s26], $0x80  }
0x29: {  	[sflag:s26] =	ssyncset.done $0x0  }
0x2a: {  	[sflag:s26] =	ssyncadd.s32 $0xFFFFFF80  }
0x2b: {  	_ =	swait.ge [sflag:s26], $0x80  }
0x2c: {  	[sflag:s26] =	ssyncset.done $0x0  }
0x2d: {  	[sflag:s26] =	ssyncadd.s32 $0xFFFFFF80  }
0x2e: {  	_ =	swait.ge [sflag:s26], $0x80  }
0x2f: {  	[sflag:s26] =	ssyncset.done $0x0  }
0x30: {  	[sflag:s26] =	ssyncadd.s32 $0xFFFFFF80  }
0x31: {  	_ =	swait.ge [sflag:s26], $0x80  }
0x32: {  	[sflag:s26] =	ssyncset.done $0x0  }
0x33: {  	[sflag:s26] =	ssyncadd.s32 $0xFFFFFF80  }
0x34: {  	_ =	swait.ge [sflag:s26], $0x80  }
0x35: {  	[sflag:s26] =	ssyncset.done $0x0  }
0x36: {  	[sflag:s26] =	ssyncadd.s32 $0xFFFFFF80  }
0x37: {  	_ =	swait.ge [sflag:s26], $0x80  }
0x38: {  	[sflag:s26] =	ssyncset.done $0x0  }
0x39: {  	[sflag:s26] =	ssyncadd.s32 $0xFFFFFF80  }
0x3a: {  	_ =	swait.ge [sflag:s26], $0x80  }
0x3b: {  	[sflag:s26] =	ssyncset.done $0x0  }
0x3c: {  	[sflag:s26] =	ssyncadd.s32 $0xFFFFFF80  }
0x3d: {  	v0 =	vld [tilespmem:s1+$0x0];
	_ =	sdelay $0x4  }
0x3e: {  	v0 =	vshll.u32 v0, $0x4  }
0x3f: {  	(v2sf) =	vpush v0, $0x0  }
0x40: {  	(v2sf) =	vpush v0, $0x1  }
0x41: {  	(v2sf) =	vpush v0, $0x2;
	_ =	sdelay $0x1  }
0x42: {  	(v2sf) =	vpush v0, $0x4;
	_ =	sdelay $0x1  }
0x43: {  	(v2sf) =	vpush v0, $0x3  }
0x44: {  	(v2sf) =	vpush v0, $0x5  }
0x45: {  	s31 =	simm.s32 $0x2000;
	s5 =	simm.s32 $0x0;
	s25 =	simm.s32 $0x0;
	(v2sf) =	vpush v0, $0x6  }
.LBB2_2:
0x46: {  	p0 =	sne.s32 s31, $0xE000  }
0x47: {  	s16 =	sadd.s32 $0x400, s25;
	s9 =	sadd.s32 $0x900, s25;
	s6 =	smov.u32 s31  }
0x48: {  	s31 =	sadd.s32 $0x2000, s31;
	s13 =	sadd.s32 $0x700, s25;
	s7 =	sadd.s32 $0x980, s25;
	(v2sf) =	vpush v0, $0x7  }
0x49: {  	s15 =	sadd.s32 $0x600, s25;
	s10 =	sadd.s32 $0x780, s25;
	s8 =	sadd.s32 $0xA00, s25  }
0x4a: {  	s17 =	sadd.s32 $0x380, s25;
	s18 =	sadd.s32 $0x580, s25;
	(v2sf) =	vpush v0, $0x8  }
0x4b: {  	s23 =	simm.s32 $0x0;
	s19 =	sadd.s32 $0x680, s25;
	s5 =	sadd.s32 $0x10, s5  }
0x4c: {  	s12 =	sadd.s32 $0x480, s25;
	s11 =	sadd.s32 $0x880, s25;
	s14 =	spop (v2sf);
	(v2sf) =	vpush v0, $0x9  }
0x4d: {  	s28 =	sand.u32 $0x1FFFFFF0, s14;
	s14 =	sadd.s32 $0x800, s25;
	s30 =	spop (v2sf)  }
0x4e: {  	s28 =	sadd.s32 s3, s28;
	s30 =	sand.u32 $0x1FFFFFF0, s30;
	s0 =	spop (v2sf);
	(v2sf) =	vpush v0, $0xA  }
0x4f: {  	[tilespmem:s17], [sflag:$0x3] =	stream.linear.gather [hbm4b:s28+s23], $0x80, $0x38;
	[tilespmem:$0x1C380] =	vst v63  }
0x50: {  	s17 =	sadd.s32 s3, s30;
	s28 =	sadd.s32 $0x500, s25;
	s30 =	spop (v2sf);
	(v2sf) =	vpush v0, $0xB  }
0x51: {  	[tilespmem:s16], [sflag:$0x3] =	stream.linear.gather [hbm4b:s17+s23], $0x80, $0x38;
	[tilespmem:$0x1C380] =	vst v63  }
0x52: {  	s0 =	sand.u32 $0x1FFFFFF0, s0;
	s16 =	sand.u32 $0x1FFFFFF0, s30;
	s17 =	spop (v2sf);
	(v2sf) =	vpush v0, $0xC  }
0x53: {  	s0 =	sadd.s32 s3, s0;
	s17 =	sand.u32 $0x1FFFFFF0, s17;
	s30 =	spop (v2sf)  }
0x54: {  	[tilespmem:s12], [sflag:$0x3] =	stream.linear.gather [hbm4b:s0+s23], $0x80, $0x38;
	(v2sf) =	vpush v0, $0xD;
	[tilespmem:$0x1C380] =	vst v63  }
0x55: {  	s0 =	sadd.s32 s3, s17;
	s12 =	sand.u32 $0x1FFFFFF0, s30;
	s17 =	spop (v2sf)  }
0x56: {  	[tilespmem:s28], [sflag:$0x3] =	stream.linear.gather [hbm4b:s0+s23], $0x80, $0x38;
	(v2sf) =	vpush v0, $0xE;
	[tilespmem:$0x1C380] =	vst v63  }
0x57: {  	s0 =	sadd.s32 s3, s16;
	s16 =	sand.u32 $0x1FFFFFF0, s17;
	s17 =	spop (v2sf)  }
0x58: {  	[tilespmem:s18], [sflag:$0x3] =	stream.linear.gather [hbm4b:s0+s23], $0x80, $0x38;
	(v2sf) =	vpush v0, $0xF;
	[tilespmem:$0x1C380] =	vst v63  }
0x59: {  	s0 =	sadd.s32 s3, s12;
	s12 =	sand.u32 $0x1FFFFFF0, s17;
	s17 =	spop (v2sf)  }
0x5a: {  	[tilespmem:s15], [sflag:$0x3] =	stream.linear.gather [hbm4b:s0+s23], $0x80, $0x38;
	[tilespmem:$0x1C380] =	vst v63  }
0x5b: {  	s0 =	sadd.s32 s3, s16;
	s15 =	sand.u32 $0x1FFFFFF0, s17;
	s16 =	spop (v2sf)  }
0x5c: {  	[tilespmem:s19], [sflag:$0x3] =	stream.linear.gather [hbm4b:s0+s23], $0x80, $0x38;
	[tilespmem:$0x1C380] =	vst v63  }
0x5d: {  	s0 =	sadd.s32 s3, s12;
	s12 =	sand.u32 $0x1FFFFFF0, s16;
	s16 =	spop (v2sf)  }
0x5e: {  	[tilespmem:s13], [sflag:$0x3] =	stream.linear.gather [hbm4b:s0+s23], $0x80, $0x38;
	[tilespmem:$0x1C380] =	vst v63  }
0x5f: {  	s0 =	sadd.s32 s3, s15;
	s13 =	sand.u32 $0x1FFFFFF0, s16;
	s15 =	spop (v2sf)  }
0x60: {  	[tilespmem:s10], [sflag:$0x3] =	stream.linear.gather [hbm4b:s0+s23], $0x80, $0x38;
	[tilespmem:$0x1C380] =	vst v63  }
0x61: {  	s0 =	sadd.s32 s3, s12;
	s10 =	sand.u32 $0x1FFFFFF0, s15;
	s12 =	spop (v2sf)  }
0x62: {  	[tilespmem:s14], [sflag:$0x3] =	stream.linear.gather [hbm4b:s0+s23], $0x80, $0x38;
	[tilespmem:$0x1C380] =	vst v63  }
0x63: {  	s0 =	sadd.s32 s3, s13;
	s12 =	sand.u32 $0x1FFFFFF0, s12;
	s13 =	spop (v2sf)  }
0x64: {  	[tilespmem:s11], [sflag:$0x3] =	stream.linear.gather [hbm4b:s0+s23], $0x80, $0x38;
	[tilespmem:$0x1C380] =	vst v63  }
0x65: {  	s0 =	sadd.s32 s3, s10;
	s10 =	sand.u32 $0x1FFFFFF0, s13;
	s11 =	spop (v2sf)  }
0x66: {  	[tilespmem:s9], [sflag:$0x3] =	stream.linear.gather [hbm4b:s0+s23], $0x80, $0x38;
	[tilespmem:$0x1C380] =	vst v63  }
0x67: {  	s0 =	sadd.s32 s3, s12;
	s9 =	sand.u32 $0x1FFFFFF0, s11;
	s11 =	spop (v2sf)  }
0x68: {  	[tilespmem:s7], [sflag:$0x3] =	stream.linear.gather [hbm4b:s0+s23], $0x80, $0x38;
	[tilespmem:$0x1C380] =	vst v63  }
0x69: {  	s0 =	sadd.s32 s3, s10;
	s7 =	sand.u32 $0x1FFFFFF0, s11  }
0x6a: {  	[tilespmem:s8], [sflag:$0x3] =	stream.linear.gather [hbm4b:s0+s23], $0x80, $0x38;
	[tilespmem:$0x1C380] =	vst v63  }
0x6b: {  	s0 =	sadd.s32 $0xA80, s25;
	s8 =	sadd.s32 s3, s9  }
0x6c: {  	[tilespmem:s0], [sflag:$0x3] =	stream.linear.gather [hbm4b:s8+s23], $0x80, $0x38;
	[tilespmem:$0x1C380] =	vst v63  }
0x6d: {  	s7 =	sadd.s32 s3, s7;
	s0 =	sadd.s32 $0xB00, s25  }
0x6e: {  	[tilespmem:s0], [sflag:$0x3] =	stream.linear.gather [hbm4b:s7+s23], $0x80, $0x38;
	[tilespmem:$0x1C380] =	vst v63  }
0x6f: {  	v0 =	vld [tilespmem:s5+$0x0];
	_ =	sdelay $0x4  }
0x70: {  	v0 =	vshll.u32 v0, $0x4  }
0x71: {  	(v2sf) =	vpush v0, $0x0  }
0x72: {  	(v2sf) =	vpush v0, $0x1  }
0x73: {  	(v2sf) =	vpush v0, $0x2;
	_ =	sdelay $0x1  }
0x74: {  	(v2sf) =	vpush v0, $0x4  }
.Ltmp0:
0x75: {  	(pc) =	sbr.rel @p0 .LBB2_2-.Ltmp0, $3  }
0x76: {  	(v2sf) =	vpush v0, $0x3  }
0x77: {  	(v2sf) =	vpush v0, $0x5;
	_ =	sdelay $0x1  }
0x78: {  	s25 =	sshra.s32 s6, $0x2;
	(v2sf) =	vpush v0, $0x6  }
0x79: {  	_ =	sdelay $0x1  }
0x7a: {  	s0 =	sadd.s32 $0x400, s25;
	s7 =	sadd.s32 $0x900, s25  }
0x7b: {  	s8 =	sadd.s32 $0x700, s25;
	s5 =	sadd.s32 $0x980, s25;
	(v2sf) =	vpush v0, $0x7;
	s9 =	sadd.s32 $0x600, s25  }
0x7c: {  	s10 =	sadd.s32 $0x780, s25;
	s6 =	sadd.s32 $0xA00, s25;
	s11 =	sadd.s32 $0x380, s25  }
0x7d: {  	s12 =	sadd.s32 $0x580, s25;
	s13 =	sadd.s32 $0x680, s25;
	(v2sf) =	vpush v0, $0x8;
	s14 =	spop (v2sf)  }
0x7e: {  	s15 =	sadd.s32 $0x480, s25;
	s14 =	sand.u32 $0x1FFFFFF0, s14;
	s16 =	spop (v2sf)  }
0x7f: {  	(v2sf) =	vpush v0, $0x9;
	s14 =	sadd.s32 s3, s14;
	s16 =	sand.u32 $0x1FFFFFF0, s16;
	s17 =	spop (v2sf)  }
0x80: {  	[tilespmem:s11], [sflag:$0x3] =	stream.linear.gather [hbm4b:s14+s23], $0x80, $0x38;
	[tilespmem:$0x1C380] =	vst v63  }
0x81: {  	s18 =	sadd.s32 $0x500, s25;
	(v2sf) =	vpush v0, $0xA;
	s28 =	sadd.s32 s3, s16;
	s30 =	spop (v2sf)  }
0x82: {  	[tilespmem:s0], [sflag:$0x3] =	stream.linear.gather [hbm4b:s28+s23], $0x80, $0x38;
	[tilespmem:$0x1C380] =	vst v63  }
0x83: {  	s11 =	sadd.s32 $0x880, s25;
	s17 =	sand.u32 $0x1FFFFFF0, s17;
	(v2sf) =	vpush v0, $0xB;
	s19 =	spop (v2sf)  }
0x84: {  	s14 =	sadd.s32 s3, s17;
	s0 =	sadd.s32 $0x800, s25;
	s17 =	sand.u32 $0x1FFFFFF0, s19  }
0x85: {  	(v2sf) =	vpush v0, $0xC;
	[tilespmem:s15], [sflag:$0x3] =	stream.linear.gather [hbm4b:s14+s23], $0x80, $0x38;
	[tilespmem:$0x1C380] =	vst v63  }
0x86: {  	s28 =	sand.u32 $0x1FFFFFF0, s30;
	s30 =	spop (v2sf);
	s17 =	sadd.s32 s3, s17  }
0x87: {  	(v2sf) =	vpush v0, $0xD;
	[tilespmem:s18], [sflag:$0x3] =	stream.linear.gather [hbm4b:s17+s23], $0x80, $0x38;
	[tilespmem:$0x1C380] =	vst v63  }
0x88: {  	s14 =	sadd.s32 s3, s28;
	s15 =	sand.u32 $0x1FFFFFF0, s30;
	s19 =	spop (v2sf)  }
0x89: {  	(v2sf) =	vpush v0, $0xE;
	[tilespmem:s12], [sflag:$0x3] =	stream.linear.gather [hbm4b:s14+s23], $0x80, $0x38;
	[tilespmem:$0x1C380] =	vst v63  }
0x8a: {  	s15 =	sadd.s32 s3, s15;
	s28 =	sand.u32 $0x1FFFFFF0, s19;
	s30 =	spop (v2sf)  }
0x8b: {  	(v2sf) =	vpush v0, $0xF;
	[tilespmem:s9], [sflag:$0x3] =	stream.linear.gather [hbm4b:s15+s23], $0x80, $0x38;
	[tilespmem:$0x1C380] =	vst v63  }
0x8c: {  	s16 =	spop (v2sf);
	s12 =	sadd.s32 s3, s28;
	s15 =	sand.u32 $0x1FFFFFF0, s30  }
0x8d: {  	[tilespmem:s13], [sflag:$0x3] =	stream.linear.gather [hbm4b:s12+s23], $0x80, $0x38;
	[tilespmem:$0x1C380] =	vst v63  }
0x8e: {  	s17 =	sand.u32 $0x1FFFFFF0, s16;
	s9 =	sadd.s32 s3, s15;
	s18 =	spop (v2sf)  }
0x8f: {  	[tilespmem:s8], [sflag:$0x3] =	stream.linear.gather [hbm4b:s9+s23], $0x80, $0x38;
	[tilespmem:$0x1C380] =	vst v63  }
0x90: {  	s12 =	sadd.s32 s3, s17;
	s19 =	sand.u32 $0x1FFFFFF0, s18;
	s28 =	spop (v2sf)  }
0x91: {  	[tilespmem:s10], [sflag:$0x3] =	stream.linear.gather [hbm4b:s12+s23], $0x80, $0x38;
	[tilespmem:$0x1C380] =	vst v63  }
0x92: {  	s9 =	sand.u32 $0x1FFFFFF0, s28;
	s8 =	sadd.s32 s3, s19;
	s30 =	spop (v2sf)  }
0x93: {  	[tilespmem:s0], [sflag:$0x3] =	stream.linear.gather [hbm4b:s8+s23], $0x80, $0x38;
	[tilespmem:$0x1C380] =	vst v63  }
0x94: {  	s9 =	sadd.s32 s3, s9;
	s12 =	sand.u32 $0x1FFFFFF0, s30;
	s13 =	spop (v2sf)  }
0x95: {  	[tilespmem:s11], [sflag:$0x3] =	stream.linear.gather [hbm4b:s9+s23], $0x80, $0x38;
	[tilespmem:$0x1C380] =	vst v63  }
0x96: {  	s0 =	sadd.s32 s3, s12;
	s8 =	sand.u32 $0x1FFFFFF0, s13;
	s14 =	spop (v2sf)  }
0x97: {  	[tilespmem:s7], [sflag:$0x3] =	stream.linear.gather [hbm4b:s0+s23], $0x80, $0x38;
	[tilespmem:$0x1C380] =	vst v63  }
0x98: {  	s15 =	sand.u32 $0x1FFFFFF0, s14;
	s8 =	sadd.s32 s3, s8;
	s16 =	spop (v2sf)  }
0x99: {  	[tilespmem:s5], [sflag:$0x3] =	stream.linear.gather [hbm4b:s8+s23], $0x80, $0x38;
	[tilespmem:$0x1C380] =	vst v63  }
0x9a: {  	s17 =	sand.u32 $0x1FFFFFF0, s16;
	s18 =	spop (v2sf);
	s0 =	sadd.s32 s3, s15  }
0x9b: {  	[tilespmem:s6], [sflag:$0x3] =	stream.linear.gather [hbm4b:s0+s23], $0x80, $0x38;
	[tilespmem:$0x1C380] =	vst v63  }
0x9c: {  	s28 =	sadd.s32 $0xA80, s25;
	s19 =	sand.u32 $0x1FFFFFF0, s18;
	s5 =	sadd.s32 s3, s17  }
0x9d: {  	[tilespmem:s28], [sflag:$0x3] =	stream.linear.gather [hbm4b:s5+s23], $0x80, $0x38;
	[tilespmem:$0x1C380] =	vst v63  }
0x9e: {  	s31 =	simm.s32 $0x80;
	s30 =	sadd.s32 $0xB00, s25;
	s0 =	sadd.s32 s3, s19  }
0x9f: {  	[tilespmem:s30], [sflag:$0x3] =	stream.linear.gather [hbm4b:s0+s23], $0x80, $0x38;
	[tilespmem:$0x1C380] =	vst v63  }
0xa0: {  	v0 =	vld [tilespmem:s31+$0x0];
	_ =	sdelay $0x4  }
0xa1: {  	v0 =	vshll.u32 v0, $0x4  }
0xa2: {  	(v2sf) =	vpush v0, $0x0  }
0xa3: {  	(v2sf) =	vpush v0, $0x1  }
0xa4: {  	(v2sf) =	vpush v0, $0x2;
	_ =	sdelay $0x1  }
0xa5: {  	(v2sf) =	vpush v0, $0x4;
	_ =	sdelay $0x1  }
0xa6: {  	(v2sf) =	vpush v0, $0x3  }
0xa7: {  	(v2sf) =	vpush v0, $0x5  }
0xa8: {  	s25 =	simm.s32 $0x0;
	s5 =	simm.s32 $0x2000;
	(v2sf) =	vpush v0, $0x6  }
.LBB2_4:
0xa9: {  	p0 =	sne.s32 s5, $0xE000  }
0xaa: {  	s0 =	sadd.s32 $0x4400, s25;
	s9 =	sadd.s32 $0x4900, s25;
	s6 =	smov.u32 s5  }
0xab: {  	s5 =	sadd.s32 $0x2000, s5;
	s13 =	sadd.s32 $0x4700, s25;
	s7 =	sadd.s32 $0x4980, s25;
	(v2sf) =	vpush v0, $0x7  }
0xac: {  	s15 =	sadd.s32 $0x4600, s25;
	s11 =	sadd.s32 $0x4780, s25;
	s8 =	sadd.s32 $0x4A00, s25  }
0xad: {  	s12 =	sadd.s32 $0x4380, s25;
	s16 =	sadd.s32 $0x4580, s25;
	(v2sf) =	vpush v0, $0x8  }
0xae: {  	s17 =	sadd.s32 $0x4680, s25;
	s31 =	sadd.s32 $0x10, s31  }
0xaf: {  	s18 =	sadd.s32 $0x4480, s25;
	s10 =	sadd.s32 $0x4880, s25;
	s14 =	spop (v2sf);
	(v2sf) =	vpush v0, $0x9  }
0xb0: {  	s19 =	sand.u32 $0x1FFFFFF0, s14;
	s14 =	sadd.s32 $0x4800, s25;
	s28 =	spop (v2sf)  }
0xb1: {  	s19 =	sadd.s32 s4, s19;
	s28 =	sand.u32 $0x1FFFFFF0, s28;
	s30 =	spop (v2sf);
	(v2sf) =	vpush v0, $0xA  }
0xb2: {  	[tilespmem:s12], [sflag:$0x4] =	stream.linear.gather [hbm4b:s19+s23], $0x80, $0x38;
	[tilespmem:$0x1C380] =	vst v63  }
0xb3: {  	s12 =	sadd.s32 s4, s28;
	s19 =	sadd.s32 $0x4500, s25;
	s28 =	spop (v2sf);
	(v2sf) =	vpush v0, $0xB  }
0xb4: {  	[tilespmem:s0], [sflag:$0x4] =	stream.linear.gather [hbm4b:s12+s23], $0x80, $0x38;
	[tilespmem:$0x1C380] =	vst v63  }
0xb5: {  	s0 =	sand.u32 $0x1FFFFFF0, s30;
	s12 =	sand.u32 $0x1FFFFFF0, s28;
	s28 =	spop (v2sf);
	(v2sf) =	vpush v0, $0xC  }
0xb6: {  	s0 =	sadd.s32 s4, s0;
	s28 =	sand.u32 $0x1FFFFFF0, s28;
	s30 =	spop (v2sf)  }
0xb7: {  	[tilespmem:s18], [sflag:$0x4] =	stream.linear.gather [hbm4b:s0+s23], $0x80, $0x38;
	(v2sf) =	vpush v0, $0xD;
	[tilespmem:$0x1C380] =	vst v63  }
0xb8: {  	s0 =	sadd.s32 s4, s28;
	s18 =	sand.u32 $0x1FFFFFF0, s30;
	s28 =	spop (v2sf)  }
0xb9: {  	[tilespmem:s19], [sflag:$0x4] =	stream.linear.gather [hbm4b:s0+s23], $0x80, $0x38;
	(v2sf) =	vpush v0, $0xE;
	[tilespmem:$0x1C380] =	vst v63  }
0xba: {  	s0 =	sadd.s32 s4, s12;
	s12 =	sand.u32 $0x1FFFFFF0, s28;
	s19 =	spop (v2sf)  }
0xbb: {  	[tilespmem:s16], [sflag:$0x4] =	stream.linear.gather [hbm4b:s0+s23], $0x80, $0x38;
	(v2sf) =	vpush v0, $0xF;
	[tilespmem:$0x1C380] =	vst v63  }
0xbc: {  	s0 =	sadd.s32 s4, s18;
	s16 =	sand.u32 $0x1FFFFFF0, s19;
	s18 =	spop (v2sf)  }
0xbd: {  	[tilespmem:s15], [sflag:$0x4] =	stream.linear.gather [hbm4b:s0+s23], $0x80, $0x38;
	[tilespmem:$0x1C380] =	vst v63  }
0xbe: {  	s0 =	sadd.s32 s4, s12;
	s12 =	sand.u32 $0x1FFFFFF0, s18;
	s15 =	spop (v2sf)  }
0xbf: {  	[tilespmem:s17], [sflag:$0x4] =	stream.linear.gather [hbm4b:s0+s23], $0x80, $0x38;
	[tilespmem:$0x1C380] =	vst v63  }
0xc0: {  	s0 =	sadd.s32 s4, s16;
	s15 =	sand.u32 $0x1FFFFFF0, s15;
	s16 =	spop (v2sf)  }
0xc1: {  	[tilespmem:s13], [sflag:$0x4] =	stream.linear.gather [hbm4b:s0+s23], $0x80, $0x38;
	[tilespmem:$0x1C380] =	vst v63  }
0xc2: {  	s0 =	sadd.s32 s4, s12;
	s12 =	sand.u32 $0x1FFFFFF0, s16;
	s13 =	spop (v2sf)  }
0xc3: {  	[tilespmem:s11], [sflag:$0x4] =	stream.linear.gather [hbm4b:s0+s23], $0x80, $0x38;
	[tilespmem:$0x1C380] =	vst v63  }
0xc4: {  	s0 =	sadd.s32 s4, s15;
	s11 =	sand.u32 $0x1FFFFFF0, s13;
	s13 =	spop (v2sf)  }
0xc5: {  	[tilespmem:s14], [sflag:$0x4] =	stream.linear.gather [hbm4b:s0+s23], $0x80, $0x38;
	[tilespmem:$0x1C380] =	vst v63  }
0xc6: {  	s0 =	sadd.s32 s4, s12;
	s12 =	sand.u32 $0x1FFFFFF0, s13;
	s13 =	spop (v2sf)  }
0xc7: {  	[tilespmem:s10], [sflag:$0x4] =	stream.linear.gather [hbm4b:s0+s23], $0x80, $0x38;
	[tilespmem:$0x1C380] =	vst v63  }
0xc8: {  	s0 =	sadd.s32 s4, s11;
	s10 =	sand.u32 $0x1FFFFFF0, s13;
	s11 =	spop (v2sf)  }
0xc9: {  	[tilespmem:s9], [sflag:$0x4] =	stream.linear.gather [hbm4b:s0+s23], $0x80, $0x38;
	[tilespmem:$0x1C380] =	vst v63  }
0xca: {  	s0 =	sadd.s32 s4, s12;
	s9 =	sand.u32 $0x1FFFFFF0, s11;
	s11 =	spop (v2sf)  }
0xcb: {  	[tilespmem:s7], [sflag:$0x4] =	stream.linear.gather [hbm4b:s0+s23], $0x80, $0x38;
	[tilespmem:$0x1C380] =	vst v63  }
0xcc: {  	s0 =	sadd.s32 s4, s10;
	s7 =	sand.u32 $0x1FFFFFF0, s11  }
0xcd: {  	[tilespmem:s8], [sflag:$0x4] =	stream.linear.gather [hbm4b:s0+s23], $0x80, $0x38;
	[tilespmem:$0x1C380] =	vst v63  }
0xce: {  	s0 =	sadd.s32 $0x4A80, s25;
	s8 =	sadd.s32 s4, s9  }
0xcf: {  	[tilespmem:s0], [sflag:$0x4] =	stream.linear.gather [hbm4b:s8+s23], $0x80, $0x38;
	[tilespmem:$0x1C380] =	vst v63  }
0xd0: {  	s7 =	sadd.s32 s4, s7;
	s0 =	sadd.s32 $0x4B00, s25  }
0xd1: {  	[tilespmem:s0], [sflag:$0x4] =	stream.linear.gather [hbm4b:s7+s23], $0x80, $0x38;
	[tilespmem:$0x1C380] =	vst v63  }
0xd2: {  	v0 =	vld [tilespmem:s31+$0x0];
	_ =	sdelay $0x4  }
0xd3: {  	v0 =	vshll.u32 v0, $0x4  }
0xd4: {  	(v2sf) =	vpush v0, $0x0  }
0xd5: {  	(v2sf) =	vpush v0, $0x1  }
0xd6: {  	(v2sf) =	vpush v0, $0x2;
	_ =	sdelay $0x1  }
0xd7: {  	(v2sf) =	vpush v0, $0x4  }
.Ltmp1:
0xd8: {  	(pc) =	sbr.rel @p0 .LBB2_4-.Ltmp1, $3  }
0xd9: {  	(v2sf) =	vpush v0, $0x3  }
0xda: {  	(v2sf) =	vpush v0, $0x5;
	_ =	sdelay $0x1  }
0xdb: {  	s25 =	sshra.s32 s6, $0x2;
	(v2sf) =	vpush v0, $0x6  }
0xdc: {  	_ =	sdelay $0x1  }
0xdd: {  	s0 =	sadd.s32 $0x4400, s25;
	s7 =	sadd.s32 $0x4900, s25  }
0xde: {  	s8 =	sadd.s32 $0x4700, s25;
	s5 =	sadd.s32 $0x4980, s25;
	(v2sf) =	vpush v0, $0x7;
	s9 =	sadd.s32 $0x4600, s25  }
0xdf: {  	s10 =	sadd.s32 $0x4780, s25;
	s6 =	sadd.s32 $0x4A00, s25;
	s11 =	sadd.s32 $0x4380, s25  }
0xe0: {  	s12 =	sadd.s32 $0x4580, s25;
	s13 =	sadd.s32 $0x4680, s25;
	(v2sf) =	vpush v0, $0x8;
	s14 =	spop (v2sf)  }
0xe1: {  	s15 =	sadd.s32 $0x4480, s25;
	s14 =	sand.u32 $0x1FFFFFF0, s14;
	s16 =	spop (v2sf)  }
0xe2: {  	(v2sf) =	vpush v0, $0x9;
	s14 =	sadd.s32 s4, s14;
	s16 =	sand.u32 $0x1FFFFFF0, s16;
	s17 =	spop (v2sf)  }
0xe3: {  	[tilespmem:s11], [sflag:$0x4] =	stream.linear.gather [hbm4b:s14+s23], $0x80, $0x38;
	[tilespmem:$0x1C380] =	vst v63  }
0xe4: {  	s18 =	sadd.s32 $0x4500, s25;
	(v2sf) =	vpush v0, $0xA;
	s28 =	sadd.s32 s4, s16;
	s30 =	spop (v2sf)  }
0xe5: {  	[tilespmem:s0], [sflag:$0x4] =	stream.linear.gather [hbm4b:s28+s23], $0x80, $0x38;
	[tilespmem:$0x1C380] =	vst v63  }
0xe6: {  	s11 =	sadd.s32 $0x4880, s25;
	s17 =	sand.u32 $0x1FFFFFF0, s17;
	(v2sf) =	vpush v0, $0xB;
	s19 =	spop (v2sf)  }
0xe7: {  	s14 =	sadd.s32 s4, s17;
	s0 =	sadd.s32 $0x4800, s25;
	s17 =	sand.u32 $0x1FFFFFF0, s19  }
0xe8: {  	(v2sf) =	vpush v0, $0xC;
	[tilespmem:s15], [sflag:$0x4] =	stream.linear.gather [hbm4b:s14+s23], $0x80, $0x38;
	[tilespmem:$0x1C380] =	vst v63  }
0xe9: {  	s28 =	sand.u32 $0x1FFFFFF0, s30;
	s30 =	spop (v2sf);
	s17 =	sadd.s32 s4, s17  }
0xea: {  	(v2sf) =	vpush v0, $0xD;
	[tilespmem:s18], [sflag:$0x4] =	stream.linear.gather [hbm4b:s17+s23], $0x80, $0x38;
	[tilespmem:$0x1C380] =	vst v63  }
0xeb: {  	s14 =	sadd.s32 s4, s28;
	s15 =	sand.u32 $0x1FFFFFF0, s30;
	s19 =	spop (v2sf)  }
0xec: {  	(v2sf) =	vpush v0, $0xE;
	[tilespmem:s12], [sflag:$0x4] =	stream.linear.gather [hbm4b:s14+s23], $0x80, $0x38;
	[tilespmem:$0x1C380] =	vst v63  }
0xed: {  	s15 =	sadd.s32 s4, s15;
	s28 =	sand.u32 $0x1FFFFFF0, s19;
	s30 =	spop (v2sf)  }
0xee: {  	(v2sf) =	vpush v0, $0xF;
	[tilespmem:s9], [sflag:$0x4] =	stream.linear.gather [hbm4b:s15+s23], $0x80, $0x38;
	[tilespmem:$0x1C380] =	vst v63  }
0xef: {  	s16 =	spop (v2sf);
	s12 =	sadd.s32 s4, s28;
	s15 =	sand.u32 $0x1FFFFFF0, s30  }
0xf0: {  	[tilespmem:s13], [sflag:$0x4] =	stream.linear.gather [hbm4b:s12+s23], $0x80, $0x38;
	[tilespmem:$0x1C380] =	vst v63  }
0xf1: {  	s17 =	sand.u32 $0x1FFFFFF0, s16;
	s9 =	sadd.s32 s4, s15;
	s18 =	spop (v2sf)  }
0xf2: {  	[tilespmem:s8], [sflag:$0x4] =	stream.linear.gather [hbm4b:s9+s23], $0x80, $0x38;
	[tilespmem:$0x1C380] =	vst v63  }
0xf3: {  	s12 =	sadd.s32 s4, s17;
	s19 =	sand.u32 $0x1FFFFFF0, s18;
	s28 =	spop (v2sf)  }
0xf4: {  	[tilespmem:s10], [sflag:$0x4] =	stream.linear.gather [hbm4b:s12+s23], $0x80, $0x38;
	[tilespmem:$0x1C380] =	vst v63  }
0xf5: {  	s9 =	sand.u32 $0x1FFFFFF0, s28;
	s8 =	sadd.s32 s4, s19;
	s30 =	spop (v2sf)  }
0xf6: {  	[tilespmem:s0], [sflag:$0x4] =	stream.linear.gather [hbm4b:s8+s23], $0x80, $0x38;
	[tilespmem:$0x1C380] =	vst v63  }
0xf7: {  	s9 =	sadd.s32 s4, s9;
	s12 =	sand.u32 $0x1FFFFFF0, s30;
	s13 =	spop (v2sf)  }
0xf8: {  	[tilespmem:s11], [sflag:$0x4] =	stream.linear.gather [hbm4b:s9+s23], $0x80, $0x38;
	[tilespmem:$0x1C380] =	vst v63  }
0xf9: {  	s0 =	sadd.s32 s4, s12;
	s8 =	sand.u32 $0x1FFFFFF0, s13;
	s14 =	spop (v2sf)  }
0xfa: {  	[tilespmem:s7], [sflag:$0x4] =	stream.linear.gather [hbm4b:s0+s23], $0x80, $0x38;
	[tilespmem:$0x1C380] =	vst v63  }
0xfb: {  	s15 =	sand.u32 $0x1FFFFFF0, s14;
	s8 =	sadd.s32 s4, s8;
	s16 =	spop (v2sf)  }
0xfc: {  	[tilespmem:s5], [sflag:$0x4] =	stream.linear.gather [hbm4b:s8+s23], $0x80, $0x38;
	[tilespmem:$0x1C380] =	vst v63  }
0xfd: {  	s17 =	sand.u32 $0x1FFFFFF0, s16;
	s18 =	spop (v2sf);
	s0 =	sadd.s32 s4, s15  }
0xfe: {  	[tilespmem:s6], [sflag:$0x4] =	stream.linear.gather [hbm4b:s0+s23], $0x80, $0x38;
	[tilespmem:$0x1C380] =	vst v63  }
0xff: {  	s28 =	sadd.s32 $0x4A80, s25;
	s19 =	sand.u32 $0x1FFFFFF0, s18;
	s5 =	sadd.s32 s4, s17  }
0x100: {  	[tilespmem:s28], [sflag:$0x4] =	stream.linear.gather [hbm4b:s5+s23], $0x80, $0x38;
	[tilespmem:$0x1C380] =	vst v63  }
0x101: {  	s31 =	simm.s32 $0x100;
	s30 =	sadd.s32 $0x4B00, s25;
	s0 =	sadd.s32 s4, s19  }
0x102: {  	[tilespmem:s30], [sflag:$0x4] =	stream.linear.gather [hbm4b:s0+s23], $0x80, $0x38;
	[tilespmem:$0x1C380] =	vst v63  }
0x103: {  	v0 =	vld [tilespmem:s31+$0x0];
	_ =	sdelay $0x4  }
0x104: {  	v0 =	vshll.u32 v0, $0x4  }
0x105: {  	(v2sf) =	vpush v0, $0x0  }
0x106: {  	(v2sf) =	vpush v0, $0x1  }
0x107: {  	(v2sf) =	vpush v0, $0x2;
	_ =	sdelay $0x1  }
0x108: {  	(v2sf) =	vpush v0, $0x4;
	_ =	sdelay $0x1  }
0x109: {  	(v2sf) =	vpush v0, $0x3  }
0x10a: {  	(v2sf) =	vpush v0, $0x5  }
0x10b: {  	s25 =	simm.s32 $0x0;
	s5 =	simm.s32 $0x2000;
	(v2sf) =	vpush v0, $0x6  }
.LBB2_6:
0x10c: {  	p0 =	sne.s32 s5, $0xE000  }
0x10d: {  	s0 =	sadd.s32 $0x8400, s25;
	s9 =	sadd.s32 $0x8900, s25;
	s6 =	smov.u32 s5  }
0x10e: {  	s5 =	sadd.s32 $0x2000, s5;
	s13 =	sadd.s32 $0x8700, s25;
	s7 =	sadd.s32 $0x8980, s25;
	(v2sf) =	vpush v0, $0x7  }
0x10f: {  	s15 =	sadd.s32 $0x8600, s25;
	s10 =	sadd.s32 $0x8780, s25;
	s8 =	sadd.s32 $0x8A00, s25  }
0x110: {  	s12 =	sadd.s32 $0x8380, s25;
	s16 =	sadd.s32 $0x8580, s25;
	(v2sf) =	vpush v0, $0x8  }
0x111: {  	s23 =	simm.s32 $0x0;
	s17 =	sadd.s32 $0x8680, s25;
	s31 =	sadd.s32 $0x10, s31  }
0x112: {  	s18 =	sadd.s32 $0x8480, s25;
	s11 =	sadd.s32 $0x8880, s25;
	s14 =	spop (v2sf);
	(v2sf) =	vpush v0, $0x9  }
0x113: {  	s19 =	sand.u32 $0x1FFFFFF0, s14;
	s14 =	sadd.s32 $0x8800, s25;
	s28 =	spop (v2sf)  }
0x114: {  	s19 =	sadd.s32 s4, s19;
	s28 =	sand.u32 $0x1FFFFFF0, s28;
	s30 =	spop (v2sf);
	(v2sf) =	vpush v0, $0xA  }
0x115: {  	[tilespmem:s12], [sflag:$0x5] =	stream.linear.gather [hbm4b:s19+s23], $0x80, $0x38;
	[tilespmem:$0x1C380] =	vst v63  }
0x116: {  	s12 =	sadd.s32 s4, s28;
	s19 =	sadd.s32 $0x8500, s25;
	s28 =	spop (v2sf);
	(v2sf) =	vpush v0, $0xB  }
0x117: {  	[tilespmem:s0], [sflag:$0x5] =	stream.linear.gather [hbm4b:s12+s23], $0x80, $0x38;
	[tilespmem:$0x1C380] =	vst v63  }
0x118: {  	s0 =	sand.u32 $0x1FFFFFF0, s30;
	s12 =	sand.u32 $0x1FFFFFF0, s28;
	s28 =	spop (v2sf);
	(v2sf) =	vpush v0, $0xC  }
0x119: {  	s0 =	sadd.s32 s4, s0;
	s28 =	sand.u32 $0x1FFFFFF0, s28;
	s30 =	spop (v2sf)  }
0x11a: {  	[tilespmem:s18], [sflag:$0x5] =	stream.linear.gather [hbm4b:s0+s23], $0x80, $0x38;
	(v2sf) =	vpush v0, $0xD;
	[tilespmem:$0x1C380] =	vst v63  }
0x11b: {  	s0 =	sadd.s32 s4, s28;
	s18 =	sand.u32 $0x1FFFFFF0, s30;
	s28 =	spop (v2sf)  }
0x11c: {  	[tilespmem:s19], [sflag:$0x5] =	stream.linear.gather [hbm4b:s0+s23], $0x80, $0x38;
	(v2sf) =	vpush v0, $0xE;
	[tilespmem:$0x1C380] =	vst v63  }
0x11d: {  	s0 =	sadd.s32 s4, s12;
	s12 =	sand.u32 $0x1FFFFFF0, s28;
	s19 =	spop (v2sf)  }
0x11e: {  	[tilespmem:s16], [sflag:$0x5] =	stream.linear.gather [hbm4b:s0+s23], $0x80, $0x38;
	(v2sf) =	vpush v0, $0xF;
	[tilespmem:$0x1C380] =	vst v63  }
0x11f: {  	s0 =	sadd.s32 s4, s18;
	s16 =	sand.u32 $0x1FFFFFF0, s19;
	s18 =	spop (v2sf)  }
0x120: {  	[tilespmem:s15], [sflag:$0x5] =	stream.linear.gather [hbm4b:s0+s23], $0x80, $0x38;
	[tilespmem:$0x1C380] =	vst v63  }
0x121: {  	s0 =	sadd.s32 s4, s12;
	s12 =	sand.u32 $0x1FFFFFF0, s18;
	s15 =	spop (v2sf)  }
0x122: {  	[tilespmem:s17], [sflag:$0x5] =	stream.linear.gather [hbm4b:s0+s23], $0x80, $0x38;
	[tilespmem:$0x1C380] =	vst v63  }
0x123: {  	s0 =	sadd.s32 s4, s16;
	s15 =	sand.u32 $0x1FFFFFF0, s15;
	s16 =	spop (v2sf)  }
0x124: {  	[tilespmem:s13], [sflag:$0x5] =	stream.linear.gather [hbm4b:s0+s23], $0x80, $0x38;
	[tilespmem:$0x1C380] =	vst v63  }
0x125: {  	s0 =	sadd.s32 s4, s12;
	s12 =	sand.u32 $0x1FFFFFF0, s16;
	s13 =	spop (v2sf)  }
0x126: {  	[tilespmem:s10], [sflag:$0x5] =	stream.linear.gather [hbm4b:s0+s23], $0x80, $0x38;
	[tilespmem:$0x1C380] =	vst v63  }
0x127: {  	s0 =	sadd.s32 s4, s15;
	s10 =	sand.u32 $0x1FFFFFF0, s13;
	s13 =	spop (v2sf)  }
0x128: {  	[tilespmem:s14], [sflag:$0x5] =	stream.linear.gather [hbm4b:s0+s23], $0x80, $0x38;
	[tilespmem:$0x1C380] =	vst v63  }
0x129: {  	s0 =	sadd.s32 s4, s12;
	s12 =	sand.u32 $0x1FFFFFF0, s13;
	s13 =	spop (v2sf)  }
0x12a: {  	[tilespmem:s11], [sflag:$0x5] =	stream.linear.gather [hbm4b:s0+s23], $0x80, $0x38;
	[tilespmem:$0x1C380] =	vst v63  }
0x12b: {  	s0 =	sadd.s32 s4, s10;
	s10 =	sand.u32 $0x1FFFFFF0, s13;
	s11 =	spop (v2sf)  }
0x12c: {  	[tilespmem:s9], [sflag:$0x5] =	stream.linear.gather [hbm4b:s0+s23], $0x80, $0x38;
	[tilespmem:$0x1C380] =	vst v63  }
0x12d: {  	s0 =	sadd.s32 s4, s12;
	s9 =	sand.u32 $0x1FFFFFF0, s11;
	s11 =	spop (v2sf)  }
0x12e: {  	[tilespmem:s7], [sflag:$0x5] =	stream.linear.gather [hbm4b:s0+s23], $0x80, $0x38;
	[tilespmem:$0x1C380] =	vst v63  }
0x12f: {  	s0 =	sadd.s32 s4, s10;
	s7 =	sand.u32 $0x1FFFFFF0, s11  }
0x130: {  	[tilespmem:s8], [sflag:$0x5] =	stream.linear.gather [hbm4b:s0+s23], $0x80, $0x38;
	[tilespmem:$0x1C380] =	vst v63  }
0x131: {  	s0 =	sadd.s32 $0x8A80, s25;
	s8 =	sadd.s32 s4, s9  }
0x132: {  	[tilespmem:s0], [sflag:$0x5] =	stream.linear.gather [hbm4b:s8+s23], $0x80, $0x38;
	[tilespmem:$0x1C380] =	vst v63  }
0x133: {  	s7 =	sadd.s32 s4, s7;
	s0 =	sadd.s32 $0x8B00, s25  }
0x134: {  	[tilespmem:s0], [sflag:$0x5] =	stream.linear.gather [hbm4b:s7+s23], $0x80, $0x38;
	[tilespmem:$0x1C380] =	vst v63  }
0x135: {  	v0 =	vld [tilespmem:s31+$0x0];
	_ =	sdelay $0x4  }
0x136: {  	v0 =	vshll.u32 v0, $0x4  }
0x137: {  	(v2sf) =	vpush v0, $0x0  }
0x138: {  	(v2sf) =	vpush v0, $0x1  }
0x139: {  	(v2sf) =	vpush v0, $0x2;
	_ =	sdelay $0x1  }
0x13a: {  	(v2sf) =	vpush v0, $0x4  }
.Ltmp2:
0x13b: {  	(pc) =	sbr.rel @p0 .LBB2_6-.Ltmp2, $3  }
0x13c: {  	(v2sf) =	vpush v0, $0x3  }
0x13d: {  	(v2sf) =	vpush v0, $0x5;
	_ =	sdelay $0x1  }
0x13e: {  	s25 =	sshra.s32 s6, $0x2;
	(v2sf) =	vpush v0, $0x6  }
0x13f: {  	_ =	sdelay $0x1  }
0x140: {  	s0 =	sadd.s32 $0x8400, s25;
	s7 =	sadd.s32 $0x8900, s25  }
0x141: {  	s8 =	sadd.s32 $0x8700, s25;
	s5 =	sadd.s32 $0x8980, s25;
	(v2sf) =	vpush v0, $0x7;
	s9 =	sadd.s32 $0x8600, s25  }
0x142: {  	s10 =	sadd.s32 $0x8780, s25;
	s6 =	sadd.s32 $0x8A00, s25;
	s11 =	sadd.s32 $0x8380, s25  }
0x143: {  	s12 =	sadd.s32 $0x8580, s25;
	s13 =	sadd.s32 $0x8680, s25;
	(v2sf) =	vpush v0, $0x8;
	s14 =	spop (v2sf)  }
0x144: {  	s15 =	sadd.s32 $0x8480, s25;
	s14 =	sand.u32 $0x1FFFFFF0, s14;
	s16 =	spop (v2sf)  }
0x145: {  	(v2sf) =	vpush v0, $0x9;
	s14 =	sadd.s32 s4, s14;
	s16 =	sand.u32 $0x1FFFFFF0, s16;
	s17 =	spop (v2sf)  }
0x146: {  	[tilespmem:s11], [sflag:$0x5] =	stream.linear.gather [hbm4b:s14+s23], $0x80, $0x38;
	[tilespmem:$0x1C380] =	vst v63  }
0x147: {  	s18 =	sadd.s32 $0x8500, s25;
	(v2sf) =	vpush v0, $0xA;
	s28 =	sadd.s32 s4, s16;
	s30 =	spop (v2sf)  }
0x148: {  	[tilespmem:s0], [sflag:$0x5] =	stream.linear.gather [hbm4b:s28+s23], $0x80, $0x38;
	[tilespmem:$0x1C380] =	vst v63  }
0x149: {  	s11 =	sadd.s32 $0x8880, s25;
	s17 =	sand.u32 $0x1FFFFFF0, s17;
	(v2sf) =	vpush v0, $0xB;
	s19 =	spop (v2sf)  }
0x14a: {  	s14 =	sadd.s32 s4, s17;
	s0 =	sadd.s32 $0x8800, s25;
	s17 =	sand.u32 $0x1FFFFFF0, s19  }
0x14b: {  	(v2sf) =	vpush v0, $0xC;
	[tilespmem:s15], [sflag:$0x5] =	stream.linear.gather [hbm4b:s14+s23], $0x80, $0x38;
	[tilespmem:$0x1C380] =	vst v63  }
0x14c: {  	s28 =	sand.u32 $0x1FFFFFF0, s30;
	s30 =	spop (v2sf);
	s17 =	sadd.s32 s4, s17  }
0x14d: {  	(v2sf) =	vpush v0, $0xD;
	[tilespmem:s18], [sflag:$0x5] =	stream.linear.gather [hbm4b:s17+s23], $0x80, $0x38;
	[tilespmem:$0x1C380] =	vst v63  }
0x14e: {  	s14 =	sadd.s32 s4, s28;
	s15 =	sand.u32 $0x1FFFFFF0, s30;
	s19 =	spop (v2sf)  }
0x14f: {  	(v2sf) =	vpush v0, $0xE;
	[tilespmem:s12], [sflag:$0x5] =	stream.linear.gather [hbm4b:s14+s23], $0x80, $0x38;
	[tilespmem:$0x1C380] =	vst v63  }
0x150: {  	s15 =	sadd.s32 s4, s15;
	s28 =	sand.u32 $0x1FFFFFF0, s19;
	s30 =	spop (v2sf)  }
0x151: {  	(v2sf) =	vpush v0, $0xF;
	[tilespmem:s9], [sflag:$0x5] =	stream.linear.gather [hbm4b:s15+s23], $0x80, $0x38;
	[tilespmem:$0x1C380] =	vst v63  }
0x152: {  	s16 =	spop (v2sf);
	s12 =	sadd.s32 s4, s28;
	s15 =	sand.u32 $0x1FFFFFF0, s30  }
0x153: {  	[tilespmem:s13], [sflag:$0x5] =	stream.linear.gather [hbm4b:s12+s23], $0x80, $0x38;
	[tilespmem:$0x1C380] =	vst v63  }
0x154: {  	s17 =	sand.u32 $0x1FFFFFF0, s16;
	s9 =	sadd.s32 s4, s15;
	s18 =	spop (v2sf)  }
0x155: {  	[tilespmem:s8], [sflag:$0x5] =	stream.linear.gather [hbm4b:s9+s23], $0x80, $0x38;
	[tilespmem:$0x1C380] =	vst v63  }
0x156: {  	s12 =	sadd.s32 s4, s17;
	s19 =	sand.u32 $0x1FFFFFF0, s18;
	s28 =	spop (v2sf)  }
0x157: {  	[tilespmem:s10], [sflag:$0x5] =	stream.linear.gather [hbm4b:s12+s23], $0x80, $0x38;
	[tilespmem:$0x1C380] =	vst v63  }
0x158: {  	s9 =	sand.u32 $0x1FFFFFF0, s28;
	s8 =	sadd.s32 s4, s19;
	s30 =	spop (v2sf)  }
0x159: {  	[tilespmem:s0], [sflag:$0x5] =	stream.linear.gather [hbm4b:s8+s23], $0x80, $0x38;
	[tilespmem:$0x1C380] =	vst v63  }
0x15a: {  	s9 =	sadd.s32 s4, s9;
	s12 =	sand.u32 $0x1FFFFFF0, s30;
	s13 =	spop (v2sf)  }
0x15b: {  	[tilespmem:s11], [sflag:$0x5] =	stream.linear.gather [hbm4b:s9+s23], $0x80, $0x38;
	[tilespmem:$0x1C380] =	vst v63  }
0x15c: {  	s0 =	sadd.s32 s4, s12;
	s8 =	sand.u32 $0x1FFFFFF0, s13;
	s14 =	spop (v2sf)  }
0x15d: {  	[tilespmem:s7], [sflag:$0x5] =	stream.linear.gather [hbm4b:s0+s23], $0x80, $0x38;
	[tilespmem:$0x1C380] =	vst v63  }
0x15e: {  	s15 =	sand.u32 $0x1FFFFFF0, s14;
	s8 =	sadd.s32 s4, s8;
	s16 =	spop (v2sf)  }
0x15f: {  	[tilespmem:s5], [sflag:$0x5] =	stream.linear.gather [hbm4b:s8+s23], $0x80, $0x38;
	[tilespmem:$0x1C380] =	vst v63  }
0x160: {  	s17 =	sand.u32 $0x1FFFFFF0, s16;
	s18 =	spop (v2sf);
	s0 =	sadd.s32 s4, s15  }
0x161: {  	[tilespmem:s6], [sflag:$0x5] =	stream.linear.gather [hbm4b:s0+s23], $0x80, $0x38;
	[tilespmem:$0x1C380] =	vst v63  }
0x162: {  	s28 =	sadd.s32 $0x8A80, s25;
	s19 =	sand.u32 $0x1FFFFFF0, s18;
	s5 =	sadd.s32 s4, s17  }
0x163: {  	[tilespmem:s28], [sflag:$0x5] =	stream.linear.gather [hbm4b:s5+s23], $0x80, $0x38;
	[tilespmem:$0x1C380] =	vst v63  }
0x164: {  	s31 =	simm.s32 $0x180;
	s30 =	sadd.s32 $0x8B00, s25;
	s0 =	sadd.s32 s4, s19  }
0x165: {  	[tilespmem:s30], [sflag:$0x5] =	stream.linear.gather [hbm4b:s0+s23], $0x80, $0x38;
	[tilespmem:$0x1C380] =	vst v63  }
0x166: {  	v0 =	vld [tilespmem:s31+$0x0];
	_ =	sdelay $0x4  }
0x167: {  	v0 =	vshll.u32 v0, $0x4  }
0x168: {  	(v2sf) =	vpush v0, $0x0  }
0x169: {  	(v2sf) =	vpush v0, $0x1  }
0x16a: {  	(v2sf) =	vpush v0, $0x2;
	_ =	sdelay $0x1  }
0x16b: {  	(v2sf) =	vpush v0, $0x4;
	_ =	sdelay $0x1  }
0x16c: {  	(v2sf) =	vpush v0, $0x3  }
0x16d: {  	(v2sf) =	vpush v0, $0x5  }
0x16e: {  	s25 =	simm.s32 $0x0;
	s5 =	simm.s32 $0x2000;
	(v2sf) =	vpush v0, $0x6  }
.LBB2_8:
0x16f: {  	p0 =	sne.s32 s5, $0xE000  }
0x170: {  	s0 =	sadd.s32 $0xC400, s25;
	s9 =	sadd.s32 $0xC900, s25;
	s6 =	smov.u32 s5  }
0x171: {  	s5 =	sadd.s32 $0x2000, s5;
	s13 =	sadd.s32 $0xC700, s25;
	s7 =	sadd.s32 $0xC980, s25;
	(v2sf) =	vpush v0, $0x7  }
0x172: {  	s15 =	sadd.s32 $0xC600, s25;
	s11 =	sadd.s32 $0xC780, s25;
	s8 =	sadd.s32 $0xCA00, s25  }
0x173: {  	s12 =	sadd.s32 $0xC380, s25;
	s16 =	sadd.s32 $0xC580, s25;
	(v2sf) =	vpush v0, $0x8  }
0x174: {  	s17 =	sadd.s32 $0xC680, s25;
	s31 =	sadd.s32 $0x10, s31  }
0x175: {  	s18 =	sadd.s32 $0xC480, s25;
	s10 =	sadd.s32 $0xC880, s25;
	s14 =	spop (v2sf);
	(v2sf) =	vpush v0, $0x9  }
0x176: {  	s19 =	sand.u32 $0x1FFFFFF0, s14;
	s14 =	sadd.s32 $0xC800, s25;
	s28 =	spop (v2sf)  }
0x177: {  	s19 =	sadd.s32 s4, s19;
	s28 =	sand.u32 $0x1FFFFFF0, s28;
	s30 =	spop (v2sf);
	(v2sf) =	vpush v0, $0xA  }
0x178: {  	[tilespmem:s12], [sflag:$0x6] =	stream.linear.gather [hbm4b:s19+s23], $0x80, $0x38;
	[tilespmem:$0x1C380] =	vst v63  }
0x179: {  	s12 =	sadd.s32 s4, s28;
	s19 =	sadd.s32 $0xC500, s25;
	s28 =	spop (v2sf);
	(v2sf) =	vpush v0, $0xB  }
0x17a: {  	[tilespmem:s0], [sflag:$0x6] =	stream.linear.gather [hbm4b:s12+s23], $0x80, $0x38;
	[tilespmem:$0x1C380] =	vst v63  }
0x17b: {  	s0 =	sand.u32 $0x1FFFFFF0, s30;
	s12 =	sand.u32 $0x1FFFFFF0, s28;
	s28 =	spop (v2sf);
	(v2sf) =	vpush v0, $0xC  }
0x17c: {  	s0 =	sadd.s32 s4, s0;
	s28 =	sand.u32 $0x1FFFFFF0, s28;
	s30 =	spop (v2sf)  }
0x17d: {  	[tilespmem:s18], [sflag:$0x6] =	stream.linear.gather [hbm4b:s0+s23], $0x80, $0x38;
	(v2sf) =	vpush v0, $0xD;
	[tilespmem:$0x1C380] =	vst v63  }
0x17e: {  	s0 =	sadd.s32 s4, s28;
	s18 =	sand.u32 $0x1FFFFFF0, s30;
	s28 =	spop (v2sf)  }
0x17f: {  	[tilespmem:s19], [sflag:$0x6] =	stream.linear.gather [hbm4b:s0+s23], $0x80, $0x38;
	(v2sf) =	vpush v0, $0xE;
	[tilespmem:$0x1C380] =	vst v63  }
0x180: {  	s0 =	sadd.s32 s4, s12;
	s12 =	sand.u32 $0x1FFFFFF0, s28;
	s19 =	spop (v2sf)  }
0x181: {  	[tilespmem:s16], [sflag:$0x6] =	stream.linear.gather [hbm4b:s0+s23], $0x80, $0x38;
	(v2sf) =	vpush v0, $0xF;
	[tilespmem:$0x1C380] =	vst v63  }
0x182: {  	s0 =	sadd.s32 s4, s18;
	s16 =	sand.u32 $0x1FFFFFF0, s19;
	s18 =	spop (v2sf)  }
0x183: {  	[tilespmem:s15], [sflag:$0x6] =	stream.linear.gather [hbm4b:s0+s23], $0x80, $0x38;
	[tilespmem:$0x1C380] =	vst v63  }
0x184: {  	s0 =	sadd.s32 s4, s12;
	s12 =	sand.u32 $0x1FFFFFF0, s18;
	s15 =	spop (v2sf)  }
0x185: {  	[tilespmem:s17], [sflag:$0x6] =	stream.linear.gather [hbm4b:s0+s23], $0x80, $0x38;
	[tilespmem:$0x1C380] =	vst v63  }
0x186: {  	s0 =	sadd.s32 s4, s16;
	s15 =	sand.u32 $0x1FFFFFF0, s15;
	s16 =	spop (v2sf)  }
0x187: {  	[tilespmem:s13], [sflag:$0x6] =	stream.linear.gather [hbm4b:s0+s23], $0x80, $0x38;
	[tilespmem:$0x1C380] =	vst v63  }
0x188: {  	s0 =	sadd.s32 s4, s12;
	s12 =	sand.u32 $0x1FFFFFF0, s16;
	s13 =	spop (v2sf)  }
0x189: {  	[tilespmem:s11], [sflag:$0x6] =	stream.linear.gather [hbm4b:s0+s23], $0x80, $0x38;
	[tilespmem:$0x1C380] =	vst v63  }
0x18a: {  	s0 =	sadd.s32 s4, s15;
	s11 =	sand.u32 $0x1FFFFFF0, s13;
	s13 =	spop (v2sf)  }
0x18b: {  	[tilespmem:s14], [sflag:$0x6] =	stream.linear.gather [hbm4b:s0+s23], $0x80, $0x38;
	[tilespmem:$0x1C380] =	vst v63  }
0x18c: {  	s0 =	sadd.s32 s4, s12;
	s12 =	sand.u32 $0x1FFFFFF0, s13;
	s13 =	spop (v2sf)  }
0x18d: {  	[tilespmem:s10], [sflag:$0x6] =	stream.linear.gather [hbm4b:s0+s23], $0x80, $0x38;
	[tilespmem:$0x1C380] =	vst v63  }
0x18e: {  	s0 =	sadd.s32 s4, s11;
	s10 =	sand.u32 $0x1FFFFFF0, s13;
	s11 =	spop (v2sf)  }
0x18f: {  	[tilespmem:s9], [sflag:$0x6] =	stream.linear.gather [hbm4b:s0+s23], $0x80, $0x38;
	[tilespmem:$0x1C380] =	vst v63  }
0x190: {  	s0 =	sadd.s32 s4, s12;
	s9 =	sand.u32 $0x1FFFFFF0, s11;
	s11 =	spop (v2sf)  }
0x191: {  	[tilespmem:s7], [sflag:$0x6] =	stream.linear.gather [hbm4b:s0+s23], $0x80, $0x38;
	[tilespmem:$0x1C380] =	vst v63  }
0x192: {  	s0 =	sadd.s32 s4, s10;
	s7 =	sand.u32 $0x1FFFFFF0, s11  }
0x193: {  	[tilespmem:s8], [sflag:$0x6] =	stream.linear.gather [hbm4b:s0+s23], $0x80, $0x38;
	[tilespmem:$0x1C380] =	vst v63  }
0x194: {  	s0 =	sadd.s32 $0xCA80, s25;
	s8 =	sadd.s32 s4, s9  }
0x195: {  	[tilespmem:s0], [sflag:$0x6] =	stream.linear.gather [hbm4b:s8+s23], $0x80, $0x38;
	[tilespmem:$0x1C380] =	vst v63  }
0x196: {  	s7 =	sadd.s32 s4, s7;
	s0 =	sadd.s32 $0xCB00, s25  }
0x197: {  	[tilespmem:s0], [sflag:$0x6] =	stream.linear.gather [hbm4b:s7+s23], $0x80, $0x38;
	[tilespmem:$0x1C380] =	vst v63  }
0x198: {  	v0 =	vld [tilespmem:s31+$0x0];
	_ =	sdelay $0x4  }
0x199: {  	v0 =	vshll.u32 v0, $0x4  }
0x19a: {  	(v2sf) =	vpush v0, $0x0  }
0x19b: {  	(v2sf) =	vpush v0, $0x1  }
0x19c: {  	(v2sf) =	vpush v0, $0x2;
	_ =	sdelay $0x1  }
0x19d: {  	(v2sf) =	vpush v0, $0x4  }
.Ltmp3:
0x19e: {  	(pc) =	sbr.rel @p0 .LBB2_8-.Ltmp3, $3  }
0x19f: {  	(v2sf) =	vpush v0, $0x3  }
0x1a0: {  	(v2sf) =	vpush v0, $0x5;
	_ =	sdelay $0x1  }
0x1a1: {  	s25 =	sshra.s32 s6, $0x2;
	(v2sf) =	vpush v0, $0x6  }
0x1a2: {  	_ =	sdelay $0x1  }
0x1a3: {  	s0 =	sadd.s32 $0xC400, s25;
	s7 =	sadd.s32 $0xC900, s25  }
0x1a4: {  	s8 =	sadd.s32 $0xC700, s25;
	s5 =	sadd.s32 $0xC980, s25;
	(v2sf) =	vpush v0, $0x7;
	s9 =	sadd.s32 $0xC600, s25  }
0x1a5: {  	s10 =	sadd.s32 $0xC780, s25;
	s6 =	sadd.s32 $0xCA00, s25;
	s11 =	sadd.s32 $0xC380, s25  }
0x1a6: {  	s12 =	sadd.s32 $0xC580, s25;
	s13 =	sadd.s32 $0xC680, s25;
	(v2sf) =	vpush v0, $0x8;
	s14 =	spop (v2sf)  }
0x1a7: {  	s15 =	sadd.s32 $0xC480, s25;
	s14 =	sand.u32 $0x1FFFFFF0, s14;
	s16 =	spop (v2sf)  }
0x1a8: {  	(v2sf) =	vpush v0, $0x9;
	s14 =	sadd.s32 s4, s14;
	s16 =	sand.u32 $0x1FFFFFF0, s16;
	s17 =	spop (v2sf)  }
0x1a9: {  	[tilespmem:s11], [sflag:$0x6] =	stream.linear.gather [hbm4b:s14+s23], $0x80, $0x38;
	[tilespmem:$0x1C380] =	vst v63  }
0x1aa: {  	s18 =	sadd.s32 $0xC500, s25;
	(v2sf) =	vpush v0, $0xA;
	s28 =	sadd.s32 s4, s16;
	s30 =	spop (v2sf)  }
0x1ab: {  	[tilespmem:s0], [sflag:$0x6] =	stream.linear.gather [hbm4b:s28+s23], $0x80, $0x38;
	[tilespmem:$0x1C380] =	vst v63  }
0x1ac: {  	s11 =	sadd.s32 $0xC880, s25;
	s17 =	sand.u32 $0x1FFFFFF0, s17;
	(v2sf) =	vpush v0, $0xB;
	s19 =	spop (v2sf)  }
0x1ad: {  	s14 =	sadd.s32 s4, s17;
	s0 =	sadd.s32 $0xC800, s25;
	s17 =	sand.u32 $0x1FFFFFF0, s19  }
0x1ae: {  	(v2sf) =	vpush v0, $0xC;
	[tilespmem:s15], [sflag:$0x6] =	stream.linear.gather [hbm4b:s14+s23], $0x80, $0x38;
	[tilespmem:$0x1C380] =	vst v63  }
0x1af: {  	s28 =	sand.u32 $0x1FFFFFF0, s30;
	s30 =	spop (v2sf);
	s17 =	sadd.s32 s4, s17  }
0x1b0: {  	(v2sf) =	vpush v0, $0xD;
	[tilespmem:s18], [sflag:$0x6] =	stream.linear.gather [hbm4b:s17+s23], $0x80, $0x38;
	[tilespmem:$0x1C380] =	vst v63  }
0x1b1: {  	s14 =	sadd.s32 s4, s28;
	s15 =	sand.u32 $0x1FFFFFF0, s30;
	s19 =	spop (v2sf)  }
0x1b2: {  	(v2sf) =	vpush v0, $0xE;
	[tilespmem:s12], [sflag:$0x6] =	stream.linear.gather [hbm4b:s14+s23], $0x80, $0x38;
	[tilespmem:$0x1C380] =	vst v63  }
0x1b3: {  	s15 =	sadd.s32 s4, s15;
	s28 =	sand.u32 $0x1FFFFFF0, s19;
	s30 =	spop (v2sf)  }
0x1b4: {  	(v2sf) =	vpush v0, $0xF;
	[tilespmem:s9], [sflag:$0x6] =	stream.linear.gather [hbm4b:s15+s23], $0x80, $0x38;
	[tilespmem:$0x1C380] =	vst v63  }
0x1b5: {  	s16 =	spop (v2sf);
	s12 =	sadd.s32 s4, s28;
	s15 =	sand.u32 $0x1FFFFFF0, s30  }
0x1b6: {  	[tilespmem:s13], [sflag:$0x6] =	stream.linear.gather [hbm4b:s12+s23], $0x80, $0x38;
	[tilespmem:$0x1C380] =	vst v63  }
0x1b7: {  	s17 =	sand.u32 $0x1FFFFFF0, s16;
	s9 =	sadd.s32 s4, s15;
	s18 =	spop (v2sf)  }
0x1b8: {  	[tilespmem:s8], [sflag:$0x6] =	stream.linear.gather [hbm4b:s9+s23], $0x80, $0x38;
	[tilespmem:$0x1C380] =	vst v63  }
0x1b9: {  	s12 =	sadd.s32 s4, s17;
	s19 =	sand.u32 $0x1FFFFFF0, s18;
	s28 =	spop (v2sf)  }
0x1ba: {  	[tilespmem:s10], [sflag:$0x6] =	stream.linear.gather [hbm4b:s12+s23], $0x80, $0x38;
	[tilespmem:$0x1C380] =	vst v63  }
0x1bb: {  	s9 =	sand.u32 $0x1FFFFFF0, s28;
	s8 =	sadd.s32 s4, s19;
	s30 =	spop (v2sf)  }
0x1bc: {  	[tilespmem:s0], [sflag:$0x6] =	stream.linear.gather [hbm4b:s8+s23], $0x80, $0x38;
	[tilespmem:$0x1C380] =	vst v63  }
0x1bd: {  	s9 =	sadd.s32 s4, s9;
	s12 =	sand.u32 $0x1FFFFFF0, s30;
	s13 =	spop (v2sf)  }
0x1be: {  	[tilespmem:s11], [sflag:$0x6] =	stream.linear.gather [hbm4b:s9+s23], $0x80, $0x38;
	[tilespmem:$0x1C380] =	vst v63  }
0x1bf: {  	s0 =	sadd.s32 s4, s12;
	s8 =	sand.u32 $0x1FFFFFF0, s13;
	s14 =	spop (v2sf)  }
0x1c0: {  	[tilespmem:s7], [sflag:$0x6] =	stream.linear.gather [hbm4b:s0+s23], $0x80, $0x38;
	[tilespmem:$0x1C380] =	vst v63  }
0x1c1: {  	s15 =	sand.u32 $0x1FFFFFF0, s14;
	s8 =	sadd.s32 s4, s8;
	s16 =	spop (v2sf)  }
0x1c2: {  	[tilespmem:s5], [sflag:$0x6] =	stream.linear.gather [hbm4b:s8+s23], $0x80, $0x38;
	[tilespmem:$0x1C380] =	vst v63  }
0x1c3: {  	s17 =	sand.u32 $0x1FFFFFF0, s16;
	s18 =	spop (v2sf);
	s0 =	sadd.s32 s4, s15  }
0x1c4: {  	[tilespmem:s6], [sflag:$0x6] =	stream.linear.gather [hbm4b:s0+s23], $0x80, $0x38;
	[tilespmem:$0x1C380] =	vst v63  }
0x1c5: {  	s28 =	sadd.s32 $0xCA80, s25;
	s19 =	sand.u32 $0x1FFFFFF0, s18;
	s5 =	sadd.s32 s4, s17  }
0x1c6: {  	[tilespmem:s28], [sflag:$0x6] =	stream.linear.gather [hbm4b:s5+s23], $0x80, $0x38;
	[tilespmem:$0x1C380] =	vst v63  }
0x1c7: {  	s31 =	simm.s32 $0x200;
	s30 =	sadd.s32 $0xCB00, s25;
	s0 =	sadd.s32 s4, s19  }
0x1c8: {  	[tilespmem:s30], [sflag:$0x6] =	stream.linear.gather [hbm4b:s0+s23], $0x80, $0x38;
	[tilespmem:$0x1C380] =	vst v63  }
0x1c9: {  	v0 =	vld [tilespmem:s31+$0x0];
	_ =	sdelay $0x4  }
0x1ca: {  	v0 =	vshll.u32 v0, $0x4  }
0x1cb: {  	(v2sf) =	vpush v0, $0x0  }
0x1cc: {  	(v2sf) =	vpush v0, $0x1  }
0x1cd: {  	(v2sf) =	vpush v0, $0x2;
	_ =	sdelay $0x1  }
0x1ce: {  	(v2sf) =	vpush v0, $0x4;
	_ =	sdelay $0x1  }
0x1cf: {  	(v2sf) =	vpush v0, $0x3  }
0x1d0: {  	(v2sf) =	vpush v0, $0x5  }
0x1d1: {  	s25 =	simm.s32 $0x0;
	s5 =	simm.s32 $0x2000;
	(v2sf) =	vpush v0, $0x6  }
.LBB2_10:
0x1d2: {  	p0 =	sne.s32 s5, $0xE000  }
0x1d3: {  	s0 =	sadd.s32 $0x10400, s25;
	s9 =	sadd.s32 $0x10900, s25;
	s6 =	smov.u32 s5  }
0x1d4: {  	s5 =	sadd.s32 $0x2000, s5;
	s13 =	sadd.s32 $0x10700, s25;
	s7 =	sadd.s32 $0x10980, s25;
	(v2sf) =	vpush v0, $0x7  }
0x1d5: {  	s15 =	sadd.s32 $0x10600, s25;
	s10 =	sadd.s32 $0x10780, s25;
	s8 =	sadd.s32 $0x10A00, s25  }
0x1d6: {  	s12 =	sadd.s32 $0x10380, s25;
	s16 =	sadd.s32 $0x10580, s25;
	(v2sf) =	vpush v0, $0x8  }
0x1d7: {  	s23 =	simm.s32 $0x0;
	s17 =	sadd.s32 $0x10680, s25;
	s31 =	sadd.s32 $0x10, s31  }
0x1d8: {  	s18 =	sadd.s32 $0x10480, s25;
	s11 =	sadd.s32 $0x10880, s25;
	s14 =	spop (v2sf);
	(v2sf) =	vpush v0, $0x9  }
0x1d9: {  	s19 =	sand.u32 $0x1FFFFFF0, s14;
	s14 =	sadd.s32 $0x10800, s25;
	s28 =	spop (v2sf)  }
0x1da: {  	s19 =	sadd.s32 s4, s19;
	s28 =	sand.u32 $0x1FFFFFF0, s28;
	s30 =	spop (v2sf);
	(v2sf) =	vpush v0, $0xA  }
0x1db: {  	[tilespmem:s12], [sflag:$0x7] =	stream.linear.gather [hbm4b:s19+s23], $0x80, $0x38;
	[tilespmem:$0x1C380] =	vst v63  }
0x1dc: {  	s12 =	sadd.s32 s4, s28;
	s19 =	sadd.s32 $0x10500, s25;
	s28 =	spop (v2sf);
	(v2sf) =	vpush v0, $0xB  }
0x1dd: {  	[tilespmem:s0], [sflag:$0x7] =	stream.linear.gather [hbm4b:s12+s23], $0x80, $0x38;
	[tilespmem:$0x1C380] =	vst v63  }
0x1de: {  	s0 =	sand.u32 $0x1FFFFFF0, s30;
	s12 =	sand.u32 $0x1FFFFFF0, s28;
	s28 =	spop (v2sf);
	(v2sf) =	vpush v0, $0xC  }
0x1df: {  	s0 =	sadd.s32 s4, s0;
	s28 =	sand.u32 $0x1FFFFFF0, s28;
	s30 =	spop (v2sf)  }
0x1e0: {  	[tilespmem:s18], [sflag:$0x7] =	stream.linear.gather [hbm4b:s0+s23], $0x80, $0x38;
	(v2sf) =	vpush v0, $0xD;
	[tilespmem:$0x1C380] =	vst v63  }
0x1e1: {  	s0 =	sadd.s32 s4, s28;
	s18 =	sand.u32 $0x1FFFFFF0, s30;
	s28 =	spop (v2sf)  }
0x1e2: {  	[tilespmem:s19], [sflag:$0x7] =	stream.linear.gather [hbm4b:s0+s23], $0x80, $0x38;
	(v2sf) =	vpush v0, $0xE;
	[tilespmem:$0x1C380] =	vst v63  }
0x1e3: {  	s0 =	sadd.s32 s4, s12;
	s12 =	sand.u32 $0x1FFFFFF0, s28;
	s19 =	spop (v2sf)  }
0x1e4: {  	[tilespmem:s16], [sflag:$0x7] =	stream.linear.gather [hbm4b:s0+s23], $0x80, $0x38;
	(v2sf) =	vpush v0, $0xF;
	[tilespmem:$0x1C380] =	vst v63  }
0x1e5: {  	s0 =	sadd.s32 s4, s18;
	s16 =	sand.u32 $0x1FFFFFF0, s19;
	s18 =	spop (v2sf)  }
0x1e6: {  	[tilespmem:s15], [sflag:$0x7] =	stream.linear.gather [hbm4b:s0+s23], $0x80, $0x38;
	[tilespmem:$0x1C380] =	vst v63  }
0x1e7: {  	s0 =	sadd.s32 s4, s12;
	s12 =	sand.u32 $0x1FFFFFF0, s18;
	s15 =	spop (v2sf)  }
0x1e8: {  	[tilespmem:s17], [sflag:$0x7] =	stream.linear.gather [hbm4b:s0+s23], $0x80, $0x38;
	[tilespmem:$0x1C380] =	vst v63  }
0x1e9: {  	s0 =	sadd.s32 s4, s16;
	s15 =	sand.u32 $0x1FFFFFF0, s15;
	s16 =	spop (v2sf)  }
0x1ea: {  	[tilespmem:s13], [sflag:$0x7] =	stream.linear.gather [hbm4b:s0+s23], $0x80, $0x38;
	[tilespmem:$0x1C380] =	vst v63  }
0x1eb: {  	s0 =	sadd.s32 s4, s12;
	s12 =	sand.u32 $0x1FFFFFF0, s16;
	s13 =	spop (v2sf)  }
0x1ec: {  	[tilespmem:s10], [sflag:$0x7] =	stream.linear.gather [hbm4b:s0+s23], $0x80, $0x38;
	[tilespmem:$0x1C380] =	vst v63  }
0x1ed: {  	s0 =	sadd.s32 s4, s15;
	s10 =	sand.u32 $0x1FFFFFF0, s13;
	s13 =	spop (v2sf)  }
0x1ee: {  	[tilespmem:s14], [sflag:$0x7] =	stream.linear.gather [hbm4b:s0+s23], $0x80, $0x38;
	[tilespmem:$0x1C380] =	vst v63  }
0x1ef: {  	s0 =	sadd.s32 s4, s12;
	s12 =	sand.u32 $0x1FFFFFF0, s13;
	s13 =	spop (v2sf)  }
0x1f0: {  	[tilespmem:s11], [sflag:$0x7] =	stream.linear.gather [hbm4b:s0+s23], $0x80, $0x38;
	[tilespmem:$0x1C380] =	vst v63  }
0x1f1: {  	s0 =	sadd.s32 s4, s10;
	s10 =	sand.u32 $0x1FFFFFF0, s13;
	s11 =	spop (v2sf)  }
0x1f2: {  	[tilespmem:s9], [sflag:$0x7] =	stream.linear.gather [hbm4b:s0+s23], $0x80, $0x38;
	[tilespmem:$0x1C380] =	vst v63  }
0x1f3: {  	s0 =	sadd.s32 s4, s12;
	s9 =	sand.u32 $0x1FFFFFF0, s11;
	s11 =	spop (v2sf)  }
0x1f4: {  	[tilespmem:s7], [sflag:$0x7] =	stream.linear.gather [hbm4b:s0+s23], $0x80, $0x38;
	[tilespmem:$0x1C380] =	vst v63  }
0x1f5: {  	s0 =	sadd.s32 s4, s10;
	s7 =	sand.u32 $0x1FFFFFF0, s11  }
0x1f6: {  	[tilespmem:s8], [sflag:$0x7] =	stream.linear.gather [hbm4b:s0+s23], $0x80, $0x38;
	[tilespmem:$0x1C380] =	vst v63  }
0x1f7: {  	s0 =	sadd.s32 $0x10A80, s25;
	s8 =	sadd.s32 s4, s9  }
0x1f8: {  	[tilespmem:s0], [sflag:$0x7] =	stream.linear.gather [hbm4b:s8+s23], $0x80, $0x38;
	[tilespmem:$0x1C380] =	vst v63  }
0x1f9: {  	s7 =	sadd.s32 s4, s7;
	s0 =	sadd.s32 $0x10B00, s25  }
0x1fa: {  	[tilespmem:s0], [sflag:$0x7] =	stream.linear.gather [hbm4b:s7+s23], $0x80, $0x38;
	[tilespmem:$0x1C380] =	vst v63  }
0x1fb: {  	v0 =	vld [tilespmem:s31+$0x0];
	_ =	sdelay $0x4  }
0x1fc: {  	v0 =	vshll.u32 v0, $0x4  }
0x1fd: {  	(v2sf) =	vpush v0, $0x0  }
0x1fe: {  	(v2sf) =	vpush v0, $0x1  }
0x1ff: {  	(v2sf) =	vpush v0, $0x2;
	_ =	sdelay $0x1  }
0x200: {  	(v2sf) =	vpush v0, $0x4  }
.Ltmp4:
0x201: {  	(pc) =	sbr.rel @p0 .LBB2_10-.Ltmp4, $3  }
0x202: {  	(v2sf) =	vpush v0, $0x3  }
0x203: {  	(v2sf) =	vpush v0, $0x5;
	_ =	sdelay $0x1  }
0x204: {  	s25 =	sshra.s32 s6, $0x2;
	(v2sf) =	vpush v0, $0x6  }
0x205: {  	_ =	sdelay $0x1  }
0x206: {  	s0 =	sadd.s32 $0x10400, s25;
	s7 =	sadd.s32 $0x10900, s25  }
0x207: {  	s8 =	sadd.s32 $0x10700, s25;
	s5 =	sadd.s32 $0x10980, s25;
	(v2sf) =	vpush v0, $0x7;
	s9 =	sadd.s32 $0x10600, s25  }
0x208: {  	s10 =	sadd.s32 $0x10780, s25;
	s6 =	sadd.s32 $0x10A00, s25;
	s11 =	sadd.s32 $0x10380, s25  }
0x209: {  	s12 =	sadd.s32 $0x10580, s25;
	s13 =	sadd.s32 $0x10680, s25;
	(v2sf) =	vpush v0, $0x8;
	s14 =	spop (v2sf)  }
0x20a: {  	s15 =	sadd.s32 $0x10480, s25;
	s14 =	sand.u32 $0x1FFFFFF0, s14;
	s16 =	spop (v2sf)  }
0x20b: {  	(v2sf) =	vpush v0, $0x9;
	s14 =	sadd.s32 s4, s14;
	s16 =	sand.u32 $0x1FFFFFF0, s16;
	s17 =	spop (v2sf)  }
0x20c: {  	[tilespmem:s11], [sflag:$0x7] =	stream.linear.gather [hbm4b:s14+s23], $0x80, $0x38;
	[tilespmem:$0x1C380] =	vst v63  }
0x20d: {  	s18 =	sadd.s32 $0x10500, s25;
	(v2sf) =	vpush v0, $0xA;
	s28 =	sadd.s32 s4, s16;
	s30 =	spop (v2sf)  }
0x20e: {  	[tilespmem:s0], [sflag:$0x7] =	stream.linear.gather [hbm4b:s28+s23], $0x80, $0x38;
	[tilespmem:$0x1C380] =	vst v63  }
0x20f: {  	s11 =	sadd.s32 $0x10880, s25;
	s17 =	sand.u32 $0x1FFFFFF0, s17;
	(v2sf) =	vpush v0, $0xB;
	s19 =	spop (v2sf)  }
0x210: {  	s14 =	sadd.s32 s4, s17;
	s0 =	sadd.s32 $0x10800, s25;
	s17 =	sand.u32 $0x1FFFFFF0, s19  }
0x211: {  	(v2sf) =	vpush v0, $0xC;
	[tilespmem:s15], [sflag:$0x7] =	stream.linear.gather [hbm4b:s14+s23], $0x80, $0x38;
	[tilespmem:$0x1C380] =	vst v63  }
0x212: {  	s28 =	sand.u32 $0x1FFFFFF0, s30;
	s30 =	spop (v2sf);
	s17 =	sadd.s32 s4, s17  }
0x213: {  	(v2sf) =	vpush v0, $0xD;
	[tilespmem:s18], [sflag:$0x7] =	stream.linear.gather [hbm4b:s17+s23], $0x80, $0x38;
	[tilespmem:$0x1C380] =	vst v63  }
0x214: {  	s14 =	sadd.s32 s4, s28;
	s15 =	sand.u32 $0x1FFFFFF0, s30;
	s19 =	spop (v2sf)  }
0x215: {  	(v2sf) =	vpush v0, $0xE;
	[tilespmem:s12], [sflag:$0x7] =	stream.linear.gather [hbm4b:s14+s23], $0x80, $0x38;
	[tilespmem:$0x1C380] =	vst v63  }
0x216: {  	s15 =	sadd.s32 s4, s15;
	s28 =	sand.u32 $0x1FFFFFF0, s19;
	s30 =	spop (v2sf)  }
0x217: {  	(v2sf) =	vpush v0, $0xF;
	[tilespmem:s9], [sflag:$0x7] =	stream.linear.gather [hbm4b:s15+s23], $0x80, $0x38;
	[tilespmem:$0x1C380] =	vst v63  }
0x218: {  	s16 =	spop (v2sf);
	s12 =	sadd.s32 s4, s28;
	s15 =	sand.u32 $0x1FFFFFF0, s30  }
0x219: {  	[tilespmem:s13], [sflag:$0x7] =	stream.linear.gather [hbm4b:s12+s23], $0x80, $0x38;
	[tilespmem:$0x1C380] =	vst v63  }
0x21a: {  	s17 =	sand.u32 $0x1FFFFFF0, s16;
	s9 =	sadd.s32 s4, s15;
	s18 =	spop (v2sf)  }
0x21b: {  	[tilespmem:s8], [sflag:$0x7] =	stream.linear.gather [hbm4b:s9+s23], $0x80, $0x38;
	[tilespmem:$0x1C380] =	vst v63  }
0x21c: {  	s12 =	sadd.s32 s4, s17;
	s19 =	sand.u32 $0x1FFFFFF0, s18;
	s28 =	spop (v2sf)  }
0x21d: {  	[tilespmem:s10], [sflag:$0x7] =	stream.linear.gather [hbm4b:s12+s23], $0x80, $0x38;
	[tilespmem:$0x1C380] =	vst v63  }
0x21e: {  	s9 =	sand.u32 $0x1FFFFFF0, s28;
	s8 =	sadd.s32 s4, s19;
	s30 =	spop (v2sf)  }
0x21f: {  	[tilespmem:s0], [sflag:$0x7] =	stream.linear.gather [hbm4b:s8+s23], $0x80, $0x38;
	[tilespmem:$0x1C380] =	vst v63  }
0x220: {  	s9 =	sadd.s32 s4, s9;
	s12 =	sand.u32 $0x1FFFFFF0, s30;
	s13 =	spop (v2sf)  }
0x221: {  	[tilespmem:s11], [sflag:$0x7] =	stream.linear.gather [hbm4b:s9+s23], $0x80, $0x38;
	[tilespmem:$0x1C380] =	vst v63  }
0x222: {  	s0 =	sadd.s32 s4, s12;
	s8 =	sand.u32 $0x1FFFFFF0, s13;
	s14 =	spop (v2sf)  }
0x223: {  	[tilespmem:s7], [sflag:$0x7] =	stream.linear.gather [hbm4b:s0+s23], $0x80, $0x38;
	[tilespmem:$0x1C380] =	vst v63  }
0x224: {  	s15 =	sand.u32 $0x1FFFFFF0, s14;
	s8 =	sadd.s32 s4, s8;
	s16 =	spop (v2sf)  }
0x225: {  	[tilespmem:s5], [sflag:$0x7] =	stream.linear.gather [hbm4b:s8+s23], $0x80, $0x38;
	[tilespmem:$0x1C380] =	vst v63  }
0x226: {  	s17 =	sand.u32 $0x1FFFFFF0, s16;
	s18 =	spop (v2sf);
	s0 =	sadd.s32 s4, s15  }
0x227: {  	[tilespmem:s6], [sflag:$0x7] =	stream.linear.gather [hbm4b:s0+s23], $0x80, $0x38;
	[tilespmem:$0x1C380] =	vst v63  }
0x228: {  	s28 =	sadd.s32 $0x10A80, s25;
	s19 =	sand.u32 $0x1FFFFFF0, s18;
	s5 =	sadd.s32 s4, s17  }
0x229: {  	[tilespmem:s28], [sflag:$0x7] =	stream.linear.gather [hbm4b:s5+s23], $0x80, $0x38;
	[tilespmem:$0x1C380] =	vst v63  }
0x22a: {  	s31 =	simm.s32 $0x280;
	s30 =	sadd.s32 $0x10B00, s25;
	s0 =	sadd.s32 s4, s19  }
0x22b: {  	[tilespmem:s30], [sflag:$0x7] =	stream.linear.gather [hbm4b:s0+s23], $0x80, $0x38;
	[tilespmem:$0x1C380] =	vst v63  }
0x22c: {  	v0 =	vld [tilespmem:s31+$0x0];
	_ =	sdelay $0x4  }
0x22d: {  	v0 =	vshll.u32 v0, $0x4  }
0x22e: {  	(v2sf) =	vpush v0, $0x0  }
0x22f: {  	(v2sf) =	vpush v0, $0x1  }
0x230: {  	(v2sf) =	vpush v0, $0x2;
	_ =	sdelay $0x1  }
0x231: {  	(v2sf) =	vpush v0, $0x4;
	_ =	sdelay $0x1  }
0x232: {  	(v2sf) =	vpush v0, $0x3  }
0x233: {  	(v2sf) =	vpush v0, $0x5  }
0x234: {  	s25 =	simm.s32 $0x0;
	s5 =	simm.s32 $0x2000;
	(v2sf) =	vpush v0, $0x6  }
.LBB2_12:
0x235: {  	p0 =	sne.s32 s5, $0xE000  }
0x236: {  	s0 =	sadd.s32 $0x14400, s25;
	s9 =	sadd.s32 $0x14900, s25;
	s6 =	smov.u32 s5  }
0x237: {  	s5 =	sadd.s32 $0x2000, s5;
	s13 =	sadd.s32 $0x14700, s25;
	s7 =	sadd.s32 $0x14980, s25;
	(v2sf) =	vpush v0, $0x7  }
0x238: {  	s15 =	sadd.s32 $0x14600, s25;
	s11 =	sadd.s32 $0x14780, s25;
	s8 =	sadd.s32 $0x14A00, s25  }
0x239: {  	s12 =	sadd.s32 $0x14380, s25;
	s16 =	sadd.s32 $0x14580, s25;
	(v2sf) =	vpush v0, $0x8  }
0x23a: {  	s17 =	sadd.s32 $0x14680, s25;
	s31 =	sadd.s32 $0x10, s31  }
0x23b: {  	s18 =	sadd.s32 $0x14480, s25;
	s10 =	sadd.s32 $0x14880, s25;
	s14 =	spop (v2sf);
	(v2sf) =	vpush v0, $0x9  }
0x23c: {  	s19 =	sand.u32 $0x1FFFFFF0, s14;
	s14 =	sadd.s32 $0x14800, s25;
	s28 =	spop (v2sf)  }
0x23d: {  	s19 =	sadd.s32 s4, s19;
	s28 =	sand.u32 $0x1FFFFFF0, s28;
	s30 =	spop (v2sf);
	(v2sf) =	vpush v0, $0xA  }
0x23e: {  	[tilespmem:s12], [sflag:$0x8] =	stream.linear.gather [hbm4b:s19+s23], $0x80, $0x38;
	[tilespmem:$0x1C380] =	vst v63  }
0x23f: {  	s12 =	sadd.s32 s4, s28;
	s19 =	sadd.s32 $0x14500, s25;
	s28 =	spop (v2sf);
	(v2sf) =	vpush v0, $0xB  }
0x240: {  	[tilespmem:s0], [sflag:$0x8] =	stream.linear.gather [hbm4b:s12+s23], $0x80, $0x38;
	[tilespmem:$0x1C380] =	vst v63  }
0x241: {  	s0 =	sand.u32 $0x1FFFFFF0, s30;
	s12 =	sand.u32 $0x1FFFFFF0, s28;
	s28 =	spop (v2sf);
	(v2sf) =	vpush v0, $0xC  }
0x242: {  	s0 =	sadd.s32 s4, s0;
	s28 =	sand.u32 $0x1FFFFFF0, s28;
	s30 =	spop (v2sf)  }
0x243: {  	[tilespmem:s18], [sflag:$0x8] =	stream.linear.gather [hbm4b:s0+s23], $0x80, $0x38;
	(v2sf) =	vpush v0, $0xD;
	[tilespmem:$0x1C380] =	vst v63  }
0x244: {  	s0 =	sadd.s32 s4, s28;
	s18 =	sand.u32 $0x1FFFFFF0, s30;
	s28 =	spop (v2sf)  }
0x245: {  	[tilespmem:s19], [sflag:$0x8] =	stream.linear.gather [hbm4b:s0+s23], $0x80, $0x38;
	(v2sf) =	vpush v0, $0xE;
	[tilespmem:$0x1C380] =	vst v63  }
0x246: {  	s0 =	sadd.s32 s4, s12;
	s12 =	sand.u32 $0x1FFFFFF0, s28;
	s19 =	spop (v2sf)  }
0x247: {  	[tilespmem:s16], [sflag:$0x8] =	stream.linear.gather [hbm4b:s0+s23], $0x80, $0x38;
	(v2sf) =	vpush v0, $0xF;
	[tilespmem:$0x1C380] =	vst v63  }
0x248: {  	s0 =	sadd.s32 s4, s18;
	s16 =	sand.u32 $0x1FFFFFF0, s19;
	s18 =	spop (v2sf)  }
0x249: {  	[tilespmem:s15], [sflag:$0x8] =	stream.linear.gather [hbm4b:s0+s23], $0x80, $0x38;
	[tilespmem:$0x1C380] =	vst v63  }
0x24a: {  	s0 =	sadd.s32 s4, s12;
	s12 =	sand.u32 $0x1FFFFFF0, s18;
	s15 =	spop (v2sf)  }
0x24b: {  	[tilespmem:s17], [sflag:$0x8] =	stream.linear.gather [hbm4b:s0+s23], $0x80, $0x38;
	[tilespmem:$0x1C380] =	vst v63  }
0x24c: {  	s0 =	sadd.s32 s4, s16;
	s15 =	sand.u32 $0x1FFFFFF0, s15;
	s16 =	spop (v2sf)  }
0x24d: {  	[tilespmem:s13], [sflag:$0x8] =	stream.linear.gather [hbm4b:s0+s23], $0x80, $0x38;
	[tilespmem:$0x1C380] =	vst v63  }
0x24e: {  	s0 =	sadd.s32 s4, s12;
	s12 =	sand.u32 $0x1FFFFFF0, s16;
	s13 =	spop (v2sf)  }
0x24f: {  	[tilespmem:s11], [sflag:$0x8] =	stream.linear.gather [hbm4b:s0+s23], $0x80, $0x38;
	[tilespmem:$0x1C380] =	vst v63  }
0x250: {  	s0 =	sadd.s32 s4, s15;
	s11 =	sand.u32 $0x1FFFFFF0, s13;
	s13 =	spop (v2sf)  }
0x251: {  	[tilespmem:s14], [sflag:$0x8] =	stream.linear.gather [hbm4b:s0+s23], $0x80, $0x38;
	[tilespmem:$0x1C380] =	vst v63  }
0x252: {  	s0 =	sadd.s32 s4, s12;
	s12 =	sand.u32 $0x1FFFFFF0, s13;
	s13 =	spop (v2sf)  }
0x253: {  	[tilespmem:s10], [sflag:$0x8] =	stream.linear.gather [hbm4b:s0+s23], $0x80, $0x38;
	[tilespmem:$0x1C380] =	vst v63  }
0x254: {  	s0 =	sadd.s32 s4, s11;
	s10 =	sand.u32 $0x1FFFFFF0, s13;
	s11 =	spop (v2sf)  }
0x255: {  	[tilespmem:s9], [sflag:$0x8] =	stream.linear.gather [hbm4b:s0+s23], $0x80, $0x38;
	[tilespmem:$0x1C380] =	vst v63  }
0x256: {  	s0 =	sadd.s32 s4, s12;
	s9 =	sand.u32 $0x1FFFFFF0, s11;
	s11 =	spop (v2sf)  }
0x257: {  	[tilespmem:s7], [sflag:$0x8] =	stream.linear.gather [hbm4b:s0+s23], $0x80, $0x38;
	[tilespmem:$0x1C380] =	vst v63  }
0x258: {  	s0 =	sadd.s32 s4, s10;
	s7 =	sand.u32 $0x1FFFFFF0, s11  }
0x259: {  	[tilespmem:s8], [sflag:$0x8] =	stream.linear.gather [hbm4b:s0+s23], $0x80, $0x38;
	[tilespmem:$0x1C380] =	vst v63  }
0x25a: {  	s0 =	sadd.s32 $0x14A80, s25;
	s8 =	sadd.s32 s4, s9  }
0x25b: {  	[tilespmem:s0], [sflag:$0x8] =	stream.linear.gather [hbm4b:s8+s23], $0x80, $0x38;
	[tilespmem:$0x1C380] =	vst v63  }
0x25c: {  	s7 =	sadd.s32 s4, s7;
	s0 =	sadd.s32 $0x14B00, s25  }
0x25d: {  	[tilespmem:s0], [sflag:$0x8] =	stream.linear.gather [hbm4b:s7+s23], $0x80, $0x38;
	[tilespmem:$0x1C380] =	vst v63  }
0x25e: {  	v0 =	vld [tilespmem:s31+$0x0];
	_ =	sdelay $0x4  }
0x25f: {  	v0 =	vshll.u32 v0, $0x4  }
0x260: {  	(v2sf) =	vpush v0, $0x0  }
0x261: {  	(v2sf) =	vpush v0, $0x1  }
0x262: {  	(v2sf) =	vpush v0, $0x2;
	_ =	sdelay $0x1  }
0x263: {  	(v2sf) =	vpush v0, $0x4  }
.Ltmp5:
0x264: {  	(pc) =	sbr.rel @p0 .LBB2_12-.Ltmp5, $3  }
0x265: {  	(v2sf) =	vpush v0, $0x3  }
0x266: {  	(v2sf) =	vpush v0, $0x5;
	_ =	sdelay $0x1  }
0x267: {  	s25 =	sshra.s32 s6, $0x2;
	(v2sf) =	vpush v0, $0x6  }
0x268: {  	_ =	sdelay $0x1  }
0x269: {  	s0 =	sadd.s32 $0x14400, s25;
	s7 =	sadd.s32 $0x14900, s25  }
0x26a: {  	s8 =	sadd.s32 $0x14700, s25;
	s5 =	sadd.s32 $0x14980, s25;
	(v2sf) =	vpush v0, $0x7;
	s9 =	sadd.s32 $0x14600, s25  }
0x26b: {  	s10 =	sadd.s32 $0x14780, s25;
	s6 =	sadd.s32 $0x14A00, s25;
	s11 =	sadd.s32 $0x14380, s25  }
0x26c: {  	s12 =	sadd.s32 $0x14580, s25;
	s13 =	sadd.s32 $0x14680, s25;
	(v2sf) =	vpush v0, $0x8;
	s14 =	spop (v2sf)  }
0x26d: {  	s15 =	sadd.s32 $0x14480, s25;
	s14 =	sand.u32 $0x1FFFFFF0, s14;
	s16 =	spop (v2sf)  }
0x26e: {  	(v2sf) =	vpush v0, $0x9;
	s14 =	sadd.s32 s4, s14;
	s16 =	sand.u32 $0x1FFFFFF0, s16;
	s17 =	spop (v2sf)  }
0x26f: {  	[tilespmem:s11], [sflag:$0x8] =	stream.linear.gather [hbm4b:s14+s23], $0x80, $0x38;
	[tilespmem:$0x1C380] =	vst v63  }
0x270: {  	(v2sf) =	vpush v0, $0xA;
	s18 =	sadd.s32 s4, s16;
	s28 =	sand.u32 $0x1FFFFFF0, s17;
	s19 =	spop (v2sf)  }
0x271: {  	[tilespmem:s0], [sflag:$0x8] =	stream.linear.gather [hbm4b:s18+s23], $0x80, $0x38;
	[tilespmem:$0x1C380] =	vst v63  }
0x272: {  	s11 =	sadd.s32 $0x14880, s25;
	(v2sf) =	vpush v0, $0xB;
	s14 =	sadd.s32 s4, s28;
	s30 =	spop (v2sf)  }
0x273: {  	s0 =	sadd.s32 $0x14800, s25;
	s18 =	sadd.s32 $0x14500, s25;
	s17 =	sand.u32 $0x1FFFFFF0, s30  }
0x274: {  	(v2sf) =	vpush v0, $0xC;
	[tilespmem:s15], [sflag:$0x8] =	stream.linear.gather [hbm4b:s14+s23], $0x80, $0x38;
	[tilespmem:$0x1C380] =	vst v63  }
0x275: {  	s31 =	sand.u32 $0x1FFFFFF0, s19;
	s19 =	spop (v2sf);
	s28 =	sadd.s32 s4, s17  }
0x276: {  	(v2sf) =	vpush v0, $0xD;
	[tilespmem:s18], [sflag:$0x8] =	stream.linear.gather [hbm4b:s28+s23], $0x80, $0x38;
	[tilespmem:$0x1C380] =	vst v63  }
0x277: {  	s14 =	sadd.s32 s4, s31;
	s15 =	sand.u32 $0x1FFFFFF0, s19;
	s30 =	spop (v2sf)  }
0x278: {  	(v2sf) =	vpush v0, $0xE;
	[tilespmem:s12], [sflag:$0x8] =	stream.linear.gather [hbm4b:s14+s23], $0x80, $0x38;
	[tilespmem:$0x1C380] =	vst v63  }
0x279: {  	s15 =	sadd.s32 s4, s15;
	s31 =	sand.u32 $0x1FFFFFF0, s30;
	s16 =	spop (v2sf)  }
0x27a: {  	(v2sf) =	vpush v0, $0xF;
	[tilespmem:s9], [sflag:$0x8] =	stream.linear.gather [hbm4b:s15+s23], $0x80, $0x38;
	[tilespmem:$0x1C380] =	vst v63  }
0x27b: {  	s17 =	sand.u32 $0x1FFFFFF0, s16;
	s18 =	spop (v2sf);
	s12 =	sadd.s32 s4, s31  }
0x27c: {  	[tilespmem:s13], [sflag:$0x8] =	stream.linear.gather [hbm4b:s12+s23], $0x80, $0x38;
	[tilespmem:$0x1C380] =	vst v63  }
0x27d: {  	s19 =	sand.u32 $0x1FFFFFF0, s18;
	s9 =	sadd.s32 s4, s17;
	s28 =	spop (v2sf)  }
0x27e: {  	[tilespmem:s8], [sflag:$0x8] =	stream.linear.gather [hbm4b:s9+s23], $0x80, $0x38;
	[tilespmem:$0x1C380] =	vst v63  }
0x27f: {  	s12 =	sadd.s32 s4, s19;
	s30 =	sand.u32 $0x1FFFFFF0, s28;
	s31 =	spop (v2sf)  }
0x280: {  	[tilespmem:s10], [sflag:$0x8] =	stream.linear.gather [hbm4b:s12+s23], $0x80, $0x38;
	[tilespmem:$0x1C380] =	vst v63  }
0x281: {  	s9 =	sand.u32 $0x1FFFFFF0, s31;
	s8 =	sadd.s32 s4, s30;
	s12 =	spop (v2sf)  }
0x282: {  	[tilespmem:s0], [sflag:$0x8] =	stream.linear.gather [hbm4b:s8+s23], $0x80, $0x38;
	[tilespmem:$0x1C380] =	vst v63  }
0x283: {  	s9 =	sadd.s32 s4, s9;
	s13 =	sand.u32 $0x1FFFFFF0, s12;
	s14 =	spop (v2sf)  }
0x284: {  	[tilespmem:s11], [sflag:$0x8] =	stream.linear.gather [hbm4b:s9+s23], $0x80, $0x38;
	[tilespmem:$0x1C380] =	vst v63  }
0x285: {  	s0 =	sadd.s32 s4, s13;
	s8 =	sand.u32 $0x1FFFFFF0, s14;
	s15 =	spop (v2sf)  }
0x286: {  	[tilespmem:s7], [sflag:$0x8] =	stream.linear.gather [hbm4b:s0+s23], $0x80, $0x38;
	[tilespmem:$0x1C380] =	vst v63  }
0x287: {  	s16 =	sand.u32 $0x1FFFFFF0, s15;
	s8 =	sadd.s32 s4, s8;
	s17 =	spop (v2sf)  }
0x288: {  	[tilespmem:s5], [sflag:$0x8] =	stream.linear.gather [hbm4b:s8+s23], $0x80, $0x38;
	[tilespmem:$0x1C380] =	vst v63  }
0x289: {  	s18 =	sand.u32 $0x1FFFFFF0, s17;
	s19 =	spop (v2sf);
	s0 =	sadd.s32 s4, s16  }
0x28a: {  	[tilespmem:s6], [sflag:$0x8] =	stream.linear.gather [hbm4b:s0+s23], $0x80, $0x38;
	[tilespmem:$0x1C380] =	vst v63  }
0x28b: {  	s30 =	sadd.s32 $0x14A80, s25;
	s28 =	sand.u32 $0x1FFFFFF0, s19;
	s5 =	sadd.s32 s4, s18  }
0x28c: {  	[tilespmem:s30], [sflag:$0x8] =	stream.linear.gather [hbm4b:s5+s23], $0x80, $0x38;
	[tilespmem:$0x1C380] =	vst v63  }
0x28d: {  	s31 =	sadd.s32 $0x14B00, s25;
	s25 =	simm.s32 $0x300;
	s0 =	sadd.s32 s4, s28  }
0x28e: {  	[tilespmem:s31], [sflag:$0x8] =	stream.linear.gather [hbm4b:s0+s23], $0x80, $0x38;
	[tilespmem:$0x1C380] =	vst v63  }
0x28f: {  	v0 =	vld [tilespmem:s25+$0x0];
	_ =	sdelay $0x4  }
0x290: {  	v0 =	vshll.u32 v0, $0x4  }
0x291: {  	(v2sf) =	vpush v0, $0x0  }
0x292: {  	(v2sf) =	vpush v0, $0x1  }
0x293: {  	(v2sf) =	vpush v0, $0x2;
	_ =	sdelay $0x1  }
0x294: {  	(v2sf) =	vpush v0, $0x4;
	_ =	sdelay $0x1  }
0x295: {  	(v2sf) =	vpush v0, $0x3  }
0x296: {  	(v2sf) =	vpush v0, $0x5  }
0x297: {  	s5 =	simm.s32 $0x2000;
	s23 =	simm.s32 $0x0;
	(v2sf) =	vpush v0, $0x6  }
.LBB2_14:
0x298: {  	p0 =	sne.s32 s5, $0xE000  }
0x299: {  	s0 =	sadd.s32 $0x18400, s23;
	s9 =	sadd.s32 $0x18900, s23;
	s6 =	smov.u32 s5  }
0x29a: {  	s5 =	sadd.s32 $0x2000, s5;
	s13 =	sadd.s32 $0x18700, s23;
	s7 =	sadd.s32 $0x18980, s23;
	(v2sf) =	vpush v0, $0x7  }
0x29b: {  	s15 =	sadd.s32 $0x18600, s23;
	s11 =	sadd.s32 $0x18780, s23;
	s8 =	sadd.s32 $0x18A00, s23  }
0x29c: {  	s12 =	sadd.s32 $0x18380, s23;
	s16 =	sadd.s32 $0x18580, s23;
	(v2sf) =	vpush v0, $0x8  }
0x29d: {  	s17 =	sadd.s32 $0x18680, s23;
	s25 =	sadd.s32 $0x10, s25  }
0x29e: {  	s18 =	sadd.s32 $0x18480, s23;
	s10 =	sadd.s32 $0x18880, s23;
	s14 =	spop (v2sf);
	(v2sf) =	vpush v0, $0x9  }
0x29f: {  	s19 =	sand.u32 $0x1FFFFFF0, s14;
	s14 =	sadd.s32 $0x18800, s23;
	s28 =	spop (v2sf)  }
0x2a0: {  	s19 =	sadd.s32 s4, s19;
	s28 =	sand.u32 $0x1FFFFFF0, s28;
	s30 =	spop (v2sf);
	(v2sf) =	vpush v0, $0xA  }
0x2a1: {  	[tilespmem:s12], [sflag:$0x9] =	stream.linear.gather [hbm4b:s19+s1], $0x80, $0x38;
	[tilespmem:$0x1C380] =	vst v63  }
0x2a2: {  	s12 =	sadd.s32 s4, s28;
	s19 =	sadd.s32 $0x18500, s23;
	s28 =	spop (v2sf);
	(v2sf) =	vpush v0, $0xB  }
0x2a3: {  	[tilespmem:s0], [sflag:$0x9] =	stream.linear.gather [hbm4b:s12+s1], $0x80, $0x38;
	[tilespmem:$0x1C380] =	vst v63  }
0x2a4: {  	s0 =	sand.u32 $0x1FFFFFF0, s30;
	s12 =	sand.u32 $0x1FFFFFF0, s28;
	s28 =	spop (v2sf);
	(v2sf) =	vpush v0, $0xC  }
0x2a5: {  	s0 =	sadd.s32 s4, s0;
	s28 =	sand.u32 $0x1FFFFFF0, s28;
	s30 =	spop (v2sf)  }
0x2a6: {  	[tilespmem:s18], [sflag:$0x9] =	stream.linear.gather [hbm4b:s0+s1], $0x80, $0x38;
	(v2sf) =	vpush v0, $0xD;
	[tilespmem:$0x1C380] =	vst v63  }
0x2a7: {  	s0 =	sadd.s32 s4, s28;
	s18 =	sand.u32 $0x1FFFFFF0, s30;
	s28 =	spop (v2sf)  }
0x2a8: {  	[tilespmem:s19], [sflag:$0x9] =	stream.linear.gather [hbm4b:s0+s1], $0x80, $0x38;
	(v2sf) =	vpush v0, $0xE;
	[tilespmem:$0x1C380] =	vst v63  }
0x2a9: {  	s0 =	sadd.s32 s4, s12;
	s12 =	sand.u32 $0x1FFFFFF0, s28;
	s19 =	spop (v2sf)  }
0x2aa: {  	[tilespmem:s16], [sflag:$0x9] =	stream.linear.gather [hbm4b:s0+s1], $0x80, $0x38;
	(v2sf) =	vpush v0, $0xF;
	[tilespmem:$0x1C380] =	vst v63  }
0x2ab: {  	s0 =	sadd.s32 s4, s18;
	s16 =	sand.u32 $0x1FFFFFF0, s19;
	s18 =	spop (v2sf)  }
0x2ac: {  	[tilespmem:s15], [sflag:$0x9] =	stream.linear.gather [hbm4b:s0+s1], $0x80, $0x38;
	[tilespmem:$0x1C380] =	vst v63  }
0x2ad: {  	s0 =	sadd.s32 s4, s12;
	s12 =	sand.u32 $0x1FFFFFF0, s18;
	s15 =	spop (v2sf)  }
0x2ae: {  	[tilespmem:s17], [sflag:$0x9] =	stream.linear.gather [hbm4b:s0+s1], $0x80, $0x38;
	[tilespmem:$0x1C380] =	vst v63  }
0x2af: {  	s0 =	sadd.s32 s4, s16;
	s15 =	sand.u32 $0x1FFFFFF0, s15;
	s16 =	spop (v2sf)  }
0x2b0: {  	[tilespmem:s13], [sflag:$0x9] =	stream.linear.gather [hbm4b:s0+s1], $0x80, $0x38;
	[tilespmem:$0x1C380] =	vst v63  }
0x2b1: {  	s0 =	sadd.s32 s4, s12;
	s12 =	sand.u32 $0x1FFFFFF0, s16;
	s13 =	spop (v2sf)  }
0x2b2: {  	[tilespmem:s11], [sflag:$0x9] =	stream.linear.gather [hbm4b:s0+s1], $0x80, $0x38;
	[tilespmem:$0x1C380] =	vst v63  }
0x2b3: {  	s0 =	sadd.s32 s4, s15;
	s11 =	sand.u32 $0x1FFFFFF0, s13;
	s13 =	spop (v2sf)  }
0x2b4: {  	[tilespmem:s14], [sflag:$0x9] =	stream.linear.gather [hbm4b:s0+s1], $0x80, $0x38;
	[tilespmem:$0x1C380] =	vst v63  }
0x2b5: {  	s0 =	sadd.s32 s4, s12;
	s12 =	sand.u32 $0x1FFFFFF0, s13;
	s13 =	spop (v2sf)  }
0x2b6: {  	[tilespmem:s10], [sflag:$0x9] =	stream.linear.gather [hbm4b:s0+s1], $0x80, $0x38;
	[tilespmem:$0x1C380] =	vst v63  }
0x2b7: {  	s0 =	sadd.s32 s4, s11;
	s10 =	sand.u32 $0x1FFFFFF0, s13;
	s11 =	spop (v2sf)  }
0x2b8: {  	[tilespmem:s9], [sflag:$0x9] =	stream.linear.gather [hbm4b:s0+s1], $0x80, $0x38;
	[tilespmem:$0x1C380] =	vst v63  }
0x2b9: {  	s0 =	sadd.s32 s4, s12;
	s9 =	sand.u32 $0x1FFFFFF0, s11;
	s11 =	spop (v2sf)  }
0x2ba: {  	[tilespmem:s7], [sflag:$0x9] =	stream.linear.gather [hbm4b:s0+s1], $0x80, $0x38;
	[tilespmem:$0x1C380] =	vst v63  }
0x2bb: {  	s0 =	sadd.s32 s4, s10;
	s7 =	sand.u32 $0x1FFFFFF0, s11  }
0x2bc: {  	[tilespmem:s8], [sflag:$0x9] =	stream.linear.gather [hbm4b:s0+s1], $0x80, $0x38;
	[tilespmem:$0x1C380] =	vst v63  }
0x2bd: {  	s0 =	sadd.s32 $0x18A80, s23;
	s8 =	sadd.s32 s4, s9  }
0x2be: {  	[tilespmem:s0], [sflag:$0x9] =	stream.linear.gather [hbm4b:s8+s1], $0x80, $0x38;
	[tilespmem:$0x1C380] =	vst v63  }
0x2bf: {  	s7 =	sadd.s32 s4, s7;
	s0 =	sadd.s32 $0x18B00, s23  }
0x2c0: {  	[tilespmem:s0], [sflag:$0x9] =	stream.linear.gather [hbm4b:s7+s1], $0x80, $0x38;
	[tilespmem:$0x1C380] =	vst v63  }
0x2c1: {  	v0 =	vld [tilespmem:s25+$0x0];
	_ =	sdelay $0x4  }
0x2c2: {  	v0 =	vshll.u32 v0, $0x4  }
0x2c3: {  	(v2sf) =	vpush v0, $0x0  }
0x2c4: {  	(v2sf) =	vpush v0, $0x1  }
0x2c5: {  	(v2sf) =	vpush v0, $0x2;
	_ =	sdelay $0x1  }
0x2c6: {  	(v2sf) =	vpush v0, $0x4  }
.Ltmp6:
0x2c7: {  	(pc) =	sbr.rel @p0 .LBB2_14-.Ltmp6, $3  }
0x2c8: {  	(v2sf) =	vpush v0, $0x3  }
0x2c9: {  	(v2sf) =	vpush v0, $0x5;
	_ =	sdelay $0x1  }
0x2ca: {  	s23 =	sshra.s32 s6, $0x2;
	(v2sf) =	vpush v0, $0x6  }
0x2cb: {  	_ =	sdelay $0x5  }
0x2cc: {  	s0 =	spop (v2sf)  }
0x2cd: {  	s5 =	spop (v2sf)  }
0x2ce: {  	s14 =	spop (v2sf)  }
0x2cf: {  	s17 =	spop (v2sf);
	(v2sf) =	vpush v0, $0x7  }
0x2d0: {  	s0 =	sand.u32 $0x1FFFFFF0, s0  }
0x2d1: {  	s6 =	sadd.s32 $0x18380, s23;
	s0 =	sadd.s32 s4, s0  }
0x2d2: {  	[tilespmem:s6], [sflag:$0x9] =	stream.linear.gather [hbm4b:s0+s1], $0x80, $0x38;
	[tilespmem:$0x1C380] =	vst v63  }
0x2d3: {  	s5 =	sand.u32 $0x1FFFFFF0, s5;
	s18 =	spop (v2sf);
	(v2sf) =	vpush v0, $0x8  }
0x2d4: {  	s13 =	sadd.s32 $0x18400, s23;
	s5 =	sadd.s32 s4, s5  }
0x2d5: {  	[tilespmem:s13], [sflag:$0x9] =	stream.linear.gather [hbm4b:s5+s1], $0x80, $0x38;
	[tilespmem:$0x1C380] =	vst v63  }
0x2d6: {  	s15 =	sand.u32 $0x1FFFFFF0, s14;
	s30 =	spop (v2sf);
	(v2sf) =	vpush v0, $0x9  }
0x2d7: {  	s16 =	sadd.s32 $0x18480, s23;
	s0 =	sadd.s32 s4, s15  }
0x2d8: {  	[tilespmem:s16], [sflag:$0x9] =	stream.linear.gather [hbm4b:s0+s1], $0x80, $0x38;
	[tilespmem:$0x1C380] =	vst v63  }
0x2d9: {  	s0 =	sand.u32 $0x1FFFFFF0, s18;
	s6 =	spop (v2sf);
	(v2sf) =	vpush v0, $0xA  }
0x2da: {  	s19 =	sadd.s32 $0x18500, s23;
	s25 =	sand.u32 $0x1FFFFFF0, s17;
	s0 =	sadd.s32 s4, s0  }
0x2db: {  	[tilespmem:s19], [sflag:$0x9] =	stream.linear.gather [hbm4b:s0+s1], $0x80, $0x38;
	[tilespmem:$0x1C380] =	vst v63  }
0x2dc: {  	s28 =	sadd.s32 $0x18580, s23;
	s0 =	sadd.s32 s4, s25  }
0x2dd: {  	[tilespmem:s28], [sflag:$0x9] =	stream.linear.gather [hbm4b:s0+s1], $0x80, $0x38;
	[tilespmem:$0x1C380] =	vst v63  }
0x2de: {  	s0 =	sand.u32 $0x1FFFFFF0, s30;
	s8 =	spop (v2sf);
	(v2sf) =	vpush v0, $0xB  }
0x2df: {  	s31 =	sadd.s32 $0x18600, s23;
	s0 =	sadd.s32 s4, s0  }
0x2e0: {  	[tilespmem:s31], [sflag:$0x9] =	stream.linear.gather [hbm4b:s0+s1], $0x80, $0x38;
	[tilespmem:$0x1C380] =	vst v63  }
0x2e1: {  	s0 =	sand.u32 $0x1FFFFFF0, s6  }
0x2e2: {  	s7 =	sadd.s32 $0x18680, s23;
	s0 =	sadd.s32 s4, s0;
	s10 =	spop (v2sf);
	(v2sf) =	vpush v0, $0xC  }
0x2e3: {  	[tilespmem:s7], [sflag:$0x9] =	stream.linear.gather [hbm4b:s0+s1], $0x80, $0x38;
	[tilespmem:$0x1C380] =	vst v63  }
0x2e4: {  	s0 =	sand.u32 $0x1FFFFFF0, s8  }
0x2e5: {  	s9 =	sadd.s32 $0x18700, s23;
	s0 =	sadd.s32 s4, s0;
	s12 =	spop (v2sf);
	(v2sf) =	vpush v0, $0xD  }
0x2e6: {  	[tilespmem:s9], [sflag:$0x9] =	stream.linear.gather [hbm4b:s0+s1], $0x80, $0x38;
	[tilespmem:$0x1C380] =	vst v63  }
0x2e7: {  	s0 =	sand.u32 $0x1FFFFFF0, s10  }
0x2e8: {  	s11 =	sadd.s32 $0x18780, s23;
	s0 =	sadd.s32 s4, s0;
	s14 =	spop (v2sf);
	(v2sf) =	vpush v0, $0xE  }
0x2e9: {  	[tilespmem:s11], [sflag:$0x9] =	stream.linear.gather [hbm4b:s0+s1], $0x80, $0x38;
	[tilespmem:$0x1C380] =	vst v63  }
0x2ea: {  	s0 =	sand.u32 $0x1FFFFFF0, s12  }
0x2eb: {  	s13 =	sadd.s32 $0x18800, s23;
	s0 =	sadd.s32 s4, s0  }
0x2ec: {  	[tilespmem:s13], [sflag:$0x9] =	stream.linear.gather [hbm4b:s0+s1], $0x80, $0x38;
	[tilespmem:$0x1C380] =	vst v63  }
0x2ed: {  	s0 =	sand.u32 $0x1FFFFFF0, s14;
	s16 =	spop (v2sf);
	(v2sf) =	vpush v0, $0xF  }
0x2ee: {  	s15 =	sadd.s32 $0x18880, s23;
	s0 =	sadd.s32 s4, s0  }
0x2ef: {  	[tilespmem:s15], [sflag:$0x9] =	stream.linear.gather [hbm4b:s0+s1], $0x80, $0x38;
	[tilespmem:$0x1C380] =	vst v63  }
0x2f0: {  	s0 =	sand.u32 $0x1FFFFFF0, s16  }
0x2f1: {  	s17 =	sadd.s32 $0x18900, s23;
	s0 =	sadd.s32 s4, s0;
	s18 =	spop (v2sf)  }
0x2f2: {  	[tilespmem:s17], [sflag:$0x9] =	stream.linear.gather [hbm4b:s0+s1], $0x80, $0x38;
	[tilespmem:$0x1C380] =	vst v63  }
0x2f3: {  	s0 =	sand.u32 $0x1FFFFFF0, s18  }
0x2f4: {  	s19 =	sadd.s32 $0x18980, s23;
	s25 =	spop (v2sf);
	s0 =	sadd.s32 s4, s0  }
0x2f5: {  	[tilespmem:s19], [sflag:$0x9] =	stream.linear.gather [hbm4b:s0+s1], $0x80, $0x38;
	[tilespmem:$0x1C380] =	vst v63  }
0x2f6: {  	s0 =	sand.u32 $0x1FFFFFF0, s25  }
0x2f7: {  	s28 =	sadd.s32 $0x18A00, s23;
	s30 =	spop (v2sf);
	s0 =	sadd.s32 s4, s0  }
0x2f8: {  	[tilespmem:s28], [sflag:$0x9] =	stream.linear.gather [hbm4b:s0+s1], $0x80, $0x38;
	[tilespmem:$0x1C380] =	vst v63  }
0x2f9: {  	s0 =	sand.u32 $0x1FFFFFF0, s30  }
0x2fa: {  	s31 =	sadd.s32 $0x18A80, s23;
	s0 =	sadd.s32 s4, s0  }
0x2fb: {  	[tilespmem:s31], [sflag:$0x9] =	stream.linear.gather [hbm4b:s0+s1], $0x80, $0x38;
	[tilespmem:$0x1C380] =	vst v63  }
0x2fc: {  	s5 =	spop (v2sf)  }
0x2fd: {  	s0 =	sand.u32 $0x1FFFFFF0, s5  }
0x2fe: {  	s6 =	sadd.s32 $0x18B00, s23;
	s7 =	simm.s32 $0x3;
	s0 =	sadd.s32 s4, s0  }
0x2ff: {  	[tilespmem:s6], [sflag:$0x9] =	stream.linear.gather [hbm4b:s0+s1], $0x80, $0x38;
	[tilespmem:$0x1C380] =	vst v63  }
0x300: {  	_ =	swait.ge [sflag:s7], $0x4000  }
0x301: {  	s9 =	simm.s32 $0x380;
	[sflag:s7] =	ssyncset.done $0x0  }
0x302: {  	s10 =	simm.s32 $0x4;
	s8 =	rddreg [dreg:$0xb];
	[sflag:s7] =	ssyncadd.s32 $0xFFFFC000  }
0x303: {  	[hbm4b:s8+s1] =	stream.linear.scatter [tilespmem:s9], [sflag:$0x2], $0x4000, $0x38;
	[tilespmem:$0x1C380] =	vst v63  }
0x304: {  	_ =	swait.ge [sflag:s10], $0x4000  }
0x305: {  	s12 =	simm.s32 $0x4380;
	[sflag:s10] =	ssyncset.done $0x0  }
0x306: {  	s13 =	simm.s32 $0x5;
	s11 =	rddreg [dreg:$0xc];
	[sflag:s10] =	ssyncadd.s32 $0xFFFFC000  }
0x307: {  	[hbm4b:s11+s1] =	stream.linear.scatter [tilespmem:s12], [sflag:$0x2], $0x4000, $0x38;
	[tilespmem:$0x1C380] =	vst v63  }
0x308: {  	_ =	swait.ge [sflag:s13], $0x4000  }
0x309: {  	[sflag:s13] =	ssyncset.done $0x0  }
0x30a: {  	s15 =	simm.s32 $0x8380;
	s14 =	rddreg [dreg:$0xd];
	[sflag:s13] =	ssyncadd.s32 $0xFFFFC000  }
0x30b: {  	[hbm4b:s14+s1] =	stream.linear.scatter [tilespmem:s15], [sflag:$0x2], $0x4000, $0x38;
	[tilespmem:$0x1C380] =	vst v63  }
0x30c: {  	_ =	swait.ge [sflag:s20], $0x4000  }
0x30d: {  	[sflag:s20] =	ssyncset.done $0x0  }
0x30e: {  	s17 =	simm.s32 $0xC380;
	s16 =	rddreg [dreg:$0xe];
	[sflag:s20] =	ssyncadd.s32 $0xFFFFC000  }
0x30f: {  	[hbm4b:s16+s1] =	stream.linear.scatter [tilespmem:s17], [sflag:$0x2], $0x4000, $0x38;
	[tilespmem:$0x1C380] =	vst v63  }
0x310: {  	_ =	swait.ge [sflag:s22], $0x4000  }
0x311: {  	[sflag:s22] =	ssyncset.done $0x0  }
0x312: {  	s19 =	simm.s32 $0x10380;
	s18 =	rddreg [dreg:$0xf];
	[sflag:s22] =	ssyncadd.s32 $0xFFFFC000  }
0x313: {  	[hbm4b:s18+s1] =	stream.linear.scatter [tilespmem:s19], [sflag:$0x2], $0x4000, $0x38;
	[tilespmem:$0x1C380] =	vst v63  }
0x314: {  	_ =	swait.ge [sflag:s24], $0x4000  }
0x315: {  	[sflag:s24] =	ssyncset.done $0x0  }
0x316: {  	s25 =	simm.s32 $0x14380;
	s23 =	rddreg [dreg:$0x10];
	[sflag:s24] =	ssyncadd.s32 $0xFFFFC000  }
0x317: {  	[hbm4b:s23+s1] =	stream.linear.scatter [tilespmem:s25], [sflag:$0x2], $0x4000, $0x38;
	[tilespmem:$0x1C380] =	vst v63  }
0x318: {  	_ =	swait.ge [sflag:s29], $0x4000  }
0x319: {  	[sflag:s29] =	ssyncset.done $0x0  }
0x31a: {  	s30 =	simm.s32 $0x18380;
	s28 =	rddreg [dreg:$0x11];
	[sflag:s29] =	ssyncadd.s32 $0xFFFFC000  }
0x31b: {  	[hbm4b:s28+s1] =	stream.linear.scatter [tilespmem:s30], [sflag:$0x2], $0x4000, $0x38;
	[tilespmem:$0x1C380] =	vst v63  }
0x31c: {  	_ =	swait.ge [sflag:s2], $0x4000  }
0x31d: {  	[sflag:s2] =	ssyncset.done $0x0  }
0x31e: {  	[sflag:s2] =	ssyncadd.s32 $0xFFFFC000  }
0x31f: {  	_ =	swait.ge [sflag:s2], $0x4000  }
0x320: {  	[sflag:s2] =	ssyncset.done $0x0  }
0x321: {  	[sflag:s2] =	ssyncadd.s32 $0xFFFFC000  }
0x322: {  	_ =	swait.ge [sflag:s2], $0x4000  }
0x323: {  	[sflag:s2] =	ssyncset.done $0x0  }
0x324: {  	[sflag:s2] =	ssyncadd.s32 $0xFFFFC000  }
0x325: {  	_ =	swait.ge [sflag:s2], $0x4000  }
0x326: {  	[sflag:s2] =	ssyncset.done $0x0  }
0x327: {  	[sflag:s2] =	ssyncadd.s32 $0xFFFFC000  }
0x328: {  	_ =	swait.ge [sflag:s2], $0x4000  }
0x329: {  	[sflag:s2] =	ssyncset.done $0x0  }
0x32a: {  	[sflag:s2] =	ssyncadd.s32 $0xFFFFC000  }
0x32b: {  	_ =	swait.ge [sflag:s2], $0x4000  }
0x32c: {  	[sflag:s2] =	ssyncset.done $0x0  }
0x32d: {  	[sflag:s2] =	ssyncadd.s32 $0xFFFFC000  }
0x32e: {  	_ =	swait.ge [sflag:s2], $0x4000  }
0x32f: {  	s21 =	sadd.s32 $0x1, s21;
	s31 =	rddreg [dreg:$0x12]  }
0x330: {  	p0 =	sne.s32 s21, s31  }
.Ltmp7:
0x331: {  	_ = 	snop;
	(pc) =	sbr.rel @p0 .LBB2_1-.Ltmp7, $3  }
0x332: {  	_ =	sdelay $0x1  }
0x333: {  	[sflag:s2] =	ssyncset.done $0x0  }
0x334: {  	[sflag:s2] =	ssyncadd.s32 $0xFFFFC000  }
0x335: {  	_ =	sfence.sel $0x180000  }
0x336: {  	[bflag:$0x0] =	sbarrier.arrive $0xFFFF  }
0x337: {  	_ =	strace $0x90000047  }
0x338: {  	s0 =	stileid.u32;
	[bflag:$0x2] =	sbarrier.arrive $0xFFFF  }
0x339: {  	p0 =	sne.s32 s0, $0x0;
	s0 =	rddreg [dreg:$0x3]  }
0x33a: {  	s0 =	sadd.s32 @!p0 $0x100000, s0  }
0x33b: {  	[sflag:s0] =	ssyncadd.tile.s32 @!p0 $0x1;
	_ =	shalt  }
.Lfunc_end2:
_tile_overlayer_lowered:
.L_overlay_start_2:
0x33c: {  	(tag) =	ssettag $0x2  }
0x33d: {  	s0 =	rddreg [dreg:$0x0];
	s2 =	stileid.u32  }
0x33e: {  	s1 =	rddreg [dreg:$0x1];
	p0 =	sne.s32 s2, $0x0  }
0x33f: {  	s3 =	rddreg [dreg:$0x2];
	[bflag:$0x3] =	sbarrier.arrive $0xFFFF;
	s2 =	simm.s32 @!p0 $0x1C0A  }
0x340: {  	[timem:s3], [sflag:s2] =	dma.local @!p0 [hbm:s0], s1  }
0x341: {  	s0 =	simm.s32 @!p0 $0xA  }
0x342: {  	_ =	swait.ge @!p0 [sflag:s0], s1  }
0x343: {  	s1 =	ssub.s32 @!p0 $0x0, s1;
	[sflag:s0] =	ssyncset.done @!p0 $0x0  }
0x344: {  	[sflag:s0] =	ssyncadd.s32 @!p0 s1  }
0x345: {  	[bflag:$0x3] =	sbarrier.arrive $0xFFFF  }
0x346: {  	_ =	shalt  }

</sc_bundles>
